<compile_context>
chip_gen: v7x
topology: tpu7x:2x2x1
jax: 0.10.2.dev20260603
libtpu: 0.0.44.dev20260713+nightly
codegen_flags: <defaults>
</compile_context>

<pallas_src>
import functools

import jax
import jax.numpy as jnp
from jax import lax
from jax.experimental import pallas as pl
from jax.experimental.pallas import tpu as pltpu
from jax.experimental.pallas import tpu_sc as plsc

VOCAB = 1000000
EMBED_DIM = 64
BATCH = 16384

_NUM_CORES = 2
_NUM_SUBCORES = 16
_NUM_WORKERS = _NUM_CORES * _NUM_SUBCORES
_B_PER_W = BATCH // _NUM_WORKERS
_K = 8
_WIN = 128


@functools.partial(
    pl.kernel,
    mesh=plsc.VectorSubcoreMesh(core_axis_name="c", subcore_axis_name="s"),
    out_type=jax.ShapeDtypeStruct((EMBED_DIM, BATCH), jnp.float32),
    scratch_types=[
        pltpu.VMEM((_B_PER_W,), jnp.int32),
        pltpu.VMEM((_K, EMBED_DIM, _WIN), jnp.float32),
        pltpu.VMEM((EMBED_DIM, _B_PER_W), jnp.float32),
        pltpu.SemaphoreType.DMA,
        pltpu.SemaphoreType.DMA,
    ],
    compiler_params=pltpu.CompilerParams(
        use_tc_tiling_on_sc=True, needs_layout_passes=False
    ),
)
def _sc_gather(idx_hbm, tablet_hbm, outt_hbm, idx_v, win_v, outc_v, isem, sem):
    wid = lax.axis_index("s") * _NUM_CORES + lax.axis_index("c")
    base = pl.multiple_of(wid * _B_PER_W, _B_PER_W)
    pltpu.sync_copy(idx_hbm.at[pl.ds(base, _B_PER_W)], idx_v)
    lane = lax.iota(jnp.int32, 16)

    def fire(i, t):
        c0 = pl.multiple_of(
            lax.shift_left(lax.shift_right_logical(i, 7), 7), _WIN
        )
        pltpu.async_copy(tablet_hbm.at[:, pl.ds(c0, _WIN)], win_v.at[t], sem)

    def extract(i, j, t):
        pltpu.make_async_copy(
            tablet_hbm.at[:, pl.ds(0, _WIN)], win_v.at[t], sem
        ).wait()
        col = jnp.broadcast_to(lax.bitwise_and(i, _WIN - 1), (16,))
        pos = jnp.broadcast_to(j, (16,))
        for k in range(EMBED_DIM // 16):
            row = lane + 16 * k
            vals = plsc.load_gather(win_v.at[t], [row, col])
            plsc.store_scatter(outc_v, [row, pos], vals)

    vec0 = idx_v[pl.ds(0, 16)]
    for t in range(_K):
        fire(vec0[t], t)

    def body(g, prev_vec):
        vec = idx_v[pl.ds(g * 16, 16)]
        for t in range(_K):
            extract(prev_vec[_K + t], (g - 1) * 16 + _K + t, t)
            fire(vec[t], t)
        for t in range(_K):
            extract(vec[t], g * 16 + t, t)
            fire(vec[_K + t], t)
        return vec

    def first(g, prev_vec):
        for t in range(_K):
            extract(prev_vec[t], t, t)
            fire(prev_vec[_K + t], t)
        return prev_vec

    vec_last = lax.fori_loop(1, _B_PER_W // 16, body, first(0, vec0))
    for t in range(_K):
        extract(vec_last[_K + t], _B_PER_W - _K + t, t)

    pltpu.async_copy(outc_v, outt_hbm.at[:, pl.ds(base, _B_PER_W)], isem).wait()


def kernel(X, table0):
    idx = X.reshape(BATCH).astype(jnp.int32)
    return _sc_gather(idx, table0.T).T

# --- scband reference (transcript-rebuilt; emitter-appended) ---
"""Pipeline reference for scband-multi-embedder-730144440442 (READ-ONLY COPY).

The authoritative reference and input builder live on the scoring server;
editing this copy changes nothing except your own understanding.
"""

import jax, jax.numpy as jnp
import numpy as np

VOCAB = 1000000
EMBED_DIM = 64
BATCH = 16384

def setup_inputs(seed: int = 0) -> dict:
    key = jax.random.key(seed)
    k_idx, k_tab = jax.random.split(key)
    X = jax.random.randint(k_idx, (BATCH, 1), 0, VOCAB, dtype=jnp.int64 if jax.config.jax_enable_x64 else jnp.int32)
    # nn.Embedding default init: N(0, 1)
    table0 = jax.random.normal(k_tab, (VOCAB, EMBED_DIM), dtype=jnp.float32)
    return {"X": X, "table0": table0}

def reference(X, table0):
    # MultiEmbedder with input_size == 1 (the only configuration for which the
    # original forward's split/assert logic is consistent):
    #   feature_split = split(X, 1, dim=-1) -> (X,) ; single chunk
    #   X_embed = cat([emb0(X.reshape(B))], dim=-1) == table0[X[:, 0]]
    batch_size = X.shape[0]
    idx0 = X[:, 0].reshape(batch_size)
    X_embed = jnp.take(table0, idx0, axis=0)
    return X_embed

if __name__ == "__main__":
    import jax
    _d = setup_inputs()
    print(jax.jit(kernel)(*tuple(_d.values())))

</pallas_src>

<mosaic_0001>
#map = affine_map<(d0, d1) -> (0)>
#map1 = affine_map<(d0, d1) -> (0, 0)>
module attributes {stable_mosaic.version = 14 : i64} {
  func.func @_sc_gather(%arg0: i32, %arg1: i32, %arg2: memref<16384xi32, #tpu.memory_space<hbm>>, %arg3: memref<64x1000000xf32, #tpu.memory_space<hbm>>, %arg4: memref<64x16384xf32, #tpu.memory_space<hbm>>, %arg5: memref<512xi32, #tpu.memory_space<vmem>>, %arg6: memref<8x64x128xf32, #tpu.memory_space<vmem>>, %arg7: memref<64x512xf32, #tpu.memory_space<vmem>>, %arg8: memref<!tpu.dma_semaphore, #tpu.memory_space<semaphore_mem>>, %arg9: memref<!tpu.dma_semaphore, #tpu.memory_space<semaphore_mem>>) attributes {dimension_semantics = [#tpu.dimension_semantics<core_parallel>, #tpu.dimension_semantics<subcore_parallel>], iteration_bounds = array<i64: 2, 16>, scalar_prefetch = 0 : i64, scratch_operands = 5 : i64, tpu.core_type = #tpu.core_type<sc_vector_subcore>, window_params = [{transform_indices = #map}, {transform_indices = #map1}, {transform_indices = #map1}]} {
    %mul3A = arith.constant 2 : i32
    %mul3A_0 = arith.muli %arg1, %mul3A : i32
    %add3A = arith.addi %mul3A_0, %arg0 : i32
    %mul3A_1 = arith.constant 512 : i32
    %mul3A_2 = arith.muli %add3A, %mul3A_1 : i32
    %multiple_of3A = tpu.assume_multiple %mul3A_2, 512 : i32
    "tpu.region"() ({
      %run_scoped3A = tpu.sem_alloc : memref<!tpu.dma_semaphore, #tpu.memory_space<semaphore_mem>>
      %dma_start3A_1256 = tpu.memref_slice %arg2[%multiple_of3A] : memref<16384xi32, #tpu.memory_space<hbm>> -> memref<512xi32, #tpu.memory_space<hbm>>
      %dma_start3A_1257 = tpu.memref_slice %arg2[%multiple_of3A] : memref<16384xi32, #tpu.memory_space<hbm>> -> memref<512xi32, #tpu.memory_space<hbm>>
      tpu.enqueue_dma source(%dma_start3A_1257 : memref<512xi32, #tpu.memory_space<hbm>>) target(%arg5 : memref<512xi32, #tpu.memory_space<vmem>>) target_semaphore(%run_scoped3A : memref<!tpu.dma_semaphore, #tpu.memory_space<semaphore_mem>>)
      %dma_wait3A_1258 = tpu.memref_slice %arg2[%multiple_of3A] : memref<16384xi32, #tpu.memory_space<hbm>> -> memref<512xi32, #tpu.memory_space<hbm>>
      %dma_wait3A_1259 = tpu.memref_slice %arg2[%multiple_of3A] : memref<16384xi32, #tpu.memory_space<hbm>> -> memref<512xi32, #tpu.memory_space<hbm>>
      tpu.wait_dma2 semaphore(%run_scoped3A : memref<!tpu.dma_semaphore, #tpu.memory_space<semaphore_mem>>) src(%dma_wait3A_1259 : memref<512xi32, #tpu.memory_space<hbm>>) dst(%arg5 : memref<512xi32, #tpu.memory_space<vmem>>)
      tpu.yield
    }) : () -> ()
    %iota3A = tpu.iota {dimensions = array<i32: 0>} : vector<16xi32>
    %get3A = arith.constant 0 : index
    %get3A_3 = tpu.vector_load %arg5[%get3A] {strides = array<i32>} : memref<512xi32, #tpu.memory_space<vmem>>, vector<16xi32>,
    %slice3A = vector.extract_strided_slice %get3A_3 {offsets = [0], sizes = [1], strides = [1]} : vector<16xi32> to vector<1xi32>
    %squeeze3A = vector.extract %slice3A[0] : i32 from vector<1xi32>
    %shift_right_logical3A = arith.constant 7 : i32
    %shift_right_logical3A_4 = arith.shrui %squeeze3A, %shift_right_logical3A : i32
    %shift_left3A = arith.constant 7 : i32
    %shift_left3A_5 = arith.shli %shift_right_logical3A_4, %shift_left3A : i32
    %multiple_of3A_6 = tpu.assume_multiple %shift_left3A_5, 128 : i32
    %dma_start3A = arith.constant 0 : i32
    %dma_start3A_7 = arith.constant 0 : i32
    %dma_start3A_8 = arith.constant 0 : i32
    %dma_start3A_9 = tpu.memref_slice %arg6[%dma_start3A, %dma_start3A_7, %dma_start3A_8] : memref<8x64x128xf32, #tpu.memory_space<vmem>> -> memref<1x64x128xf32, #tpu.memory_space<vmem>>
    %dma_start3A_10 = tpu.memref_squeeze %dma_start3A_9 : memref<1x64x128xf32, #tpu.memory_space<vmem>> -> memref<64x128xf32, #tpu.memory_space<vmem>>
    %dma_start3A_11 = arith.constant 0 : i32
    %dma_start3A_12 = tpu.memref_slice %arg3[%dma_start3A_11, %multiple_of3A_6] : memref<64x1000000xf32, #tpu.memory_space<hbm>> -> memref<64x128xf32, #tpu.memory_space<hbm>>
    %dma_start3A_13 = arith.constant 0 : i32
    %dma_start3A_14 = arith.constant 0 : i32
    %dma_start3A_15 = tpu.memref_slice %arg6[%dma_start3A, %dma_start3A_13, %dma_start3A_14] : memref<8x64x128xf32, #tpu.memory_space<vmem>> -> memref<1x64x128xf32, #tpu.memory_space<vmem>>
    %dma_start3A_16 = tpu.memref_squeeze %dma_start3A_15 : memref<1x64x128xf32, #tpu.memory_space<vmem>> -> memref<64x128xf32, #tpu.memory_space<vmem>>
    %dma_start3A_17 = arith.constant 0 : i32
    %dma_start3A_18 = tpu.memref_slice %arg3[%dma_start3A_17, %multiple_of3A_6] : memref<64x1000000xf32, #tpu.memory_space<hbm>> -> memref<64x128xf32, #tpu.memory_space<hbm>>
    tpu.enqueue_dma source(%dma_start3A_18 : memref<64x128xf32, #tpu.memory_space<hbm>>) target(%dma_start3A_16 : memref<64x128xf32, #tpu.memory_space<vmem>>) target_semaphore(%arg9 : memref<!tpu.dma_semaphore, #tpu.memory_space<semaphore_mem>>)
    %slice3A_19 = vector.extract_strided_slice %get3A_3 {offsets = [1], sizes = [1], strides = [1]} : vector<16xi32> to vector<1xi32>
    %squeeze3A_20 = vector.extract %slice3A_19[0] : i32 from vector<1xi32>
    %shift_right_logical3A_21 = arith.constant 7 : i32
    %shift_right_logical3A_22 = arith.shrui %squeeze3A_20, %shift_right_logical3A_21 : i32
    %shift_left3A_23 = arith.constant 7 : i32
    %shift_left3A_24 = arith.shli %shift_right_logical3A_22, %shift_left3A_23 : i32
    %multiple_of3A_25 = tpu.assume_multiple %shift_left3A_24, 128 : i32
    %dma_start3A_26 = arith.constant 1 : i32
    %dma_start3A_27 = arith.constant 0 : i32
    %dma_start3A_28 = arith.constant 0 : i32
    %dma_start3A_29 = tpu.memref_slice %arg6[%dma_start3A_26, %dma_start3A_27, %dma_start3A_28] : memref<8x64x128xf32, #tpu.memory_space<vmem>> -> memref<1x64x128xf32, #tpu.memory_space<vmem>>
    %dma_start3A_30 = tpu.memref_squeeze %dma_start3A_29 : memref<1x64x128xf32, #tpu.memory_space<vmem>> -> memref<64x128xf32, #tpu.memory_space<vmem>>
    %dma_start3A_31 = arith.constant 0 : i32
    %dma_start3A_32 = tpu.memref_slice %arg3[%dma_start3A_31, %multiple_of3A_25] : memref<64x1000000xf32, #tpu.memory_space<hbm>> -> memref<64x128xf32, #tpu.memory_space<hbm>>
    %dma_start3A_33 = arith.constant 0 : i32
    %dma_start3A_34 = arith.constant 0 : i32
    %dma_start3A_35 = tpu.memref_slice %arg6[%dma_start3A_26, %dma_start3A_33, %dma_start3A_34] : memref<8x64x128xf32, #tpu.memory_space<vmem>> -> memref<1x64x128xf32, #tpu.memory_space<vmem>>
    %dma_start3A_36 = tpu.memref_squeeze %dma_start3A_35 : memref<1x64x128xf32, #tpu.memory_space<vmem>> -> memref<64x128xf32, #tpu.memory_space<vmem>>
    %dma_start3A_37 = arith.constant 0 : i32
    %dma_start3A_38 = tpu.memref_slice %arg3[%dma_start3A_37, %multiple_of3A_25] : memref<64x1000000xf32, #tpu.memory_space<hbm>> -> memref<64x128xf32, #tpu.memory_space<hbm>>
    tpu.enqueue_dma source(%dma_start3A_38 : memref<64x128xf32, #tpu.memory_space<hbm>>) target(%dma_start3A_36 : memref<64x128xf32, #tpu.memory_space<vmem>>) target_semaphore(%arg9 : memref<!tpu.dma_semaphore, #tpu.memory_space<semaphore_mem>>)
    %slice3A_39 = vector.extract_strided_slice %get3A_3 {offsets = [2], sizes = [1], strides = [1]} : vector<16xi32> to vector<1xi32>
    %squeeze3A_40 = vector.extract %slice3A_39[0] : i32 from vector<1xi32>
    %shift_right_logical3A_41 = arith.constant 7 : i32
    %shift_right_logical3A_42 = arith.shrui %squeeze3A_40, %shift_right_logical3A_41 : i32
    %shift_left3A_43 = arith.constant 7 : i32
    %shift_left3A_44 = arith.shli %shift_right_logical3A_42, %shift_left3A_43 : i32
    %multiple_of3A_45 = tpu.assume_multiple %shift_left3A_44, 128 : i32
    %dma_start3A_46 = arith.constant 2 : i32
    %dma_start3A_47 = arith.constant 0 : i32
    %dma_start3A_48 = arith.constant 0 : i32
    %dma_start3A_49 = tpu.memref_slice %arg6[%dma_start3A_46, %dma_start3A_47, %dma_start3A_48] : memref<8x64x128xf32, #tpu.memory_space<vmem>> -> memref<1x64x128xf32, #tpu.memory_space<vmem>>
    %dma_start3A_50 = tpu.memref_squeeze %dma_start3A_49 : memref<1x64x128xf32, #tpu.memory_space<vmem>> -> memref<64x128xf32, #tpu.memory_space<vmem>>
    %dma_start3A_51 = arith.constant 0 : i32
    %dma_start3A_52 = tpu.memref_slice %arg3[%dma_start3A_51, %multiple_of3A_45] : memref<64x1000000xf32, #tpu.memory_space<hbm>> -> memref<64x128xf32, #tpu.memory_space<hbm>>
    %dma_start3A_53 = arith.constant 0 : i32
    %dma_start3A_54 = arith.constant 0 : i32
    %dma_start3A_55 = tpu.memref_slice %arg6[%dma_start3A_46, %dma_start3A_53, %dma_start3A_54] : memref<8x64x128xf32, #tpu.memory_space<vmem>> -> memref<1x64x128xf32, #tpu.memory_space<vmem>>
    %dma_start3A_56 = tpu.memref_squeeze %dma_start3A_55 : memref<1x64x128xf32, #tpu.memory_space<vmem>> -> memref<64x128xf32, #tpu.memory_space<vmem>>
    %dma_start3A_57 = arith.constant 0 : i32
    %dma_start3A_58 = tpu.memref_slice %arg3[%dma_start3A_57, %multiple_of3A_45] : memref<64x1000000xf32, #tpu.memory_space<hbm>> -> memref<64x128xf32, #tpu.memory_space<hbm>>
    tpu.enqueue_dma source(%dma_start3A_58 : memref<64x128xf32, #tpu.memory_space<hbm>>) target(%dma_start3A_56 : memref<64x128xf32, #tpu.memory_space<vmem>>) target_semaphore(%arg9 : memref<!tpu.dma_semaphore, #tpu.memory_space<semaphore_mem>>)
    %slice3A_59 = vector.extract_strided_slice %get3A_3 {offsets = [3], sizes = [1], strides = [1]} : vector<16xi32> to vector<1xi32>
    %squeeze3A_60 = vector.extract %slice3A_59[0] : i32 from vector<1xi32>
    %shift_right_logical3A_61 = arith.constant 7 : i32
    %shift_right_logical3A_62 = arith.shrui %squeeze3A_60, %shift_right_logical3A_61 : i32
    %shift_left3A_63 = arith.constant 7 : i32
    %shift_left3A_64 = arith.shli %shift_right_logical3A_62, %shift_left3A_63 : i32
    %multiple_of3A_65 = tpu.assume_multiple %shift_left3A_64, 128 : i32
    %dma_start3A_66 = arith.constant 3 : i32
    %dma_start3A_67 = arith.constant 0 : i32
    %dma_start3A_68 = arith.constant 0 : i32
    %dma_start3A_69 = tpu.memref_slice %arg6[%dma_start3A_66, %dma_start3A_67, %dma_start3A_68] : memref<8x64x128xf32, #tpu.memory_space<vmem>> -> memref<1x64x128xf32, #tpu.memory_space<vmem>>
    %dma_start3A_70 = tpu.memref_squeeze %dma_start3A_69 : memref<1x64x128xf32, #tpu.memory_space<vmem>> -> memref<64x128xf32, #tpu.memory_space<vmem>>
    %dma_start3A_71 = arith.constant 0 : i32
    %dma_start3A_72 = tpu.memref_slice %arg3[%dma_start3A_71, %multiple_of3A_65] : memref<64x1000000xf32, #tpu.memory_space<hbm>> -> memref<64x128xf32, #tpu.memory_space<hbm>>
    %dma_start3A_73 = arith.constant 0 : i32
    %dma_start3A_74 = arith.constant 0 : i32
    %dma_start3A_75 = tpu.memref_slice %arg6[%dma_start3A_66, %dma_start3A_73, %dma_start3A_74] : memref<8x64x128xf32, #tpu.memory_space<vmem>> -> memref<1x64x128xf32, #tpu.memory_space<vmem>>
    %dma_start3A_76 = tpu.memref_squeeze %dma_start3A_75 : memref<1x64x128xf32, #tpu.memory_space<vmem>> -> memref<64x128xf32, #tpu.memory_space<vmem>>
    %dma_start3A_77 = arith.constant 0 : i32
    %dma_start3A_78 = tpu.memref_slice %arg3[%dma_start3A_77, %multiple_of3A_65] : memref<64x1000000xf32, #tpu.memory_space<hbm>> -> memref<64x128xf32, #tpu.memory_space<hbm>>
    tpu.enqueue_dma source(%dma_start3A_78 : memref<64x128xf32, #tpu.memory_space<hbm>>) target(%dma_start3A_76 : memref<64x128xf32, #tpu.memory_space<vmem>>) target_semaphore(%arg9 : memref<!tpu.dma_semaphore, #tpu.memory_space<semaphore_mem>>)
    %slice3A_79 = vector.extract_strided_slice %get3A_3 {offsets = [4], sizes = [1], strides = [1]} : vector<16xi32> to vector<1xi32>
    %squeeze3A_80 = vector.extract %slice3A_79[0] : i32 from vector<1xi32>
    %shift_right_logical3A_81 = arith.constant 7 : i32
    %shift_right_logical3A_82 = arith.shrui %squeeze3A_80, %shift_right_logical3A_81 : i32
    %shift_left3A_83 = arith.constant 7 : i32
    %shift_left3A_84 = arith.shli %shift_right_logical3A_82, %shift_left3A_83 : i32
    %multiple_of3A_85 = tpu.assume_multiple %shift_left3A_84, 128 : i32
    %dma_start3A_86 = arith.constant 4 : i32
    %dma_start3A_87 = arith.constant 0 : i32
    %dma_start3A_88 = arith.constant 0 : i32
    %dma_start3A_89 = tpu.memref_slice %arg6[%dma_start3A_86, %dma_start3A_87, %dma_start3A_88] : memref<8x64x128xf32, #tpu.memory_space<vmem>> -> memref<1x64x128xf32, #tpu.memory_space<vmem>>
    %dma_start3A_90 = tpu.memref_squeeze %dma_start3A_89 : memref<1x64x128xf32, #tpu.memory_space<vmem>> -> memref<64x128xf32, #tpu.memory_space<vmem>>
    %dma_start3A_91 = arith.constant 0 : i32
    %dma_start3A_92 = tpu.memref_slice %arg3[%dma_start3A_91, %multiple_of3A_85] : memref<64x1000000xf32, #tpu.memory_space<hbm>> -> memref<64x128xf32, #tpu.memory_space<hbm>>
    %dma_start3A_93 = arith.constant 0 : i32
    %dma_start3A_94 = arith.constant 0 : i32
    %dma_start3A_95 = tpu.memref_slice %arg6[%dma_start3A_86, %dma_start3A_93, %dma_start3A_94] : memref<8x64x128xf32, #tpu.memory_space<vmem>> -> memref<1x64x128xf32, #tpu.memory_space<vmem>>
    %dma_start3A_96 = tpu.memref_squeeze %dma_start3A_95 : memref<1x64x128xf32, #tpu.memory_space<vmem>> -> memref<64x128xf32, #tpu.memory_space<vmem>>
    %dma_start3A_97 = arith.constant 0 : i32
    %dma_start3A_98 = tpu.memref_slice %arg3[%dma_start3A_97, %multiple_of3A_85] : memref<64x1000000xf32, #tpu.memory_space<hbm>> -> memref<64x128xf32, #tpu.memory_space<hbm>>
    tpu.enqueue_dma source(%dma_start3A_98 : memref<64x128xf32, #tpu.memory_space<hbm>>) target(%dma_start3A_96 : memref<64x128xf32, #tpu.memory_space<vmem>>) target_semaphore(%arg9 : memref<!tpu.dma_semaphore, #tpu.memory_space<semaphore_mem>>)
    %slice3A_99 = vector.extract_strided_slice %get3A_3 {offsets = [5], sizes = [1], strides = [1]} : vector<16xi32> to vector<1xi32>
    %squeeze3A_100 = vector.extract %slice3A_99[0] : i32 from vector<1xi32>
    %shift_right_logical3A_101 = arith.constant 7 : i32
    %shift_right_logical3A_102 = arith.shrui %squeeze3A_100, %shift_right_logical3A_101 : i32
    %shift_left3A_103 = arith.constant 7 : i32
    %shift_left3A_104 = arith.shli %shift_right_logical3A_102, %shift_left3A_103 : i32
    %multiple_of3A_105 = tpu.assume_multiple %shift_left3A_104, 128 : i32
    %dma_start3A_106 = arith.constant 5 : i32
    %dma_start3A_107 = arith.constant 0 : i32
    %dma_start3A_108 = arith.constant 0 : i32
    %dma_start3A_109 = tpu.memref_slice %arg6[%dma_start3A_106, %dma_start3A_107, %dma_start3A_108] : memref<8x64x128xf32, #tpu.memory_space<vmem>> -> memref<1x64x128xf32, #tpu.memory_space<vmem>>
    %dma_start3A_110 = tpu.memref_squeeze %dma_start3A_109 : memref<1x64x128xf32, #tpu.memory_space<vmem>> -> memref<64x128xf32, #tpu.memory_space<vmem>>
    %dma_start3A_111 = arith.constant 0 : i32
    %dma_start3A_112 = tpu.memref_slice %arg3[%dma_start3A_111, %multiple_of3A_105] : memref<64x1000000xf32, #tpu.memory_space<hbm>> -> memref<64x128xf32, #tpu.memory_space<hbm>>
    %dma_start3A_113 = arith.constant 0 : i32
    %dma_start3A_114 = arith.constant 0 : i32
    %dma_start3A_115 = tpu.memref_slice %arg6[%dma_start3A_106, %dma_start3A_113, %dma_start3A_114] : memref<8x64x128xf32, #tpu.memory_space<vmem>> -> memref<1x64x128xf32, #tpu.memory_space<vmem>>
    %dma_start3A_116 = tpu.memref_squeeze %dma_start3A_115 : memref<1x64x128xf32, #tpu.memory_space<vmem>> -> memref<64x128xf32, #tpu.memory_space<vmem>>
    %dma_start3A_117 = arith.constant 0 : i32
    %dma_start3A_118 = tpu.memref_slice %arg3[%dma_start3A_117, %multiple_of3A_105] : memref<64x1000000xf32, #tpu.memory_space<hbm>> -> memref<64x128xf32, #tpu.memory_space<hbm>>
    tpu.enqueue_dma source(%dma_start3A_118 : memref<64x128xf32, #tpu.memory_space<hbm>>) target(%dma_start3A_116 : memref<64x128xf32, #tpu.memory_space<vmem>>) target_semaphore(%arg9 : memref<!tpu.dma_semaphore, #tpu.memory_space<semaphore_mem>>)
    %slice3A_119 = vector.extract_strided_slice %get3A_3 {offsets = [6], sizes = [1], strides = [1]} : vector<16xi32> to vector<1xi32>
    %squeeze3A_120 = vector.extract %slice3A_119[0] : i32 from vector<1xi32>
    %shift_right_logical3A_121 = arith.constant 7 : i32
    %shift_right_logical3A_122 = arith.shrui %squeeze3A_120, %shift_right_logical3A_121 : i32
    %shift_left3A_123 = arith.constant 7 : i32
    %shift_left3A_124 = arith.shli %shift_right_logical3A_122, %shift_left3A_123 : i32
    %multiple_of3A_125 = tpu.assume_multiple %shift_left3A_124, 128 : i32
    %dma_start3A_126 = arith.constant 6 : i32
    %dma_start3A_127 = arith.constant 0 : i32
    %dma_start3A_128 = arith.constant 0 : i32
    %dma_start3A_129 = tpu.memref_slice %arg6[%dma_start3A_126, %dma_start3A_127, %dma_start3A_128] : memref<8x64x128xf32, #tpu.memory_space<vmem>> -> memref<1x64x128xf32, #tpu.memory_space<vmem>>
    %dma_start3A_130 = tpu.memref_squeeze %dma_start3A_129 : memref<1x64x128xf32, #tpu.memory_space<vmem>> -> memref<64x128xf32, #tpu.memory_space<vmem>>
    %dma_start3A_131 = arith.constant 0 : i32
    %dma_start3A_132 = tpu.memref_slice %arg3[%dma_start3A_131, %multiple_of3A_125] : memref<64x1000000xf32, #tpu.memory_space<hbm>> -> memref<64x128xf32, #tpu.memory_space<hbm>>
    %dma_start3A_133 = arith.constant 0 : i32
    %dma_start3A_134 = arith.constant 0 : i32
    %dma_start3A_135 = tpu.memref_slice %arg6[%dma_start3A_126, %dma_start3A_133, %dma_start3A_134] : memref<8x64x128xf32, #tpu.memory_space<vmem>> -> memref<1x64x128xf32, #tpu.memory_space<vmem>>
    %dma_start3A_136 = tpu.memref_squeeze %dma_start3A_135 : memref<1x64x128xf32, #tpu.memory_space<vmem>> -> memref<64x128xf32, #tpu.memory_space<vmem>>
    %dma_start3A_137 = arith.constant 0 : i32
    %dma_start3A_138 = tpu.memref_slice %arg3[%dma_start3A_137, %multiple_of3A_125] : memref<64x1000000xf32, #tpu.memory_space<hbm>> -> memref<64x128xf32, #tpu.memory_space<hbm>>
    tpu.enqueue_dma source(%dma_start3A_138 : memref<64x128xf32, #tpu.memory_space<hbm>>) target(%dma_start3A_136 : memref<64x128xf32, #tpu.memory_space<vmem>>) target_semaphore(%arg9 : memref<!tpu.dma_semaphore, #tpu.memory_space<semaphore_mem>>)
    %slice3A_139 = vector.extract_strided_slice %get3A_3 {offsets = [7], sizes = [1], strides = [1]} : vector<16xi32> to vector<1xi32>
    %squeeze3A_140 = vector.extract %slice3A_139[0] : i32 from vector<1xi32>
    %shift_right_logical3A_141 = arith.constant 7 : i32
    %shift_right_logical3A_142 = arith.shrui %squeeze3A_140, %shift_right_logical3A_141 : i32
    %shift_left3A_143 = arith.constant 7 : i32
    %shift_left3A_144 = arith.shli %shift_right_logical3A_142, %shift_left3A_143 : i32
    %multiple_of3A_145 = tpu.assume_multiple %shift_left3A_144, 128 : i32
    %dma_start3A_146 = arith.constant 7 : i32
    %dma_start3A_147 = arith.constant 0 : i32
    %dma_start3A_148 = arith.constant 0 : i32
    %dma_start3A_149 = tpu.memref_slice %arg6[%dma_start3A_146, %dma_start3A_147, %dma_start3A_148] : memref<8x64x128xf32, #tpu.memory_space<vmem>> -> memref<1x64x128xf32, #tpu.memory_space<vmem>>
    %dma_start3A_150 = tpu.memref_squeeze %dma_start3A_149 : memref<1x64x128xf32, #tpu.memory_space<vmem>> -> memref<64x128xf32, #tpu.memory_space<vmem>>
    %dma_start3A_151 = arith.constant 0 : i32
    %dma_start3A_152 = tpu.memref_slice %arg3[%dma_start3A_151, %multiple_of3A_145] : memref<64x1000000xf32, #tpu.memory_space<hbm>> -> memref<64x128xf32, #tpu.memory_space<hbm>>
    %dma_start3A_153 = arith.constant 0 : i32
    %dma_start3A_154 = arith.constant 0 : i32
    %dma_start3A_155 = tpu.memref_slice %arg6[%dma_start3A_146, %dma_start3A_153, %dma_start3A_154] : memref<8x64x128xf32, #tpu.memory_space<vmem>> -> memref<1x64x128xf32, #tpu.memory_space<vmem>>
    %dma_start3A_156 = tpu.memref_squeeze %dma_start3A_155 : memref<1x64x128xf32, #tpu.memory_space<vmem>> -> memref<64x128xf32, #tpu.memory_space<vmem>>
    %dma_start3A_157 = arith.constant 0 : i32
    %dma_start3A_158 = tpu.memref_slice %arg3[%dma_start3A_157, %multiple_of3A_145] : memref<64x1000000xf32, #tpu.memory_space<hbm>> -> memref<64x128xf32, #tpu.memory_space<hbm>>
    tpu.enqueue_dma source(%dma_start3A_158 : memref<64x128xf32, #tpu.memory_space<hbm>>) target(%dma_start3A_156 : memref<64x128xf32, #tpu.memory_space<vmem>>) target_semaphore(%arg9 : memref<!tpu.dma_semaphore, #tpu.memory_space<semaphore_mem>>)
    %slice3A_159 = vector.extract_strided_slice %get3A_3 {offsets = [0], sizes = [1], strides = [1]} : vector<16xi32> to vector<1xi32>
    %squeeze3A_160 = vector.extract %slice3A_159[0] : i32 from vector<1xi32>
    %dma_wait3A = arith.constant 0 : i32
    %dma_wait3A_161 = arith.constant 0 : i32
    %dma_wait3A_162 = arith.constant 0 : i32
    %dma_wait3A_163 = tpu.memref_slice %arg6[%dma_wait3A, %dma_wait3A_161, %dma_wait3A_162] : memref<8x64x128xf32, #tpu.memory_space<vmem>> -> memref<1x64x128xf32, #tpu.memory_space<vmem>>
    %dma_wait3A_164 = tpu.memref_squeeze %dma_wait3A_163 : memref<1x64x128xf32, #tpu.memory_space<vmem>> -> memref<64x128xf32, #tpu.memory_space<vmem>>
    %dma_wait3A_165 = arith.constant 0 : i32
    %dma_wait3A_166 = arith.constant 0 : i32
    %dma_wait3A_167 = tpu.memref_slice %arg3[%dma_wait3A_165, %dma_wait3A_166] : memref<64x1000000xf32, #tpu.memory_space<hbm>> -> memref<64x128xf32, #tpu.memory_space<hbm>>
    %dma_wait3A_168 = arith.constant 0 : i32
    %dma_wait3A_169 = arith.constant 0 : i32
    %dma_wait3A_170 = tpu.memref_slice %arg6[%dma_wait3A, %dma_wait3A_168, %dma_wait3A_169] : memref<8x64x128xf32, #tpu.memory_space<vmem>> -> memref<1x64x128xf32, #tpu.memory_space<vmem>>
    %dma_wait3A_171 = tpu.memref_squeeze %dma_wait3A_170 : memref<1x64x128xf32, #tpu.memory_space<vmem>> -> memref<64x128xf32, #tpu.memory_space<vmem>>
    %dma_wait3A_172 = arith.constant 0 : i32
    %dma_wait3A_173 = arith.constant 0 : i32
    %dma_wait3A_174 = tpu.memref_slice %arg3[%dma_wait3A_172, %dma_wait3A_173] : memref<64x1000000xf32, #tpu.memory_space<hbm>> -> memref<64x128xf32, #tpu.memory_space<hbm>>
    tpu.wait_dma2 semaphore(%arg9 : memref<!tpu.dma_semaphore, #tpu.memory_space<semaphore_mem>>) src(%dma_wait3A_174 : memref<64x128xf32, #tpu.memory_space<hbm>>) dst(%dma_wait3A_171 : memref<64x128xf32, #tpu.memory_space<vmem>>)
    %and3A = arith.constant 127 : i32
    %and3A_175 = arith.andi %squeeze3A_160, %and3A : i32
    %broadcast_in_dim3A = vector.broadcast %and3A_175 : i32 to vector<16xi32>
    %broadcast_in_dim3A_176 = arith.constant 0 : i32
    %broadcast_in_dim3A_177 = vector.broadcast %broadcast_in_dim3A_176 : i32 to vector<16xi32>
    %add3A_178 = arith.constant 0 : i32
    %add3A_179 = vector.broadcast %add3A_178 : i32 to vector<16xi32>
    %add3A_180 = arith.addi %iota3A, %add3A_179 : vector<16xi32>
    %gather3A = arith.constant 0 : i32
    %gather3A_181 = arith.constant 0 : i32
    %gather3A_182 = arith.constant 0 : i32
    %gather3A_183 = tpu.memref_slice %arg6[%gather3A, %gather3A_181, %gather3A_182] : memref<8x64x128xf32, #tpu.memory_space<vmem>> -> memref<1x64x128xf32, #tpu.memory_space<vmem>>
    %gather3A_184 = tpu.memref_squeeze %gather3A_183 : memref<1x64x128xf32, #tpu.memory_space<vmem>> -> memref<64x128xf32, #tpu.memory_space<vmem>>
    %gather3A_185 = tpu.vector_load_idx %gather3A_184[%add3A_180, %broadcast_in_dim3A] : memref<64x128xf32, #tpu.memory_space<vmem>>[vector<16xi32>, vector<16xi32>], vector<16xf32>,
    tpu.vector_store_idx %arg7[%add3A_180, %broadcast_in_dim3A_177], %gather3A_185 : memref<64x512xf32, #tpu.memory_space<vmem>>[vector<16xi32>, vector<16xi32>], vector<16xf32>,
    %add3A_186 = arith.constant 16 : i32
    %add3A_187 = vector.broadcast %add3A_186 : i32 to vector<16xi32>
    %add3A_188 = arith.addi %iota3A, %add3A_187 : vector<16xi32>
    %gather3A_189 = arith.constant 0 : i32
    %gather3A_190 = arith.constant 0 : i32
    %gather3A_191 = arith.constant 0 : i32
    %gather3A_192 = tpu.memref_slice %arg6[%gather3A_189, %gather3A_190, %gather3A_191] : memref<8x64x128xf32, #tpu.memory_space<vmem>> -> memref<1x64x128xf32, #tpu.memory_space<vmem>>
    %gather3A_193 = tpu.memref_squeeze %gather3A_192 : memref<1x64x128xf32, #tpu.memory_space<vmem>> -> memref<64x128xf32, #tpu.memory_space<vmem>>
    %gather3A_194 = tpu.vector_load_idx %gather3A_193[%add3A_188, %broadcast_in_dim3A] : memref<64x128xf32, #tpu.memory_space<vmem>>[vector<16xi32>, vector<16xi32>], vector<16xf32>,
    tpu.vector_store_idx %arg7[%add3A_188, %broadcast_in_dim3A_177], %gather3A_194 : memref<64x512xf32, #tpu.memory_space<vmem>>[vector<16xi32>, vector<16xi32>], vector<16xf32>,
    %add3A_195 = arith.constant 32 : i32
    %add3A_196 = vector.broadcast %add3A_195 : i32 to vector<16xi32>
    %add3A_197 = arith.addi %iota3A, %add3A_196 : vector<16xi32>
    %gather3A_198 = arith.constant 0 : i32
    %gather3A_199 = arith.constant 0 : i32
    %gather3A_200 = arith.constant 0 : i32
    %gather3A_201 = tpu.memref_slice %arg6[%gather3A_198, %gather3A_199, %gather3A_200] : memref<8x64x128xf32, #tpu.memory_space<vmem>> -> memref<1x64x128xf32, #tpu.memory_space<vmem>>
    %gather3A_202 = tpu.memref_squeeze %gather3A_201 : memref<1x64x128xf32, #tpu.memory_space<vmem>> -> memref<64x128xf32, #tpu.memory_space<vmem>>
    %gather3A_203 = tpu.vector_load_idx %gather3A_202[%add3A_197, %broadcast_in_dim3A] : memref<64x128xf32, #tpu.memory_space<vmem>>[vector<16xi32>, vector<16xi32>], vector<16xf32>,
    tpu.vector_store_idx %arg7[%add3A_197, %broadcast_in_dim3A_177], %gather3A_203 : memref<64x512xf32, #tpu.memory_space<vmem>>[vector<16xi32>, vector<16xi32>], vector<16xf32>,
    %add3A_204 = arith.constant 48 : i32
    %add3A_205 = vector.broadcast %add3A_204 : i32 to vector<16xi32>
    %add3A_206 = arith.addi %iota3A, %add3A_205 : vector<16xi32>
    %gather3A_207 = arith.constant 0 : i32
    %gather3A_208 = arith.constant 0 : i32
    %gather3A_209 = arith.constant 0 : i32
    %gather3A_210 = tpu.memref_slice %arg6[%gather3A_207, %gather3A_208, %gather3A_209] : memref<8x64x128xf32, #tpu.memory_space<vmem>> -> memref<1x64x128xf32, #tpu.memory_space<vmem>>
    %gather3A_211 = tpu.memref_squeeze %gather3A_210 : memref<1x64x128xf32, #tpu.memory_space<vmem>> -> memref<64x128xf32, #tpu.memory_space<vmem>>
    %gather3A_212 = tpu.vector_load_idx %gather3A_211[%add3A_206, %broadcast_in_dim3A] : memref<64x128xf32, #tpu.memory_space<vmem>>[vector<16xi32>, vector<16xi32>], vector<16xf32>,
    tpu.vector_store_idx %arg7[%add3A_206, %broadcast_in_dim3A_177], %gather3A_212 : memref<64x512xf32, #tpu.memory_space<vmem>>[vector<16xi32>, vector<16xi32>], vector<16xf32>,
    %slice3A_213 = vector.extract_strided_slice %get3A_3 {offsets = [8], sizes = [1], strides = [1]} : vector<16xi32> to vector<1xi32>
    %squeeze3A_214 = vector.extract %slice3A_213[0] : i32 from vector<1xi32>
    %shift_right_logical3A_215 = arith.constant 7 : i32
    %shift_right_logical3A_216 = arith.shrui %squeeze3A_214, %shift_right_logical3A_215 : i32
    %shift_left3A_217 = arith.constant 7 : i32
    %shift_left3A_218 = arith.shli %shift_right_logical3A_216, %shift_left3A_217 : i32
    %multiple_of3A_219 = tpu.assume_multiple %shift_left3A_218, 128 : i32
    %dma_start3A_220 = arith.constant 0 : i32
    %dma_start3A_221 = arith.constant 0 : i32
    %dma_start3A_222 = arith.constant 0 : i32
    %dma_start3A_223 = tpu.memref_slice %arg6[%dma_start3A_220, %dma_start3A_221, %dma_start3A_222] : memref<8x64x128xf32, #tpu.memory_space<vmem>> -> memref<1x64x128xf32, #tpu.memory_space<vmem>>
    %dma_start3A_224 = tpu.memref_squeeze %dma_start3A_223 : memref<1x64x128xf32, #tpu.memory_space<vmem>> -> memref<64x128xf32, #tpu.memory_space<vmem>>
    %dma_start3A_225 = arith.constant 0 : i32
    %dma_start3A_226 = tpu.memref_slice %arg3[%dma_start3A_225, %multiple_of3A_219] : memref<64x1000000xf32, #tpu.memory_space<hbm>> -> memref<64x128xf32, #tpu.memory_space<hbm>>
    %dma_start3A_227 = arith.constant 0 : i32
    %dma_start3A_228 = arith.constant 0 : i32
    %dma_start3A_229 = tpu.memref_slice %arg6[%dma_start3A_220, %dma_start3A_227, %dma_start3A_228] : memref<8x64x128xf32, #tpu.memory_space<vmem>> -> memref<1x64x128xf32, #tpu.memory_space<vmem>>
    %dma_start3A_230 = tpu.memref_squeeze %dma_start3A_229 : memref<1x64x128xf32, #tpu.memory_space<vmem>> -> memref<64x128xf32, #tpu.memory_space<vmem>>
    %dma_start3A_231 = arith.constant 0 : i32
    %dma_start3A_232 = tpu.memref_slice %arg3[%dma_start3A_231, %multiple_of3A_219] : memref<64x1000000xf32, #tpu.memory_space<hbm>> -> memref<64x128xf32, #tpu.memory_space<hbm>>
    tpu.enqueue_dma source(%dma_start3A_232 : memref<64x128xf32, #tpu.memory_space<hbm>>) target(%dma_start3A_230 : memref<64x128xf32, #tpu.memory_space<vmem>>) target_semaphore(%arg9 : memref<!tpu.dma_semaphore, #tpu.memory_space<semaphore_mem>>)
    %slice3A_233 = vector.extract_strided_slice %get3A_3 {offsets = [1], sizes = [1], strides = [1]} : vector<16xi32> to vector<1xi32>
    %squeeze3A_234 = vector.extract %slice3A_233[0] : i32 from vector<1xi32>
    %dma_wait3A_235 = arith.constant 1 : i32
    %dma_wait3A_236 = arith.constant 0 : i32
    %dma_wait3A_237 = arith.constant 0 : i32
    %dma_wait3A_238 = tpu.memref_slice %arg6[%dma_wait3A_235, %dma_wait3A_236, %dma_wait3A_237] : memref<8x64x128xf32, #tpu.memory_space<vmem>> -> memref<1x64x128xf32, #tpu.memory_space<vmem>>
    %dma_wait3A_239 = tpu.memref_squeeze %dma_wait3A_238 : memref<1x64x128xf32, #tpu.memory_space<vmem>> -> memref<64x128xf32, #tpu.memory_space<vmem>>
    %dma_wait3A_240 = arith.constant 0 : i32
    %dma_wait3A_241 = arith.constant 0 : i32
    %dma_wait3A_242 = tpu.memref_slice %arg3[%dma_wait3A_240, %dma_wait3A_241] : memref<64x1000000xf32, #tpu.memory_space<hbm>> -> memref<64x128xf32, #tpu.memory_space<hbm>>
    %dma_wait3A_243 = arith.constant 0 : i32
    %dma_wait3A_244 = arith.constant 0 : i32
    %dma_wait3A_245 = tpu.memref_slice %arg6[%dma_wait3A_235, %dma_wait3A_243, %dma_wait3A_244] : memref<8x64x128xf32, #tpu.memory_space<vmem>> -> memref<1x64x128xf32, #tpu.memory_space<vmem>>
    %dma_wait3A_246 = tpu.memref_squeeze %dma_wait3A_245 : memref<1x64x128xf32, #tpu.memory_space<vmem>> -> memref<64x128xf32, #tpu.memory_space<vmem>>
    %dma_wait3A_247 = arith.constant 0 : i32
    %dma_wait3A_248 = arith.constant 0 : i32
    %dma_wait3A_249 = tpu.memref_slice %arg3[%dma_wait3A_247, %dma_wait3A_248] : memref<64x1000000xf32, #tpu.memory_space<hbm>> -> memref<64x128xf32, #tpu.memory_space<hbm>>
    tpu.wait_dma2 semaphore(%arg9 : memref<!tpu.dma_semaphore, #tpu.memory_space<semaphore_mem>>) src(%dma_wait3A_249 : memref<64x128xf32, #tpu.memory_space<hbm>>) dst(%dma_wait3A_246 : memref<64x128xf32, #tpu.memory_space<vmem>>)
    %and3A_250 = arith.constant 127 : i32
    %and3A_251 = arith.andi %squeeze3A_234, %and3A_250 : i32
    %broadcast_in_dim3A_252 = vector.broadcast %and3A_251 : i32 to vector<16xi32>
    %broadcast_in_dim3A_253 = arith.constant 1 : i32
    %broadcast_in_dim3A_254 = vector.broadcast %broadcast_in_dim3A_253 : i32 to vector<16xi32>
    %add3A_255 = arith.constant 0 : i32
    %add3A_256 = vector.broadcast %add3A_255 : i32 to vector<16xi32>
    %add3A_257 = arith.addi %iota3A, %add3A_256 : vector<16xi32>
    %gather3A_258 = arith.constant 1 : i32
    %gather3A_259 = arith.constant 0 : i32
    %gather3A_260 = arith.constant 0 : i32
    %gather3A_261 = tpu.memref_slice %arg6[%gather3A_258, %gather3A_259, %gather3A_260] : memref<8x64x128xf32, #tpu.memory_space<vmem>> -> memref<1x64x128xf32, #tpu.memory_space<vmem>>
    %gather3A_262 = tpu.memref_squeeze %gather3A_261 : memref<1x64x128xf32, #tpu.memory_space<vmem>> -> memref<64x128xf32, #tpu.memory_space<vmem>>
    %gather3A_263 = tpu.vector_load_idx %gather3A_262[%add3A_257, %broadcast_in_dim3A_252] : memref<64x128xf32, #tpu.memory_space<vmem>>[vector<16xi32>, vector<16xi32>], vector<16xf32>,
    tpu.vector_store_idx %arg7[%add3A_257, %broadcast_in_dim3A_254], %gather3A_263 : memref<64x512xf32, #tpu.memory_space<vmem>>[vector<16xi32>, vector<16xi32>], vector<16xf32>,
    %add3A_264 = arith.constant 16 : i32
    %add3A_265 = vector.broadcast %add3A_264 : i32 to vector<16xi32>
    %add3A_266 = arith.addi %iota3A, %add3A_265 : vector<16xi32>
    %gather3A_267 = arith.constant 1 : i32
    %gather3A_268 = arith.constant 0 : i32
    %gather3A_269 = arith.constant 0 : i32
    %gather3A_270 = tpu.memref_slice %arg6[%gather3A_267, %gather3A_268, %gather3A_269] : memref<8x64x128xf32, #tpu.memory_space<vmem>> -> memref<1x64x128xf32, #tpu.memory_space<vmem>>
    %gather3A_271 = tpu.memref_squeeze %gather3A_270 : memref<1x64x128xf32, #tpu.memory_space<vmem>> -> memref<64x128xf32, #tpu.memory_space<vmem>>
    %gather3A_272 = tpu.vector_load_idx %gather3A_271[%add3A_266, %broadcast_in_dim3A_252] : memref<64x128xf32, #tpu.memory_space<vmem>>[vector<16xi32>, vector<16xi32>], vector<16xf32>,
    tpu.vector_store_idx %arg7[%add3A_266, %broadcast_in_dim3A_254], %gather3A_272 : memref<64x512xf32, #tpu.memory_space<vmem>>[vector<16xi32>, vector<16xi32>], vector<16xf32>,
    %add3A_273 = arith.constant 32 : i32
    %add3A_274 = vector.broadcast %add3A_273 : i32 to vector<16xi32>
    %add3A_275 = arith.addi %iota3A, %add3A_274 : vector<16xi32>
    %gather3A_276 = arith.constant 1 : i32
    %gather3A_277 = arith.constant 0 : i32
    %gather3A_278 = arith.constant 0 : i32
    %gather3A_279 = tpu.memref_slice %arg6[%gather3A_276, %gather3A_277, %gather3A_278] : memref<8x64x128xf32, #tpu.memory_space<vmem>> -> memref<1x64x128xf32, #tpu.memory_space<vmem>>
    %gather3A_280 = tpu.memref_squeeze %gather3A_279 : memref<1x64x128xf32, #tpu.memory_space<vmem>> -> memref<64x128xf32, #tpu.memory_space<vmem>>
    %gather3A_281 = tpu.vector_load_idx %gather3A_280[%add3A_275, %broadcast_in_dim3A_252] : memref<64x128xf32, #tpu.memory_space<vmem>>[vector<16xi32>, vector<16xi32>], vector<16xf32>,
    tpu.vector_store_idx %arg7[%add3A_275, %broadcast_in_dim3A_254], %gather3A_281 : memref<64x512xf32, #tpu.memory_space<vmem>>[vector<16xi32>, vector<16xi32>], vector<16xf32>,
    %add3A_282 = arith.constant 48 : i32
    %add3A_283 = vector.broadcast %add3A_282 : i32 to vector<16xi32>
    %add3A_284 = arith.addi %iota3A, %add3A_283 : vector<16xi32>
    %gather3A_285 = arith.constant 1 : i32
    %gather3A_286 = arith.constant 0 : i32
    %gather3A_287 = arith.constant 0 : i32
    %gather3A_288 = tpu.memref_slice %arg6[%gather3A_285, %gather3A_286, %gather3A_287] : memref<8x64x128xf32, #tpu.memory_space<vmem>> -> memref<1x64x128xf32, #tpu.memory_space<vmem>>
    %gather3A_289 = tpu.memref_squeeze %gather3A_288 : memref<1x64x128xf32, #tpu.memory_space<vmem>> -> memref<64x128xf32, #tpu.memory_space<vmem>>
    %gather3A_290 = tpu.vector_load_idx %gather3A_289[%add3A_284, %broadcast_in_dim3A_252] : memref<64x128xf32, #tpu.memory_space<vmem>>[vector<16xi32>, vector<16xi32>], vector<16xf32>,
    tpu.vector_store_idx %arg7[%add3A_284, %broadcast_in_dim3A_254], %gather3A_290 : memref<64x512xf32, #tpu.memory_space<vmem>>[vector<16xi32>, vector<16xi32>], vector<16xf32>,
    %slice3A_291 = vector.extract_strided_slice %get3A_3 {offsets = [9], sizes = [1], strides = [1]} : vector<16xi32> to vector<1xi32>
    %squeeze3A_292 = vector.extract %slice3A_291[0] : i32 from vector<1xi32>
    %shift_right_logical3A_293 = arith.constant 7 : i32
    %shift_right_logical3A_294 = arith.shrui %squeeze3A_292, %shift_right_logical3A_293 : i32
    %shift_left3A_295 = arith.constant 7 : i32
    %shift_left3A_296 = arith.shli %shift_right_logical3A_294, %shift_left3A_295 : i32
    %multiple_of3A_297 = tpu.assume_multiple %shift_left3A_296, 128 : i32
    %dma_start3A_298 = arith.constant 1 : i32
    %dma_start3A_299 = arith.constant 0 : i32
    %dma_start3A_300 = arith.constant 0 : i32
    %dma_start3A_301 = tpu.memref_slice %arg6[%dma_start3A_298, %dma_start3A_299, %dma_start3A_300] : memref<8x64x128xf32, #tpu.memory_space<vmem>> -> memref<1x64x128xf32, #tpu.memory_space<vmem>>
    %dma_start3A_302 = tpu.memref_squeeze %dma_start3A_301 : memref<1x64x128xf32, #tpu.memory_space<vmem>> -> memref<64x128xf32, #tpu.memory_space<vmem>>
    %dma_start3A_303 = arith.constant 0 : i32
    %dma_start3A_304 = tpu.memref_slice %arg3[%dma_start3A_303, %multiple_of3A_297] : memref<64x1000000xf32, #tpu.memory_space<hbm>> -> memref<64x128xf32, #tpu.memory_space<hbm>>
    %dma_start3A_305 = arith.constant 0 : i32
    %dma_start3A_306 = arith.constant 0 : i32
    %dma_start3A_307 = tpu.memref_slice %arg6[%dma_start3A_298, %dma_start3A_305, %dma_start3A_306] : memref<8x64x128xf32, #tpu.memory_space<vmem>> -> memref<1x64x128xf32, #tpu.memory_space<vmem>>
    %dma_start3A_308 = tpu.memref_squeeze %dma_start3A_307 : memref<1x64x128xf32, #tpu.memory_space<vmem>> -> memref<64x128xf32, #tpu.memory_space<vmem>>
    %dma_start3A_309 = arith.constant 0 : i32
    %dma_start3A_310 = tpu.memref_slice %arg3[%dma_start3A_309, %multiple_of3A_297] : memref<64x1000000xf32, #tpu.memory_space<hbm>> -> memref<64x128xf32, #tpu.memory_space<hbm>>
    tpu.enqueue_dma source(%dma_start3A_310 : memref<64x128xf32, #tpu.memory_space<hbm>>) target(%dma_start3A_308 : memref<64x128xf32, #tpu.memory_space<vmem>>) target_semaphore(%arg9 : memref<!tpu.dma_semaphore, #tpu.memory_space<semaphore_mem>>)
    %slice3A_311 = vector.extract_strided_slice %get3A_3 {offsets = [2], sizes = [1], strides = [1]} : vector<16xi32> to vector<1xi32>
    %squeeze3A_312 = vector.extract %slice3A_311[0] : i32 from vector<1xi32>
    %dma_wait3A_313 = arith.constant 2 : i32
    %dma_wait3A_314 = arith.constant 0 : i32
    %dma_wait3A_315 = arith.constant 0 : i32
    %dma_wait3A_316 = tpu.memref_slice %arg6[%dma_wait3A_313, %dma_wait3A_314, %dma_wait3A_315] : memref<8x64x128xf32, #tpu.memory_space<vmem>> -> memref<1x64x128xf32, #tpu.memory_space<vmem>>
    %dma_wait3A_317 = tpu.memref_squeeze %dma_wait3A_316 : memref<1x64x128xf32, #tpu.memory_space<vmem>> -> memref<64x128xf32, #tpu.memory_space<vmem>>
    %dma_wait3A_318 = arith.constant 0 : i32
    %dma_wait3A_319 = arith.constant 0 : i32
    %dma_wait3A_320 = tpu.memref_slice %arg3[%dma_wait3A_318, %dma_wait3A_319] : memref<64x1000000xf32, #tpu.memory_space<hbm>> -> memref<64x128xf32, #tpu.memory_space<hbm>>
    %dma_wait3A_321 = arith.constant 0 : i32
    %dma_wait3A_322 = arith.constant 0 : i32
    %dma_wait3A_323 = tpu.memref_slice %arg6[%dma_wait3A_313, %dma_wait3A_321, %dma_wait3A_322] : memref<8x64x128xf32, #tpu.memory_space<vmem>> -> memref<1x64x128xf32, #tpu.memory_space<vmem>>
    %dma_wait3A_324 = tpu.memref_squeeze %dma_wait3A_323 : memref<1x64x128xf32, #tpu.memory_space<vmem>> -> memref<64x128xf32, #tpu.memory_space<vmem>>
    %dma_wait3A_325 = arith.constant 0 : i32
    %dma_wait3A_326 = arith.constant 0 : i32
    %dma_wait3A_327 = tpu.memref_slice %arg3[%dma_wait3A_325, %dma_wait3A_326] : memref<64x1000000xf32, #tpu.memory_space<hbm>> -> memref<64x128xf32, #tpu.memory_space<hbm>>
    tpu.wait_dma2 semaphore(%arg9 : memref<!tpu.dma_semaphore, #tpu.memory_space<semaphore_mem>>) src(%dma_wait3A_327 : memref<64x128xf32, #tpu.memory_space<hbm>>) dst(%dma_wait3A_324 : memref<64x128xf32, #tpu.memory_space<vmem>>)
    %and3A_328 = arith.constant 127 : i32
    %and3A_329 = arith.andi %squeeze3A_312, %and3A_328 : i32
    %broadcast_in_dim3A_330 = vector.broadcast %and3A_329 : i32 to vector<16xi32>
    %broadcast_in_dim3A_331 = arith.constant 2 : i32
    %broadcast_in_dim3A_332 = vector.broadcast %broadcast_in_dim3A_331 : i32 to vector<16xi32>
    %add3A_333 = arith.constant 0 : i32
    %add3A_334 = vector.broadcast %add3A_333 : i32 to vector<16xi32>
    %add3A_335 = arith.addi %iota3A, %add3A_334 : vector<16xi32>
    %gather3A_336 = arith.constant 2 : i32
    %gather3A_337 = arith.constant 0 : i32
    %gather3A_338 = arith.constant 0 : i32
    %gather3A_339 = tpu.memref_slice %arg6[%gather3A_336, %gather3A_337, %gather3A_338] : memref<8x64x128xf32, #tpu.memory_space<vmem>> -> memref<1x64x128xf32, #tpu.memory_space<vmem>>
    %gather3A_340 = tpu.memref_squeeze %gather3A_339 : memref<1x64x128xf32, #tpu.memory_space<vmem>> -> memref<64x128xf32, #tpu.memory_space<vmem>>
    %gather3A_341 = tpu.vector_load_idx %gather3A_340[%add3A_335, %broadcast_in_dim3A_330] : memref<64x128xf32, #tpu.memory_space<vmem>>[vector<16xi32>, vector<16xi32>], vector<16xf32>,
    tpu.vector_store_idx %arg7[%add3A_335, %broadcast_in_dim3A_332], %gather3A_341 : memref<64x512xf32, #tpu.memory_space<vmem>>[vector<16xi32>, vector<16xi32>], vector<16xf32>,
    %add3A_342 = arith.constant 16 : i32
    %add3A_343 = vector.broadcast %add3A_342 : i32 to vector<16xi32>
    %add3A_344 = arith.addi %iota3A, %add3A_343 : vector<16xi32>
    %gather3A_345 = arith.constant 2 : i32
    %gather3A_346 = arith.constant 0 : i32
    %gather3A_347 = arith.constant 0 : i32
    %gather3A_348 = tpu.memref_slice %arg6[%gather3A_345, %gather3A_346, %gather3A_347] : memref<8x64x128xf32, #tpu.memory_space<vmem>> -> memref<1x64x128xf32, #tpu.memory_space<vmem>>
    %gather3A_349 = tpu.memref_squeeze %gather3A_348 : memref<1x64x128xf32, #tpu.memory_space<vmem>> -> memref<64x128xf32, #tpu.memory_space<vmem>>
    %gather3A_350 = tpu.vector_load_idx %gather3A_349[%add3A_344, %broadcast_in_dim3A_330] : memref<64x128xf32, #tpu.memory_space<vmem>>[vector<16xi32>, vector<16xi32>], vector<16xf32>,
    tpu.vector_store_idx %arg7[%add3A_344, %broadcast_in_dim3A_332], %gather3A_350 : memref<64x512xf32, #tpu.memory_space<vmem>>[vector<16xi32>, vector<16xi32>], vector<16xf32>,
    %add3A_351 = arith.constant 32 : i32
    %add3A_352 = vector.broadcast %add3A_351 : i32 to vector<16xi32>
    %add3A_353 = arith.addi %iota3A, %add3A_352 : vector<16xi32>
    %gather3A_354 = arith.constant 2 : i32
    %gather3A_355 = arith.constant 0 : i32
    %gather3A_356 = arith.constant 0 : i32
    %gather3A_357 = tpu.memref_slice %arg6[%gather3A_354, %gather3A_355, %gather3A_356] : memref<8x64x128xf32, #tpu.memory_space<vmem>> -> memref<1x64x128xf32, #tpu.memory_space<vmem>>
    %gather3A_358 = tpu.memref_squeeze %gather3A_357 : memref<1x64x128xf32, #tpu.memory_space<vmem>> -> memref<64x128xf32, #tpu.memory_space<vmem>>
    %gather3A_359 = tpu.vector_load_idx %gather3A_358[%add3A_353, %broadcast_in_dim3A_330] : memref<64x128xf32, #tpu.memory_space<vmem>>[vector<16xi32>, vector<16xi32>], vector<16xf32>,
    tpu.vector_store_idx %arg7[%add3A_353, %broadcast_in_dim3A_332], %gather3A_359 : memref<64x512xf32, #tpu.memory_space<vmem>>[vector<16xi32>, vector<16xi32>], vector<16xf32>,
    %add3A_360 = arith.constant 48 : i32
    %add3A_361 = vector.broadcast %add3A_360 : i32 to vector<16xi32>
    %add3A_362 = arith.addi %iota3A, %add3A_361 : vector<16xi32>
    %gather3A_363 = arith.constant 2 : i32
    %gather3A_364 = arith.constant 0 : i32
    %gather3A_365 = arith.constant 0 : i32
    %gather3A_366 = tpu.memref_slice %arg6[%gather3A_363, %gather3A_364, %gather3A_365] : memref<8x64x128xf32, #tpu.memory_space<vmem>> -> memref<1x64x128xf32, #tpu.memory_space<vmem>>
    %gather3A_367 = tpu.memref_squeeze %gather3A_366 : memref<1x64x128xf32, #tpu.memory_space<vmem>> -> memref<64x128xf32, #tpu.memory_space<vmem>>
    %gather3A_368 = tpu.vector_load_idx %gather3A_367[%add3A_362, %broadcast_in_dim3A_330] : memref<64x128xf32, #tpu.memory_space<vmem>>[vector<16xi32>, vector<16xi32>], vector<16xf32>,
    tpu.vector_store_idx %arg7[%add3A_362, %broadcast_in_dim3A_332], %gather3A_368 : memref<64x512xf32, #tpu.memory_space<vmem>>[vector<16xi32>, vector<16xi32>], vector<16xf32>,
    %slice3A_369 = vector.extract_strided_slice %get3A_3 {offsets = [10], sizes = [1], strides = [1]} : vector<16xi32> to vector<1xi32>
    %squeeze3A_370 = vector.extract %slice3A_369[0] : i32 from vector<1xi32>
    %shift_right_logical3A_371 = arith.constant 7 : i32
    %shift_right_logical3A_372 = arith.shrui %squeeze3A_370, %shift_right_logical3A_371 : i32
    %shift_left3A_373 = arith.constant 7 : i32
    %shift_left3A_374 = arith.shli %shift_right_logical3A_372, %shift_left3A_373 : i32
    %multiple_of3A_375 = tpu.assume_multiple %shift_left3A_374, 128 : i32
    %dma_start3A_376 = arith.constant 2 : i32
    %dma_start3A_377 = arith.constant 0 : i32
    %dma_start3A_378 = arith.constant 0 : i32
    %dma_start3A_379 = tpu.memref_slice %arg6[%dma_start3A_376, %dma_start3A_377, %dma_start3A_378] : memref<8x64x128xf32, #tpu.memory_space<vmem>> -> memref<1x64x128xf32, #tpu.memory_space<vmem>>
    %dma_start3A_380 = tpu.memref_squeeze %dma_start3A_379 : memref<1x64x128xf32, #tpu.memory_space<vmem>> -> memref<64x128xf32, #tpu.memory_space<vmem>>
    %dma_start3A_381 = arith.constant 0 : i32
    %dma_start3A_382 = tpu.memref_slice %arg3[%dma_start3A_381, %multiple_of3A_375] : memref<64x1000000xf32, #tpu.memory_space<hbm>> -> memref<64x128xf32, #tpu.memory_space<hbm>>
    %dma_start3A_383 = arith.constant 0 : i32
    %dma_start3A_384 = arith.constant 0 : i32
    %dma_start3A_385 = tpu.memref_slice %arg6[%dma_start3A_376, %dma_start3A_383, %dma_start3A_384] : memref<8x64x128xf32, #tpu.memory_space<vmem>> -> memref<1x64x128xf32, #tpu.memory_space<vmem>>
    %dma_start3A_386 = tpu.memref_squeeze %dma_start3A_385 : memref<1x64x128xf32, #tpu.memory_space<vmem>> -> memref<64x128xf32, #tpu.memory_space<vmem>>
    %dma_start3A_387 = arith.constant 0 : i32
    %dma_start3A_388 = tpu.memref_slice %arg3[%dma_start3A_387, %multiple_of3A_375] : memref<64x1000000xf32, #tpu.memory_space<hbm>> -> memref<64x128xf32, #tpu.memory_space<hbm>>
    tpu.enqueue_dma source(%dma_start3A_388 : memref<64x128xf32, #tpu.memory_space<hbm>>) target(%dma_start3A_386 : memref<64x128xf32, #tpu.memory_space<vmem>>) target_semaphore(%arg9 : memref<!tpu.dma_semaphore, #tpu.memory_space<semaphore_mem>>)
    %slice3A_389 = vector.extract_strided_slice %get3A_3 {offsets = [3], sizes = [1], strides = [1]} : vector<16xi32> to vector<1xi32>
    %squeeze3A_390 = vector.extract %slice3A_389[0] : i32 from vector<1xi32>
    %dma_wait3A_391 = arith.constant 3 : i32
    %dma_wait3A_392 = arith.constant 0 : i32
    %dma_wait3A_393 = arith.constant 0 : i32
    %dma_wait3A_394 = tpu.memref_slice %arg6[%dma_wait3A_391, %dma_wait3A_392, %dma_wait3A_393] : memref<8x64x128xf32, #tpu.memory_space<vmem>> -> memref<1x64x128xf32, #tpu.memory_space<vmem>>
    %dma_wait3A_395 = tpu.memref_squeeze %dma_wait3A_394 : memref<1x64x128xf32, #tpu.memory_space<vmem>> -> memref<64x128xf32, #tpu.memory_space<vmem>>
    %dma_wait3A_396 = arith.constant 0 : i32
    %dma_wait3A_397 = arith.constant 0 : i32
    %dma_wait3A_398 = tpu.memref_slice %arg3[%dma_wait3A_396, %dma_wait3A_397] : memref<64x1000000xf32, #tpu.memory_space<hbm>> -> memref<64x128xf32, #tpu.memory_space<hbm>>
    %dma_wait3A_399 = arith.constant 0 : i32
    %dma_wait3A_400 = arith.constant 0 : i32
    %dma_wait3A_401 = tpu.memref_slice %arg6[%dma_wait3A_391, %dma_wait3A_399, %dma_wait3A_400] : memref<8x64x128xf32, #tpu.memory_space<vmem>> -> memref<1x64x128xf32, #tpu.memory_space<vmem>>
    %dma_wait3A_402 = tpu.memref_squeeze %dma_wait3A_401 : memref<1x64x128xf32, #tpu.memory_space<vmem>> -> memref<64x128xf32, #tpu.memory_space<vmem>>
    %dma_wait3A_403 = arith.constant 0 : i32
    %dma_wait3A_404 = arith.constant 0 : i32
    %dma_wait3A_405 = tpu.memref_slice %arg3[%dma_wait3A_403, %dma_wait3A_404] : memref<64x1000000xf32, #tpu.memory_space<hbm>> -> memref<64x128xf32, #tpu.memory_space<hbm>>
    tpu.wait_dma2 semaphore(%arg9 : memref<!tpu.dma_semaphore, #tpu.memory_space<semaphore_mem>>) src(%dma_wait3A_405 : memref<64x128xf32, #tpu.memory_space<hbm>>) dst(%dma_wait3A_402 : memref<64x128xf32, #tpu.memory_space<vmem>>)
    %and3A_406 = arith.constant 127 : i32
    %and3A_407 = arith.andi %squeeze3A_390, %and3A_406 : i32
    %broadcast_in_dim3A_408 = vector.broadcast %and3A_407 : i32 to vector<16xi32>
    %broadcast_in_dim3A_409 = arith.constant 3 : i32
    %broadcast_in_dim3A_410 = vector.broadcast %broadcast_in_dim3A_409 : i32 to vector<16xi32>
    %add3A_411 = arith.constant 0 : i32
    %add3A_412 = vector.broadcast %add3A_411 : i32 to vector<16xi32>
    %add3A_413 = arith.addi %iota3A, %add3A_412 : vector<16xi32>
    %gather3A_414 = arith.constant 3 : i32
    %gather3A_415 = arith.constant 0 : i32
    %gather3A_416 = arith.constant 0 : i32
    %gather3A_417 = tpu.memref_slice %arg6[%gather3A_414, %gather3A_415, %gather3A_416] : memref<8x64x128xf32, #tpu.memory_space<vmem>> -> memref<1x64x128xf32, #tpu.memory_space<vmem>>
    %gather3A_418 = tpu.memref_squeeze %gather3A_417 : memref<1x64x128xf32, #tpu.memory_space<vmem>> -> memref<64x128xf32, #tpu.memory_space<vmem>>
    %gather3A_419 = tpu.vector_load_idx %gather3A_418[%add3A_413, %broadcast_in_dim3A_408] : memref<64x128xf32, #tpu.memory_space<vmem>>[vector<16xi32>, vector<16xi32>], vector<16xf32>,
    tpu.vector_store_idx %arg7[%add3A_413, %broadcast_in_dim3A_410], %gather3A_419 : memref<64x512xf32, #tpu.memory_space<vmem>>[vector<16xi32>, vector<16xi32>], vector<16xf32>,
    %add3A_420 = arith.constant 16 : i32
    %add3A_421 = vector.broadcast %add3A_420 : i32 to vector<16xi32>
    %add3A_422 = arith.addi %iota3A, %add3A_421 : vector<16xi32>
    %gather3A_423 = arith.constant 3 : i32
    %gather3A_424 = arith.constant 0 : i32
    %gather3A_425 = arith.constant 0 : i32
    %gather3A_426 = tpu.memref_slice %arg6[%gather3A_423, %gather3A_424, %gather3A_425] : memref<8x64x128xf32, #tpu.memory_space<vmem>> -> memref<1x64x128xf32, #tpu.memory_space<vmem>>
    %gather3A_427 = tpu.memref_squeeze %gather3A_426 : memref<1x64x128xf32, #tpu.memory_space<vmem>> -> memref<64x128xf32, #tpu.memory_space<vmem>>
    %gather3A_428 = tpu.vector_load_idx %gather3A_427[%add3A_422, %broadcast_in_dim3A_408] : memref<64x128xf32, #tpu.memory_space<vmem>>[vector<16xi32>, vector<16xi32>], vector<16xf32>,
    tpu.vector_store_idx %arg7[%add3A_422, %broadcast_in_dim3A_410], %gather3A_428 : memref<64x512xf32, #tpu.memory_space<vmem>>[vector<16xi32>, vector<16xi32>], vector<16xf32>,
    %add3A_429 = arith.constant 32 : i32
    %add3A_430 = vector.broadcast %add3A_429 : i32 to vector<16xi32>
    %add3A_431 = arith.addi %iota3A, %add3A_430 : vector<16xi32>
    %gather3A_432 = arith.constant 3 : i32
    %gather3A_433 = arith.constant 0 : i32
    %gather3A_434 = arith.constant 0 : i32
    %gather3A_435 = tpu.memref_slice %arg6[%gather3A_432, %gather3A_433, %gather3A_434] : memref<8x64x128xf32, #tpu.memory_space<vmem>> -> memref<1x64x128xf32, #tpu.memory_space<vmem>>
    %gather3A_436 = tpu.memref_squeeze %gather3A_435 : memref<1x64x128xf32, #tpu.memory_space<vmem>> -> memref<64x128xf32, #tpu.memory_space<vmem>>
    %gather3A_437 = tpu.vector_load_idx %gather3A_436[%add3A_431, %broadcast_in_dim3A_408] : memref<64x128xf32, #tpu.memory_space<vmem>>[vector<16xi32>, vector<16xi32>], vector<16xf32>,
    tpu.vector_store_idx %arg7[%add3A_431, %broadcast_in_dim3A_410], %gather3A_437 : memref<64x512xf32, #tpu.memory_space<vmem>>[vector<16xi32>, vector<16xi32>], vector<16xf32>,
    %add3A_438 = arith.constant 48 : i32
    %add3A_439 = vector.broadcast %add3A_438 : i32 to vector<16xi32>
    %add3A_440 = arith.addi %iota3A, %add3A_439 : vector<16xi32>
    %gather3A_441 = arith.constant 3 : i32
    %gather3A_442 = arith.constant 0 : i32
    %gather3A_443 = arith.constant 0 : i32
    %gather3A_444 = tpu.memref_slice %arg6[%gather3A_441, %gather3A_442, %gather3A_443] : memref<8x64x128xf32, #tpu.memory_space<vmem>> -> memref<1x64x128xf32, #tpu.memory_space<vmem>>
    %gather3A_445 = tpu.memref_squeeze %gather3A_444 : memref<1x64x128xf32, #tpu.memory_space<vmem>> -> memref<64x128xf32, #tpu.memory_space<vmem>>
    %gather3A_446 = tpu.vector_load_idx %gather3A_445[%add3A_440, %broadcast_in_dim3A_408] : memref<64x128xf32, #tpu.memory_space<vmem>>[vector<16xi32>, vector<16xi32>], vector<16xf32>,
    tpu.vector_store_idx %arg7[%add3A_440, %broadcast_in_dim3A_410], %gather3A_446 : memref<64x512xf32, #tpu.memory_space<vmem>>[vector<16xi32>, vector<16xi32>], vector<16xf32>,
    %slice3A_447 = vector.extract_strided_slice %get3A_3 {offsets = [11], sizes = [1], strides = [1]} : vector<16xi32> to vector<1xi32>
    %squeeze3A_448 = vector.extract %slice3A_447[0] : i32 from vector<1xi32>
    %shift_right_logical3A_449 = arith.constant 7 : i32
    %shift_right_logical3A_450 = arith.shrui %squeeze3A_448, %shift_right_logical3A_449 : i32
    %shift_left3A_451 = arith.constant 7 : i32
    %shift_left3A_452 = arith.shli %shift_right_logical3A_450, %shift_left3A_451 : i32
    %multiple_of3A_453 = tpu.assume_multiple %shift_left3A_452, 128 : i32
    %dma_start3A_454 = arith.constant 3 : i32
    %dma_start3A_455 = arith.constant 0 : i32
    %dma_start3A_456 = arith.constant 0 : i32
    %dma_start3A_457 = tpu.memref_slice %arg6[%dma_start3A_454, %dma_start3A_455, %dma_start3A_456] : memref<8x64x128xf32, #tpu.memory_space<vmem>> -> memref<1x64x128xf32, #tpu.memory_space<vmem>>
    %dma_start3A_458 = tpu.memref_squeeze %dma_start3A_457 : memref<1x64x128xf32, #tpu.memory_space<vmem>> -> memref<64x128xf32, #tpu.memory_space<vmem>>
    %dma_start3A_459 = arith.constant 0 : i32
    %dma_start3A_460 = tpu.memref_slice %arg3[%dma_start3A_459, %multiple_of3A_453] : memref<64x1000000xf32, #tpu.memory_space<hbm>> -> memref<64x128xf32, #tpu.memory_space<hbm>>
    %dma_start3A_461 = arith.constant 0 : i32
    %dma_start3A_462 = arith.constant 0 : i32
    %dma_start3A_463 = tpu.memref_slice %arg6[%dma_start3A_454, %dma_start3A_461, %dma_start3A_462] : memref<8x64x128xf32, #tpu.memory_space<vmem>> -> memref<1x64x128xf32, #tpu.memory_space<vmem>>
    %dma_start3A_464 = tpu.memref_squeeze %dma_start3A_463 : memref<1x64x128xf32, #tpu.memory_space<vmem>> -> memref<64x128xf32, #tpu.memory_space<vmem>>
    %dma_start3A_465 = arith.constant 0 : i32
    %dma_start3A_466 = tpu.memref_slice %arg3[%dma_start3A_465, %multiple_of3A_453] : memref<64x1000000xf32, #tpu.memory_space<hbm>> -> memref<64x128xf32, #tpu.memory_space<hbm>>
    tpu.enqueue_dma source(%dma_start3A_466 : memref<64x128xf32, #tpu.memory_space<hbm>>) target(%dma_start3A_464 : memref<64x128xf32, #tpu.memory_space<vmem>>) target_semaphore(%arg9 : memref<!tpu.dma_semaphore, #tpu.memory_space<semaphore_mem>>)
    %slice3A_467 = vector.extract_strided_slice %get3A_3 {offsets = [4], sizes = [1], strides = [1]} : vector<16xi32> to vector<1xi32>
    %squeeze3A_468 = vector.extract %slice3A_467[0] : i32 from vector<1xi32>
    %dma_wait3A_469 = arith.constant 4 : i32
    %dma_wait3A_470 = arith.constant 0 : i32
    %dma_wait3A_471 = arith.constant 0 : i32
    %dma_wait3A_472 = tpu.memref_slice %arg6[%dma_wait3A_469, %dma_wait3A_470, %dma_wait3A_471] : memref<8x64x128xf32, #tpu.memory_space<vmem>> -> memref<1x64x128xf32, #tpu.memory_space<vmem>>
    %dma_wait3A_473 = tpu.memref_squeeze %dma_wait3A_472 : memref<1x64x128xf32, #tpu.memory_space<vmem>> -> memref<64x128xf32, #tpu.memory_space<vmem>>
    %dma_wait3A_474 = arith.constant 0 : i32
    %dma_wait3A_475 = arith.constant 0 : i32
    %dma_wait3A_476 = tpu.memref_slice %arg3[%dma_wait3A_474, %dma_wait3A_475] : memref<64x1000000xf32, #tpu.memory_space<hbm>> -> memref<64x128xf32, #tpu.memory_space<hbm>>
    %dma_wait3A_477 = arith.constant 0 : i32
    %dma_wait3A_478 = arith.constant 0 : i32
    %dma_wait3A_479 = tpu.memref_slice %arg6[%dma_wait3A_469, %dma_wait3A_477, %dma_wait3A_478] : memref<8x64x128xf32, #tpu.memory_space<vmem>> -> memref<1x64x128xf32, #tpu.memory_space<vmem>>
    %dma_wait3A_480 = tpu.memref_squeeze %dma_wait3A_479 : memref<1x64x128xf32, #tpu.memory_space<vmem>> -> memref<64x128xf32, #tpu.memory_space<vmem>>
    %dma_wait3A_481 = arith.constant 0 : i32
    %dma_wait3A_482 = arith.constant 0 : i32
    %dma_wait3A_483 = tpu.memref_slice %arg3[%dma_wait3A_481, %dma_wait3A_482] : memref<64x1000000xf32, #tpu.memory_space<hbm>> -> memref<64x128xf32, #tpu.memory_space<hbm>>
    tpu.wait_dma2 semaphore(%arg9 : memref<!tpu.dma_semaphore, #tpu.memory_space<semaphore_mem>>) src(%dma_wait3A_483 : memref<64x128xf32, #tpu.memory_space<hbm>>) dst(%dma_wait3A_480 : memref<64x128xf32, #tpu.memory_space<vmem>>)
    %and3A_484 = arith.constant 127 : i32
    %and3A_485 = arith.andi %squeeze3A_468, %and3A_484 : i32
    %broadcast_in_dim3A_486 = vector.broadcast %and3A_485 : i32 to vector<16xi32>
    %broadcast_in_dim3A_487 = arith.constant 4 : i32
    %broadcast_in_dim3A_488 = vector.broadcast %broadcast_in_dim3A_487 : i32 to vector<16xi32>
    %add3A_489 = arith.constant 0 : i32
    %add3A_490 = vector.broadcast %add3A_489 : i32 to vector<16xi32>
    %add3A_491 = arith.addi %iota3A, %add3A_490 : vector<16xi32>
    %gather3A_492 = arith.constant 4 : i32
    %gather3A_493 = arith.constant 0 : i32
    %gather3A_494 = arith.constant 0 : i32
    %gather3A_495 = tpu.memref_slice %arg6[%gather3A_492, %gather3A_493, %gather3A_494] : memref<8x64x128xf32, #tpu.memory_space<vmem>> -> memref<1x64x128xf32, #tpu.memory_space<vmem>>
    %gather3A_496 = tpu.memref_squeeze %gather3A_495 : memref<1x64x128xf32, #tpu.memory_space<vmem>> -> memref<64x128xf32, #tpu.memory_space<vmem>>
    %gather3A_497 = tpu.vector_load_idx %gather3A_496[%add3A_491, %broadcast_in_dim3A_486] : memref<64x128xf32, #tpu.memory_space<vmem>>[vector<16xi32>, vector<16xi32>], vector<16xf32>,
    tpu.vector_store_idx %arg7[%add3A_491, %broadcast_in_dim3A_488], %gather3A_497 : memref<64x512xf32, #tpu.memory_space<vmem>>[vector<16xi32>, vector<16xi32>], vector<16xf32>,
    %add3A_498 = arith.constant 16 : i32
    %add3A_499 = vector.broadcast %add3A_498 : i32 to vector<16xi32>
    %add3A_500 = arith.addi %iota3A, %add3A_499 : vector<16xi32>
    %gather3A_501 = arith.constant 4 : i32
    %gather3A_502 = arith.constant 0 : i32
    %gather3A_503 = arith.constant 0 : i32
    %gather3A_504 = tpu.memref_slice %arg6[%gather3A_501, %gather3A_502, %gather3A_503] : memref<8x64x128xf32, #tpu.memory_space<vmem>> -> memref<1x64x128xf32, #tpu.memory_space<vmem>>
    %gather3A_505 = tpu.memref_squeeze %gather3A_504 : memref<1x64x128xf32, #tpu.memory_space<vmem>> -> memref<64x128xf32, #tpu.memory_space<vmem>>
    %gather3A_506 = tpu.vector_load_idx %gather3A_505[%add3A_500, %broadcast_in_dim3A_486] : memref<64x128xf32, #tpu.memory_space<vmem>>[vector<16xi32>, vector<16xi32>], vector<16xf32>,
    tpu.vector_store_idx %arg7[%add3A_500, %broadcast_in_dim3A_488], %gather3A_506 : memref<64x512xf32, #tpu.memory_space<vmem>>[vector<16xi32>, vector<16xi32>], vector<16xf32>,
    %add3A_507 = arith.constant 32 : i32
    %add3A_508 = vector.broadcast %add3A_507 : i32 to vector<16xi32>
    %add3A_509 = arith.addi %iota3A, %add3A_508 : vector<16xi32>
    %gather3A_510 = arith.constant 4 : i32
    %gather3A_511 = arith.constant 0 : i32
    %gather3A_512 = arith.constant 0 : i32
    %gather3A_513 = tpu.memref_slice %arg6[%gather3A_510, %gather3A_511, %gather3A_512] : memref<8x64x128xf32, #tpu.memory_space<vmem>> -> memref<1x64x128xf32, #tpu.memory_space<vmem>>
    %gather3A_514 = tpu.memref_squeeze %gather3A_513 : memref<1x64x128xf32, #tpu.memory_space<vmem>> -> memref<64x128xf32, #tpu.memory_space<vmem>>
    %gather3A_515 = tpu.vector_load_idx %gather3A_514[%add3A_509, %broadcast_in_dim3A_486] : memref<64x128xf32, #tpu.memory_space<vmem>>[vector<16xi32>, vector<16xi32>], vector<16xf32>,
    tpu.vector_store_idx %arg7[%add3A_509, %broadcast_in_dim3A_488], %gather3A_515 : memref<64x512xf32, #tpu.memory_space<vmem>>[vector<16xi32>, vector<16xi32>], vector<16xf32>,
    %add3A_516 = arith.constant 48 : i32
    %add3A_517 = vector.broadcast %add3A_516 : i32 to vector<16xi32>
    %add3A_518 = arith.addi %iota3A, %add3A_517 : vector<16xi32>
    %gather3A_519 = arith.constant 4 : i32
    %gather3A_520 = arith.constant 0 : i32
    %gather3A_521 = arith.constant 0 : i32
    %gather3A_522 = tpu.memref_slice %arg6[%gather3A_519, %gather3A_520, %gather3A_521] : memref<8x64x128xf32, #tpu.memory_space<vmem>> -> memref<1x64x128xf32, #tpu.memory_space<vmem>>
    %gather3A_523 = tpu.memref_squeeze %gather3A_522 : memref<1x64x128xf32, #tpu.memory_space<vmem>> -> memref<64x128xf32, #tpu.memory_space<vmem>>
    %gather3A_524 = tpu.vector_load_idx %gather3A_523[%add3A_518, %broadcast_in_dim3A_486] : memref<64x128xf32, #tpu.memory_space<vmem>>[vector<16xi32>, vector<16xi32>], vector<16xf32>,
    tpu.vector_store_idx %arg7[%add3A_518, %broadcast_in_dim3A_488], %gather3A_524 : memref<64x512xf32, #tpu.memory_space<vmem>>[vector<16xi32>, vector<16xi32>], vector<16xf32>,
    %slice3A_525 = vector.extract_strided_slice %get3A_3 {offsets = [12], sizes = [1], strides = [1]} : vector<16xi32> to vector<1xi32>
    %squeeze3A_526 = vector.extract %slice3A_525[0] : i32 from vector<1xi32>
    %shift_right_logical3A_527 = arith.constant 7 : i32
    %shift_right_logical3A_528 = arith.shrui %squeeze3A_526, %shift_right_logical3A_527 : i32
    %shift_left3A_529 = arith.constant 7 : i32
    %shift_left3A_530 = arith.shli %shift_right_logical3A_528, %shift_left3A_529 : i32
    %multiple_of3A_531 = tpu.assume_multiple %shift_left3A_530, 128 : i32
    %dma_start3A_532 = arith.constant 4 : i32
    %dma_start3A_533 = arith.constant 0 : i32
    %dma_start3A_534 = arith.constant 0 : i32
    %dma_start3A_535 = tpu.memref_slice %arg6[%dma_start3A_532, %dma_start3A_533, %dma_start3A_534] : memref<8x64x128xf32, #tpu.memory_space<vmem>> -> memref<1x64x128xf32, #tpu.memory_space<vmem>>
    %dma_start3A_536 = tpu.memref_squeeze %dma_start3A_535 : memref<1x64x128xf32, #tpu.memory_space<vmem>> -> memref<64x128xf32, #tpu.memory_space<vmem>>
    %dma_start3A_537 = arith.constant 0 : i32
    %dma_start3A_538 = tpu.memref_slice %arg3[%dma_start3A_537, %multiple_of3A_531] : memref<64x1000000xf32, #tpu.memory_space<hbm>> -> memref<64x128xf32, #tpu.memory_space<hbm>>
    %dma_start3A_539 = arith.constant 0 : i32
    %dma_start3A_540 = arith.constant 0 : i32
    %dma_start3A_541 = tpu.memref_slice %arg6[%dma_start3A_532, %dma_start3A_539, %dma_start3A_540] : memref<8x64x128xf32, #tpu.memory_space<vmem>> -> memref<1x64x128xf32, #tpu.memory_space<vmem>>
    %dma_start3A_542 = tpu.memref_squeeze %dma_start3A_541 : memref<1x64x128xf32, #tpu.memory_space<vmem>> -> memref<64x128xf32, #tpu.memory_space<vmem>>
    %dma_start3A_543 = arith.constant 0 : i32
    %dma_start3A_544 = tpu.memref_slice %arg3[%dma_start3A_543, %multiple_of3A_531] : memref<64x1000000xf32, #tpu.memory_space<hbm>> -> memref<64x128xf32, #tpu.memory_space<hbm>>
    tpu.enqueue_dma source(%dma_start3A_544 : memref<64x128xf32, #tpu.memory_space<hbm>>) target(%dma_start3A_542 : memref<64x128xf32, #tpu.memory_space<vmem>>) target_semaphore(%arg9 : memref<!tpu.dma_semaphore, #tpu.memory_space<semaphore_mem>>)
    %slice3A_545 = vector.extract_strided_slice %get3A_3 {offsets = [5], sizes = [1], strides = [1]} : vector<16xi32> to vector<1xi32>
    %squeeze3A_546 = vector.extract %slice3A_545[0] : i32 from vector<1xi32>
    %dma_wait3A_547 = arith.constant 5 : i32
    %dma_wait3A_548 = arith.constant 0 : i32
    %dma_wait3A_549 = arith.constant 0 : i32
    %dma_wait3A_550 = tpu.memref_slice %arg6[%dma_wait3A_547, %dma_wait3A_548, %dma_wait3A_549] : memref<8x64x128xf32, #tpu.memory_space<vmem>> -> memref<1x64x128xf32, #tpu.memory_space<vmem>>
    %dma_wait3A_551 = tpu.memref_squeeze %dma_wait3A_550 : memref<1x64x128xf32, #tpu.memory_space<vmem>> -> memref<64x128xf32, #tpu.memory_space<vmem>>
    %dma_wait3A_552 = arith.constant 0 : i32
    %dma_wait3A_553 = arith.constant 0 : i32
    %dma_wait3A_554 = tpu.memref_slice %arg3[%dma_wait3A_552, %dma_wait3A_553] : memref<64x1000000xf32, #tpu.memory_space<hbm>> -> memref<64x128xf32, #tpu.memory_space<hbm>>
    %dma_wait3A_555 = arith.constant 0 : i32
    %dma_wait3A_556 = arith.constant 0 : i32
    %dma_wait3A_557 = tpu.memref_slice %arg6[%dma_wait3A_547, %dma_wait3A_555, %dma_wait3A_556] : memref<8x64x128xf32, #tpu.memory_space<vmem>> -> memref<1x64x128xf32, #tpu.memory_space<vmem>>
    %dma_wait3A_558 = tpu.memref_squeeze %dma_wait3A_557 : memref<1x64x128xf32, #tpu.memory_space<vmem>> -> memref<64x128xf32, #tpu.memory_space<vmem>>
    %dma_wait3A_559 = arith.constant 0 : i32
    %dma_wait3A_560 = arith.constant 0 : i32
    %dma_wait3A_561 = tpu.memref_slice %arg3[%dma_wait3A_559, %dma_wait3A_560] : memref<64x1000000xf32, #tpu.memory_space<hbm>> -> memref<64x128xf32, #tpu.memory_space<hbm>>
    tpu.wait_dma2 semaphore(%arg9 : memref<!tpu.dma_semaphore, #tpu.memory_space<semaphore_mem>>) src(%dma_wait3A_561 : memref<64x128xf32, #tpu.memory_space<hbm>>) dst(%dma_wait3A_558 : memref<64x128xf32, #tpu.memory_space<vmem>>)
    %and3A_562 = arith.constant 127 : i32
    %and3A_563 = arith.andi %squeeze3A_546, %and3A_562 : i32
    %broadcast_in_dim3A_564 = vector.broadcast %and3A_563 : i32 to vector<16xi32>
    %broadcast_in_dim3A_565 = arith.constant 5 : i32
    %broadcast_in_dim3A_566 = vector.broadcast %broadcast_in_dim3A_565 : i32 to vector<16xi32>
    %add3A_567 = arith.constant 0 : i32
    %add3A_568 = vector.broadcast %add3A_567 : i32 to vector<16xi32>
    %add3A_569 = arith.addi %iota3A, %add3A_568 : vector<16xi32>
    %gather3A_570 = arith.constant 5 : i32
    %gather3A_571 = arith.constant 0 : i32
    %gather3A_572 = arith.constant 0 : i32
    %gather3A_573 = tpu.memref_slice %arg6[%gather3A_570, %gather3A_571, %gather3A_572] : memref<8x64x128xf32, #tpu.memory_space<vmem>> -> memref<1x64x128xf32, #tpu.memory_space<vmem>>
    %gather3A_574 = tpu.memref_squeeze %gather3A_573 : memref<1x64x128xf32, #tpu.memory_space<vmem>> -> memref<64x128xf32, #tpu.memory_space<vmem>>
    %gather3A_575 = tpu.vector_load_idx %gather3A_574[%add3A_569, %broadcast_in_dim3A_564] : memref<64x128xf32, #tpu.memory_space<vmem>>[vector<16xi32>, vector<16xi32>], vector<16xf32>,
    tpu.vector_store_idx %arg7[%add3A_569, %broadcast_in_dim3A_566], %gather3A_575 : memref<64x512xf32, #tpu.memory_space<vmem>>[vector<16xi32>, vector<16xi32>], vector<16xf32>,
    %add3A_576 = arith.constant 16 : i32
    %add3A_577 = vector.broadcast %add3A_576 : i32 to vector<16xi32>
    %add3A_578 = arith.addi %iota3A, %add3A_577 : vector<16xi32>
    %gather3A_579 = arith.constant 5 : i32
    %gather3A_580 = arith.constant 0 : i32
    %gather3A_581 = arith.constant 0 : i32
    %gather3A_582 = tpu.memref_slice %arg6[%gather3A_579, %gather3A_580, %gather3A_581] : memref<8x64x128xf32, #tpu.memory_space<vmem>> -> memref<1x64x128xf32, #tpu.memory_space<vmem>>
    %gather3A_583 = tpu.memref_squeeze %gather3A_582 : memref<1x64x128xf32, #tpu.memory_space<vmem>> -> memref<64x128xf32, #tpu.memory_space<vmem>>
    %gather3A_584 = tpu.vector_load_idx %gather3A_583[%add3A_578, %broadcast_in_dim3A_564] : memref<64x128xf32, #tpu.memory_space<vmem>>[vector<16xi32>, vector<16xi32>], vector<16xf32>,
    tpu.vector_store_idx %arg7[%add3A_578, %broadcast_in_dim3A_566], %gather3A_584 : memref<64x512xf32, #tpu.memory_space<vmem>>[vector<16xi32>, vector<16xi32>], vector<16xf32>,
    %add3A_585 = arith.constant 32 : i32
    %add3A_586 = vector.broadcast %add3A_585 : i32 to vector<16xi32>
    %add3A_587 = arith.addi %iota3A, %add3A_586 : vector<16xi32>
    %gather3A_588 = arith.constant 5 : i32
    %gather3A_589 = arith.constant 0 : i32
    %gather3A_590 = arith.constant 0 : i32
    %gather3A_591 = tpu.memref_slice %arg6[%gather3A_588, %gather3A_589, %gather3A_590] : memref<8x64x128xf32, #tpu.memory_space<vmem>> -> memref<1x64x128xf32, #tpu.memory_space<vmem>>
    %gather3A_592 = tpu.memref_squeeze %gather3A_591 : memref<1x64x128xf32, #tpu.memory_space<vmem>> -> memref<64x128xf32, #tpu.memory_space<vmem>>
    %gather3A_593 = tpu.vector_load_idx %gather3A_592[%add3A_587, %broadcast_in_dim3A_564] : memref<64x128xf32, #tpu.memory_space<vmem>>[vector<16xi32>, vector<16xi32>], vector<16xf32>,
    tpu.vector_store_idx %arg7[%add3A_587, %broadcast_in_dim3A_566], %gather3A_593 : memref<64x512xf32, #tpu.memory_space<vmem>>[vector<16xi32>, vector<16xi32>], vector<16xf32>,
    %add3A_594 = arith.constant 48 : i32
    %add3A_595 = vector.broadcast %add3A_594 : i32 to vector<16xi32>
    %add3A_596 = arith.addi %iota3A, %add3A_595 : vector<16xi32>
    %gather3A_597 = arith.constant 5 : i32
    %gather3A_598 = arith.constant 0 : i32
    %gather3A_599 = arith.constant 0 : i32
    %gather3A_600 = tpu.memref_slice %arg6[%gather3A_597, %gather3A_598, %gather3A_599] : memref<8x64x128xf32, #tpu.memory_space<vmem>> -> memref<1x64x128xf32, #tpu.memory_space<vmem>>
    %gather3A_601 = tpu.memref_squeeze %gather3A_600 : memref<1x64x128xf32, #tpu.memory_space<vmem>> -> memref<64x128xf32, #tpu.memory_space<vmem>>
    %gather3A_602 = tpu.vector_load_idx %gather3A_601[%add3A_596, %broadcast_in_dim3A_564] : memref<64x128xf32, #tpu.memory_space<vmem>>[vector<16xi32>, vector<16xi32>], vector<16xf32>,
    tpu.vector_store_idx %arg7[%add3A_596, %broadcast_in_dim3A_566], %gather3A_602 : memref<64x512xf32, #tpu.memory_space<vmem>>[vector<16xi32>, vector<16xi32>], vector<16xf32>,
    %slice3A_603 = vector.extract_strided_slice %get3A_3 {offsets = [13], sizes = [1], strides = [1]} : vector<16xi32> to vector<1xi32>
    %squeeze3A_604 = vector.extract %slice3A_603[0] : i32 from vector<1xi32>
    %shift_right_logical3A_605 = arith.constant 7 : i32
    %shift_right_logical3A_606 = arith.shrui %squeeze3A_604, %shift_right_logical3A_605 : i32
    %shift_left3A_607 = arith.constant 7 : i32
    %shift_left3A_608 = arith.shli %shift_right_logical3A_606, %shift_left3A_607 : i32
    %multiple_of3A_609 = tpu.assume_multiple %shift_left3A_608, 128 : i32
    %dma_start3A_610 = arith.constant 5 : i32
    %dma_start3A_611 = arith.constant 0 : i32
    %dma_start3A_612 = arith.constant 0 : i32
    %dma_start3A_613 = tpu.memref_slice %arg6[%dma_start3A_610, %dma_start3A_611, %dma_start3A_612] : memref<8x64x128xf32, #tpu.memory_space<vmem>> -> memref<1x64x128xf32, #tpu.memory_space<vmem>>
    %dma_start3A_614 = tpu.memref_squeeze %dma_start3A_613 : memref<1x64x128xf32, #tpu.memory_space<vmem>> -> memref<64x128xf32, #tpu.memory_space<vmem>>
    %dma_start3A_615 = arith.constant 0 : i32
    %dma_start3A_616 = tpu.memref_slice %arg3[%dma_start3A_615, %multiple_of3A_609] : memref<64x1000000xf32, #tpu.memory_space<hbm>> -> memref<64x128xf32, #tpu.memory_space<hbm>>
    %dma_start3A_617 = arith.constant 0 : i32
    %dma_start3A_618 = arith.constant 0 : i32
    %dma_start3A_619 = tpu.memref_slice %arg6[%dma_start3A_610, %dma_start3A_617, %dma_start3A_618] : memref<8x64x128xf32, #tpu.memory_space<vmem>> -> memref<1x64x128xf32, #tpu.memory_space<vmem>>
    %dma_start3A_620 = tpu.memref_squeeze %dma_start3A_619 : memref<1x64x128xf32, #tpu.memory_space<vmem>> -> memref<64x128xf32, #tpu.memory_space<vmem>>
    %dma_start3A_621 = arith.constant 0 : i32
    %dma_start3A_622 = tpu.memref_slice %arg3[%dma_start3A_621, %multiple_of3A_609] : memref<64x1000000xf32, #tpu.memory_space<hbm>> -> memref<64x128xf32, #tpu.memory_space<hbm>>
    tpu.enqueue_dma source(%dma_start3A_622 : memref<64x128xf32, #tpu.memory_space<hbm>>) target(%dma_start3A_620 : memref<64x128xf32, #tpu.memory_space<vmem>>) target_semaphore(%arg9 : memref<!tpu.dma_semaphore, #tpu.memory_space<semaphore_mem>>)
    %slice3A_623 = vector.extract_strided_slice %get3A_3 {offsets = [6], sizes = [1], strides = [1]} : vector<16xi32> to vector<1xi32>
    %squeeze3A_624 = vector.extract %slice3A_623[0] : i32 from vector<1xi32>
    %dma_wait3A_625 = arith.constant 6 : i32
    %dma_wait3A_626 = arith.constant 0 : i32
    %dma_wait3A_627 = arith.constant 0 : i32
    %dma_wait3A_628 = tpu.memref_slice %arg6[%dma_wait3A_625, %dma_wait3A_626, %dma_wait3A_627] : memref<8x64x128xf32, #tpu.memory_space<vmem>> -> memref<1x64x128xf32, #tpu.memory_space<vmem>>
    %dma_wait3A_629 = tpu.memref_squeeze %dma_wait3A_628 : memref<1x64x128xf32, #tpu.memory_space<vmem>> -> memref<64x128xf32, #tpu.memory_space<vmem>>
    %dma_wait3A_630 = arith.constant 0 : i32
    %dma_wait3A_631 = arith.constant 0 : i32
    %dma_wait3A_632 = tpu.memref_slice %arg3[%dma_wait3A_630, %dma_wait3A_631] : memref<64x1000000xf32, #tpu.memory_space<hbm>> -> memref<64x128xf32, #tpu.memory_space<hbm>>
    %dma_wait3A_633 = arith.constant 0 : i32
    %dma_wait3A_634 = arith.constant 0 : i32
    %dma_wait3A_635 = tpu.memref_slice %arg6[%dma_wait3A_625, %dma_wait3A_633, %dma_wait3A_634] : memref<8x64x128xf32, #tpu.memory_space<vmem>> -> memref<1x64x128xf32, #tpu.memory_space<vmem>>
    %dma_wait3A_636 = tpu.memref_squeeze %dma_wait3A_635 : memref<1x64x128xf32, #tpu.memory_space<vmem>> -> memref<64x128xf32, #tpu.memory_space<vmem>>
    %dma_wait3A_637 = arith.constant 0 : i32
    %dma_wait3A_638 = arith.constant 0 : i32
    %dma_wait3A_639 = tpu.memref_slice %arg3[%dma_wait3A_637, %dma_wait3A_638] : memref<64x1000000xf32, #tpu.memory_space<hbm>> -> memref<64x128xf32, #tpu.memory_space<hbm>>
    tpu.wait_dma2 semaphore(%arg9 : memref<!tpu.dma_semaphore, #tpu.memory_space<semaphore_mem>>) src(%dma_wait3A_639 : memref<64x128xf32, #tpu.memory_space<hbm>>) dst(%dma_wait3A_636 : memref<64x128xf32, #tpu.memory_space<vmem>>)
    %and3A_640 = arith.constant 127 : i32
    %and3A_641 = arith.andi %squeeze3A_624, %and3A_640 : i32
    %broadcast_in_dim3A_642 = vector.broadcast %and3A_641 : i32 to vector<16xi32>
    %broadcast_in_dim3A_643 = arith.constant 6 : i32
    %broadcast_in_dim3A_644 = vector.broadcast %broadcast_in_dim3A_643 : i32 to vector<16xi32>
    %add3A_645 = arith.constant 0 : i32
    %add3A_646 = vector.broadcast %add3A_645 : i32 to vector<16xi32>
    %add3A_647 = arith.addi %iota3A, %add3A_646 : vector<16xi32>
    %gather3A_648 = arith.constant 6 : i32
    %gather3A_649 = arith.constant 0 : i32
    %gather3A_650 = arith.constant 0 : i32
    %gather3A_651 = tpu.memref_slice %arg6[%gather3A_648, %gather3A_649, %gather3A_650] : memref<8x64x128xf32, #tpu.memory_space<vmem>> -> memref<1x64x128xf32, #tpu.memory_space<vmem>>
    %gather3A_652 = tpu.memref_squeeze %gather3A_651 : memref<1x64x128xf32, #tpu.memory_space<vmem>> -> memref<64x128xf32, #tpu.memory_space<vmem>>
    %gather3A_653 = tpu.vector_load_idx %gather3A_652[%add3A_647, %broadcast_in_dim3A_642] : memref<64x128xf32, #tpu.memory_space<vmem>>[vector<16xi32>, vector<16xi32>], vector<16xf32>,
    tpu.vector_store_idx %arg7[%add3A_647, %broadcast_in_dim3A_644], %gather3A_653 : memref<64x512xf32, #tpu.memory_space<vmem>>[vector<16xi32>, vector<16xi32>], vector<16xf32>,
    %add3A_654 = arith.constant 16 : i32
    %add3A_655 = vector.broadcast %add3A_654 : i32 to vector<16xi32>
    %add3A_656 = arith.addi %iota3A, %add3A_655 : vector<16xi32>
    %gather3A_657 = arith.constant 6 : i32
    %gather3A_658 = arith.constant 0 : i32
    %gather3A_659 = arith.constant 0 : i32
    %gather3A_660 = tpu.memref_slice %arg6[%gather3A_657, %gather3A_658, %gather3A_659] : memref<8x64x128xf32, #tpu.memory_space<vmem>> -> memref<1x64x128xf32, #tpu.memory_space<vmem>>
    %gather3A_661 = tpu.memref_squeeze %gather3A_660 : memref<1x64x128xf32, #tpu.memory_space<vmem>> -> memref<64x128xf32, #tpu.memory_space<vmem>>
    %gather3A_662 = tpu.vector_load_idx %gather3A_661[%add3A_656, %broadcast_in_dim3A_642] : memref<64x128xf32, #tpu.memory_space<vmem>>[vector<16xi32>, vector<16xi32>], vector<16xf32>,
    tpu.vector_store_idx %arg7[%add3A_656, %broadcast_in_dim3A_644], %gather3A_662 : memref<64x512xf32, #tpu.memory_space<vmem>>[vector<16xi32>, vector<16xi32>], vector<16xf32>,
    %add3A_663 = arith.constant 32 : i32
    %add3A_664 = vector.broadcast %add3A_663 : i32 to vector<16xi32>
    %add3A_665 = arith.addi %iota3A, %add3A_664 : vector<16xi32>
    %gather3A_666 = arith.constant 6 : i32
    %gather3A_667 = arith.constant 0 : i32
    %gather3A_668 = arith.constant 0 : i32
    %gather3A_669 = tpu.memref_slice %arg6[%gather3A_666, %gather3A_667, %gather3A_668] : memref<8x64x128xf32, #tpu.memory_space<vmem>> -> memref<1x64x128xf32, #tpu.memory_space<vmem>>
    %gather3A_670 = tpu.memref_squeeze %gather3A_669 : memref<1x64x128xf32, #tpu.memory_space<vmem>> -> memref<64x128xf32, #tpu.memory_space<vmem>>
    %gather3A_671 = tpu.vector_load_idx %gather3A_670[%add3A_665, %broadcast_in_dim3A_642] : memref<64x128xf32, #tpu.memory_space<vmem>>[vector<16xi32>, vector<16xi32>], vector<16xf32>,
    tpu.vector_store_idx %arg7[%add3A_665, %broadcast_in_dim3A_644], %gather3A_671 : memref<64x512xf32, #tpu.memory_space<vmem>>[vector<16xi32>, vector<16xi32>], vector<16xf32>,
    %add3A_672 = arith.constant 48 : i32
    %add3A_673 = vector.broadcast %add3A_672 : i32 to vector<16xi32>
    %add3A_674 = arith.addi %iota3A, %add3A_673 : vector<16xi32>
    %gather3A_675 = arith.constant 6 : i32
    %gather3A_676 = arith.constant 0 : i32
    %gather3A_677 = arith.constant 0 : i32
    %gather3A_678 = tpu.memref_slice %arg6[%gather3A_675, %gather3A_676, %gather3A_677] : memref<8x64x128xf32, #tpu.memory_space<vmem>> -> memref<1x64x128xf32, #tpu.memory_space<vmem>>
    %gather3A_679 = tpu.memref_squeeze %gather3A_678 : memref<1x64x128xf32, #tpu.memory_space<vmem>> -> memref<64x128xf32, #tpu.memory_space<vmem>>
    %gather3A_680 = tpu.vector_load_idx %gather3A_679[%add3A_674, %broadcast_in_dim3A_642] : memref<64x128xf32, #tpu.memory_space<vmem>>[vector<16xi32>, vector<16xi32>], vector<16xf32>,
    tpu.vector_store_idx %arg7[%add3A_674, %broadcast_in_dim3A_644], %gather3A_680 : memref<64x512xf32, #tpu.memory_space<vmem>>[vector<16xi32>, vector<16xi32>], vector<16xf32>,
    %slice3A_681 = vector.extract_strided_slice %get3A_3 {offsets = [14], sizes = [1], strides = [1]} : vector<16xi32> to vector<1xi32>
    %squeeze3A_682 = vector.extract %slice3A_681[0] : i32 from vector<1xi32>
    %shift_right_logical3A_683 = arith.constant 7 : i32
    %shift_right_logical3A_684 = arith.shrui %squeeze3A_682, %shift_right_logical3A_683 : i32
    %shift_left3A_685 = arith.constant 7 : i32
    %shift_left3A_686 = arith.shli %shift_right_logical3A_684, %shift_left3A_685 : i32
    %multiple_of3A_687 = tpu.assume_multiple %shift_left3A_686, 128 : i32
    %dma_start3A_688 = arith.constant 6 : i32
    %dma_start3A_689 = arith.constant 0 : i32
    %dma_start3A_690 = arith.constant 0 : i32
    %dma_start3A_691 = tpu.memref_slice %arg6[%dma_start3A_688, %dma_start3A_689, %dma_start3A_690] : memref<8x64x128xf32, #tpu.memory_space<vmem>> -> memref<1x64x128xf32, #tpu.memory_space<vmem>>
    %dma_start3A_692 = tpu.memref_squeeze %dma_start3A_691 : memref<1x64x128xf32, #tpu.memory_space<vmem>> -> memref<64x128xf32, #tpu.memory_space<vmem>>
    %dma_start3A_693 = arith.constant 0 : i32
    %dma_start3A_694 = tpu.memref_slice %arg3[%dma_start3A_693, %multiple_of3A_687] : memref<64x1000000xf32, #tpu.memory_space<hbm>> -> memref<64x128xf32, #tpu.memory_space<hbm>>
    %dma_start3A_695 = arith.constant 0 : i32
    %dma_start3A_696 = arith.constant 0 : i32
    %dma_start3A_697 = tpu.memref_slice %arg6[%dma_start3A_688, %dma_start3A_695, %dma_start3A_696] : memref<8x64x128xf32, #tpu.memory_space<vmem>> -> memref<1x64x128xf32, #tpu.memory_space<vmem>>
    %dma_start3A_698 = tpu.memref_squeeze %dma_start3A_697 : memref<1x64x128xf32, #tpu.memory_space<vmem>> -> memref<64x128xf32, #tpu.memory_space<vmem>>
    %dma_start3A_699 = arith.constant 0 : i32
    %dma_start3A_700 = tpu.memref_slice %arg3[%dma_start3A_699, %multiple_of3A_687] : memref<64x1000000xf32, #tpu.memory_space<hbm>> -> memref<64x128xf32, #tpu.memory_space<hbm>>
    tpu.enqueue_dma source(%dma_start3A_700 : memref<64x128xf32, #tpu.memory_space<hbm>>) target(%dma_start3A_698 : memref<64x128xf32, #tpu.memory_space<vmem>>) target_semaphore(%arg9 : memref<!tpu.dma_semaphore, #tpu.memory_space<semaphore_mem>>)
    %slice3A_701 = vector.extract_strided_slice %get3A_3 {offsets = [7], sizes = [1], strides = [1]} : vector<16xi32> to vector<1xi32>
    %squeeze3A_702 = vector.extract %slice3A_701[0] : i32 from vector<1xi32>
    %dma_wait3A_703 = arith.constant 7 : i32
    %dma_wait3A_704 = arith.constant 0 : i32
    %dma_wait3A_705 = arith.constant 0 : i32
    %dma_wait3A_706 = tpu.memref_slice %arg6[%dma_wait3A_703, %dma_wait3A_704, %dma_wait3A_705] : memref<8x64x128xf32, #tpu.memory_space<vmem>> -> memref<1x64x128xf32, #tpu.memory_space<vmem>>
    %dma_wait3A_707 = tpu.memref_squeeze %dma_wait3A_706 : memref<1x64x128xf32, #tpu.memory_space<vmem>> -> memref<64x128xf32, #tpu.memory_space<vmem>>
    %dma_wait3A_708 = arith.constant 0 : i32
    %dma_wait3A_709 = arith.constant 0 : i32
    %dma_wait3A_710 = tpu.memref_slice %arg3[%dma_wait3A_708, %dma_wait3A_709] : memref<64x1000000xf32, #tpu.memory_space<hbm>> -> memref<64x128xf32, #tpu.memory_space<hbm>>
    %dma_wait3A_711 = arith.constant 0 : i32
    %dma_wait3A_712 = arith.constant 0 : i32
    %dma_wait3A_713 = tpu.memref_slice %arg6[%dma_wait3A_703, %dma_wait3A_711, %dma_wait3A_712] : memref<8x64x128xf32, #tpu.memory_space<vmem>> -> memref<1x64x128xf32, #tpu.memory_space<vmem>>
    %dma_wait3A_714 = tpu.memref_squeeze %dma_wait3A_713 : memref<1x64x128xf32, #tpu.memory_space<vmem>> -> memref<64x128xf32, #tpu.memory_space<vmem>>
    %dma_wait3A_715 = arith.constant 0 : i32
    %dma_wait3A_716 = arith.constant 0 : i32
    %dma_wait3A_717 = tpu.memref_slice %arg3[%dma_wait3A_715, %dma_wait3A_716] : memref<64x1000000xf32, #tpu.memory_space<hbm>> -> memref<64x128xf32, #tpu.memory_space<hbm>>
    tpu.wait_dma2 semaphore(%arg9 : memref<!tpu.dma_semaphore, #tpu.memory_space<semaphore_mem>>) src(%dma_wait3A_717 : memref<64x128xf32, #tpu.memory_space<hbm>>) dst(%dma_wait3A_714 : memref<64x128xf32, #tpu.memory_space<vmem>>)
    %and3A_718 = arith.constant 127 : i32
    %and3A_719 = arith.andi %squeeze3A_702, %and3A_718 : i32
    %broadcast_in_dim3A_720 = vector.broadcast %and3A_719 : i32 to vector<16xi32>
    %broadcast_in_dim3A_721 = arith.constant 7 : i32
    %broadcast_in_dim3A_722 = vector.broadcast %broadcast_in_dim3A_721 : i32 to vector<16xi32>
    %add3A_723 = arith.constant 0 : i32
    %add3A_724 = vector.broadcast %add3A_723 : i32 to vector<16xi32>
    %add3A_725 = arith.addi %iota3A, %add3A_724 : vector<16xi32>
    %gather3A_726 = arith.constant 7 : i32
    %gather3A_727 = arith.constant 0 : i32
    %gather3A_728 = arith.constant 0 : i32
    %gather3A_729 = tpu.memref_slice %arg6[%gather3A_726, %gather3A_727, %gather3A_728] : memref<8x64x128xf32, #tpu.memory_space<vmem>> -> memref<1x64x128xf32, #tpu.memory_space<vmem>>
    %gather3A_730 = tpu.memref_squeeze %gather3A_729 : memref<1x64x128xf32, #tpu.memory_space<vmem>> -> memref<64x128xf32, #tpu.memory_space<vmem>>
    %gather3A_731 = tpu.vector_load_idx %gather3A_730[%add3A_725, %broadcast_in_dim3A_720] : memref<64x128xf32, #tpu.memory_space<vmem>>[vector<16xi32>, vector<16xi32>], vector<16xf32>,
    tpu.vector_store_idx %arg7[%add3A_725, %broadcast_in_dim3A_722], %gather3A_731 : memref<64x512xf32, #tpu.memory_space<vmem>>[vector<16xi32>, vector<16xi32>], vector<16xf32>,
    %add3A_732 = arith.constant 16 : i32
    %add3A_733 = vector.broadcast %add3A_732 : i32 to vector<16xi32>
    %add3A_734 = arith.addi %iota3A, %add3A_733 : vector<16xi32>
    %gather3A_735 = arith.constant 7 : i32
    %gather3A_736 = arith.constant 0 : i32
    %gather3A_737 = arith.constant 0 : i32
    %gather3A_738 = tpu.memref_slice %arg6[%gather3A_735, %gather3A_736, %gather3A_737] : memref<8x64x128xf32, #tpu.memory_space<vmem>> -> memref<1x64x128xf32, #tpu.memory_space<vmem>>
    %gather3A_739 = tpu.memref_squeeze %gather3A_738 : memref<1x64x128xf32, #tpu.memory_space<vmem>> -> memref<64x128xf32, #tpu.memory_space<vmem>>
    %gather3A_740 = tpu.vector_load_idx %gather3A_739[%add3A_734, %broadcast_in_dim3A_720] : memref<64x128xf32, #tpu.memory_space<vmem>>[vector<16xi32>, vector<16xi32>], vector<16xf32>,
    tpu.vector_store_idx %arg7[%add3A_734, %broadcast_in_dim3A_722], %gather3A_740 : memref<64x512xf32, #tpu.memory_space<vmem>>[vector<16xi32>, vector<16xi32>], vector<16xf32>,
    %add3A_741 = arith.constant 32 : i32
    %add3A_742 = vector.broadcast %add3A_741 : i32 to vector<16xi32>
    %add3A_743 = arith.addi %iota3A, %add3A_742 : vector<16xi32>
    %gather3A_744 = arith.constant 7 : i32
    %gather3A_745 = arith.constant 0 : i32
    %gather3A_746 = arith.constant 0 : i32
    %gather3A_747 = tpu.memref_slice %arg6[%gather3A_744, %gather3A_745, %gather3A_746] : memref<8x64x128xf32, #tpu.memory_space<vmem>> -> memref<1x64x128xf32, #tpu.memory_space<vmem>>
    %gather3A_748 = tpu.memref_squeeze %gather3A_747 : memref<1x64x128xf32, #tpu.memory_space<vmem>> -> memref<64x128xf32, #tpu.memory_space<vmem>>
    %gather3A_749 = tpu.vector_load_idx %gather3A_748[%add3A_743, %broadcast_in_dim3A_720] : memref<64x128xf32, #tpu.memory_space<vmem>>[vector<16xi32>, vector<16xi32>], vector<16xf32>,
    tpu.vector_store_idx %arg7[%add3A_743, %broadcast_in_dim3A_722], %gather3A_749 : memref<64x512xf32, #tpu.memory_space<vmem>>[vector<16xi32>, vector<16xi32>], vector<16xf32>,
    %add3A_750 = arith.constant 48 : i32
    %add3A_751 = vector.broadcast %add3A_750 : i32 to vector<16xi32>
    %add3A_752 = arith.addi %iota3A, %add3A_751 : vector<16xi32>
    %gather3A_753 = arith.constant 7 : i32
    %gather3A_754 = arith.constant 0 : i32
    %gather3A_755 = arith.constant 0 : i32
    %gather3A_756 = tpu.memref_slice %arg6[%gather3A_753, %gather3A_754, %gather3A_755] : memref<8x64x128xf32, #tpu.memory_space<vmem>> -> memref<1x64x128xf32, #tpu.memory_space<vmem>>
    %gather3A_757 = tpu.memref_squeeze %gather3A_756 : memref<1x64x128xf32, #tpu.memory_space<vmem>> -> memref<64x128xf32, #tpu.memory_space<vmem>>
    %gather3A_758 = tpu.vector_load_idx %gather3A_757[%add3A_752, %broadcast_in_dim3A_720] : memref<64x128xf32, #tpu.memory_space<vmem>>[vector<16xi32>, vector<16xi32>], vector<16xf32>,
    tpu.vector_store_idx %arg7[%add3A_752, %broadcast_in_dim3A_722], %gather3A_758 : memref<64x512xf32, #tpu.memory_space<vmem>>[vector<16xi32>, vector<16xi32>], vector<16xf32>,
    %slice3A_759 = vector.extract_strided_slice %get3A_3 {offsets = [15], sizes = [1], strides = [1]} : vector<16xi32> to vector<1xi32>
    %squeeze3A_760 = vector.extract %slice3A_759[0] : i32 from vector<1xi32>
    %shift_right_logical3A_761 = arith.constant 7 : i32
    %shift_right_logical3A_762 = arith.shrui %squeeze3A_760, %shift_right_logical3A_761 : i32
    %shift_left3A_763 = arith.constant 7 : i32
    %shift_left3A_764 = arith.shli %shift_right_logical3A_762, %shift_left3A_763 : i32
    %multiple_of3A_765 = tpu.assume_multiple %shift_left3A_764, 128 : i32
    %dma_start3A_766 = arith.constant 7 : i32
    %dma_start3A_767 = arith.constant 0 : i32
    %dma_start3A_768 = arith.constant 0 : i32
    %dma_start3A_769 = tpu.memref_slice %arg6[%dma_start3A_766, %dma_start3A_767, %dma_start3A_768] : memref<8x64x128xf32, #tpu.memory_space<vmem>> -> memref<1x64x128xf32, #tpu.memory_space<vmem>>
    %dma_start3A_770 = tpu.memref_squeeze %dma_start3A_769 : memref<1x64x128xf32, #tpu.memory_space<vmem>> -> memref<64x128xf32, #tpu.memory_space<vmem>>
    %dma_start3A_771 = arith.constant 0 : i32
    %dma_start3A_772 = tpu.memref_slice %arg3[%dma_start3A_771, %multiple_of3A_765] : memref<64x1000000xf32, #tpu.memory_space<hbm>> -> memref<64x128xf32, #tpu.memory_space<hbm>>
    %dma_start3A_773 = arith.constant 0 : i32
    %dma_start3A_774 = arith.constant 0 : i32
    %dma_start3A_775 = tpu.memref_slice %arg6[%dma_start3A_766, %dma_start3A_773, %dma_start3A_774] : memref<8x64x128xf32, #tpu.memory_space<vmem>> -> memref<1x64x128xf32, #tpu.memory_space<vmem>>
    %dma_start3A_776 = tpu.memref_squeeze %dma_start3A_775 : memref<1x64x128xf32, #tpu.memory_space<vmem>> -> memref<64x128xf32, #tpu.memory_space<vmem>>
    %dma_start3A_777 = arith.constant 0 : i32
    %dma_start3A_778 = tpu.memref_slice %arg3[%dma_start3A_777, %multiple_of3A_765] : memref<64x1000000xf32, #tpu.memory_space<hbm>> -> memref<64x128xf32, #tpu.memory_space<hbm>>
    tpu.enqueue_dma source(%dma_start3A_778 : memref<64x128xf32, #tpu.memory_space<hbm>>) target(%dma_start3A_776 : memref<64x128xf32, #tpu.memory_space<vmem>>) target_semaphore(%arg9 : memref<!tpu.dma_semaphore, #tpu.memory_space<semaphore_mem>>)
    %scan3A = arith.constant 1 : i32
    %scan3A_779 = arith.constant 31 : i32
    %scan3A_780 = arith.addi %scan3A, %scan3A_779 : i32
    %scan3A_781 = arith.constant 1 : i32
    %scan3A_782 = scf.for %scan3A_1256 = %scan3A to %scan3A_780 step %scan3A_781 iter_args(%scan3A_1257 = %get3A_3) -> (vector<16xi32>)  : i32 {
      %mul3A_1258 = arith.constant 16 : i32
      %mul3A_1259 = arith.muli %scan3A_1256, %mul3A_1258 : i32
      %get3A_1260 = arith.index_cast %mul3A_1259 : i32 to index
      %get3A_1261 = tpu.vector_load %arg5[%get3A_1260] {strides = array<i32>} : memref<512xi32, #tpu.memory_space<vmem>>, vector<16xi32>,
      %slice3A_1262 = vector.extract_strided_slice %scan3A_1257 {offsets = [8], sizes = [1], strides = [1]} : vector<16xi32> to vector<1xi32>
      %squeeze3A_1263 = vector.extract %slice3A_1262[0] : i32 from vector<1xi32>
      %sub3A = arith.constant 1 : i32
      %sub3A_1264 = arith.subi %scan3A_1256, %sub3A : i32
      %mul3A_1265 = arith.constant 16 : i32
      %mul3A_1266 = arith.muli %sub3A_1264, %mul3A_1265 : i32
      %add3A_1267 = arith.constant 8 : i32
      %add3A_1268 = arith.addi %mul3A_1266, %add3A_1267 : i32
      %add3A_1269 = arith.constant 0 : i32
      %add3A_1270 = arith.addi %add3A_1268, %add3A_1269 : i32
      %dma_wait3A_1271 = arith.constant 0 : i32
      %dma_wait3A_1272 = arith.constant 0 : i32
      %dma_wait3A_1273 = arith.constant 0 : i32
      %dma_wait3A_1274 = tpu.memref_slice %arg6[%dma_wait3A_1271, %dma_wait3A_1272, %dma_wait3A_1273] : memref<8x64x128xf32, #tpu.memory_space<vmem>> -> memref<1x64x128xf32, #tpu.memory_space<vmem>>
      %dma_wait3A_1275 = tpu.memref_squeeze %dma_wait3A_1274 : memref<1x64x128xf32, #tpu.memory_space<vmem>> -> memref<64x128xf32, #tpu.memory_space<vmem>>
      %dma_wait3A_1276 = arith.constant 0 : i32
      %dma_wait3A_1277 = arith.constant 0 : i32
      %dma_wait3A_1278 = tpu.memref_slice %arg3[%dma_wait3A_1276, %dma_wait3A_1277] : memref<64x1000000xf32, #tpu.memory_space<hbm>> -> memref<64x128xf32, #tpu.memory_space<hbm>>
      %dma_wait3A_1279 = arith.constant 0 : i32
      %dma_wait3A_1280 = arith.constant 0 : i32
      %dma_wait3A_1281 = tpu.memref_slice %arg6[%dma_wait3A_1271, %dma_wait3A_1279, %dma_wait3A_1280] : memref<8x64x128xf32, #tpu.memory_space<vmem>> -> memref<1x64x128xf32, #tpu.memory_space<vmem>>
      %dma_wait3A_1282 = tpu.memref_squeeze %dma_wait3A_1281 : memref<1x64x128xf32, #tpu.memory_space<vmem>> -> memref<64x128xf32, #tpu.memory_space<vmem>>
      %dma_wait3A_1283 = arith.constant 0 : i32
      %dma_wait3A_1284 = arith.constant 0 : i32
      %dma_wait3A_1285 = tpu.memref_slice %arg3[%dma_wait3A_1283, %dma_wait3A_1284] : memref<64x1000000xf32, #tpu.memory_space<hbm>> -> memref<64x128xf32, #tpu.memory_space<hbm>>
      tpu.wait_dma2 semaphore(%arg9 : memref<!tpu.dma_semaphore, #tpu.memory_space<semaphore_mem>>) src(%dma_wait3A_1285 : memref<64x128xf32, #tpu.memory_space<hbm>>) dst(%dma_wait3A_1282 : memref<64x128xf32, #tpu.memory_space<vmem>>)
      %and3A_1286 = arith.constant 127 : i32
      %and3A_1287 = arith.andi %squeeze3A_1263, %and3A_1286 : i32
      %broadcast_in_dim3A_1288 = vector.broadcast %and3A_1287 : i32 to vector<16xi32>
      %broadcast_in_dim3A_1289 = vector.broadcast %add3A_1270 : i32 to vector<16xi32>
      %add3A_1290 = arith.constant 0 : i32
      %add3A_1291 = vector.broadcast %add3A_1290 : i32 to vector<16xi32>
      %add3A_1292 = arith.addi %iota3A, %add3A_1291 : vector<16xi32>
      %gather3A_1293 = arith.constant 0 : i32
      %gather3A_1294 = arith.constant 0 : i32
      %gather3A_1295 = arith.constant 0 : i32
      %gather3A_1296 = tpu.memref_slice %arg6[%gather3A_1293, %gather3A_1294, %gather3A_1295] : memref<8x64x128xf32, #tpu.memory_space<vmem>> -> memref<1x64x128xf32, #tpu.memory_space<vmem>>
      %gather3A_1297 = tpu.memref_squeeze %gather3A_1296 : memref<1x64x128xf32, #tpu.memory_space<vmem>> -> memref<64x128xf32, #tpu.memory_space<vmem>>
      %gather3A_1298 = tpu.vector_load_idx %gather3A_1297[%add3A_1292, %broadcast_in_dim3A_1288] : memref<64x128xf32, #tpu.memory_space<vmem>>[vector<16xi32>, vector<16xi32>], vector<16xf32>,
      tpu.vector_store_idx %arg7[%add3A_1292, %broadcast_in_dim3A_1289], %gather3A_1298 : memref<64x512xf32, #tpu.memory_space<vmem>>[vector<16xi32>, vector<16xi32>], vector<16xf32>,
      %add3A_1299 = arith.constant 16 : i32
      %add3A_1300 = vector.broadcast %add3A_1299 : i32 to vector<16xi32>
      %add3A_1301 = arith.addi %iota3A, %add3A_1300 : vector<16xi32>
      %gather3A_1302 = arith.constant 0 : i32
      %gather3A_1303 = arith.constant 0 : i32
      %gather3A_1304 = arith.constant 0 : i32
      %gather3A_1305 = tpu.memref_slice %arg6[%gather3A_1302, %gather3A_1303, %gather3A_1304] : memref<8x64x128xf32, #tpu.memory_space<vmem>> -> memref<1x64x128xf32, #tpu.memory_space<vmem>>
      %gather3A_1306 = tpu.memref_squeeze %gather3A_1305 : memref<1x64x128xf32, #tpu.memory_space<vmem>> -> memref<64x128xf32, #tpu.memory_space<vmem>>
      %gather3A_1307 = tpu.vector_load_idx %gather3A_1306[%add3A_1301, %broadcast_in_dim3A_1288] : memref<64x128xf32, #tpu.memory_space<vmem>>[vector<16xi32>, vector<16xi32>], vector<16xf32>,
      tpu.vector_store_idx %arg7[%add3A_1301, %broadcast_in_dim3A_1289], %gather3A_1307 : memref<64x512xf32, #tpu.memory_space<vmem>>[vector<16xi32>, vector<16xi32>], vector<16xf32>,
      %add3A_1308 = arith.constant 32 : i32
      %add3A_1309 = vector.broadcast %add3A_1308 : i32 to vector<16xi32>
      %add3A_1310 = arith.addi %iota3A, %add3A_1309 : vector<16xi32>
      %gather3A_1311 = arith.constant 0 : i32
      %gather3A_1312 = arith.constant 0 : i32
      %gather3A_1313 = arith.constant 0 : i32
      %gather3A_1314 = tpu.memref_slice %arg6[%gather3A_1311, %gather3A_1312, %gather3A_1313] : memref<8x64x128xf32, #tpu.memory_space<vmem>> -> memref<1x64x128xf32, #tpu.memory_space<vmem>>
      %gather3A_1315 = tpu.memref_squeeze %gather3A_1314 : memref<1x64x128xf32, #tpu.memory_space<vmem>> -> memref<64x128xf32, #tpu.memory_space<vmem>>
      %gather3A_1316 = tpu.vector_load_idx %gather3A_1315[%add3A_1310, %broadcast_in_dim3A_1288] : memref<64x128xf32, #tpu.memory_space<vmem>>[vector<16xi32>, vector<16xi32>], vector<16xf32>,
      tpu.vector_store_idx %arg7[%add3A_1310, %broadcast_in_dim3A_1289], %gather3A_1316 : memref<64x512xf32, #tpu.memory_space<vmem>>[vector<16xi32>, vector<16xi32>], vector<16xf32>,
      %add3A_1317 = arith.constant 48 : i32
      %add3A_1318 = vector.broadcast %add3A_1317 : i32 to vector<16xi32>
      %add3A_1319 = arith.addi %iota3A, %add3A_1318 : vector<16xi32>
      %gather3A_1320 = arith.constant 0 : i32
      %gather3A_1321 = arith.constant 0 : i32
      %gather3A_1322 = arith.constant 0 : i32
      %gather3A_1323 = tpu.memref_slice %arg6[%gather3A_1320, %gather3A_1321, %gather3A_1322] : memref<8x64x128xf32, #tpu.memory_space<vmem>> -> memref<1x64x128xf32, #tpu.memory_space<vmem>>
      %gather3A_1324 = tpu.memref_squeeze %gather3A_1323 : memref<1x64x128xf32, #tpu.memory_space<vmem>> -> memref<64x128xf32, #tpu.memory_space<vmem>>
      %gather3A_1325 = tpu.vector_load_idx %gather3A_1324[%add3A_1319, %broadcast_in_dim3A_1288] : memref<64x128xf32, #tpu.memory_space<vmem>>[vector<16xi32>, vector<16xi32>], vector<16xf32>,
      tpu.vector_store_idx %arg7[%add3A_1319, %broadcast_in_dim3A_1289], %gather3A_1325 : memref<64x512xf32, #tpu.memory_space<vmem>>[vector<16xi32>, vector<16xi32>], vector<16xf32>,
      %slice3A_1326 = vector.extract_strided_slice %get3A_1261 {offsets = [0], sizes = [1], strides = [1]} : vector<16xi32> to vector<1xi32>
      %squeeze3A_1327 = vector.extract %slice3A_1326[0] : i32 from vector<1xi32>
      %shift_right_logical3A_1328 = arith.constant 7 : i32
      %shift_right_logical3A_1329 = arith.shrui %squeeze3A_1327, %shift_right_logical3A_1328 : i32
      %shift_left3A_1330 = arith.constant 7 : i32
      %shift_left3A_1331 = arith.shli %shift_right_logical3A_1329, %shift_left3A_1330 : i32
      %multiple_of3A_1332 = tpu.assume_multiple %shift_left3A_1331, 128 : i32
      %dma_start3A_1333 = arith.constant 0 : i32
      %dma_start3A_1334 = arith.constant 0 : i32
      %dma_start3A_1335 = arith.constant 0 : i32
      %dma_start3A_1336 = tpu.memref_slice %arg6[%dma_start3A_1333, %dma_start3A_1334, %dma_start3A_1335] : memref<8x64x128xf32, #tpu.memory_space<vmem>> -> memref<1x64x128xf32, #tpu.memory_space<vmem>>
      %dma_start3A_1337 = tpu.memref_squeeze %dma_start3A_1336 : memref<1x64x128xf32, #tpu.memory_space<vmem>> -> memref<64x128xf32, #tpu.memory_space<vmem>>
      %dma_start3A_1338 = arith.constant 0 : i32
      %dma_start3A_1339 = tpu.memref_slice %arg3[%dma_start3A_1338, %multiple_of3A_1332] : memref<64x1000000xf32, #tpu.memory_space<hbm>> -> memref<64x128xf32, #tpu.memory_space<hbm>>
      %dma_start3A_1340 = arith.constant 0 : i32
      %dma_start3A_1341 = arith.constant 0 : i32
      %dma_start3A_1342 = tpu.memref_slice %arg6[%dma_start3A_1333, %dma_start3A_1340, %dma_start3A_1341] : memref<8x64x128xf32, #tpu.memory_space<vmem>> -> memref<1x64x128xf32, #tpu.memory_space<vmem>>
      %dma_start3A_1343 = tpu.memref_squeeze %dma_start3A_1342 : memref<1x64x128xf32, #tpu.memory_space<vmem>> -> memref<64x128xf32, #tpu.memory_space<vmem>>
      %dma_start3A_1344 = arith.constant 0 : i32
      %dma_start3A_1345 = tpu.memref_slice %arg3[%dma_start3A_1344, %multiple_of3A_1332] : memref<64x1000000xf32, #tpu.memory_space<hbm>> -> memref<64x128xf32, #tpu.memory_space<hbm>>
      tpu.enqueue_dma source(%dma_start3A_1345 : memref<64x128xf32, #tpu.memory_space<hbm>>) target(%dma_start3A_1343 : memref<64x128xf32, #tpu.memory_space<vmem>>) target_semaphore(%arg9 : memref<!tpu.dma_semaphore, #tpu.memory_space<semaphore_mem>>)
      %slice3A_1346 = vector.extract_strided_slice %scan3A_1257 {offsets = [9], sizes = [1], strides = [1]} : vector<16xi32> to vector<1xi32>
      %squeeze3A_1347 = vector.extract %slice3A_1346[0] : i32 from vector<1xi32>
      %sub3A_1348 = arith.constant 1 : i32
      %sub3A_1349 = arith.subi %scan3A_1256, %sub3A_1348 : i32
      %mul3A_1350 = arith.constant 16 : i32
      %mul3A_1351 = arith.muli %sub3A_1349, %mul3A_1350 : i32
      %add3A_1352 = arith.constant 8 : i32
      %add3A_1353 = arith.addi %mul3A_1351, %add3A_1352 : i32
      %add3A_1354 = arith.constant 1 : i32
      %add3A_1355 = arith.addi %add3A_1353, %add3A_1354 : i32
      %dma_wait3A_1356 = arith.constant 1 : i32
      %dma_wait3A_1357 = arith.constant 0 : i32
      %dma_wait3A_1358 = arith.constant 0 : i32
      %dma_wait3A_1359 = tpu.memref_slice %arg6[%dma_wait3A_1356, %dma_wait3A_1357, %dma_wait3A_1358] : memref<8x64x128xf32, #tpu.memory_space<vmem>> -> memref<1x64x128xf32, #tpu.memory_space<vmem>>
      %dma_wait3A_1360 = tpu.memref_squeeze %dma_wait3A_1359 : memref<1x64x128xf32, #tpu.memory_space<vmem>> -> memref<64x128xf32, #tpu.memory_space<vmem>>
      %dma_wait3A_1361 = arith.constant 0 : i32
      %dma_wait3A_1362 = arith.constant 0 : i32
      %dma_wait3A_1363 = tpu.memref_slice %arg3[%dma_wait3A_1361, %dma_wait3A_1362] : memref<64x1000000xf32, #tpu.memory_space<hbm>> -> memref<64x128xf32, #tpu.memory_space<hbm>>
      %dma_wait3A_1364 = arith.constant 0 : i32
      %dma_wait3A_1365 = arith.constant 0 : i32
      %dma_wait3A_1366 = tpu.memref_slice %arg6[%dma_wait3A_1356, %dma_wait3A_1364, %dma_wait3A_1365] : memref<8x64x128xf32, #tpu.memory_space<vmem>> -> memref<1x64x128xf32, #tpu.memory_space<vmem>>
      %dma_wait3A_1367 = tpu.memref_squeeze %dma_wait3A_1366 : memref<1x64x128xf32, #tpu.memory_space<vmem>> -> memref<64x128xf32, #tpu.memory_space<vmem>>
      %dma_wait3A_1368 = arith.constant 0 : i32
      %dma_wait3A_1369 = arith.constant 0 : i32
      %dma_wait3A_1370 = tpu.memref_slice %arg3[%dma_wait3A_1368, %dma_wait3A_1369] : memref<64x1000000xf32, #tpu.memory_space<hbm>> -> memref<64x128xf32, #tpu.memory_space<hbm>>
      tpu.wait_dma2 semaphore(%arg9 : memref<!tpu.dma_semaphore, #tpu.memory_space<semaphore_mem>>) src(%dma_wait3A_1370 : memref<64x128xf32, #tpu.memory_space<hbm>>) dst(%dma_wait3A_1367 : memref<64x128xf32, #tpu.memory_space<vmem>>)
      %and3A_1371 = arith.constant 127 : i32
      %and3A_1372 = arith.andi %squeeze3A_1347, %and3A_1371 : i32
      %broadcast_in_dim3A_1373 = vector.broadcast %and3A_1372 : i32 to vector<16xi32>
      %broadcast_in_dim3A_1374 = vector.broadcast %add3A_1355 : i32 to vector<16xi32>
      %add3A_1375 = arith.constant 0 : i32
      %add3A_1376 = vector.broadcast %add3A_1375 : i32 to vector<16xi32>
      %add3A_1377 = arith.addi %iota3A, %add3A_1376 : vector<16xi32>
      %gather3A_1378 = arith.constant 1 : i32
      %gather3A_1379 = arith.constant 0 : i32
      %gather3A_1380 = arith.constant 0 : i32
      %gather3A_1381 = tpu.memref_slice %arg6[%gather3A_1378, %gather3A_1379, %gather3A_1380] : memref<8x64x128xf32, #tpu.memory_space<vmem>> -> memref<1x64x128xf32, #tpu.memory_space<vmem>>
      %gather3A_1382 = tpu.memref_squeeze %gather3A_1381 : memref<1x64x128xf32, #tpu.memory_space<vmem>> -> memref<64x128xf32, #tpu.memory_space<vmem>>
      %gather3A_1383 = tpu.vector_load_idx %gather3A_1382[%add3A_1377, %broadcast_in_dim3A_1373] : memref<64x128xf32, #tpu.memory_space<vmem>>[vector<16xi32>, vector<16xi32>], vector<16xf32>,
      tpu.vector_store_idx %arg7[%add3A_1377, %broadcast_in_dim3A_1374], %gather3A_1383 : memref<64x512xf32, #tpu.memory_space<vmem>>[vector<16xi32>, vector<16xi32>], vector<16xf32>,
      %add3A_1384 = arith.constant 16 : i32
      %add3A_1385 = vector.broadcast %add3A_1384 : i32 to vector<16xi32>
      %add3A_1386 = arith.addi %iota3A, %add3A_1385 : vector<16xi32>
      %gather3A_1387 = arith.constant 1 : i32
      %gather3A_1388 = arith.constant 0 : i32
      %gather3A_1389 = arith.constant 0 : i32
      %gather3A_1390 = tpu.memref_slice %arg6[%gather3A_1387, %gather3A_1388, %gather3A_1389] : memref<8x64x128xf32, #tpu.memory_space<vmem>> -> memref<1x64x128xf32, #tpu.memory_space<vmem>>
      %gather3A_1391 = tpu.memref_squeeze %gather3A_1390 : memref<1x64x128xf32, #tpu.memory_space<vmem>> -> memref<64x128xf32, #tpu.memory_space<vmem>>
      %gather3A_1392 = tpu.vector_load_idx %gather3A_1391[%add3A_1386, %broadcast_in_dim3A_1373] : memref<64x128xf32, #tpu.memory_space<vmem>>[vector<16xi32>, vector<16xi32>], vector<16xf32>,
      tpu.vector_store_idx %arg7[%add3A_1386, %broadcast_in_dim3A_1374], %gather3A_1392 : memref<64x512xf32, #tpu.memory_space<vmem>>[vector<16xi32>, vector<16xi32>], vector<16xf32>,
      %add3A_1393 = arith.constant 32 : i32
      %add3A_1394 = vector.broadcast %add3A_1393 : i32 to vector<16xi32>
      %add3A_1395 = arith.addi %iota3A, %add3A_1394 : vector<16xi32>
      %gather3A_1396 = arith.constant 1 : i32
      %gather3A_1397 = arith.constant 0 : i32
      %gather3A_1398 = arith.constant 0 : i32
      %gather3A_1399 = tpu.memref_slice %arg6[%gather3A_1396, %gather3A_1397, %gather3A_1398] : memref<8x64x128xf32, #tpu.memory_space<vmem>> -> memref<1x64x128xf32, #tpu.memory_space<vmem>>
      %gather3A_1400 = tpu.memref_squeeze %gather3A_1399 : memref<1x64x128xf32, #tpu.memory_space<vmem>> -> memref<64x128xf32, #tpu.memory_space<vmem>>
      %gather3A_1401 = tpu.vector_load_idx %gather3A_1400[%add3A_1395, %broadcast_in_dim3A_1373] : memref<64x128xf32, #tpu.memory_space<vmem>>[vector<16xi32>, vector<16xi32>], vector<16xf32>,
      tpu.vector_store_idx %arg7[%add3A_1395, %broadcast_in_dim3A_1374], %gather3A_1401 : memref<64x512xf32, #tpu.memory_space<vmem>>[vector<16xi32>, vector<16xi32>], vector<16xf32>,
      %add3A_1402 = arith.constant 48 : i32
      %add3A_1403 = vector.broadcast %add3A_1402 : i32 to vector<16xi32>
      %add3A_1404 = arith.addi %iota3A, %add3A_1403 : vector<16xi32>
      %gather3A_1405 = arith.constant 1 : i32
      %gather3A_1406 = arith.constant 0 : i32
      %gather3A_1407 = arith.constant 0 : i32
      %gather3A_1408 = tpu.memref_slice %arg6[%gather3A_1405, %gather3A_1406, %gather3A_1407] : memref<8x64x128xf32, #tpu.memory_space<vmem>> -> memref<1x64x128xf32, #tpu.memory_space<vmem>>
      %gather3A_1409 = tpu.memref_squeeze %gather3A_1408 : memref<1x64x128xf32, #tpu.memory_space<vmem>> -> memref<64x128xf32, #tpu.memory_space<vmem>>
      %gather3A_1410 = tpu.vector_load_idx %gather3A_1409[%add3A_1404, %broadcast_in_dim3A_1373] : memref<64x128xf32, #tpu.memory_space<vmem>>[vector<16xi32>, vector<16xi32>], vector<16xf32>,
      tpu.vector_store_idx %arg7[%add3A_1404, %broadcast_in_dim3A_1374], %gather3A_1410 : memref<64x512xf32, #tpu.memory_space<vmem>>[vector<16xi32>, vector<16xi32>], vector<16xf32>,
      %slice3A_1411 = vector.extract_strided_slice %get3A_1261 {offsets = [1], sizes = [1], strides = [1]} : vector<16xi32> to vector<1xi32>
      %squeeze3A_1412 = vector.extract %slice3A_1411[0] : i32 from vector<1xi32>
      %shift_right_logical3A_1413 = arith.constant 7 : i32
      %shift_right_logical3A_1414 = arith.shrui %squeeze3A_1412, %shift_right_logical3A_1413 : i32
      %shift_left3A_1415 = arith.constant 7 : i32
      %shift_left3A_1416 = arith.shli %shift_right_logical3A_1414, %shift_left3A_1415 : i32
      %multiple_of3A_1417 = tpu.assume_multiple %shift_left3A_1416, 128 : i32
      %dma_start3A_1418 = arith.constant 1 : i32
      %dma_start3A_1419 = arith.constant 0 : i32
      %dma_start3A_1420 = arith.constant 0 : i32
      %dma_start3A_1421 = tpu.memref_slice %arg6[%dma_start3A_1418, %dma_start3A_1419, %dma_start3A_1420] : memref<8x64x128xf32, #tpu.memory_space<vmem>> -> memref<1x64x128xf32, #tpu.memory_space<vmem>>
      %dma_start3A_1422 = tpu.memref_squeeze %dma_start3A_1421 : memref<1x64x128xf32, #tpu.memory_space<vmem>> -> memref<64x128xf32, #tpu.memory_space<vmem>>
      %dma_start3A_1423 = arith.constant 0 : i32
      %dma_start3A_1424 = tpu.memref_slice %arg3[%dma_start3A_1423, %multiple_of3A_1417] : memref<64x1000000xf32, #tpu.memory_space<hbm>> -> memref<64x128xf32, #tpu.memory_space<hbm>>
      %dma_start3A_1425 = arith.constant 0 : i32
      %dma_start3A_1426 = arith.constant 0 : i32
      %dma_start3A_1427 = tpu.memref_slice %arg6[%dma_start3A_1418, %dma_start3A_1425, %dma_start3A_1426] : memref<8x64x128xf32, #tpu.memory_space<vmem>> -> memref<1x64x128xf32, #tpu.memory_space<vmem>>
      %dma_start3A_1428 = tpu.memref_squeeze %dma_start3A_1427 : memref<1x64x128xf32, #tpu.memory_space<vmem>> -> memref<64x128xf32, #tpu.memory_space<vmem>>
      %dma_start3A_1429 = arith.constant 0 : i32
      %dma_start3A_1430 = tpu.memref_slice %arg3[%dma_start3A_1429, %multiple_of3A_1417] : memref<64x1000000xf32, #tpu.memory_space<hbm>> -> memref<64x128xf32, #tpu.memory_space<hbm>>
      tpu.enqueue_dma source(%dma_start3A_1430 : memref<64x128xf32, #tpu.memory_space<hbm>>) target(%dma_start3A_1428 : memref<64x128xf32, #tpu.memory_space<vmem>>) target_semaphore(%arg9 : memref<!tpu.dma_semaphore, #tpu.memory_space<semaphore_mem>>)
      %slice3A_1431 = vector.extract_strided_slice %scan3A_1257 {offsets = [10], sizes = [1], strides = [1]} : vector<16xi32> to vector<1xi32>
      %squeeze3A_1432 = vector.extract %slice3A_1431[0] : i32 from vector<1xi32>
      %sub3A_1433 = arith.constant 1 : i32
      %sub3A_1434 = arith.subi %scan3A_1256, %sub3A_1433 : i32
      %mul3A_1435 = arith.constant 16 : i32
      %mul3A_1436 = arith.muli %sub3A_1434, %mul3A_1435 : i32
      %add3A_1437 = arith.constant 8 : i32
      %add3A_1438 = arith.addi %mul3A_1436, %add3A_1437 : i32
      %add3A_1439 = arith.constant 2 : i32
      %add3A_1440 = arith.addi %add3A_1438, %add3A_1439 : i32
      %dma_wait3A_1441 = arith.constant 2 : i32
      %dma_wait3A_1442 = arith.constant 0 : i32
      %dma_wait3A_1443 = arith.constant 0 : i32
      %dma_wait3A_1444 = tpu.memref_slice %arg6[%dma_wait3A_1441, %dma_wait3A_1442, %dma_wait3A_1443] : memref<8x64x128xf32, #tpu.memory_space<vmem>> -> memref<1x64x128xf32, #tpu.memory_space<vmem>>
      %dma_wait3A_1445 = tpu.memref_squeeze %dma_wait3A_1444 : memref<1x64x128xf32, #tpu.memory_space<vmem>> -> memref<64x128xf32, #tpu.memory_space<vmem>>
      %dma_wait3A_1446 = arith.constant 0 : i32
      %dma_wait3A_1447 = arith.constant 0 : i32
      %dma_wait3A_1448 = tpu.memref_slice %arg3[%dma_wait3A_1446, %dma_wait3A_1447] : memref<64x1000000xf32, #tpu.memory_space<hbm>> -> memref<64x128xf32, #tpu.memory_space<hbm>>
      %dma_wait3A_1449 = arith.constant 0 : i32
      %dma_wait3A_1450 = arith.constant 0 : i32
      %dma_wait3A_1451 = tpu.memref_slice %arg6[%dma_wait3A_1441, %dma_wait3A_1449, %dma_wait3A_1450] : memref<8x64x128xf32, #tpu.memory_space<vmem>> -> memref<1x64x128xf32, #tpu.memory_space<vmem>>
      %dma_wait3A_1452 = tpu.memref_squeeze %dma_wait3A_1451 : memref<1x64x128xf32, #tpu.memory_space<vmem>> -> memref<64x128xf32, #tpu.memory_space<vmem>>
      %dma_wait3A_1453 = arith.constant 0 : i32
      %dma_wait3A_1454 = arith.constant 0 : i32
      %dma_wait3A_1455 = tpu.memref_slice %arg3[%dma_wait3A_1453, %dma_wait3A_1454] : memref<64x1000000xf32, #tpu.memory_space<hbm>> -> memref<64x128xf32, #tpu.memory_space<hbm>>
      tpu.wait_dma2 semaphore(%arg9 : memref<!tpu.dma_semaphore, #tpu.memory_space<semaphore_mem>>) src(%dma_wait3A_1455 : memref<64x128xf32, #tpu.memory_space<hbm>>) dst(%dma_wait3A_1452 : memref<64x128xf32, #tpu.memory_space<vmem>>)
      %and3A_1456 = arith.constant 127 : i32
      %and3A_1457 = arith.andi %squeeze3A_1432, %and3A_1456 : i32
      %broadcast_in_dim3A_1458 = vector.broadcast %and3A_1457 : i32 to vector<16xi32>
      %broadcast_in_dim3A_1459 = vector.broadcast %add3A_1440 : i32 to vector<16xi32>
      %add3A_1460 = arith.constant 0 : i32
      %add3A_1461 = vector.broadcast %add3A_1460 : i32 to vector<16xi32>
      %add3A_1462 = arith.addi %iota3A, %add3A_1461 : vector<16xi32>
      %gather3A_1463 = arith.constant 2 : i32
      %gather3A_1464 = arith.constant 0 : i32
      %gather3A_1465 = arith.constant 0 : i32
      %gather3A_1466 = tpu.memref_slice %arg6[%gather3A_1463, %gather3A_1464, %gather3A_1465] : memref<8x64x128xf32, #tpu.memory_space<vmem>> -> memref<1x64x128xf32, #tpu.memory_space<vmem>>
      %gather3A_1467 = tpu.memref_squeeze %gather3A_1466 : memref<1x64x128xf32, #tpu.memory_space<vmem>> -> memref<64x128xf32, #tpu.memory_space<vmem>>
      %gather3A_1468 = tpu.vector_load_idx %gather3A_1467[%add3A_1462, %broadcast_in_dim3A_1458] : memref<64x128xf32, #tpu.memory_space<vmem>>[vector<16xi32>, vector<16xi32>], vector<16xf32>,
      tpu.vector_store_idx %arg7[%add3A_1462, %broadcast_in_dim3A_1459], %gather3A_1468 : memref<64x512xf32, #tpu.memory_space<vmem>>[vector<16xi32>, vector<16xi32>], vector<16xf32>,
      %add3A_1469 = arith.constant 16 : i32
      %add3A_1470 = vector.broadcast %add3A_1469 : i32 to vector<16xi32>
      %add3A_1471 = arith.addi %iota3A, %add3A_1470 : vector<16xi32>
      %gather3A_1472 = arith.constant 2 : i32
      %gather3A_1473 = arith.constant 0 : i32
      %gather3A_1474 = arith.constant 0 : i32
      %gather3A_1475 = tpu.memref_slice %arg6[%gather3A_1472, %gather3A_1473, %gather3A_1474] : memref<8x64x128xf32, #tpu.memory_space<vmem>> -> memref<1x64x128xf32, #tpu.memory_space<vmem>>
      %gather3A_1476 = tpu.memref_squeeze %gather3A_1475 : memref<1x64x128xf32, #tpu.memory_space<vmem>> -> memref<64x128xf32, #tpu.memory_space<vmem>>
      %gather3A_1477 = tpu.vector_load_idx %gather3A_1476[%add3A_1471, %broadcast_in_dim3A_1458] : memref<64x128xf32, #tpu.memory_space<vmem>>[vector<16xi32>, vector<16xi32>], vector<16xf32>,
      tpu.vector_store_idx %arg7[%add3A_1471, %broadcast_in_dim3A_1459], %gather3A_1477 : memref<64x512xf32, #tpu.memory_space<vmem>>[vector<16xi32>, vector<16xi32>], vector<16xf32>,
      %add3A_1478 = arith.constant 32 : i32
      %add3A_1479 = vector.broadcast %add3A_1478 : i32 to vector<16xi32>
      %add3A_1480 = arith.addi %iota3A, %add3A_1479 : vector<16xi32>
      %gather3A_1481 = arith.constant 2 : i32
      %gather3A_1482 = arith.constant 0 : i32
      %gather3A_1483 = arith.constant 0 : i32
      %gather3A_1484 = tpu.memref_slice %arg6[%gather3A_1481, %gather3A_1482, %gather3A_1483] : memref<8x64x128xf32, #tpu.memory_space<vmem>> -> memref<1x64x128xf32, #tpu.memory_space<vmem>>
      %gather3A_1485 = tpu.memref_squeeze %gather3A_1484 : memref<1x64x128xf32, #tpu.memory_space<vmem>> -> memref<64x128xf32, #tpu.memory_space<vmem>>
      %gather3A_1486 = tpu.vector_load_idx %gather3A_1485[%add3A_1480, %broadcast_in_dim3A_1458] : memref<64x128xf32, #tpu.memory_space<vmem>>[vector<16xi32>, vector<16xi32>], vector<16xf32>,
      tpu.vector_store_idx %arg7[%add3A_1480, %broadcast_in_dim3A_1459], %gather3A_1486 : memref<64x512xf32, #tpu.memory_space<vmem>>[vector<16xi32>, vector<16xi32>], vector<16xf32>,
      %add3A_1487 = arith.constant 48 : i32
      %add3A_1488 = vector.broadcast %add3A_1487 : i32 to vector<16xi32>
      %add3A_1489 = arith.addi %iota3A, %add3A_1488 : vector<16xi32>
      %gather3A_1490 = arith.constant 2 : i32
      %gather3A_1491 = arith.constant 0 : i32
      %gather3A_1492 = arith.constant 0 : i32
      %gather3A_1493 = tpu.memref_slice %arg6[%gather3A_1490, %gather3A_1491, %gather3A_1492] : memref<8x64x128xf32, #tpu.memory_space<vmem>> -> memref<1x64x128xf32, #tpu.memory_space<vmem>>
      %gather3A_1494 = tpu.memref_squeeze %gather3A_1493 : memref<1x64x128xf32, #tpu.memory_space<vmem>> -> memref<64x128xf32, #tpu.memory_space<vmem>>
      %gather3A_1495 = tpu.vector_load_idx %gather3A_1494[%add3A_1489, %broadcast_in_dim3A_1458] : memref<64x128xf32, #tpu.memory_space<vmem>>[vector<16xi32>, vector<16xi32>], vector<16xf32>,
      tpu.vector_store_idx %arg7[%add3A_1489, %broadcast_in_dim3A_1459], %gather3A_1495 : memref<64x512xf32, #tpu.memory_space<vmem>>[vector<16xi32>, vector<16xi32>], vector<16xf32>,
      %slice3A_1496 = vector.extract_strided_slice %get3A_1261 {offsets = [2], sizes = [1], strides = [1]} : vector<16xi32> to vector<1xi32>
      %squeeze3A_1497 = vector.extract %slice3A_1496[0] : i32 from vector<1xi32>
      %shift_right_logical3A_1498 = arith.constant 7 : i32
      %shift_right_logical3A_1499 = arith.shrui %squeeze3A_1497, %shift_right_logical3A_1498 : i32
      %shift_left3A_1500 = arith.constant 7 : i32
      %shift_left3A_1501 = arith.shli %shift_right_logical3A_1499, %shift_left3A_1500 : i32
      %multiple_of3A_1502 = tpu.assume_multiple %shift_left3A_1501, 128 : i32
      %dma_start3A_1503 = arith.constant 2 : i32
      %dma_start3A_1504 = arith.constant 0 : i32
      %dma_start3A_1505 = arith.constant 0 : i32
      %dma_start3A_1506 = tpu.memref_slice %arg6[%dma_start3A_1503, %dma_start3A_1504, %dma_start3A_1505] : memref<8x64x128xf32, #tpu.memory_space<vmem>> -> memref<1x64x128xf32, #tpu.memory_space<vmem>>
      %dma_start3A_1507 = tpu.memref_squeeze %dma_start3A_1506 : memref<1x64x128xf32, #tpu.memory_space<vmem>> -> memref<64x128xf32, #tpu.memory_space<vmem>>
      %dma_start3A_1508 = arith.constant 0 : i32
      %dma_start3A_1509 = tpu.memref_slice %arg3[%dma_start3A_1508, %multiple_of3A_1502] : memref<64x1000000xf32, #tpu.memory_space<hbm>> -> memref<64x128xf32, #tpu.memory_space<hbm>>
      %dma_start3A_1510 = arith.constant 0 : i32
      %dma_start3A_1511 = arith.constant 0 : i32
      %dma_start3A_1512 = tpu.memref_slice %arg6[%dma_start3A_1503, %dma_start3A_1510, %dma_start3A_1511] : memref<8x64x128xf32, #tpu.memory_space<vmem>> -> memref<1x64x128xf32, #tpu.memory_space<vmem>>
      %dma_start3A_1513 = tpu.memref_squeeze %dma_start3A_1512 : memref<1x64x128xf32, #tpu.memory_space<vmem>> -> memref<64x128xf32, #tpu.memory_space<vmem>>
      %dma_start3A_1514 = arith.constant 0 : i32
      %dma_start3A_1515 = tpu.memref_slice %arg3[%dma_start3A_1514, %multiple_of3A_1502] : memref<64x1000000xf32, #tpu.memory_space<hbm>> -> memref<64x128xf32, #tpu.memory_space<hbm>>
      tpu.enqueue_dma source(%dma_start3A_1515 : memref<64x128xf32, #tpu.memory_space<hbm>>) target(%dma_start3A_1513 : memref<64x128xf32, #tpu.memory_space<vmem>>) target_semaphore(%arg9 : memref<!tpu.dma_semaphore, #tpu.memory_space<semaphore_mem>>)
      %slice3A_1516 = vector.extract_strided_slice %scan3A_1257 {offsets = [11], sizes = [1], strides = [1]} : vector<16xi32> to vector<1xi32>
      %squeeze3A_1517 = vector.extract %slice3A_1516[0] : i32 from vector<1xi32>
      %sub3A_1518 = arith.constant 1 : i32
      %sub3A_1519 = arith.subi %scan3A_1256, %sub3A_1518 : i32
      %mul3A_1520 = arith.constant 16 : i32
      %mul3A_1521 = arith.muli %sub3A_1519, %mul3A_1520 : i32
      %add3A_1522 = arith.constant 8 : i32
      %add3A_1523 = arith.addi %mul3A_1521, %add3A_1522 : i32
      %add3A_1524 = arith.constant 3 : i32
      %add3A_1525 = arith.addi %add3A_1523, %add3A_1524 : i32
      %dma_wait3A_1526 = arith.constant 3 : i32
      %dma_wait3A_1527 = arith.constant 0 : i32
      %dma_wait3A_1528 = arith.constant 0 : i32
      %dma_wait3A_1529 = tpu.memref_slice %arg6[%dma_wait3A_1526, %dma_wait3A_1527, %dma_wait3A_1528] : memref<8x64x128xf32, #tpu.memory_space<vmem>> -> memref<1x64x128xf32, #tpu.memory_space<vmem>>
      %dma_wait3A_1530 = tpu.memref_squeeze %dma_wait3A_1529 : memref<1x64x128xf32, #tpu.memory_space<vmem>> -> memref<64x128xf32, #tpu.memory_space<vmem>>
      %dma_wait3A_1531 = arith.constant 0 : i32
      %dma_wait3A_1532 = arith.constant 0 : i32
      %dma_wait3A_1533 = tpu.memref_slice %arg3[%dma_wait3A_1531, %dma_wait3A_1532] : memref<64x1000000xf32, #tpu.memory_space<hbm>> -> memref<64x128xf32, #tpu.memory_space<hbm>>
      %dma_wait3A_1534 = arith.constant 0 : i32
      %dma_wait3A_1535 = arith.constant 0 : i32
      %dma_wait3A_1536 = tpu.memref_slice %arg6[%dma_wait3A_1526, %dma_wait3A_1534, %dma_wait3A_1535] : memref<8x64x128xf32, #tpu.memory_space<vmem>> -> memref<1x64x128xf32, #tpu.memory_space<vmem>>
      %dma_wait3A_1537 = tpu.memref_squeeze %dma_wait3A_1536 : memref<1x64x128xf32, #tpu.memory_space<vmem>> -> memref<64x128xf32, #tpu.memory_space<vmem>>
      %dma_wait3A_1538 = arith.constant 0 : i32
      %dma_wait3A_1539 = arith.constant 0 : i32
      %dma_wait3A_1540 = tpu.memref_slice %arg3[%dma_wait3A_1538, %dma_wait3A_1539] : memref<64x1000000xf32, #tpu.memory_space<hbm>> -> memref<64x128xf32, #tpu.memory_space<hbm>>
      tpu.wait_dma2 semaphore(%arg9 : memref<!tpu.dma_semaphore, #tpu.memory_space<semaphore_mem>>) src(%dma_wait3A_1540 : memref<64x128xf32, #tpu.memory_space<hbm>>) dst(%dma_wait3A_1537 : memref<64x128xf32, #tpu.memory_space<vmem>>)
      %and3A_1541 = arith.constant 127 : i32
      %and3A_1542 = arith.andi %squeeze3A_1517, %and3A_1541 : i32
      %broadcast_in_dim3A_1543 = vector.broadcast %and3A_1542 : i32 to vector<16xi32>
      %broadcast_in_dim3A_1544 = vector.broadcast %add3A_1525 : i32 to vector<16xi32>
      %add3A_1545 = arith.constant 0 : i32
      %add3A_1546 = vector.broadcast %add3A_1545 : i32 to vector<16xi32>
      %add3A_1547 = arith.addi %iota3A, %add3A_1546 : vector<16xi32>
      %gather3A_1548 = arith.constant 3 : i32
      %gather3A_1549 = arith.constant 0 : i32
      %gather3A_1550 = arith.constant 0 : i32
      %gather3A_1551 = tpu.memref_slice %arg6[%gather3A_1548, %gather3A_1549, %gather3A_1550] : memref<8x64x128xf32, #tpu.memory_space<vmem>> -> memref<1x64x128xf32, #tpu.memory_space<vmem>>
      %gather3A_1552 = tpu.memref_squeeze %gather3A_1551 : memref<1x64x128xf32, #tpu.memory_space<vmem>> -> memref<64x128xf32, #tpu.memory_space<vmem>>
      %gather3A_1553 = tpu.vector_load_idx %gather3A_1552[%add3A_1547, %broadcast_in_dim3A_1543] : memref<64x128xf32, #tpu.memory_space<vmem>>[vector<16xi32>, vector<16xi32>], vector<16xf32>,
      tpu.vector_store_idx %arg7[%add3A_1547, %broadcast_in_dim3A_1544], %gather3A_1553 : memref<64x512xf32, #tpu.memory_space<vmem>>[vector<16xi32>, vector<16xi32>], vector<16xf32>,
      %add3A_1554 = arith.constant 16 : i32
      %add3A_1555 = vector.broadcast %add3A_1554 : i32 to vector<16xi32>
      %add3A_1556 = arith.addi %iota3A, %add3A_1555 : vector<16xi32>
      %gather3A_1557 = arith.constant 3 : i32
      %gather3A_1558 = arith.constant 0 : i32
      %gather3A_1559 = arith.constant 0 : i32
      %gather3A_1560 = tpu.memref_slice %arg6[%gather3A_1557, %gather3A_1558, %gather3A_1559] : memref<8x64x128xf32, #tpu.memory_space<vmem>> -> memref<1x64x128xf32, #tpu.memory_space<vmem>>
      %gather3A_1561 = tpu.memref_squeeze %gather3A_1560 : memref<1x64x128xf32, #tpu.memory_space<vmem>> -> memref<64x128xf32, #tpu.memory_space<vmem>>
      %gather3A_1562 = tpu.vector_load_idx %gather3A_1561[%add3A_1556, %broadcast_in_dim3A_1543] : memref<64x128xf32, #tpu.memory_space<vmem>>[vector<16xi32>, vector<16xi32>], vector<16xf32>,
      tpu.vector_store_idx %arg7[%add3A_1556, %broadcast_in_dim3A_1544], %gather3A_1562 : memref<64x512xf32, #tpu.memory_space<vmem>>[vector<16xi32>, vector<16xi32>], vector<16xf32>,
      %add3A_1563 = arith.constant 32 : i32
      %add3A_1564 = vector.broadcast %add3A_1563 : i32 to vector<16xi32>
      %add3A_1565 = arith.addi %iota3A, %add3A_1564 : vector<16xi32>
      %gather3A_1566 = arith.constant 3 : i32
      %gather3A_1567 = arith.constant 0 : i32
      %gather3A_1568 = arith.constant 0 : i32
      %gather3A_1569 = tpu.memref_slice %arg6[%gather3A_1566, %gather3A_1567, %gather3A_1568] : memref<8x64x128xf32, #tpu.memory_space<vmem>> -> memref<1x64x128xf32, #tpu.memory_space<vmem>>
      %gather3A_1570 = tpu.memref_squeeze %gather3A_1569 : memref<1x64x128xf32, #tpu.memory_space<vmem>> -> memref<64x128xf32, #tpu.memory_space<vmem>>
      %gather3A_1571 = tpu.vector_load_idx %gather3A_1570[%add3A_1565, %broadcast_in_dim3A_1543] : memref<64x128xf32, #tpu.memory_space<vmem>>[vector<16xi32>, vector<16xi32>], vector<16xf32>,
      tpu.vector_store_idx %arg7[%add3A_1565, %broadcast_in_dim3A_1544], %gather3A_1571 : memref<64x512xf32, #tpu.memory_space<vmem>>[vector<16xi32>, vector<16xi32>], vector<16xf32>,
      %add3A_1572 = arith.constant 48 : i32
      %add3A_1573 = vector.broadcast %add3A_1572 : i32 to vector<16xi32>
      %add3A_1574 = arith.addi %iota3A, %add3A_1573 : vector<16xi32>
      %gather3A_1575 = arith.constant 3 : i32
      %gather3A_1576 = arith.constant 0 : i32
      %gather3A_1577 = arith.constant 0 : i32
      %gather3A_1578 = tpu.memref_slice %arg6[%gather3A_1575, %gather3A_1576, %gather3A_1577] : memref<8x64x128xf32, #tpu.memory_space<vmem>> -> memref<1x64x128xf32, #tpu.memory_space<vmem>>
      %gather3A_1579 = tpu.memref_squeeze %gather3A_1578 : memref<1x64x128xf32, #tpu.memory_space<vmem>> -> memref<64x128xf32, #tpu.memory_space<vmem>>
      %gather3A_1580 = tpu.vector_load_idx %gather3A_1579[%add3A_1574, %broadcast_in_dim3A_1543] : memref<64x128xf32, #tpu.memory_space<vmem>>[vector<16xi32>, vector<16xi32>], vector<16xf32>,
      tpu.vector_store_idx %arg7[%add3A_1574, %broadcast_in_dim3A_1544], %gather3A_1580 : memref<64x512xf32, #tpu.memory_space<vmem>>[vector<16xi32>, vector<16xi32>], vector<16xf32>,
      %slice3A_1581 = vector.extract_strided_slice %get3A_1261 {offsets = [3], sizes = [1], strides = [1]} : vector<16xi32> to vector<1xi32>
      %squeeze3A_1582 = vector.extract %slice3A_1581[0] : i32 from vector<1xi32>
      %shift_right_logical3A_1583 = arith.constant 7 : i32
      %shift_right_logical3A_1584 = arith.shrui %squeeze3A_1582, %shift_right_logical3A_1583 : i32
      %shift_left3A_1585 = arith.constant 7 : i32
      %shift_left3A_1586 = arith.shli %shift_right_logical3A_1584, %shift_left3A_1585 : i32
      %multiple_of3A_1587 = tpu.assume_multiple %shift_left3A_1586, 128 : i32
      %dma_start3A_1588 = arith.constant 3 : i32
      %dma_start3A_1589 = arith.constant 0 : i32
      %dma_start3A_1590 = arith.constant 0 : i32
      %dma_start3A_1591 = tpu.memref_slice %arg6[%dma_start3A_1588, %dma_start3A_1589, %dma_start3A_1590] : memref<8x64x128xf32, #tpu.memory_space<vmem>> -> memref<1x64x128xf32, #tpu.memory_space<vmem>>
      %dma_start3A_1592 = tpu.memref_squeeze %dma_start3A_1591 : memref<1x64x128xf32, #tpu.memory_space<vmem>> -> memref<64x128xf32, #tpu.memory_space<vmem>>
      %dma_start3A_1593 = arith.constant 0 : i32
      %dma_start3A_1594 = tpu.memref_slice %arg3[%dma_start3A_1593, %multiple_of3A_1587] : memref<64x1000000xf32, #tpu.memory_space<hbm>> -> memref<64x128xf32, #tpu.memory_space<hbm>>
      %dma_start3A_1595 = arith.constant 0 : i32
      %dma_start3A_1596 = arith.constant 0 : i32
      %dma_start3A_1597 = tpu.memref_slice %arg6[%dma_start3A_1588, %dma_start3A_1595, %dma_start3A_1596] : memref<8x64x128xf32, #tpu.memory_space<vmem>> -> memref<1x64x128xf32, #tpu.memory_space<vmem>>
      %dma_start3A_1598 = tpu.memref_squeeze %dma_start3A_1597 : memref<1x64x128xf32, #tpu.memory_space<vmem>> -> memref<64x128xf32, #tpu.memory_space<vmem>>
      %dma_start3A_1599 = arith.constant 0 : i32
      %dma_start3A_1600 = tpu.memref_slice %arg3[%dma_start3A_1599, %multiple_of3A_1587] : memref<64x1000000xf32, #tpu.memory_space<hbm>> -> memref<64x128xf32, #tpu.memory_space<hbm>>
      tpu.enqueue_dma source(%dma_start3A_1600 : memref<64x128xf32, #tpu.memory_space<hbm>>) target(%dma_start3A_1598 : memref<64x128xf32, #tpu.memory_space<vmem>>) target_semaphore(%arg9 : memref<!tpu.dma_semaphore, #tpu.memory_space<semaphore_mem>>)
      %slice3A_1601 = vector.extract_strided_slice %scan3A_1257 {offsets = [12], sizes = [1], strides = [1]} : vector<16xi32> to vector<1xi32>
      %squeeze3A_1602 = vector.extract %slice3A_1601[0] : i32 from vector<1xi32>
      %sub3A_1603 = arith.constant 1 : i32
      %sub3A_1604 = arith.subi %scan3A_1256, %sub3A_1603 : i32
      %mul3A_1605 = arith.constant 16 : i32
      %mul3A_1606 = arith.muli %sub3A_1604, %mul3A_1605 : i32
      %add3A_1607 = arith.constant 8 : i32
      %add3A_1608 = arith.addi %mul3A_1606, %add3A_1607 : i32
      %add3A_1609 = arith.constant 4 : i32
      %add3A_1610 = arith.addi %add3A_1608, %add3A_1609 : i32
      %dma_wait3A_1611 = arith.constant 4 : i32
      %dma_wait3A_1612 = arith.constant 0 : i32
      %dma_wait3A_1613 = arith.constant 0 : i32
      %dma_wait3A_1614 = tpu.memref_slice %arg6[%dma_wait3A_1611, %dma_wait3A_1612, %dma_wait3A_1613] : memref<8x64x128xf32, #tpu.memory_space<vmem>> -> memref<1x64x128xf32, #tpu.memory_space<vmem>>
      %dma_wait3A_1615 = tpu.memref_squeeze %dma_wait3A_1614 : memref<1x64x128xf32, #tpu.memory_space<vmem>> -> memref<64x128xf32, #tpu.memory_space<vmem>>
      %dma_wait3A_1616 = arith.constant 0 : i32
      %dma_wait3A_1617 = arith.constant 0 : i32
      %dma_wait3A_1618 = tpu.memref_slice %arg3[%dma_wait3A_1616, %dma_wait3A_1617] : memref<64x1000000xf32, #tpu.memory_space<hbm>> -> memref<64x128xf32, #tpu.memory_space<hbm>>
      %dma_wait3A_1619 = arith.constant 0 : i32
      %dma_wait3A_1620 = arith.constant 0 : i32
      %dma_wait3A_1621 = tpu.memref_slice %arg6[%dma_wait3A_1611, %dma_wait3A_1619, %dma_wait3A_1620] : memref<8x64x128xf32, #tpu.memory_space<vmem>> -> memref<1x64x128xf32, #tpu.memory_space<vmem>>
      %dma_wait3A_1622 = tpu.memref_squeeze %dma_wait3A_1621 : memref<1x64x128xf32, #tpu.memory_space<vmem>> -> memref<64x128xf32, #tpu.memory_space<vmem>>
      %dma_wait3A_1623 = arith.constant 0 : i32
      %dma_wait3A_1624 = arith.constant 0 : i32
      %dma_wait3A_1625 = tpu.memref_slice %arg3[%dma_wait3A_1623, %dma_wait3A_1624] : memref<64x1000000xf32, #tpu.memory_space<hbm>> -> memref<64x128xf32, #tpu.memory_space<hbm>>
      tpu.wait_dma2 semaphore(%arg9 : memref<!tpu.dma_semaphore, #tpu.memory_space<semaphore_mem>>) src(%dma_wait3A_1625 : memref<64x128xf32, #tpu.memory_space<hbm>>) dst(%dma_wait3A_1622 : memref<64x128xf32, #tpu.memory_space<vmem>>)
      %and3A_1626 = arith.constant 127 : i32
      %and3A_1627 = arith.andi %squeeze3A_1602, %and3A_1626 : i32
      %broadcast_in_dim3A_1628 = vector.broadcast %and3A_1627 : i32 to vector<16xi32>
      %broadcast_in_dim3A_1629 = vector.broadcast %add3A_1610 : i32 to vector<16xi32>
      %add3A_1630 = arith.constant 0 : i32
      %add3A_1631 = vector.broadcast %add3A_1630 : i32 to vector<16xi32>
      %add3A_1632 = arith.addi %iota3A, %add3A_1631 : vector<16xi32>
      %gather3A_1633 = arith.constant 4 : i32
      %gather3A_1634 = arith.constant 0 : i32
      %gather3A_1635 = arith.constant 0 : i32
      %gather3A_1636 = tpu.memref_slice %arg6[%gather3A_1633, %gather3A_1634, %gather3A_1635] : memref<8x64x128xf32, #tpu.memory_space<vmem>> -> memref<1x64x128xf32, #tpu.memory_space<vmem>>
      %gather3A_1637 = tpu.memref_squeeze %gather3A_1636 : memref<1x64x128xf32, #tpu.memory_space<vmem>> -> memref<64x128xf32, #tpu.memory_space<vmem>>
      %gather3A_1638 = tpu.vector_load_idx %gather3A_1637[%add3A_1632, %broadcast_in_dim3A_1628] : memref<64x128xf32, #tpu.memory_space<vmem>>[vector<16xi32>, vector<16xi32>], vector<16xf32>,
      tpu.vector_store_idx %arg7[%add3A_1632, %broadcast_in_dim3A_1629], %gather3A_1638 : memref<64x512xf32, #tpu.memory_space<vmem>>[vector<16xi32>, vector<16xi32>], vector<16xf32>,
      %add3A_1639 = arith.constant 16 : i32
      %add3A_1640 = vector.broadcast %add3A_1639 : i32 to vector<16xi32>
      %add3A_1641 = arith.addi %iota3A, %add3A_1640 : vector<16xi32>
      %gather3A_1642 = arith.constant 4 : i32
      %gather3A_1643 = arith.constant 0 : i32
      %gather3A_1644 = arith.constant 0 : i32
      %gather3A_1645 = tpu.memref_slice %arg6[%gather3A_1642, %gather3A_1643, %gather3A_1644] : memref<8x64x128xf32, #tpu.memory_space<vmem>> -> memref<1x64x128xf32, #tpu.memory_space<vmem>>
      %gather3A_1646 = tpu.memref_squeeze %gather3A_1645 : memref<1x64x128xf32, #tpu.memory_space<vmem>> -> memref<64x128xf32, #tpu.memory_space<vmem>>
      %gather3A_1647 = tpu.vector_load_idx %gather3A_1646[%add3A_1641, %broadcast_in_dim3A_1628] : memref<64x128xf32, #tpu.memory_space<vmem>>[vector<16xi32>, vector<16xi32>], vector<16xf32>,
      tpu.vector_store_idx %arg7[%add3A_1641, %broadcast_in_dim3A_1629], %gather3A_1647 : memref<64x512xf32, #tpu.memory_space<vmem>>[vector<16xi32>, vector<16xi32>], vector<16xf32>,
      %add3A_1648 = arith.constant 32 : i32
      %add3A_1649 = vector.broadcast %add3A_1648 : i32 to vector<16xi32>
      %add3A_1650 = arith.addi %iota3A, %add3A_1649 : vector<16xi32>
      %gather3A_1651 = arith.constant 4 : i32
      %gather3A_1652 = arith.constant 0 : i32
      %gather3A_1653 = arith.constant 0 : i32
      %gather3A_1654 = tpu.memref_slice %arg6[%gather3A_1651, %gather3A_1652, %gather3A_1653] : memref<8x64x128xf32, #tpu.memory_space<vmem>> -> memref<1x64x128xf32, #tpu.memory_space<vmem>>
      %gather3A_1655 = tpu.memref_squeeze %gather3A_1654 : memref<1x64x128xf32, #tpu.memory_space<vmem>> -> memref<64x128xf32, #tpu.memory_space<vmem>>
      %gather3A_1656 = tpu.vector_load_idx %gather3A_1655[%add3A_1650, %broadcast_in_dim3A_1628] : memref<64x128xf32, #tpu.memory_space<vmem>>[vector<16xi32>, vector<16xi32>], vector<16xf32>,
      tpu.vector_store_idx %arg7[%add3A_1650, %broadcast_in_dim3A_1629], %gather3A_1656 : memref<64x512xf32, #tpu.memory_space<vmem>>[vector<16xi32>, vector<16xi32>], vector<16xf32>,
      %add3A_1657 = arith.constant 48 : i32
      %add3A_1658 = vector.broadcast %add3A_1657 : i32 to vector<16xi32>
      %add3A_1659 = arith.addi %iota3A, %add3A_1658 : vector<16xi32>
      %gather3A_1660 = arith.constant 4 : i32
      %gather3A_1661 = arith.constant 0 : i32
      %gather3A_1662 = arith.constant 0 : i32
      %gather3A_1663 = tpu.memref_slice %arg6[%gather3A_1660, %gather3A_1661, %gather3A_1662] : memref<8x64x128xf32, #tpu.memory_space<vmem>> -> memref<1x64x128xf32, #tpu.memory_space<vmem>>
      %gather3A_1664 = tpu.memref_squeeze %gather3A_1663 : memref<1x64x128xf32, #tpu.memory_space<vmem>> -> memref<64x128xf32, #tpu.memory_space<vmem>>
      %gather3A_1665 = tpu.vector_load_idx %gather3A_1664[%add3A_1659, %broadcast_in_dim3A_1628] : memref<64x128xf32, #tpu.memory_space<vmem>>[vector<16xi32>, vector<16xi32>], vector<16xf32>,
      tpu.vector_store_idx %arg7[%add3A_1659, %broadcast_in_dim3A_1629], %gather3A_1665 : memref<64x512xf32, #tpu.memory_space<vmem>>[vector<16xi32>, vector<16xi32>], vector<16xf32>,
      %slice3A_1666 = vector.extract_strided_slice %get3A_1261 {offsets = [4], sizes = [1], strides = [1]} : vector<16xi32> to vector<1xi32>
      %squeeze3A_1667 = vector.extract %slice3A_1666[0] : i32 from vector<1xi32>
      %shift_right_logical3A_1668 = arith.constant 7 : i32
      %shift_right_logical3A_1669 = arith.shrui %squeeze3A_1667, %shift_right_logical3A_1668 : i32
      %shift_left3A_1670 = arith.constant 7 : i32
      %shift_left3A_1671 = arith.shli %shift_right_logical3A_1669, %shift_left3A_1670 : i32
      %multiple_of3A_1672 = tpu.assume_multiple %shift_left3A_1671, 128 : i32
      %dma_start3A_1673 = arith.constant 4 : i32
      %dma_start3A_1674 = arith.constant 0 : i32
      %dma_start3A_1675 = arith.constant 0 : i32
      %dma_start3A_1676 = tpu.memref_slice %arg6[%dma_start3A_1673, %dma_start3A_1674, %dma_start3A_1675] : memref<8x64x128xf32, #tpu.memory_space<vmem>> -> memref<1x64x128xf32, #tpu.memory_space<vmem>>
      %dma_start3A_1677 = tpu.memref_squeeze %dma_start3A_1676 : memref<1x64x128xf32, #tpu.memory_space<vmem>> -> memref<64x128xf32, #tpu.memory_space<vmem>>
      %dma_start3A_1678 = arith.constant 0 : i32
      %dma_start3A_1679 = tpu.memref_slice %arg3[%dma_start3A_1678, %multiple_of3A_1672] : memref<64x1000000xf32, #tpu.memory_space<hbm>> -> memref<64x128xf32, #tpu.memory_space<hbm>>
      %dma_start3A_1680 = arith.constant 0 : i32
      %dma_start3A_1681 = arith.constant 0 : i32
      %dma_start3A_1682 = tpu.memref_slice %arg6[%dma_start3A_1673, %dma_start3A_1680, %dma_start3A_1681] : memref<8x64x128xf32, #tpu.memory_space<vmem>> -> memref<1x64x128xf32, #tpu.memory_space<vmem>>
      %dma_start3A_1683 = tpu.memref_squeeze %dma_start3A_1682 : memref<1x64x128xf32, #tpu.memory_space<vmem>> -> memref<64x128xf32, #tpu.memory_space<vmem>>
      %dma_start3A_1684 = arith.constant 0 : i32
      %dma_start3A_1685 = tpu.memref_slice %arg3[%dma_start3A_1684, %multiple_of3A_1672] : memref<64x1000000xf32, #tpu.memory_space<hbm>> -> memref<64x128xf32, #tpu.memory_space<hbm>>
      tpu.enqueue_dma source(%dma_start3A_1685 : memref<64x128xf32, #tpu.memory_space<hbm>>) target(%dma_start3A_1683 : memref<64x128xf32, #tpu.memory_space<vmem>>) target_semaphore(%arg9 : memref<!tpu.dma_semaphore, #tpu.memory_space<semaphore_mem>>)
      %slice3A_1686 = vector.extract_strided_slice %scan3A_1257 {offsets = [13], sizes = [1], strides = [1]} : vector<16xi32> to vector<1xi32>
      %squeeze3A_1687 = vector.extract %slice3A_1686[0] : i32 from vector<1xi32>
      %sub3A_1688 = arith.constant 1 : i32
      %sub3A_1689 = arith.subi %scan3A_1256, %sub3A_1688 : i32
      %mul3A_1690 = arith.constant 16 : i32
      %mul3A_1691 = arith.muli %sub3A_1689, %mul3A_1690 : i32
      %add3A_1692 = arith.constant 8 : i32
      %add3A_1693 = arith.addi %mul3A_1691, %add3A_1692 : i32
      %add3A_1694 = arith.constant 5 : i32
      %add3A_1695 = arith.addi %add3A_1693, %add3A_1694 : i32
      %dma_wait3A_1696 = arith.constant 5 : i32
      %dma_wait3A_1697 = arith.constant 0 : i32
      %dma_wait3A_1698 = arith.constant 0 : i32
      %dma_wait3A_1699 = tpu.memref_slice %arg6[%dma_wait3A_1696, %dma_wait3A_1697, %dma_wait3A_1698] : memref<8x64x128xf32, #tpu.memory_space<vmem>> -> memref<1x64x128xf32, #tpu.memory_space<vmem>>
      %dma_wait3A_1700 = tpu.memref_squeeze %dma_wait3A_1699 : memref<1x64x128xf32, #tpu.memory_space<vmem>> -> memref<64x128xf32, #tpu.memory_space<vmem>>
      %dma_wait3A_1701 = arith.constant 0 : i32
      %dma_wait3A_1702 = arith.constant 0 : i32
      %dma_wait3A_1703 = tpu.memref_slice %arg3[%dma_wait3A_1701, %dma_wait3A_1702] : memref<64x1000000xf32, #tpu.memory_space<hbm>> -> memref<64x128xf32, #tpu.memory_space<hbm>>
      %dma_wait3A_1704 = arith.constant 0 : i32
      %dma_wait3A_1705 = arith.constant 0 : i32
      %dma_wait3A_1706 = tpu.memref_slice %arg6[%dma_wait3A_1696, %dma_wait3A_1704, %dma_wait3A_1705] : memref<8x64x128xf32, #tpu.memory_space<vmem>> -> memref<1x64x128xf32, #tpu.memory_space<vmem>>
      %dma_wait3A_1707 = tpu.memref_squeeze %dma_wait3A_1706 : memref<1x64x128xf32, #tpu.memory_space<vmem>> -> memref<64x128xf32, #tpu.memory_space<vmem>>
      %dma_wait3A_1708 = arith.constant 0 : i32
      %dma_wait3A_1709 = arith.constant 0 : i32
      %dma_wait3A_1710 = tpu.memref_slice %arg3[%dma_wait3A_1708, %dma_wait3A_1709] : memref<64x1000000xf32, #tpu.memory_space<hbm>> -> memref<64x128xf32, #tpu.memory_space<hbm>>
      tpu.wait_dma2 semaphore(%arg9 : memref<!tpu.dma_semaphore, #tpu.memory_space<semaphore_mem>>) src(%dma_wait3A_1710 : memref<64x128xf32, #tpu.memory_space<hbm>>) dst(%dma_wait3A_1707 : memref<64x128xf32, #tpu.memory_space<vmem>>)
      %and3A_1711 = arith.constant 127 : i32
      %and3A_1712 = arith.andi %squeeze3A_1687, %and3A_1711 : i32
      %broadcast_in_dim3A_1713 = vector.broadcast %and3A_1712 : i32 to vector<16xi32>
      %broadcast_in_dim3A_1714 = vector.broadcast %add3A_1695 : i32 to vector<16xi32>
      %add3A_1715 = arith.constant 0 : i32
      %add3A_1716 = vector.broadcast %add3A_1715 : i32 to vector<16xi32>
      %add3A_1717 = arith.addi %iota3A, %add3A_1716 : vector<16xi32>
      %gather3A_1718 = arith.constant 5 : i32
      %gather3A_1719 = arith.constant 0 : i32
      %gather3A_1720 = arith.constant 0 : i32
      %gather3A_1721 = tpu.memref_slice %arg6[%gather3A_1718, %gather3A_1719, %gather3A_1720] : memref<8x64x128xf32, #tpu.memory_space<vmem>> -> memref<1x64x128xf32, #tpu.memory_space<vmem>>
      %gather3A_1722 = tpu.memref_squeeze %gather3A_1721 : memref<1x64x128xf32, #tpu.memory_space<vmem>> -> memref<64x128xf32, #tpu.memory_space<vmem>>
      %gather3A_1723 = tpu.vector_load_idx %gather3A_1722[%add3A_1717, %broadcast_in_dim3A_1713] : memref<64x128xf32, #tpu.memory_space<vmem>>[vector<16xi32>, vector<16xi32>], vector<16xf32>,
      tpu.vector_store_idx %arg7[%add3A_1717, %broadcast_in_dim3A_1714], %gather3A_1723 : memref<64x512xf32, #tpu.memory_space<vmem>>[vector<16xi32>, vector<16xi32>], vector<16xf32>,
      %add3A_1724 = arith.constant 16 : i32
      %add3A_1725 = vector.broadcast %add3A_1724 : i32 to vector<16xi32>
      %add3A_1726 = arith.addi %iota3A, %add3A_1725 : vector<16xi32>
      %gather3A_1727 = arith.constant 5 : i32
      %gather3A_1728 = arith.constant 0 : i32
      %gather3A_1729 = arith.constant 0 : i32
      %gather3A_1730 = tpu.memref_slice %arg6[%gather3A_1727, %gather3A_1728, %gather3A_1729] : memref<8x64x128xf32, #tpu.memory_space<vmem>> -> memref<1x64x128xf32, #tpu.memory_space<vmem>>
      %gather3A_1731 = tpu.memref_squeeze %gather3A_1730 : memref<1x64x128xf32, #tpu.memory_space<vmem>> -> memref<64x128xf32, #tpu.memory_space<vmem>>
      %gather3A_1732 = tpu.vector_load_idx %gather3A_1731[%add3A_1726, %broadcast_in_dim3A_1713] : memref<64x128xf32, #tpu.memory_space<vmem>>[vector<16xi32>, vector<16xi32>], vector<16xf32>,
      tpu.vector_store_idx %arg7[%add3A_1726, %broadcast_in_dim3A_1714], %gather3A_1732 : memref<64x512xf32, #tpu.memory_space<vmem>>[vector<16xi32>, vector<16xi32>], vector<16xf32>,
      %add3A_1733 = arith.constant 32 : i32
      %add3A_1734 = vector.broadcast %add3A_1733 : i32 to vector<16xi32>
      %add3A_1735 = arith.addi %iota3A, %add3A_1734 : vector<16xi32>
      %gather3A_1736 = arith.constant 5 : i32
      %gather3A_1737 = arith.constant 0 : i32
      %gather3A_1738 = arith.constant 0 : i32
      %gather3A_1739 = tpu.memref_slice %arg6[%gather3A_1736, %gather3A_1737, %gather3A_1738] : memref<8x64x128xf32, #tpu.memory_space<vmem>> -> memref<1x64x128xf32, #tpu.memory_space<vmem>>
      %gather3A_1740 = tpu.memref_squeeze %gather3A_1739 : memref<1x64x128xf32, #tpu.memory_space<vmem>> -> memref<64x128xf32, #tpu.memory_space<vmem>>
      %gather3A_1741 = tpu.vector_load_idx %gather3A_1740[%add3A_1735, %broadcast_in_dim3A_1713] : memref<64x128xf32, #tpu.memory_space<vmem>>[vector<16xi32>, vector<16xi32>], vector<16xf32>,
      tpu.vector_store_idx %arg7[%add3A_1735, %broadcast_in_dim3A_1714], %gather3A_1741 : memref<64x512xf32, #tpu.memory_space<vmem>>[vector<16xi32>, vector<16xi32>], vector<16xf32>,
      %add3A_1742 = arith.constant 48 : i32
      %add3A_1743 = vector.broadcast %add3A_1742 : i32 to vector<16xi32>
      %add3A_1744 = arith.addi %iota3A, %add3A_1743 : vector<16xi32>
      %gather3A_1745 = arith.constant 5 : i32
      %gather3A_1746 = arith.constant 0 : i32
      %gather3A_1747 = arith.constant 0 : i32
      %gather3A_1748 = tpu.memref_slice %arg6[%gather3A_1745, %gather3A_1746, %gather3A_1747] : memref<8x64x128xf32, #tpu.memory_space<vmem>> -> memref<1x64x128xf32, #tpu.memory_space<vmem>>
      %gather3A_1749 = tpu.memref_squeeze %gather3A_1748 : memref<1x64x128xf32, #tpu.memory_space<vmem>> -> memref<64x128xf32, #tpu.memory_space<vmem>>
      %gather3A_1750 = tpu.vector_load_idx %gather3A_1749[%add3A_1744, %broadcast_in_dim3A_1713] : memref<64x128xf32, #tpu.memory_space<vmem>>[vector<16xi32>, vector<16xi32>], vector<16xf32>,
      tpu.vector_store_idx %arg7[%add3A_1744, %broadcast_in_dim3A_1714], %gather3A_1750 : memref<64x512xf32, #tpu.memory_space<vmem>>[vector<16xi32>, vector<16xi32>], vector<16xf32>,
      %slice3A_1751 = vector.extract_strided_slice %get3A_1261 {offsets = [5], sizes = [1], strides = [1]} : vector<16xi32> to vector<1xi32>
      %squeeze3A_1752 = vector.extract %slice3A_1751[0] : i32 from vector<1xi32>
      %shift_right_logical3A_1753 = arith.constant 7 : i32
      %shift_right_logical3A_1754 = arith.shrui %squeeze3A_1752, %shift_right_logical3A_1753 : i32
      %shift_left3A_1755 = arith.constant 7 : i32
      %shift_left3A_1756 = arith.shli %shift_right_logical3A_1754, %shift_left3A_1755 : i32
      %multiple_of3A_1757 = tpu.assume_multiple %shift_left3A_1756, 128 : i32
      %dma_start3A_1758 = arith.constant 5 : i32
      %dma_start3A_1759 = arith.constant 0 : i32
      %dma_start3A_1760 = arith.constant 0 : i32
      %dma_start3A_1761 = tpu.memref_slice %arg6[%dma_start3A_1758, %dma_start3A_1759, %dma_start3A_1760] : memref<8x64x128xf32, #tpu.memory_space<vmem>> -> memref<1x64x128xf32, #tpu.memory_space<vmem>>
      %dma_start3A_1762 = tpu.memref_squeeze %dma_start3A_1761 : memref<1x64x128xf32, #tpu.memory_space<vmem>> -> memref<64x128xf32, #tpu.memory_space<vmem>>
      %dma_start3A_1763 = arith.constant 0 : i32
      %dma_start3A_1764 = tpu.memref_slice %arg3[%dma_start3A_1763, %multiple_of3A_1757] : memref<64x1000000xf32, #tpu.memory_space<hbm>> -> memref<64x128xf32, #tpu.memory_space<hbm>>
      %dma_start3A_1765 = arith.constant 0 : i32
      %dma_start3A_1766 = arith.constant 0 : i32
      %dma_start3A_1767 = tpu.memref_slice %arg6[%dma_start3A_1758, %dma_start3A_1765, %dma_start3A_1766] : memref<8x64x128xf32, #tpu.memory_space<vmem>> -> memref<1x64x128xf32, #tpu.memory_space<vmem>>
      %dma_start3A_1768 = tpu.memref_squeeze %dma_start3A_1767 : memref<1x64x128xf32, #tpu.memory_space<vmem>> -> memref<64x128xf32, #tpu.memory_space<vmem>>
      %dma_start3A_1769 = arith.constant 0 : i32
      %dma_start3A_1770 = tpu.memref_slice %arg3[%dma_start3A_1769, %multiple_of3A_1757] : memref<64x1000000xf32, #tpu.memory_space<hbm>> -> memref<64x128xf32, #tpu.memory_space<hbm>>
      tpu.enqueue_dma source(%dma_start3A_1770 : memref<64x128xf32, #tpu.memory_space<hbm>>) target(%dma_start3A_1768 : memref<64x128xf32, #tpu.memory_space<vmem>>) target_semaphore(%arg9 : memref<!tpu.dma_semaphore, #tpu.memory_space<semaphore_mem>>)
      %slice3A_1771 = vector.extract_strided_slice %scan3A_1257 {offsets = [14], sizes = [1], strides = [1]} : vector<16xi32> to vector<1xi32>
      %squeeze3A_1772 = vector.extract %slice3A_1771[0] : i32 from vector<1xi32>
      %sub3A_1773 = arith.constant 1 : i32
      %sub3A_1774 = arith.subi %scan3A_1256, %sub3A_1773 : i32
      %mul3A_1775 = arith.constant 16 : i32
      %mul3A_1776 = arith.muli %sub3A_1774, %mul3A_1775 : i32
      %add3A_1777 = arith.constant 8 : i32
      %add3A_1778 = arith.addi %mul3A_1776, %add3A_1777 : i32
      %add3A_1779 = arith.constant 6 : i32
      %add3A_1780 = arith.addi %add3A_1778, %add3A_1779 : i32
      %dma_wait3A_1781 = arith.constant 6 : i32
      %dma_wait3A_1782 = arith.constant 0 : i32
      %dma_wait3A_1783 = arith.constant 0 : i32
      %dma_wait3A_1784 = tpu.memref_slice %arg6[%dma_wait3A_1781, %dma_wait3A_1782, %dma_wait3A_1783] : memref<8x64x128xf32, #tpu.memory_space<vmem>> -> memref<1x64x128xf32, #tpu.memory_space<vmem>>
      %dma_wait3A_1785 = tpu.memref_squeeze %dma_wait3A_1784 : memref<1x64x128xf32, #tpu.memory_space<vmem>> -> memref<64x128xf32, #tpu.memory_space<vmem>>
      %dma_wait3A_1786 = arith.constant 0 : i32
      %dma_wait3A_1787 = arith.constant 0 : i32
      %dma_wait3A_1788 = tpu.memref_slice %arg3[%dma_wait3A_1786, %dma_wait3A_1787] : memref<64x1000000xf32, #tpu.memory_space<hbm>> -> memref<64x128xf32, #tpu.memory_space<hbm>>
      %dma_wait3A_1789 = arith.constant 0 : i32
      %dma_wait3A_1790 = arith.constant 0 : i32
      %dma_wait3A_1791 = tpu.memref_slice %arg6[%dma_wait3A_1781, %dma_wait3A_1789, %dma_wait3A_1790] : memref<8x64x128xf32, #tpu.memory_space<vmem>> -> memref<1x64x128xf32, #tpu.memory_space<vmem>>
      %dma_wait3A_1792 = tpu.memref_squeeze %dma_wait3A_1791 : memref<1x64x128xf32, #tpu.memory_space<vmem>> -> memref<64x128xf32, #tpu.memory_space<vmem>>
      %dma_wait3A_1793 = arith.constant 0 : i32
      %dma_wait3A_1794 = arith.constant 0 : i32
      %dma_wait3A_1795 = tpu.memref_slice %arg3[%dma_wait3A_1793, %dma_wait3A_1794] : memref<64x1000000xf32, #tpu.memory_space<hbm>> -> memref<64x128xf32, #tpu.memory_space<hbm>>
      tpu.wait_dma2 semaphore(%arg9 : memref<!tpu.dma_semaphore, #tpu.memory_space<semaphore_mem>>) src(%dma_wait3A_1795 : memref<64x128xf32, #tpu.memory_space<hbm>>) dst(%dma_wait3A_1792 : memref<64x128xf32, #tpu.memory_space<vmem>>)
      %and3A_1796 = arith.constant 127 : i32
      %and3A_1797 = arith.andi %squeeze3A_1772, %and3A_1796 : i32
      %broadcast_in_dim3A_1798 = vector.broadcast %and3A_1797 : i32 to vector<16xi32>
      %broadcast_in_dim3A_1799 = vector.broadcast %add3A_1780 : i32 to vector<16xi32>
      %add3A_1800 = arith.constant 0 : i32
      %add3A_1801 = vector.broadcast %add3A_1800 : i32 to vector<16xi32>
      %add3A_1802 = arith.addi %iota3A, %add3A_1801 : vector<16xi32>
      %gather3A_1803 = arith.constant 6 : i32
      %gather3A_1804 = arith.constant 0 : i32
      %gather3A_1805 = arith.constant 0 : i32
      %gather3A_1806 = tpu.memref_slice %arg6[%gather3A_1803, %gather3A_1804, %gather3A_1805] : memref<8x64x128xf32, #tpu.memory_space<vmem>> -> memref<1x64x128xf32, #tpu.memory_space<vmem>>
      %gather3A_1807 = tpu.memref_squeeze %gather3A_1806 : memref<1x64x128xf32, #tpu.memory_space<vmem>> -> memref<64x128xf32, #tpu.memory_space<vmem>>
      %gather3A_1808 = tpu.vector_load_idx %gather3A_1807[%add3A_1802, %broadcast_in_dim3A_1798] : memref<64x128xf32, #tpu.memory_space<vmem>>[vector<16xi32>, vector<16xi32>], vector<16xf32>,
      tpu.vector_store_idx %arg7[%add3A_1802, %broadcast_in_dim3A_1799], %gather3A_1808 : memref<64x512xf32, #tpu.memory_space<vmem>>[vector<16xi32>, vector<16xi32>], vector<16xf32>,
      %add3A_1809 = arith.constant 16 : i32
      %add3A_1810 = vector.broadcast %add3A_1809 : i32 to vector<16xi32>
      %add3A_1811 = arith.addi %iota3A, %add3A_1810 : vector<16xi32>
      %gather3A_1812 = arith.constant 6 : i32
      %gather3A_1813 = arith.constant 0 : i32
      %gather3A_1814 = arith.constant 0 : i32
      %gather3A_1815 = tpu.memref_slice %arg6[%gather3A_1812, %gather3A_1813, %gather3A_1814] : memref<8x64x128xf32, #tpu.memory_space<vmem>> -> memref<1x64x128xf32, #tpu.memory_space<vmem>>
      %gather3A_1816 = tpu.memref_squeeze %gather3A_1815 : memref<1x64x128xf32, #tpu.memory_space<vmem>> -> memref<64x128xf32, #tpu.memory_space<vmem>>
      %gather3A_1817 = tpu.vector_load_idx %gather3A_1816[%add3A_1811, %broadcast_in_dim3A_1798] : memref<64x128xf32, #tpu.memory_space<vmem>>[vector<16xi32>, vector<16xi32>], vector<16xf32>,
      tpu.vector_store_idx %arg7[%add3A_1811, %broadcast_in_dim3A_1799], %gather3A_1817 : memref<64x512xf32, #tpu.memory_space<vmem>>[vector<16xi32>, vector<16xi32>], vector<16xf32>,
      %add3A_1818 = arith.constant 32 : i32
      %add3A_1819 = vector.broadcast %add3A_1818 : i32 to vector<16xi32>
      %add3A_1820 = arith.addi %iota3A, %add3A_1819 : vector<16xi32>
      %gather3A_1821 = arith.constant 6 : i32
      %gather3A_1822 = arith.constant 0 : i32
      %gather3A_1823 = arith.constant 0 : i32
      %gather3A_1824 = tpu.memref_slice %arg6[%gather3A_1821, %gather3A_1822, %gather3A_1823] : memref<8x64x128xf32, #tpu.memory_space<vmem>> -> memref<1x64x128xf32, #tpu.memory_space<vmem>>
      %gather3A_1825 = tpu.memref_squeeze %gather3A_1824 : memref<1x64x128xf32, #tpu.memory_space<vmem>> -> memref<64x128xf32, #tpu.memory_space<vmem>>
      %gather3A_1826 = tpu.vector_load_idx %gather3A_1825[%add3A_1820, %broadcast_in_dim3A_1798] : memref<64x128xf32, #tpu.memory_space<vmem>>[vector<16xi32>, vector<16xi32>], vector<16xf32>,
      tpu.vector_store_idx %arg7[%add3A_1820, %broadcast_in_dim3A_1799], %gather3A_1826 : memref<64x512xf32, #tpu.memory_space<vmem>>[vector<16xi32>, vector<16xi32>], vector<16xf32>,
      %add3A_1827 = arith.constant 48 : i32
      %add3A_1828 = vector.broadcast %add3A_1827 : i32 to vector<16xi32>
      %add3A_1829 = arith.addi %iota3A, %add3A_1828 : vector<16xi32>
      %gather3A_1830 = arith.constant 6 : i32
      %gather3A_1831 = arith.constant 0 : i32
      %gather3A_1832 = arith.constant 0 : i32
      %gather3A_1833 = tpu.memref_slice %arg6[%gather3A_1830, %gather3A_1831, %gather3A_1832] : memref<8x64x128xf32, #tpu.memory_space<vmem>> -> memref<1x64x128xf32, #tpu.memory_space<vmem>>
      %gather3A_1834 = tpu.memref_squeeze %gather3A_1833 : memref<1x64x128xf32, #tpu.memory_space<vmem>> -> memref<64x128xf32, #tpu.memory_space<vmem>>
      %gather3A_1835 = tpu.vector_load_idx %gather3A_1834[%add3A_1829, %broadcast_in_dim3A_1798] : memref<64x128xf32, #tpu.memory_space<vmem>>[vector<16xi32>, vector<16xi32>], vector<16xf32>,
      tpu.vector_store_idx %arg7[%add3A_1829, %broadcast_in_dim3A_1799], %gather3A_1835 : memref<64x512xf32, #tpu.memory_space<vmem>>[vector<16xi32>, vector<16xi32>], vector<16xf32>,
      %slice3A_1836 = vector.extract_strided_slice %get3A_1261 {offsets = [6], sizes = [1], strides = [1]} : vector<16xi32> to vector<1xi32>
      %squeeze3A_1837 = vector.extract %slice3A_1836[0] : i32 from vector<1xi32>
      %shift_right_logical3A_1838 = arith.constant 7 : i32
      %shift_right_logical3A_1839 = arith.shrui %squeeze3A_1837, %shift_right_logical3A_1838 : i32
      %shift_left3A_1840 = arith.constant 7 : i32
      %shift_left3A_1841 = arith.shli %shift_right_logical3A_1839, %shift_left3A_1840 : i32
      %multiple_of3A_1842 = tpu.assume_multiple %shift_left3A_1841, 128 : i32
      %dma_start3A_1843 = arith.constant 6 : i32
      %dma_start3A_1844 = arith.constant 0 : i32
      %dma_start3A_1845 = arith.constant 0 : i32
      %dma_start3A_1846 = tpu.memref_slice %arg6[%dma_start3A_1843, %dma_start3A_1844, %dma_start3A_1845] : memref<8x64x128xf32, #tpu.memory_space<vmem>> -> memref<1x64x128xf32, #tpu.memory_space<vmem>>
      %dma_start3A_1847 = tpu.memref_squeeze %dma_start3A_1846 : memref<1x64x128xf32, #tpu.memory_space<vmem>> -> memref<64x128xf32, #tpu.memory_space<vmem>>
      %dma_start3A_1848 = arith.constant 0 : i32
      %dma_start3A_1849 = tpu.memref_slice %arg3[%dma_start3A_1848, %multiple_of3A_1842] : memref<64x1000000xf32, #tpu.memory_space<hbm>> -> memref<64x128xf32, #tpu.memory_space<hbm>>
      %dma_start3A_1850 = arith.constant 0 : i32
      %dma_start3A_1851 = arith.constant 0 : i32
      %dma_start3A_1852 = tpu.memref_slice %arg6[%dma_start3A_1843, %dma_start3A_1850, %dma_start3A_1851] : memref<8x64x128xf32, #tpu.memory_space<vmem>> -> memref<1x64x128xf32, #tpu.memory_space<vmem>>
      %dma_start3A_1853 = tpu.memref_squeeze %dma_start3A_1852 : memref<1x64x128xf32, #tpu.memory_space<vmem>> -> memref<64x128xf32, #tpu.memory_space<vmem>>
      %dma_start3A_1854 = arith.constant 0 : i32
      %dma_start3A_1855 = tpu.memref_slice %arg3[%dma_start3A_1854, %multiple_of3A_1842] : memref<64x1000000xf32, #tpu.memory_space<hbm>> -> memref<64x128xf32, #tpu.memory_space<hbm>>
      tpu.enqueue_dma source(%dma_start3A_1855 : memref<64x128xf32, #tpu.memory_space<hbm>>) target(%dma_start3A_1853 : memref<64x128xf32, #tpu.memory_space<vmem>>) target_semaphore(%arg9 : memref<!tpu.dma_semaphore, #tpu.memory_space<semaphore_mem>>)
      %slice3A_1856 = vector.extract_strided_slice %scan3A_1257 {offsets = [15], sizes = [1], strides = [1]} : vector<16xi32> to vector<1xi32>
      %squeeze3A_1857 = vector.extract %slice3A_1856[0] : i32 from vector<1xi32>
      %sub3A_1858 = arith.constant 1 : i32
      %sub3A_1859 = arith.subi %scan3A_1256, %sub3A_1858 : i32
      %mul3A_1860 = arith.constant 16 : i32
      %mul3A_1861 = arith.muli %sub3A_1859, %mul3A_1860 : i32
      %add3A_1862 = arith.constant 8 : i32
      %add3A_1863 = arith.addi %mul3A_1861, %add3A_1862 : i32
      %add3A_1864 = arith.constant 7 : i32
      %add3A_1865 = arith.addi %add3A_1863, %add3A_1864 : i32
      %dma_wait3A_1866 = arith.constant 7 : i32
      %dma_wait3A_1867 = arith.constant 0 : i32
      %dma_wait3A_1868 = arith.constant 0 : i32
      %dma_wait3A_1869 = tpu.memref_slice %arg6[%dma_wait3A_1866, %dma_wait3A_1867, %dma_wait3A_1868] : memref<8x64x128xf32, #tpu.memory_space<vmem>> -> memref<1x64x128xf32, #tpu.memory_space<vmem>>
      %dma_wait3A_1870 = tpu.memref_squeeze %dma_wait3A_1869 : memref<1x64x128xf32, #tpu.memory_space<vmem>> -> memref<64x128xf32, #tpu.memory_space<vmem>>
      %dma_wait3A_1871 = arith.constant 0 : i32
      %dma_wait3A_1872 = arith.constant 0 : i32
      %dma_wait3A_1873 = tpu.memref_slice %arg3[%dma_wait3A_1871, %dma_wait3A_1872] : memref<64x1000000xf32, #tpu.memory_space<hbm>> -> memref<64x128xf32, #tpu.memory_space<hbm>>
      %dma_wait3A_1874 = arith.constant 0 : i32
      %dma_wait3A_1875 = arith.constant 0 : i32
      %dma_wait3A_1876 = tpu.memref_slice %arg6[%dma_wait3A_1866, %dma_wait3A_1874, %dma_wait3A_1875] : memref<8x64x128xf32, #tpu.memory_space<vmem>> -> memref<1x64x128xf32, #tpu.memory_space<vmem>>
      %dma_wait3A_1877 = tpu.memref_squeeze %dma_wait3A_1876 : memref<1x64x128xf32, #tpu.memory_space<vmem>> -> memref<64x128xf32, #tpu.memory_space<vmem>>
      %dma_wait3A_1878 = arith.constant 0 : i32
      %dma_wait3A_1879 = arith.constant 0 : i32
      %dma_wait3A_1880 = tpu.memref_slice %arg3[%dma_wait3A_1878, %dma_wait3A_1879] : memref<64x1000000xf32, #tpu.memory_space<hbm>> -> memref<64x128xf32, #tpu.memory_space<hbm>>
      tpu.wait_dma2 semaphore(%arg9 : memref<!tpu.dma_semaphore, #tpu.memory_space<semaphore_mem>>) src(%dma_wait3A_1880 : memref<64x128xf32, #tpu.memory_space<hbm>>) dst(%dma_wait3A_1877 : memref<64x128xf32, #tpu.memory_space<vmem>>)
      %and3A_1881 = arith.constant 127 : i32
      %and3A_1882 = arith.andi %squeeze3A_1857, %and3A_1881 : i32
      %broadcast_in_dim3A_1883 = vector.broadcast %and3A_1882 : i32 to vector<16xi32>
      %broadcast_in_dim3A_1884 = vector.broadcast %add3A_1865 : i32 to vector<16xi32>
      %add3A_1885 = arith.constant 0 : i32
      %add3A_1886 = vector.broadcast %add3A_1885 : i32 to vector<16xi32>
      %add3A_1887 = arith.addi %iota3A, %add3A_1886 : vector<16xi32>
      %gather3A_1888 = arith.constant 7 : i32
      %gather3A_1889 = arith.constant 0 : i32
      %gather3A_1890 = arith.constant 0 : i32
      %gather3A_1891 = tpu.memref_slice %arg6[%gather3A_1888, %gather3A_1889, %gather3A_1890] : memref<8x64x128xf32, #tpu.memory_space<vmem>> -> memref<1x64x128xf32, #tpu.memory_space<vmem>>
      %gather3A_1892 = tpu.memref_squeeze %gather3A_1891 : memref<1x64x128xf32, #tpu.memory_space<vmem>> -> memref<64x128xf32, #tpu.memory_space<vmem>>
      %gather3A_1893 = tpu.vector_load_idx %gather3A_1892[%add3A_1887, %broadcast_in_dim3A_1883] : memref<64x128xf32, #tpu.memory_space<vmem>>[vector<16xi32>, vector<16xi32>], vector<16xf32>,
      tpu.vector_store_idx %arg7[%add3A_1887, %broadcast_in_dim3A_1884], %gather3A_1893 : memref<64x512xf32, #tpu.memory_space<vmem>>[vector<16xi32>, vector<16xi32>], vector<16xf32>,
      %add3A_1894 = arith.constant 16 : i32
      %add3A_1895 = vector.broadcast %add3A_1894 : i32 to vector<16xi32>
      %add3A_1896 = arith.addi %iota3A, %add3A_1895 : vector<16xi32>
      %gather3A_1897 = arith.constant 7 : i32
      %gather3A_1898 = arith.constant 0 : i32
      %gather3A_1899 = arith.constant 0 : i32
      %gather3A_1900 = tpu.memref_slice %arg6[%gather3A_1897, %gather3A_1898, %gather3A_1899] : memref<8x64x128xf32, #tpu.memory_space<vmem>> -> memref<1x64x128xf32, #tpu.memory_space<vmem>>
      %gather3A_1901 = tpu.memref_squeeze %gather3A_1900 : memref<1x64x128xf32, #tpu.memory_space<vmem>> -> memref<64x128xf32, #tpu.memory_space<vmem>>
      %gather3A_1902 = tpu.vector_load_idx %gather3A_1901[%add3A_1896, %broadcast_in_dim3A_1883] : memref<64x128xf32, #tpu.memory_space<vmem>>[vector<16xi32>, vector<16xi32>], vector<16xf32>,
      tpu.vector_store_idx %arg7[%add3A_1896, %broadcast_in_dim3A_1884], %gather3A_1902 : memref<64x512xf32, #tpu.memory_space<vmem>>[vector<16xi32>, vector<16xi32>], vector<16xf32>,
      %add3A_1903 = arith.constant 32 : i32
      %add3A_1904 = vector.broadcast %add3A_1903 : i32 to vector<16xi32>
      %add3A_1905 = arith.addi %iota3A, %add3A_1904 : vector<16xi32>
      %gather3A_1906 = arith.constant 7 : i32
      %gather3A_1907 = arith.constant 0 : i32
      %gather3A_1908 = arith.constant 0 : i32
      %gather3A_1909 = tpu.memref_slice %arg6[%gather3A_1906, %gather3A_1907, %gather3A_1908] : memref<8x64x128xf32, #tpu.memory_space<vmem>> -> memref<1x64x128xf32, #tpu.memory_space<vmem>>
      %gather3A_1910 = tpu.memref_squeeze %gather3A_1909 : memref<1x64x128xf32, #tpu.memory_space<vmem>> -> memref<64x128xf32, #tpu.memory_space<vmem>>
      %gather3A_1911 = tpu.vector_load_idx %gather3A_1910[%add3A_1905, %broadcast_in_dim3A_1883] : memref<64x128xf32, #tpu.memory_space<vmem>>[vector<16xi32>, vector<16xi32>], vector<16xf32>,
      tpu.vector_store_idx %arg7[%add3A_1905, %broadcast_in_dim3A_1884], %gather3A_1911 : memref<64x512xf32, #tpu.memory_space<vmem>>[vector<16xi32>, vector<16xi32>], vector<16xf32>,
      %add3A_1912 = arith.constant 48 : i32
      %add3A_1913 = vector.broadcast %add3A_1912 : i32 to vector<16xi32>
      %add3A_1914 = arith.addi %iota3A, %add3A_1913 : vector<16xi32>
      %gather3A_1915 = arith.constant 7 : i32
      %gather3A_1916 = arith.constant 0 : i32
      %gather3A_1917 = arith.constant 0 : i32
      %gather3A_1918 = tpu.memref_slice %arg6[%gather3A_1915, %gather3A_1916, %gather3A_1917] : memref<8x64x128xf32, #tpu.memory_space<vmem>> -> memref<1x64x128xf32, #tpu.memory_space<vmem>>
      %gather3A_1919 = tpu.memref_squeeze %gather3A_1918 : memref<1x64x128xf32, #tpu.memory_space<vmem>> -> memref<64x128xf32, #tpu.memory_space<vmem>>
      %gather3A_1920 = tpu.vector_load_idx %gather3A_1919[%add3A_1914, %broadcast_in_dim3A_1883] : memref<64x128xf32, #tpu.memory_space<vmem>>[vector<16xi32>, vector<16xi32>], vector<16xf32>,
      tpu.vector_store_idx %arg7[%add3A_1914, %broadcast_in_dim3A_1884], %gather3A_1920 : memref<64x512xf32, #tpu.memory_space<vmem>>[vector<16xi32>, vector<16xi32>], vector<16xf32>,
      %slice3A_1921 = vector.extract_strided_slice %get3A_1261 {offsets = [7], sizes = [1], strides = [1]} : vector<16xi32> to vector<1xi32>
      %squeeze3A_1922 = vector.extract %slice3A_1921[0] : i32 from vector<1xi32>
      %shift_right_logical3A_1923 = arith.constant 7 : i32
      %shift_right_logical3A_1924 = arith.shrui %squeeze3A_1922, %shift_right_logical3A_1923 : i32
      %shift_left3A_1925 = arith.constant 7 : i32
      %shift_left3A_1926 = arith.shli %shift_right_logical3A_1924, %shift_left3A_1925 : i32
      %multiple_of3A_1927 = tpu.assume_multiple %shift_left3A_1926, 128 : i32
      %dma_start3A_1928 = arith.constant 7 : i32
      %dma_start3A_1929 = arith.constant 0 : i32
      %dma_start3A_1930 = arith.constant 0 : i32
      %dma_start3A_1931 = tpu.memref_slice %arg6[%dma_start3A_1928, %dma_start3A_1929, %dma_start3A_1930] : memref<8x64x128xf32, #tpu.memory_space<vmem>> -> memref<1x64x128xf32, #tpu.memory_space<vmem>>
      %dma_start3A_1932 = tpu.memref_squeeze %dma_start3A_1931 : memref<1x64x128xf32, #tpu.memory_space<vmem>> -> memref<64x128xf32, #tpu.memory_space<vmem>>
      %dma_start3A_1933 = arith.constant 0 : i32
      %dma_start3A_1934 = tpu.memref_slice %arg3[%dma_start3A_1933, %multiple_of3A_1927] : memref<64x1000000xf32, #tpu.memory_space<hbm>> -> memref<64x128xf32, #tpu.memory_space<hbm>>
      %dma_start3A_1935 = arith.constant 0 : i32
      %dma_start3A_1936 = arith.constant 0 : i32
      %dma_start3A_1937 = tpu.memref_slice %arg6[%dma_start3A_1928, %dma_start3A_1935, %dma_start3A_1936] : memref<8x64x128xf32, #tpu.memory_space<vmem>> -> memref<1x64x128xf32, #tpu.memory_space<vmem>>
      %dma_start3A_1938 = tpu.memref_squeeze %dma_start3A_1937 : memref<1x64x128xf32, #tpu.memory_space<vmem>> -> memref<64x128xf32, #tpu.memory_space<vmem>>
      %dma_start3A_1939 = arith.constant 0 : i32
      %dma_start3A_1940 = tpu.memref_slice %arg3[%dma_start3A_1939, %multiple_of3A_1927] : memref<64x1000000xf32, #tpu.memory_space<hbm>> -> memref<64x128xf32, #tpu.memory_space<hbm>>
      tpu.enqueue_dma source(%dma_start3A_1940 : memref<64x128xf32, #tpu.memory_space<hbm>>) target(%dma_start3A_1938 : memref<64x128xf32, #tpu.memory_space<vmem>>) target_semaphore(%arg9 : memref<!tpu.dma_semaphore, #tpu.memory_space<semaphore_mem>>)
      %slice3A_1941 = vector.extract_strided_slice %get3A_1261 {offsets = [0], sizes = [1], strides = [1]} : vector<16xi32> to vector<1xi32>
      %squeeze3A_1942 = vector.extract %slice3A_1941[0] : i32 from vector<1xi32>
      %mul3A_1943 = arith.constant 16 : i32
      %mul3A_1944 = arith.muli %scan3A_1256, %mul3A_1943 : i32
      %add3A_1945 = arith.constant 0 : i32
      %add3A_1946 = arith.addi %mul3A_1944, %add3A_1945 : i32
      %dma_wait3A_1947 = arith.constant 0 : i32
      %dma_wait3A_1948 = arith.constant 0 : i32
      %dma_wait3A_1949 = arith.constant 0 : i32
      %dma_wait3A_1950 = tpu.memref_slice %arg6[%dma_wait3A_1947, %dma_wait3A_1948, %dma_wait3A_1949] : memref<8x64x128xf32, #tpu.memory_space<vmem>> -> memref<1x64x128xf32, #tpu.memory_space<vmem>>
      %dma_wait3A_1951 = tpu.memref_squeeze %dma_wait3A_1950 : memref<1x64x128xf32, #tpu.memory_space<vmem>> -> memref<64x128xf32, #tpu.memory_space<vmem>>
      %dma_wait3A_1952 = arith.constant 0 : i32
      %dma_wait3A_1953 = arith.constant 0 : i32
      %dma_wait3A_1954 = tpu.memref_slice %arg3[%dma_wait3A_1952, %dma_wait3A_1953] : memref<64x1000000xf32, #tpu.memory_space<hbm>> -> memref<64x128xf32, #tpu.memory_space<hbm>>
      %dma_wait3A_1955 = arith.constant 0 : i32
      %dma_wait3A_1956 = arith.constant 0 : i32
      %dma_wait3A_1957 = tpu.memref_slice %arg6[%dma_wait3A_1947, %dma_wait3A_1955, %dma_wait3A_1956] : memref<8x64x128xf32, #tpu.memory_space<vmem>> -> memref<1x64x128xf32, #tpu.memory_space<vmem>>
      %dma_wait3A_1958 = tpu.memref_squeeze %dma_wait3A_1957 : memref<1x64x128xf32, #tpu.memory_space<vmem>> -> memref<64x128xf32, #tpu.memory_space<vmem>>
      %dma_wait3A_1959 = arith.constant 0 : i32
      %dma_wait3A_1960 = arith.constant 0 : i32
      %dma_wait3A_1961 = tpu.memref_slice %arg3[%dma_wait3A_1959, %dma_wait3A_1960] : memref<64x1000000xf32, #tpu.memory_space<hbm>> -> memref<64x128xf32, #tpu.memory_space<hbm>>
      tpu.wait_dma2 semaphore(%arg9 : memref<!tpu.dma_semaphore, #tpu.memory_space<semaphore_mem>>) src(%dma_wait3A_1961 : memref<64x128xf32, #tpu.memory_space<hbm>>) dst(%dma_wait3A_1958 : memref<64x128xf32, #tpu.memory_space<vmem>>)
      %and3A_1962 = arith.constant 127 : i32
      %and3A_1963 = arith.andi %squeeze3A_1942, %and3A_1962 : i32
      %broadcast_in_dim3A_1964 = vector.broadcast %and3A_1963 : i32 to vector<16xi32>
      %broadcast_in_dim3A_1965 = vector.broadcast %add3A_1946 : i32 to vector<16xi32>
      %add3A_1966 = arith.constant 0 : i32
      %add3A_1967 = vector.broadcast %add3A_1966 : i32 to vector<16xi32>
      %add3A_1968 = arith.addi %iota3A, %add3A_1967 : vector<16xi32>
      %gather3A_1969 = arith.constant 0 : i32
      %gather3A_1970 = arith.constant 0 : i32
      %gather3A_1971 = arith.constant 0 : i32
      %gather3A_1972 = tpu.memref_slice %arg6[%gather3A_1969, %gather3A_1970, %gather3A_1971] : memref<8x64x128xf32, #tpu.memory_space<vmem>> -> memref<1x64x128xf32, #tpu.memory_space<vmem>>
      %gather3A_1973 = tpu.memref_squeeze %gather3A_1972 : memref<1x64x128xf32, #tpu.memory_space<vmem>> -> memref<64x128xf32, #tpu.memory_space<vmem>>
      %gather3A_1974 = tpu.vector_load_idx %gather3A_1973[%add3A_1968, %broadcast_in_dim3A_1964] : memref<64x128xf32, #tpu.memory_space<vmem>>[vector<16xi32>, vector<16xi32>], vector<16xf32>,
      tpu.vector_store_idx %arg7[%add3A_1968, %broadcast_in_dim3A_1965], %gather3A_1974 : memref<64x512xf32, #tpu.memory_space<vmem>>[vector<16xi32>, vector<16xi32>], vector<16xf32>,
      %add3A_1975 = arith.constant 16 : i32
      %add3A_1976 = vector.broadcast %add3A_1975 : i32 to vector<16xi32>
      %add3A_1977 = arith.addi %iota3A, %add3A_1976 : vector<16xi32>
      %gather3A_1978 = arith.constant 0 : i32
      %gather3A_1979 = arith.constant 0 : i32
      %gather3A_1980 = arith.constant 0 : i32
      %gather3A_1981 = tpu.memref_slice %arg6[%gather3A_1978, %gather3A_1979, %gather3A_1980] : memref<8x64x128xf32, #tpu.memory_space<vmem>> -> memref<1x64x128xf32, #tpu.memory_space<vmem>>
      %gather3A_1982 = tpu.memref_squeeze %gather3A_1981 : memref<1x64x128xf32, #tpu.memory_space<vmem>> -> memref<64x128xf32, #tpu.memory_space<vmem>>
      %gather3A_1983 = tpu.vector_load_idx %gather3A_1982[%add3A_1977, %broadcast_in_dim3A_1964] : memref<64x128xf32, #tpu.memory_space<vmem>>[vector<16xi32>, vector<16xi32>], vector<16xf32>,
      tpu.vector_store_idx %arg7[%add3A_1977, %broadcast_in_dim3A_1965], %gather3A_1983 : memref<64x512xf32, #tpu.memory_space<vmem>>[vector<16xi32>, vector<16xi32>], vector<16xf32>,
      %add3A_1984 = arith.constant 32 : i32
      %add3A_1985 = vector.broadcast %add3A_1984 : i32 to vector<16xi32>
      %add3A_1986 = arith.addi %iota3A, %add3A_1985 : vector<16xi32>
      %gather3A_1987 = arith.constant 0 : i32
      %gather3A_1988 = arith.constant 0 : i32
      %gather3A_1989 = arith.constant 0 : i32
      %gather3A_1990 = tpu.memref_slice %arg6[%gather3A_1987, %gather3A_1988, %gather3A_1989] : memref<8x64x128xf32, #tpu.memory_space<vmem>> -> memref<1x64x128xf32, #tpu.memory_space<vmem>>
      %gather3A_1991 = tpu.memref_squeeze %gather3A_1990 : memref<1x64x128xf32, #tpu.memory_space<vmem>> -> memref<64x128xf32, #tpu.memory_space<vmem>>
      %gather3A_1992 = tpu.vector_load_idx %gather3A_1991[%add3A_1986, %broadcast_in_dim3A_1964] : memref<64x128xf32, #tpu.memory_space<vmem>>[vector<16xi32>, vector<16xi32>], vector<16xf32>,
      tpu.vector_store_idx %arg7[%add3A_1986, %broadcast_in_dim3A_1965], %gather3A_1992 : memref<64x512xf32, #tpu.memory_space<vmem>>[vector<16xi32>, vector<16xi32>], vector<16xf32>,
      %add3A_1993 = arith.constant 48 : i32
      %add3A_1994 = vector.broadcast %add3A_1993 : i32 to vector<16xi32>
      %add3A_1995 = arith.addi %iota3A, %add3A_1994 : vector<16xi32>
      %gather3A_1996 = arith.constant 0 : i32
      %gather3A_1997 = arith.constant 0 : i32
      %gather3A_1998 = arith.constant 0 : i32
      %gather3A_1999 = tpu.memref_slice %arg6[%gather3A_1996, %gather3A_1997, %gather3A_1998] : memref<8x64x128xf32, #tpu.memory_space<vmem>> -> memref<1x64x128xf32, #tpu.memory_space<vmem>>
      %gather3A_2000 = tpu.memref_squeeze %gather3A_1999 : memref<1x64x128xf32, #tpu.memory_space<vmem>> -> memref<64x128xf32, #tpu.memory_space<vmem>>
      %gather3A_2001 = tpu.vector_load_idx %gather3A_2000[%add3A_1995, %broadcast_in_dim3A_1964] : memref<64x128xf32, #tpu.memory_space<vmem>>[vector<16xi32>, vector<16xi32>], vector<16xf32>,
      tpu.vector_store_idx %arg7[%add3A_1995, %broadcast_in_dim3A_1965], %gather3A_2001 : memref<64x512xf32, #tpu.memory_space<vmem>>[vector<16xi32>, vector<16xi32>], vector<16xf32>,
      %slice3A_2002 = vector.extract_strided_slice %get3A_1261 {offsets = [8], sizes = [1], strides = [1]} : vector<16xi32> to vector<1xi32>
      %squeeze3A_2003 = vector.extract %slice3A_2002[0] : i32 from vector<1xi32>
      %shift_right_logical3A_2004 = arith.constant 7 : i32
      %shift_right_logical3A_2005 = arith.shrui %squeeze3A_2003, %shift_right_logical3A_2004 : i32
      %shift_left3A_2006 = arith.constant 7 : i32
      %shift_left3A_2007 = arith.shli %shift_right_logical3A_2005, %shift_left3A_2006 : i32
      %multiple_of3A_2008 = tpu.assume_multiple %shift_left3A_2007, 128 : i32
      %dma_start3A_2009 = arith.constant 0 : i32
      %dma_start3A_2010 = arith.constant 0 : i32
      %dma_start3A_2011 = arith.constant 0 : i32
      %dma_start3A_2012 = tpu.memref_slice %arg6[%dma_start3A_2009, %dma_start3A_2010, %dma_start3A_2011] : memref<8x64x128xf32, #tpu.memory_space<vmem>> -> memref<1x64x128xf32, #tpu.memory_space<vmem>>
      %dma_start3A_2013 = tpu.memref_squeeze %dma_start3A_2012 : memref<1x64x128xf32, #tpu.memory_space<vmem>> -> memref<64x128xf32, #tpu.memory_space<vmem>>
      %dma_start3A_2014 = arith.constant 0 : i32
      %dma_start3A_2015 = tpu.memref_slice %arg3[%dma_start3A_2014, %multiple_of3A_2008] : memref<64x1000000xf32, #tpu.memory_space<hbm>> -> memref<64x128xf32, #tpu.memory_space<hbm>>
      %dma_start3A_2016 = arith.constant 0 : i32
      %dma_start3A_2017 = arith.constant 0 : i32
      %dma_start3A_2018 = tpu.memref_slice %arg6[%dma_start3A_2009, %dma_start3A_2016, %dma_start3A_2017] : memref<8x64x128xf32, #tpu.memory_space<vmem>> -> memref<1x64x128xf32, #tpu.memory_space<vmem>>
      %dma_start3A_2019 = tpu.memref_squeeze %dma_start3A_2018 : memref<1x64x128xf32, #tpu.memory_space<vmem>> -> memref<64x128xf32, #tpu.memory_space<vmem>>
      %dma_start3A_2020 = arith.constant 0 : i32
      %dma_start3A_2021 = tpu.memref_slice %arg3[%dma_start3A_2020, %multiple_of3A_2008] : memref<64x1000000xf32, #tpu.memory_space<hbm>> -> memref<64x128xf32, #tpu.memory_space<hbm>>
      tpu.enqueue_dma source(%dma_start3A_2021 : memref<64x128xf32, #tpu.memory_space<hbm>>) target(%dma_start3A_2019 : memref<64x128xf32, #tpu.memory_space<vmem>>) target_semaphore(%arg9 : memref<!tpu.dma_semaphore, #tpu.memory_space<semaphore_mem>>)
      %slice3A_2022 = vector.extract_strided_slice %get3A_1261 {offsets = [1], sizes = [1], strides = [1]} : vector<16xi32> to vector<1xi32>
      %squeeze3A_2023 = vector.extract %slice3A_2022[0] : i32 from vector<1xi32>
      %mul3A_2024 = arith.constant 16 : i32
      %mul3A_2025 = arith.muli %scan3A_1256, %mul3A_2024 : i32
      %add3A_2026 = arith.constant 1 : i32
      %add3A_2027 = arith.addi %mul3A_2025, %add3A_2026 : i32
      %dma_wait3A_2028 = arith.constant 1 : i32
      %dma_wait3A_2029 = arith.constant 0 : i32
      %dma_wait3A_2030 = arith.constant 0 : i32
      %dma_wait3A_2031 = tpu.memref_slice %arg6[%dma_wait3A_2028, %dma_wait3A_2029, %dma_wait3A_2030] : memref<8x64x128xf32, #tpu.memory_space<vmem>> -> memref<1x64x128xf32, #tpu.memory_space<vmem>>
      %dma_wait3A_2032 = tpu.memref_squeeze %dma_wait3A_2031 : memref<1x64x128xf32, #tpu.memory_space<vmem>> -> memref<64x128xf32, #tpu.memory_space<vmem>>
      %dma_wait3A_2033 = arith.constant 0 : i32
      %dma_wait3A_2034 = arith.constant 0 : i32
      %dma_wait3A_2035 = tpu.memref_slice %arg3[%dma_wait3A_2033, %dma_wait3A_2034] : memref<64x1000000xf32, #tpu.memory_space<hbm>> -> memref<64x128xf32, #tpu.memory_space<hbm>>
      %dma_wait3A_2036 = arith.constant 0 : i32
      %dma_wait3A_2037 = arith.constant 0 : i32
      %dma_wait3A_2038 = tpu.memref_slice %arg6[%dma_wait3A_2028, %dma_wait3A_2036, %dma_wait3A_2037] : memref<8x64x128xf32, #tpu.memory_space<vmem>> -> memref<1x64x128xf32, #tpu.memory_space<vmem>>
      %dma_wait3A_2039 = tpu.memref_squeeze %dma_wait3A_2038 : memref<1x64x128xf32, #tpu.memory_space<vmem>> -> memref<64x128xf32, #tpu.memory_space<vmem>>
      %dma_wait3A_2040 = arith.constant 0 : i32
      %dma_wait3A_2041 = arith.constant 0 : i32
      %dma_wait3A_2042 = tpu.memref_slice %arg3[%dma_wait3A_2040, %dma_wait3A_2041] : memref<64x1000000xf32, #tpu.memory_space<hbm>> -> memref<64x128xf32, #tpu.memory_space<hbm>>
      tpu.wait_dma2 semaphore(%arg9 : memref<!tpu.dma_semaphore, #tpu.memory_space<semaphore_mem>>) src(%dma_wait3A_2042 : memref<64x128xf32, #tpu.memory_space<hbm>>) dst(%dma_wait3A_2039 : memref<64x128xf32, #tpu.memory_space<vmem>>)
      %and3A_2043 = arith.constant 127 : i32
      %and3A_2044 = arith.andi %squeeze3A_2023, %and3A_2043 : i32
      %broadcast_in_dim3A_2045 = vector.broadcast %and3A_2044 : i32 to vector<16xi32>
      %broadcast_in_dim3A_2046 = vector.broadcast %add3A_2027 : i32 to vector<16xi32>
      %add3A_2047 = arith.constant 0 : i32
      %add3A_2048 = vector.broadcast %add3A_2047 : i32 to vector<16xi32>
      %add3A_2049 = arith.addi %iota3A, %add3A_2048 : vector<16xi32>
      %gather3A_2050 = arith.constant 1 : i32
      %gather3A_2051 = arith.constant 0 : i32
      %gather3A_2052 = arith.constant 0 : i32
      %gather3A_2053 = tpu.memref_slice %arg6[%gather3A_2050, %gather3A_2051, %gather3A_2052] : memref<8x64x128xf32, #tpu.memory_space<vmem>> -> memref<1x64x128xf32, #tpu.memory_space<vmem>>
      %gather3A_2054 = tpu.memref_squeeze %gather3A_2053 : memref<1x64x128xf32, #tpu.memory_space<vmem>> -> memref<64x128xf32, #tpu.memory_space<vmem>>
      %gather3A_2055 = tpu.vector_load_idx %gather3A_2054[%add3A_2049, %broadcast_in_dim3A_2045] : memref<64x128xf32, #tpu.memory_space<vmem>>[vector<16xi32>, vector<16xi32>], vector<16xf32>,
      tpu.vector_store_idx %arg7[%add3A_2049, %broadcast_in_dim3A_2046], %gather3A_2055 : memref<64x512xf32, #tpu.memory_space<vmem>>[vector<16xi32>, vector<16xi32>], vector<16xf32>,
      %add3A_2056 = arith.constant 16 : i32
      %add3A_2057 = vector.broadcast %add3A_2056 : i32 to vector<16xi32>
      %add3A_2058 = arith.addi %iota3A, %add3A_2057 : vector<16xi32>
      %gather3A_2059 = arith.constant 1 : i32
      %gather3A_2060 = arith.constant 0 : i32
      %gather3A_2061 = arith.constant 0 : i32
      %gather3A_2062 = tpu.memref_slice %arg6[%gather3A_2059, %gather3A_2060, %gather3A_2061] : memref<8x64x128xf32, #tpu.memory_space<vmem>> -> memref<1x64x128xf32, #tpu.memory_space<vmem>>
      %gather3A_2063 = tpu.memref_squeeze %gather3A_2062 : memref<1x64x128xf32, #tpu.memory_space<vmem>> -> memref<64x128xf32, #tpu.memory_space<vmem>>
      %gather3A_2064 = tpu.vector_load_idx %gather3A_2063[%add3A_2058, %broadcast_in_dim3A_2045] : memref<64x128xf32, #tpu.memory_space<vmem>>[vector<16xi32>, vector<16xi32>], vector<16xf32>,
      tpu.vector_store_idx %arg7[%add3A_2058, %broadcast_in_dim3A_2046], %gather3A_2064 : memref<64x512xf32, #tpu.memory_space<vmem>>[vector<16xi32>, vector<16xi32>], vector<16xf32>,
      %add3A_2065 = arith.constant 32 : i32
      %add3A_2066 = vector.broadcast %add3A_2065 : i32 to vector<16xi32>
      %add3A_2067 = arith.addi %iota3A, %add3A_2066 : vector<16xi32>
      %gather3A_2068 = arith.constant 1 : i32
      %gather3A_2069 = arith.constant 0 : i32
      %gather3A_2070 = arith.constant 0 : i32
      %gather3A_2071 = tpu.memref_slice %arg6[%gather3A_2068, %gather3A_2069, %gather3A_2070] : memref<8x64x128xf32, #tpu.memory_space<vmem>> -> memref<1x64x128xf32, #tpu.memory_space<vmem>>
      %gather3A_2072 = tpu.memref_squeeze %gather3A_2071 : memref<1x64x128xf32, #tpu.memory_space<vmem>> -> memref<64x128xf32, #tpu.memory_space<vmem>>
      %gather3A_2073 = tpu.vector_load_idx %gather3A_2072[%add3A_2067, %broadcast_in_dim3A_2045] : memref<64x128xf32, #tpu.memory_space<vmem>>[vector<16xi32>, vector<16xi32>], vector<16xf32>,
      tpu.vector_store_idx %arg7[%add3A_2067, %broadcast_in_dim3A_2046], %gather3A_2073 : memref<64x512xf32, #tpu.memory_space<vmem>>[vector<16xi32>, vector<16xi32>], vector<16xf32>,
      %add3A_2074 = arith.constant 48 : i32
      %add3A_2075 = vector.broadcast %add3A_2074 : i32 to vector<16xi32>
      %add3A_2076 = arith.addi %iota3A, %add3A_2075 : vector<16xi32>
      %gather3A_2077 = arith.constant 1 : i32
      %gather3A_2078 = arith.constant 0 : i32
      %gather3A_2079 = arith.constant 0 : i32
      %gather3A_2080 = tpu.memref_slice %arg6[%gather3A_2077, %gather3A_2078, %gather3A_2079] : memref<8x64x128xf32, #tpu.memory_space<vmem>> -> memref<1x64x128xf32, #tpu.memory_space<vmem>>
      %gather3A_2081 = tpu.memref_squeeze %gather3A_2080 : memref<1x64x128xf32, #tpu.memory_space<vmem>> -> memref<64x128xf32, #tpu.memory_space<vmem>>
      %gather3A_2082 = tpu.vector_load_idx %gather3A_2081[%add3A_2076, %broadcast_in_dim3A_2045] : memref<64x128xf32, #tpu.memory_space<vmem>>[vector<16xi32>, vector<16xi32>], vector<16xf32>,
      tpu.vector_store_idx %arg7[%add3A_2076, %broadcast_in_dim3A_2046], %gather3A_2082 : memref<64x512xf32, #tpu.memory_space<vmem>>[vector<16xi32>, vector<16xi32>], vector<16xf32>,
      %slice3A_2083 = vector.extract_strided_slice %get3A_1261 {offsets = [9], sizes = [1], strides = [1]} : vector<16xi32> to vector<1xi32>
      %squeeze3A_2084 = vector.extract %slice3A_2083[0] : i32 from vector<1xi32>
      %shift_right_logical3A_2085 = arith.constant 7 : i32
      %shift_right_logical3A_2086 = arith.shrui %squeeze3A_2084, %shift_right_logical3A_2085 : i32
      %shift_left3A_2087 = arith.constant 7 : i32
      %shift_left3A_2088 = arith.shli %shift_right_logical3A_2086, %shift_left3A_2087 : i32
      %multiple_of3A_2089 = tpu.assume_multiple %shift_left3A_2088, 128 : i32
      %dma_start3A_2090 = arith.constant 1 : i32
      %dma_start3A_2091 = arith.constant 0 : i32
      %dma_start3A_2092 = arith.constant 0 : i32
      %dma_start3A_2093 = tpu.memref_slice %arg6[%dma_start3A_2090, %dma_start3A_2091, %dma_start3A_2092] : memref<8x64x128xf32, #tpu.memory_space<vmem>> -> memref<1x64x128xf32, #tpu.memory_space<vmem>>
      %dma_start3A_2094 = tpu.memref_squeeze %dma_start3A_2093 : memref<1x64x128xf32, #tpu.memory_space<vmem>> -> memref<64x128xf32, #tpu.memory_space<vmem>>
      %dma_start3A_2095 = arith.constant 0 : i32
      %dma_start3A_2096 = tpu.memref_slice %arg3[%dma_start3A_2095, %multiple_of3A_2089] : memref<64x1000000xf32, #tpu.memory_space<hbm>> -> memref<64x128xf32, #tpu.memory_space<hbm>>
      %dma_start3A_2097 = arith.constant 0 : i32
      %dma_start3A_2098 = arith.constant 0 : i32
      %dma_start3A_2099 = tpu.memref_slice %arg6[%dma_start3A_2090, %dma_start3A_2097, %dma_start3A_2098] : memref<8x64x128xf32, #tpu.memory_space<vmem>> -> memref<1x64x128xf32, #tpu.memory_space<vmem>>
      %dma_start3A_2100 = tpu.memref_squeeze %dma_start3A_2099 : memref<1x64x128xf32, #tpu.memory_space<vmem>> -> memref<64x128xf32, #tpu.memory_space<vmem>>
      %dma_start3A_2101 = arith.constant 0 : i32
      %dma_start3A_2102 = tpu.memref_slice %arg3[%dma_start3A_2101, %multiple_of3A_2089] : memref<64x1000000xf32, #tpu.memory_space<hbm>> -> memref<64x128xf32, #tpu.memory_space<hbm>>
      tpu.enqueue_dma source(%dma_start3A_2102 : memref<64x128xf32, #tpu.memory_space<hbm>>) target(%dma_start3A_2100 : memref<64x128xf32, #tpu.memory_space<vmem>>) target_semaphore(%arg9 : memref<!tpu.dma_semaphore, #tpu.memory_space<semaphore_mem>>)
      %slice3A_2103 = vector.extract_strided_slice %get3A_1261 {offsets = [2], sizes = [1], strides = [1]} : vector<16xi32> to vector<1xi32>
      %squeeze3A_2104 = vector.extract %slice3A_2103[0] : i32 from vector<1xi32>
      %mul3A_2105 = arith.constant 16 : i32
      %mul3A_2106 = arith.muli %scan3A_1256, %mul3A_2105 : i32
      %add3A_2107 = arith.constant 2 : i32
      %add3A_2108 = arith.addi %mul3A_2106, %add3A_2107 : i32
      %dma_wait3A_2109 = arith.constant 2 : i32
      %dma_wait3A_2110 = arith.constant 0 : i32
      %dma_wait3A_2111 = arith.constant 0 : i32
      %dma_wait3A_2112 = tpu.memref_slice %arg6[%dma_wait3A_2109, %dma_wait3A_2110, %dma_wait3A_2111] : memref<8x64x128xf32, #tpu.memory_space<vmem>> -> memref<1x64x128xf32, #tpu.memory_space<vmem>>
      %dma_wait3A_2113 = tpu.memref_squeeze %dma_wait3A_2112 : memref<1x64x128xf32, #tpu.memory_space<vmem>> -> memref<64x128xf32, #tpu.memory_space<vmem>>
      %dma_wait3A_2114 = arith.constant 0 : i32
      %dma_wait3A_2115 = arith.constant 0 : i32
      %dma_wait3A_2116 = tpu.memref_slice %arg3[%dma_wait3A_2114, %dma_wait3A_2115] : memref<64x1000000xf32, #tpu.memory_space<hbm>> -> memref<64x128xf32, #tpu.memory_space<hbm>>
      %dma_wait3A_2117 = arith.constant 0 : i32
      %dma_wait3A_2118 = arith.constant 0 : i32
      %dma_wait3A_2119 = tpu.memref_slice %arg6[%dma_wait3A_2109, %dma_wait3A_2117, %dma_wait3A_2118] : memref<8x64x128xf32, #tpu.memory_space<vmem>> -> memref<1x64x128xf32, #tpu.memory_space<vmem>>
      %dma_wait3A_2120 = tpu.memref_squeeze %dma_wait3A_2119 : memref<1x64x128xf32, #tpu.memory_space<vmem>> -> memref<64x128xf32, #tpu.memory_space<vmem>>
      %dma_wait3A_2121 = arith.constant 0 : i32
      %dma_wait3A_2122 = arith.constant 0 : i32
      %dma_wait3A_2123 = tpu.memref_slice %arg3[%dma_wait3A_2121, %dma_wait3A_2122] : memref<64x1000000xf32, #tpu.memory_space<hbm>> -> memref<64x128xf32, #tpu.memory_space<hbm>>
      tpu.wait_dma2 semaphore(%arg9 : memref<!tpu.dma_semaphore, #tpu.memory_space<semaphore_mem>>) src(%dma_wait3A_2123 : memref<64x128xf32, #tpu.memory_space<hbm>>) dst(%dma_wait3A_2120 : memref<64x128xf32, #tpu.memory_space<vmem>>)
      %and3A_2124 = arith.constant 127 : i32
      %and3A_2125 = arith.andi %squeeze3A_2104, %and3A_2124 : i32
      %broadcast_in_dim3A_2126 = vector.broadcast %and3A_2125 : i32 to vector<16xi32>
      %broadcast_in_dim3A_2127 = vector.broadcast %add3A_2108 : i32 to vector<16xi32>
      %add3A_2128 = arith.constant 0 : i32
      %add3A_2129 = vector.broadcast %add3A_2128 : i32 to vector<16xi32>
      %add3A_2130 = arith.addi %iota3A, %add3A_2129 : vector<16xi32>
      %gather3A_2131 = arith.constant 2 : i32
      %gather3A_2132 = arith.constant 0 : i32
      %gather3A_2133 = arith.constant 0 : i32
      %gather3A_2134 = tpu.memref_slice %arg6[%gather3A_2131, %gather3A_2132, %gather3A_2133] : memref<8x64x128xf32, #tpu.memory_space<vmem>> -> memref<1x64x128xf32, #tpu.memory_space<vmem>>
      %gather3A_2135 = tpu.memref_squeeze %gather3A_2134 : memref<1x64x128xf32, #tpu.memory_space<vmem>> -> memref<64x128xf32, #tpu.memory_space<vmem>>
      %gather3A_2136 = tpu.vector_load_idx %gather3A_2135[%add3A_2130, %broadcast_in_dim3A_2126] : memref<64x128xf32, #tpu.memory_space<vmem>>[vector<16xi32>, vector<16xi32>], vector<16xf32>,
      tpu.vector_store_idx %arg7[%add3A_2130, %broadcast_in_dim3A_2127], %gather3A_2136 : memref<64x512xf32, #tpu.memory_space<vmem>>[vector<16xi32>, vector<16xi32>], vector<16xf32>,
      %add3A_2137 = arith.constant 16 : i32
      %add3A_2138 = vector.broadcast %add3A_2137 : i32 to vector<16xi32>
      %add3A_2139 = arith.addi %iota3A, %add3A_2138 : vector<16xi32>
      %gather3A_2140 = arith.constant 2 : i32
      %gather3A_2141 = arith.constant 0 : i32
      %gather3A_2142 = arith.constant 0 : i32
      %gather3A_2143 = tpu.memref_slice %arg6[%gather3A_2140, %gather3A_2141, %gather3A_2142] : memref<8x64x128xf32, #tpu.memory_space<vmem>> -> memref<1x64x128xf32, #tpu.memory_space<vmem>>
      %gather3A_2144 = tpu.memref_squeeze %gather3A_2143 : memref<1x64x128xf32, #tpu.memory_space<vmem>> -> memref<64x128xf32, #tpu.memory_space<vmem>>
      %gather3A_2145 = tpu.vector_load_idx %gather3A_2144[%add3A_2139, %broadcast_in_dim3A_2126] : memref<64x128xf32, #tpu.memory_space<vmem>>[vector<16xi32>, vector<16xi32>], vector<16xf32>,
      tpu.vector_store_idx %arg7[%add3A_2139, %broadcast_in_dim3A_2127], %gather3A_2145 : memref<64x512xf32, #tpu.memory_space<vmem>>[vector<16xi32>, vector<16xi32>], vector<16xf32>,
      %add3A_2146 = arith.constant 32 : i32
      %add3A_2147 = vector.broadcast %add3A_2146 : i32 to vector<16xi32>
      %add3A_2148 = arith.addi %iota3A, %add3A_2147 : vector<16xi32>
      %gather3A_2149 = arith.constant 2 : i32
      %gather3A_2150 = arith.constant 0 : i32
      %gather3A_2151 = arith.constant 0 : i32
      %gather3A_2152 = tpu.memref_slice %arg6[%gather3A_2149, %gather3A_2150, %gather3A_2151] : memref<8x64x128xf32, #tpu.memory_space<vmem>> -> memref<1x64x128xf32, #tpu.memory_space<vmem>>
      %gather3A_2153 = tpu.memref_squeeze %gather3A_2152 : memref<1x64x128xf32, #tpu.memory_space<vmem>> -> memref<64x128xf32, #tpu.memory_space<vmem>>
      %gather3A_2154 = tpu.vector_load_idx %gather3A_2153[%add3A_2148, %broadcast_in_dim3A_2126] : memref<64x128xf32, #tpu.memory_space<vmem>>[vector<16xi32>, vector<16xi32>], vector<16xf32>,
      tpu.vector_store_idx %arg7[%add3A_2148, %broadcast_in_dim3A_2127], %gather3A_2154 : memref<64x512xf32, #tpu.memory_space<vmem>>[vector<16xi32>, vector<16xi32>], vector<16xf32>,
      %add3A_2155 = arith.constant 48 : i32
      %add3A_2156 = vector.broadcast %add3A_2155 : i32 to vector<16xi32>
      %add3A_2157 = arith.addi %iota3A, %add3A_2156 : vector<16xi32>
      %gather3A_2158 = arith.constant 2 : i32
      %gather3A_2159 = arith.constant 0 : i32
      %gather3A_2160 = arith.constant 0 : i32
      %gather3A_2161 = tpu.memref_slice %arg6[%gather3A_2158, %gather3A_2159, %gather3A_2160] : memref<8x64x128xf32, #tpu.memory_space<vmem>> -> memref<1x64x128xf32, #tpu.memory_space<vmem>>
      %gather3A_2162 = tpu.memref_squeeze %gather3A_2161 : memref<1x64x128xf32, #tpu.memory_space<vmem>> -> memref<64x128xf32, #tpu.memory_space<vmem>>
      %gather3A_2163 = tpu.vector_load_idx %gather3A_2162[%add3A_2157, %broadcast_in_dim3A_2126] : memref<64x128xf32, #tpu.memory_space<vmem>>[vector<16xi32>, vector<16xi32>], vector<16xf32>,
      tpu.vector_store_idx %arg7[%add3A_2157, %broadcast_in_dim3A_2127], %gather3A_2163 : memref<64x512xf32, #tpu.memory_space<vmem>>[vector<16xi32>, vector<16xi32>], vector<16xf32>,
      %slice3A_2164 = vector.extract_strided_slice %get3A_1261 {offsets = [10], sizes = [1], strides = [1]} : vector<16xi32> to vector<1xi32>
      %squeeze3A_2165 = vector.extract %slice3A_2164[0] : i32 from vector<1xi32>
      %shift_right_logical3A_2166 = arith.constant 7 : i32
      %shift_right_logical3A_2167 = arith.shrui %squeeze3A_2165, %shift_right_logical3A_2166 : i32
      %shift_left3A_2168 = arith.constant 7 : i32
      %shift_left3A_2169 = arith.shli %shift_right_logical3A_2167, %shift_left3A_2168 : i32
      %multiple_of3A_2170 = tpu.assume_multiple %shift_left3A_2169, 128 : i32
      %dma_start3A_2171 = arith.constant 2 : i32
      %dma_start3A_2172 = arith.constant 0 : i32
      %dma_start3A_2173 = arith.constant 0 : i32
      %dma_start3A_2174 = tpu.memref_slice %arg6[%dma_start3A_2171, %dma_start3A_2172, %dma_start3A_2173] : memref<8x64x128xf32, #tpu.memory_space<vmem>> -> memref<1x64x128xf32, #tpu.memory_space<vmem>>
      %dma_start3A_2175 = tpu.memref_squeeze %dma_start3A_2174 : memref<1x64x128xf32, #tpu.memory_space<vmem>> -> memref<64x128xf32, #tpu.memory_space<vmem>>
      %dma_start3A_2176 = arith.constant 0 : i32
      %dma_start3A_2177 = tpu.memref_slice %arg3[%dma_start3A_2176, %multiple_of3A_2170] : memref<64x1000000xf32, #tpu.memory_space<hbm>> -> memref<64x128xf32, #tpu.memory_space<hbm>>
      %dma_start3A_2178 = arith.constant 0 : i32
      %dma_start3A_2179 = arith.constant 0 : i32
      %dma_start3A_2180 = tpu.memref_slice %arg6[%dma_start3A_2171, %dma_start3A_2178, %dma_start3A_2179] : memref<8x64x128xf32, #tpu.memory_space<vmem>> -> memref<1x64x128xf32, #tpu.memory_space<vmem>>
      %dma_start3A_2181 = tpu.memref_squeeze %dma_start3A_2180 : memref<1x64x128xf32, #tpu.memory_space<vmem>> -> memref<64x128xf32, #tpu.memory_space<vmem>>
      %dma_start3A_2182 = arith.constant 0 : i32
      %dma_start3A_2183 = tpu.memref_slice %arg3[%dma_start3A_2182, %multiple_of3A_2170] : memref<64x1000000xf32, #tpu.memory_space<hbm>> -> memref<64x128xf32, #tpu.memory_space<hbm>>
      tpu.enqueue_dma source(%dma_start3A_2183 : memref<64x128xf32, #tpu.memory_space<hbm>>) target(%dma_start3A_2181 : memref<64x128xf32, #tpu.memory_space<vmem>>) target_semaphore(%arg9 : memref<!tpu.dma_semaphore, #tpu.memory_space<semaphore_mem>>)
      %slice3A_2184 = vector.extract_strided_slice %get3A_1261 {offsets = [3], sizes = [1], strides = [1]} : vector<16xi32> to vector<1xi32>
      %squeeze3A_2185 = vector.extract %slice3A_2184[0] : i32 from vector<1xi32>
      %mul3A_2186 = arith.constant 16 : i32
      %mul3A_2187 = arith.muli %scan3A_1256, %mul3A_2186 : i32
      %add3A_2188 = arith.constant 3 : i32
      %add3A_2189 = arith.addi %mul3A_2187, %add3A_2188 : i32
      %dma_wait3A_2190 = arith.constant 3 : i32
      %dma_wait3A_2191 = arith.constant 0 : i32
      %dma_wait3A_2192 = arith.constant 0 : i32
      %dma_wait3A_2193 = tpu.memref_slice %arg6[%dma_wait3A_2190, %dma_wait3A_2191, %dma_wait3A_2192] : memref<8x64x128xf32, #tpu.memory_space<vmem>> -> memref<1x64x128xf32, #tpu.memory_space<vmem>>
      %dma_wait3A_2194 = tpu.memref_squeeze %dma_wait3A_2193 : memref<1x64x128xf32, #tpu.memory_space<vmem>> -> memref<64x128xf32, #tpu.memory_space<vmem>>
      %dma_wait3A_2195 = arith.constant 0 : i32
      %dma_wait3A_2196 = arith.constant 0 : i32
      %dma_wait3A_2197 = tpu.memref_slice %arg3[%dma_wait3A_2195, %dma_wait3A_2196] : memref<64x1000000xf32, #tpu.memory_space<hbm>> -> memref<64x128xf32, #tpu.memory_space<hbm>>
      %dma_wait3A_2198 = arith.constant 0 : i32
      %dma_wait3A_2199 = arith.constant 0 : i32
      %dma_wait3A_2200 = tpu.memref_slice %arg6[%dma_wait3A_2190, %dma_wait3A_2198, %dma_wait3A_2199] : memref<8x64x128xf32, #tpu.memory_space<vmem>> -> memref<1x64x128xf32, #tpu.memory_space<vmem>>
      %dma_wait3A_2201 = tpu.memref_squeeze %dma_wait3A_2200 : memref<1x64x128xf32, #tpu.memory_space<vmem>> -> memref<64x128xf32, #tpu.memory_space<vmem>>
      %dma_wait3A_2202 = arith.constant 0 : i32
      %dma_wait3A_2203 = arith.constant 0 : i32
      %dma_wait3A_2204 = tpu.memref_slice %arg3[%dma_wait3A_2202, %dma_wait3A_2203] : memref<64x1000000xf32, #tpu.memory_space<hbm>> -> memref<64x128xf32, #tpu.memory_space<hbm>>
      tpu.wait_dma2 semaphore(%arg9 : memref<!tpu.dma_semaphore, #tpu.memory_space<semaphore_mem>>) src(%dma_wait3A_2204 : memref<64x128xf32, #tpu.memory_space<hbm>>) dst(%dma_wait3A_2201 : memref<64x128xf32, #tpu.memory_space<vmem>>)
      %and3A_2205 = arith.constant 127 : i32
      %and3A_2206 = arith.andi %squeeze3A_2185, %and3A_2205 : i32
      %broadcast_in_dim3A_2207 = vector.broadcast %and3A_2206 : i32 to vector<16xi32>
      %broadcast_in_dim3A_2208 = vector.broadcast %add3A_2189 : i32 to vector<16xi32>
      %add3A_2209 = arith.constant 0 : i32
      %add3A_2210 = vector.broadcast %add3A_2209 : i32 to vector<16xi32>
      %add3A_2211 = arith.addi %iota3A, %add3A_2210 : vector<16xi32>
      %gather3A_2212 = arith.constant 3 : i32
      %gather3A_2213 = arith.constant 0 : i32
      %gather3A_2214 = arith.constant 0 : i32
      %gather3A_2215 = tpu.memref_slice %arg6[%gather3A_2212, %gather3A_2213, %gather3A_2214] : memref<8x64x128xf32, #tpu.memory_space<vmem>> -> memref<1x64x128xf32, #tpu.memory_space<vmem>>
      %gather3A_2216 = tpu.memref_squeeze %gather3A_2215 : memref<1x64x128xf32, #tpu.memory_space<vmem>> -> memref<64x128xf32, #tpu.memory_space<vmem>>
      %gather3A_2217 = tpu.vector_load_idx %gather3A_2216[%add3A_2211, %broadcast_in_dim3A_2207] : memref<64x128xf32, #tpu.memory_space<vmem>>[vector<16xi32>, vector<16xi32>], vector<16xf32>,
      tpu.vector_store_idx %arg7[%add3A_2211, %broadcast_in_dim3A_2208], %gather3A_2217 : memref<64x512xf32, #tpu.memory_space<vmem>>[vector<16xi32>, vector<16xi32>], vector<16xf32>,
      %add3A_2218 = arith.constant 16 : i32
      %add3A_2219 = vector.broadcast %add3A_2218 : i32 to vector<16xi32>
      %add3A_2220 = arith.addi %iota3A, %add3A_2219 : vector<16xi32>
      %gather3A_2221 = arith.constant 3 : i32
      %gather3A_2222 = arith.constant 0 : i32
      %gather3A_2223 = arith.constant 0 : i32
      %gather3A_2224 = tpu.memref_slice %arg6[%gather3A_2221, %gather3A_2222, %gather3A_2223] : memref<8x64x128xf32, #tpu.memory_space<vmem>> -> memref<1x64x128xf32, #tpu.memory_space<vmem>>
      %gather3A_2225 = tpu.memref_squeeze %gather3A_2224 : memref<1x64x128xf32, #tpu.memory_space<vmem>> -> memref<64x128xf32, #tpu.memory_space<vmem>>
      %gather3A_2226 = tpu.vector_load_idx %gather3A_2225[%add3A_2220, %broadcast_in_dim3A_2207] : memref<64x128xf32, #tpu.memory_space<vmem>>[vector<16xi32>, vector<16xi32>], vector<16xf32>,
      tpu.vector_store_idx %arg7[%add3A_2220, %broadcast_in_dim3A_2208], %gather3A_2226 : memref<64x512xf32, #tpu.memory_space<vmem>>[vector<16xi32>, vector<16xi32>], vector<16xf32>,
      %add3A_2227 = arith.constant 32 : i32
      %add3A_2228 = vector.broadcast %add3A_2227 : i32 to vector<16xi32>
      %add3A_2229 = arith.addi %iota3A, %add3A_2228 : vector<16xi32>
      %gather3A_2230 = arith.constant 3 : i32
      %gather3A_2231 = arith.constant 0 : i32
      %gather3A_2232 = arith.constant 0 : i32
      %gather3A_2233 = tpu.memref_slice %arg6[%gather3A_2230, %gather3A_2231, %gather3A_2232] : memref<8x64x128xf32, #tpu.memory_space<vmem>> -> memref<1x64x128xf32, #tpu.memory_space<vmem>>
      %gather3A_2234 = tpu.memref_squeeze %gather3A_2233 : memref<1x64x128xf32, #tpu.memory_space<vmem>> -> memref<64x128xf32, #tpu.memory_space<vmem>>
      %gather3A_2235 = tpu.vector_load_idx %gather3A_2234[%add3A_2229, %broadcast_in_dim3A_2207] : memref<64x128xf32, #tpu.memory_space<vmem>>[vector<16xi32>, vector<16xi32>], vector<16xf32>,
      tpu.vector_store_idx %arg7[%add3A_2229, %broadcast_in_dim3A_2208], %gather3A_2235 : memref<64x512xf32, #tpu.memory_space<vmem>>[vector<16xi32>, vector<16xi32>], vector<16xf32>,
      %add3A_2236 = arith.constant 48 : i32
      %add3A_2237 = vector.broadcast %add3A_2236 : i32 to vector<16xi32>
      %add3A_2238 = arith.addi %iota3A, %add3A_2237 : vector<16xi32>
      %gather3A_2239 = arith.constant 3 : i32
      %gather3A_2240 = arith.constant 0 : i32
      %gather3A_2241 = arith.constant 0 : i32
      %gather3A_2242 = tpu.memref_slice %arg6[%gather3A_2239, %gather3A_2240, %gather3A_2241] : memref<8x64x128xf32, #tpu.memory_space<vmem>> -> memref<1x64x128xf32, #tpu.memory_space<vmem>>
      %gather3A_2243 = tpu.memref_squeeze %gather3A_2242 : memref<1x64x128xf32, #tpu.memory_space<vmem>> -> memref<64x128xf32, #tpu.memory_space<vmem>>
      %gather3A_2244 = tpu.vector_load_idx %gather3A_2243[%add3A_2238, %broadcast_in_dim3A_2207] : memref<64x128xf32, #tpu.memory_space<vmem>>[vector<16xi32>, vector<16xi32>], vector<16xf32>,
      tpu.vector_store_idx %arg7[%add3A_2238, %broadcast_in_dim3A_2208], %gather3A_2244 : memref<64x512xf32, #tpu.memory_space<vmem>>[vector<16xi32>, vector<16xi32>], vector<16xf32>,
      %slice3A_2245 = vector.extract_strided_slice %get3A_1261 {offsets = [11], sizes = [1], strides = [1]} : vector<16xi32> to vector<1xi32>
      %squeeze3A_2246 = vector.extract %slice3A_2245[0] : i32 from vector<1xi32>
      %shift_right_logical3A_2247 = arith.constant 7 : i32
      %shift_right_logical3A_2248 = arith.shrui %squeeze3A_2246, %shift_right_logical3A_2247 : i32
      %shift_left3A_2249 = arith.constant 7 : i32
      %shift_left3A_2250 = arith.shli %shift_right_logical3A_2248, %shift_left3A_2249 : i32
      %multiple_of3A_2251 = tpu.assume_multiple %shift_left3A_2250, 128 : i32
      %dma_start3A_2252 = arith.constant 3 : i32
      %dma_start3A_2253 = arith.constant 0 : i32
      %dma_start3A_2254 = arith.constant 0 : i32
      %dma_start3A_2255 = tpu.memref_slice %arg6[%dma_start3A_2252, %dma_start3A_2253, %dma_start3A_2254] : memref<8x64x128xf32, #tpu.memory_space<vmem>> -> memref<1x64x128xf32, #tpu.memory_space<vmem>>
      %dma_start3A_2256 = tpu.memref_squeeze %dma_start3A_2255 : memref<1x64x128xf32, #tpu.memory_space<vmem>> -> memref<64x128xf32, #tpu.memory_space<vmem>>
      %dma_start3A_2257 = arith.constant 0 : i32
      %dma_start3A_2258 = tpu.memref_slice %arg3[%dma_start3A_2257, %multiple_of3A_2251] : memref<64x1000000xf32, #tpu.memory_space<hbm>> -> memref<64x128xf32, #tpu.memory_space<hbm>>
      %dma_start3A_2259 = arith.constant 0 : i32
      %dma_start3A_2260 = arith.constant 0 : i32
      %dma_start3A_2261 = tpu.memref_slice %arg6[%dma_start3A_2252, %dma_start3A_2259, %dma_start3A_2260] : memref<8x64x128xf32, #tpu.memory_space<vmem>> -> memref<1x64x128xf32, #tpu.memory_space<vmem>>
      %dma_start3A_2262 = tpu.memref_squeeze %dma_start3A_2261 : memref<1x64x128xf32, #tpu.memory_space<vmem>> -> memref<64x128xf32, #tpu.memory_space<vmem>>
      %dma_start3A_2263 = arith.constant 0 : i32
      %dma_start3A_2264 = tpu.memref_slice %arg3[%dma_start3A_2263, %multiple_of3A_2251] : memref<64x1000000xf32, #tpu.memory_space<hbm>> -> memref<64x128xf32, #tpu.memory_space<hbm>>
      tpu.enqueue_dma source(%dma_start3A_2264 : memref<64x128xf32, #tpu.memory_space<hbm>>) target(%dma_start3A_2262 : memref<64x128xf32, #tpu.memory_space<vmem>>) target_semaphore(%arg9 : memref<!tpu.dma_semaphore, #tpu.memory_space<semaphore_mem>>)
      %slice3A_2265 = vector.extract_strided_slice %get3A_1261 {offsets = [4], sizes = [1], strides = [1]} : vector<16xi32> to vector<1xi32>
      %squeeze3A_2266 = vector.extract %slice3A_2265[0] : i32 from vector<1xi32>
      %mul3A_2267 = arith.constant 16 : i32
      %mul3A_2268 = arith.muli %scan3A_1256, %mul3A_2267 : i32
      %add3A_2269 = arith.constant 4 : i32
      %add3A_2270 = arith.addi %mul3A_2268, %add3A_2269 : i32
      %dma_wait3A_2271 = arith.constant 4 : i32
      %dma_wait3A_2272 = arith.constant 0 : i32
      %dma_wait3A_2273 = arith.constant 0 : i32
      %dma_wait3A_2274 = tpu.memref_slice %arg6[%dma_wait3A_2271, %dma_wait3A_2272, %dma_wait3A_2273] : memref<8x64x128xf32, #tpu.memory_space<vmem>> -> memref<1x64x128xf32, #tpu.memory_space<vmem>>
      %dma_wait3A_2275 = tpu.memref_squeeze %dma_wait3A_2274 : memref<1x64x128xf32, #tpu.memory_space<vmem>> -> memref<64x128xf32, #tpu.memory_space<vmem>>
      %dma_wait3A_2276 = arith.constant 0 : i32
      %dma_wait3A_2277 = arith.constant 0 : i32
      %dma_wait3A_2278 = tpu.memref_slice %arg3[%dma_wait3A_2276, %dma_wait3A_2277] : memref<64x1000000xf32, #tpu.memory_space<hbm>> -> memref<64x128xf32, #tpu.memory_space<hbm>>
      %dma_wait3A_2279 = arith.constant 0 : i32
      %dma_wait3A_2280 = arith.constant 0 : i32
      %dma_wait3A_2281 = tpu.memref_slice %arg6[%dma_wait3A_2271, %dma_wait3A_2279, %dma_wait3A_2280] : memref<8x64x128xf32, #tpu.memory_space<vmem>> -> memref<1x64x128xf32, #tpu.memory_space<vmem>>
      %dma_wait3A_2282 = tpu.memref_squeeze %dma_wait3A_2281 : memref<1x64x128xf32, #tpu.memory_space<vmem>> -> memref<64x128xf32, #tpu.memory_space<vmem>>
      %dma_wait3A_2283 = arith.constant 0 : i32
      %dma_wait3A_2284 = arith.constant 0 : i32
      %dma_wait3A_2285 = tpu.memref_slice %arg3[%dma_wait3A_2283, %dma_wait3A_2284] : memref<64x1000000xf32, #tpu.memory_space<hbm>> -> memref<64x128xf32, #tpu.memory_space<hbm>>
      tpu.wait_dma2 semaphore(%arg9 : memref<!tpu.dma_semaphore, #tpu.memory_space<semaphore_mem>>) src(%dma_wait3A_2285 : memref<64x128xf32, #tpu.memory_space<hbm>>) dst(%dma_wait3A_2282 : memref<64x128xf32, #tpu.memory_space<vmem>>)
      %and3A_2286 = arith.constant 127 : i32
      %and3A_2287 = arith.andi %squeeze3A_2266, %and3A_2286 : i32
      %broadcast_in_dim3A_2288 = vector.broadcast %and3A_2287 : i32 to vector<16xi32>
      %broadcast_in_dim3A_2289 = vector.broadcast %add3A_2270 : i32 to vector<16xi32>
      %add3A_2290 = arith.constant 0 : i32
      %add3A_2291 = vector.broadcast %add3A_2290 : i32 to vector<16xi32>
      %add3A_2292 = arith.addi %iota3A, %add3A_2291 : vector<16xi32>
      %gather3A_2293 = arith.constant 4 : i32
      %gather3A_2294 = arith.constant 0 : i32
      %gather3A_2295 = arith.constant 0 : i32
      %gather3A_2296 = tpu.memref_slice %arg6[%gather3A_2293, %gather3A_2294, %gather3A_2295] : memref<8x64x128xf32, #tpu.memory_space<vmem>> -> memref<1x64x128xf32, #tpu.memory_space<vmem>>
      %gather3A_2297 = tpu.memref_squeeze %gather3A_2296 : memref<1x64x128xf32, #tpu.memory_space<vmem>> -> memref<64x128xf32, #tpu.memory_space<vmem>>
      %gather3A_2298 = tpu.vector_load_idx %gather3A_2297[%add3A_2292, %broadcast_in_dim3A_2288] : memref<64x128xf32, #tpu.memory_space<vmem>>[vector<16xi32>, vector<16xi32>], vector<16xf32>,
      tpu.vector_store_idx %arg7[%add3A_2292, %broadcast_in_dim3A_2289], %gather3A_2298 : memref<64x512xf32, #tpu.memory_space<vmem>>[vector<16xi32>, vector<16xi32>], vector<16xf32>,
      %add3A_2299 = arith.constant 16 : i32
      %add3A_2300 = vector.broadcast %add3A_2299 : i32 to vector<16xi32>
      %add3A_2301 = arith.addi %iota3A, %add3A_2300 : vector<16xi32>
      %gather3A_2302 = arith.constant 4 : i32
      %gather3A_2303 = arith.constant 0 : i32
      %gather3A_2304 = arith.constant 0 : i32
      %gather3A_2305 = tpu.memref_slice %arg6[%gather3A_2302, %gather3A_2303, %gather3A_2304] : memref<8x64x128xf32, #tpu.memory_space<vmem>> -> memref<1x64x128xf32, #tpu.memory_space<vmem>>
      %gather3A_2306 = tpu.memref_squeeze %gather3A_2305 : memref<1x64x128xf32, #tpu.memory_space<vmem>> -> memref<64x128xf32, #tpu.memory_space<vmem>>
      %gather3A_2307 = tpu.vector_load_idx %gather3A_2306[%add3A_2301, %broadcast_in_dim3A_2288] : memref<64x128xf32, #tpu.memory_space<vmem>>[vector<16xi32>, vector<16xi32>], vector<16xf32>,
      tpu.vector_store_idx %arg7[%add3A_2301, %broadcast_in_dim3A_2289], %gather3A_2307 : memref<64x512xf32, #tpu.memory_space<vmem>>[vector<16xi32>, vector<16xi32>], vector<16xf32>,
      %add3A_2308 = arith.constant 32 : i32
      %add3A_2309 = vector.broadcast %add3A_2308 : i32 to vector<16xi32>
      %add3A_2310 = arith.addi %iota3A, %add3A_2309 : vector<16xi32>
      %gather3A_2311 = arith.constant 4 : i32
      %gather3A_2312 = arith.constant 0 : i32
      %gather3A_2313 = arith.constant 0 : i32
      %gather3A_2314 = tpu.memref_slice %arg6[%gather3A_2311, %gather3A_2312, %gather3A_2313] : memref<8x64x128xf32, #tpu.memory_space<vmem>> -> memref<1x64x128xf32, #tpu.memory_space<vmem>>
      %gather3A_2315 = tpu.memref_squeeze %gather3A_2314 : memref<1x64x128xf32, #tpu.memory_space<vmem>> -> memref<64x128xf32, #tpu.memory_space<vmem>>
      %gather3A_2316 = tpu.vector_load_idx %gather3A_2315[%add3A_2310, %broadcast_in_dim3A_2288] : memref<64x128xf32, #tpu.memory_space<vmem>>[vector<16xi32>, vector<16xi32>], vector<16xf32>,
      tpu.vector_store_idx %arg7[%add3A_2310, %broadcast_in_dim3A_2289], %gather3A_2316 : memref<64x512xf32, #tpu.memory_space<vmem>>[vector<16xi32>, vector<16xi32>], vector<16xf32>,
      %add3A_2317 = arith.constant 48 : i32
      %add3A_2318 = vector.broadcast %add3A_2317 : i32 to vector<16xi32>
      %add3A_2319 = arith.addi %iota3A, %add3A_2318 : vector<16xi32>
      %gather3A_2320 = arith.constant 4 : i32
      %gather3A_2321 = arith.constant 0 : i32
      %gather3A_2322 = arith.constant 0 : i32
      %gather3A_2323 = tpu.memref_slice %arg6[%gather3A_2320, %gather3A_2321, %gather3A_2322] : memref<8x64x128xf32, #tpu.memory_space<vmem>> -> memref<1x64x128xf32, #tpu.memory_space<vmem>>
      %gather3A_2324 = tpu.memref_squeeze %gather3A_2323 : memref<1x64x128xf32, #tpu.memory_space<vmem>> -> memref<64x128xf32, #tpu.memory_space<vmem>>
      %gather3A_2325 = tpu.vector_load_idx %gather3A_2324[%add3A_2319, %broadcast_in_dim3A_2288] : memref<64x128xf32, #tpu.memory_space<vmem>>[vector<16xi32>, vector<16xi32>], vector<16xf32>,
      tpu.vector_store_idx %arg7[%add3A_2319, %broadcast_in_dim3A_2289], %gather3A_2325 : memref<64x512xf32, #tpu.memory_space<vmem>>[vector<16xi32>, vector<16xi32>], vector<16xf32>,
      %slice3A_2326 = vector.extract_strided_slice %get3A_1261 {offsets = [12], sizes = [1], strides = [1]} : vector<16xi32> to vector<1xi32>
      %squeeze3A_2327 = vector.extract %slice3A_2326[0] : i32 from vector<1xi32>
      %shift_right_logical3A_2328 = arith.constant 7 : i32
      %shift_right_logical3A_2329 = arith.shrui %squeeze3A_2327, %shift_right_logical3A_2328 : i32
      %shift_left3A_2330 = arith.constant 7 : i32
      %shift_left3A_2331 = arith.shli %shift_right_logical3A_2329, %shift_left3A_2330 : i32
      %multiple_of3A_2332 = tpu.assume_multiple %shift_left3A_2331, 128 : i32
      %dma_start3A_2333 = arith.constant 4 : i32
      %dma_start3A_2334 = arith.constant 0 : i32
      %dma_start3A_2335 = arith.constant 0 : i32
      %dma_start3A_2336 = tpu.memref_slice %arg6[%dma_start3A_2333, %dma_start3A_2334, %dma_start3A_2335] : memref<8x64x128xf32, #tpu.memory_space<vmem>> -> memref<1x64x128xf32, #tpu.memory_space<vmem>>
      %dma_start3A_2337 = tpu.memref_squeeze %dma_start3A_2336 : memref<1x64x128xf32, #tpu.memory_space<vmem>> -> memref<64x128xf32, #tpu.memory_space<vmem>>
      %dma_start3A_2338 = arith.constant 0 : i32
      %dma_start3A_2339 = tpu.memref_slice %arg3[%dma_start3A_2338, %multiple_of3A_2332] : memref<64x1000000xf32, #tpu.memory_space<hbm>> -> memref<64x128xf32, #tpu.memory_space<hbm>>
      %dma_start3A_2340 = arith.constant 0 : i32
      %dma_start3A_2341 = arith.constant 0 : i32
      %dma_start3A_2342 = tpu.memref_slice %arg6[%dma_start3A_2333, %dma_start3A_2340, %dma_start3A_2341] : memref<8x64x128xf32, #tpu.memory_space<vmem>> -> memref<1x64x128xf32, #tpu.memory_space<vmem>>
      %dma_start3A_2343 = tpu.memref_squeeze %dma_start3A_2342 : memref<1x64x128xf32, #tpu.memory_space<vmem>> -> memref<64x128xf32, #tpu.memory_space<vmem>>
      %dma_start3A_2344 = arith.constant 0 : i32
      %dma_start3A_2345 = tpu.memref_slice %arg3[%dma_start3A_2344, %multiple_of3A_2332] : memref<64x1000000xf32, #tpu.memory_space<hbm>> -> memref<64x128xf32, #tpu.memory_space<hbm>>
      tpu.enqueue_dma source(%dma_start3A_2345 : memref<64x128xf32, #tpu.memory_space<hbm>>) target(%dma_start3A_2343 : memref<64x128xf32, #tpu.memory_space<vmem>>) target_semaphore(%arg9 : memref<!tpu.dma_semaphore, #tpu.memory_space<semaphore_mem>>)
      %slice3A_2346 = vector.extract_strided_slice %get3A_1261 {offsets = [5], sizes = [1], strides = [1]} : vector<16xi32> to vector<1xi32>
      %squeeze3A_2347 = vector.extract %slice3A_2346[0] : i32 from vector<1xi32>
      %mul3A_2348 = arith.constant 16 : i32
      %mul3A_2349 = arith.muli %scan3A_1256, %mul3A_2348 : i32
      %add3A_2350 = arith.constant 5 : i32
      %add3A_2351 = arith.addi %mul3A_2349, %add3A_2350 : i32
      %dma_wait3A_2352 = arith.constant 5 : i32
      %dma_wait3A_2353 = arith.constant 0 : i32
      %dma_wait3A_2354 = arith.constant 0 : i32
      %dma_wait3A_2355 = tpu.memref_slice %arg6[%dma_wait3A_2352, %dma_wait3A_2353, %dma_wait3A_2354] : memref<8x64x128xf32, #tpu.memory_space<vmem>> -> memref<1x64x128xf32, #tpu.memory_space<vmem>>
      %dma_wait3A_2356 = tpu.memref_squeeze %dma_wait3A_2355 : memref<1x64x128xf32, #tpu.memory_space<vmem>> -> memref<64x128xf32, #tpu.memory_space<vmem>>
      %dma_wait3A_2357 = arith.constant 0 : i32
      %dma_wait3A_2358 = arith.constant 0 : i32
      %dma_wait3A_2359 = tpu.memref_slice %arg3[%dma_wait3A_2357, %dma_wait3A_2358] : memref<64x1000000xf32, #tpu.memory_space<hbm>> -> memref<64x128xf32, #tpu.memory_space<hbm>>
      %dma_wait3A_2360 = arith.constant 0 : i32
      %dma_wait3A_2361 = arith.constant 0 : i32
      %dma_wait3A_2362 = tpu.memref_slice %arg6[%dma_wait3A_2352, %dma_wait3A_2360, %dma_wait3A_2361] : memref<8x64x128xf32, #tpu.memory_space<vmem>> -> memref<1x64x128xf32, #tpu.memory_space<vmem>>
      %dma_wait3A_2363 = tpu.memref_squeeze %dma_wait3A_2362 : memref<1x64x128xf32, #tpu.memory_space<vmem>> -> memref<64x128xf32, #tpu.memory_space<vmem>>
      %dma_wait3A_2364 = arith.constant 0 : i32
      %dma_wait3A_2365 = arith.constant 0 : i32
      %dma_wait3A_2366 = tpu.memref_slice %arg3[%dma_wait3A_2364, %dma_wait3A_2365] : memref<64x1000000xf32, #tpu.memory_space<hbm>> -> memref<64x128xf32, #tpu.memory_space<hbm>>
      tpu.wait_dma2 semaphore(%arg9 : memref<!tpu.dma_semaphore, #tpu.memory_space<semaphore_mem>>) src(%dma_wait3A_2366 : memref<64x128xf32, #tpu.memory_space<hbm>>) dst(%dma_wait3A_2363 : memref<64x128xf32, #tpu.memory_space<vmem>>)
      %and3A_2367 = arith.constant 127 : i32
      %and3A_2368 = arith.andi %squeeze3A_2347, %and3A_2367 : i32
      %broadcast_in_dim3A_2369 = vector.broadcast %and3A_2368 : i32 to vector<16xi32>
      %broadcast_in_dim3A_2370 = vector.broadcast %add3A_2351 : i32 to vector<16xi32>
      %add3A_2371 = arith.constant 0 : i32
      %add3A_2372 = vector.broadcast %add3A_2371 : i32 to vector<16xi32>
      %add3A_2373 = arith.addi %iota3A, %add3A_2372 : vector<16xi32>
      %gather3A_2374 = arith.constant 5 : i32
      %gather3A_2375 = arith.constant 0 : i32
      %gather3A_2376 = arith.constant 0 : i32
      %gather3A_2377 = tpu.memref_slice %arg6[%gather3A_2374, %gather3A_2375, %gather3A_2376] : memref<8x64x128xf32, #tpu.memory_space<vmem>> -> memref<1x64x128xf32, #tpu.memory_space<vmem>>
      %gather3A_2378 = tpu.memref_squeeze %gather3A_2377 : memref<1x64x128xf32, #tpu.memory_space<vmem>> -> memref<64x128xf32, #tpu.memory_space<vmem>>
      %gather3A_2379 = tpu.vector_load_idx %gather3A_2378[%add3A_2373, %broadcast_in_dim3A_2369] : memref<64x128xf32, #tpu.memory_space<vmem>>[vector<16xi32>, vector<16xi32>], vector<16xf32>,
      tpu.vector_store_idx %arg7[%add3A_2373, %broadcast_in_dim3A_2370], %gather3A_2379 : memref<64x512xf32, #tpu.memory_space<vmem>>[vector<16xi32>, vector<16xi32>], vector<16xf32>,
      %add3A_2380 = arith.constant 16 : i32
      %add3A_2381 = vector.broadcast %add3A_2380 : i32 to vector<16xi32>
      %add3A_2382 = arith.addi %iota3A, %add3A_2381 : vector<16xi32>
      %gather3A_2383 = arith.constant 5 : i32
      %gather3A_2384 = arith.constant 0 : i32
      %gather3A_2385 = arith.constant 0 : i32
      %gather3A_2386 = tpu.memref_slice %arg6[%gather3A_2383, %gather3A_2384, %gather3A_2385] : memref<8x64x128xf32, #tpu.memory_space<vmem>> -> memref<1x64x128xf32, #tpu.memory_space<vmem>>
      %gather3A_2387 = tpu.memref_squeeze %gather3A_2386 : memref<1x64x128xf32, #tpu.memory_space<vmem>> -> memref<64x128xf32, #tpu.memory_space<vmem>>
      %gather3A_2388 = tpu.vector_load_idx %gather3A_2387[%add3A_2382, %broadcast_in_dim3A_2369] : memref<64x128xf32, #tpu.memory_space<vmem>>[vector<16xi32>, vector<16xi32>], vector<16xf32>,
      tpu.vector_store_idx %arg7[%add3A_2382, %broadcast_in_dim3A_2370], %gather3A_2388 : memref<64x512xf32, #tpu.memory_space<vmem>>[vector<16xi32>, vector<16xi32>], vector<16xf32>,
      %add3A_2389 = arith.constant 32 : i32
      %add3A_2390 = vector.broadcast %add3A_2389 : i32 to vector<16xi32>
      %add3A_2391 = arith.addi %iota3A, %add3A_2390 : vector<16xi32>
      %gather3A_2392 = arith.constant 5 : i32
      %gather3A_2393 = arith.constant 0 : i32
      %gather3A_2394 = arith.constant 0 : i32
      %gather3A_2395 = tpu.memref_slice %arg6[%gather3A_2392, %gather3A_2393, %gather3A_2394] : memref<8x64x128xf32, #tpu.memory_space<vmem>> -> memref<1x64x128xf32, #tpu.memory_space<vmem>>
      %gather3A_2396 = tpu.memref_squeeze %gather3A_2395 : memref<1x64x128xf32, #tpu.memory_space<vmem>> -> memref<64x128xf32, #tpu.memory_space<vmem>>
      %gather3A_2397 = tpu.vector_load_idx %gather3A_2396[%add3A_2391, %broadcast_in_dim3A_2369] : memref<64x128xf32, #tpu.memory_space<vmem>>[vector<16xi32>, vector<16xi32>], vector<16xf32>,
      tpu.vector_store_idx %arg7[%add3A_2391, %broadcast_in_dim3A_2370], %gather3A_2397 : memref<64x512xf32, #tpu.memory_space<vmem>>[vector<16xi32>, vector<16xi32>], vector<16xf32>,
      %add3A_2398 = arith.constant 48 : i32
      %add3A_2399 = vector.broadcast %add3A_2398 : i32 to vector<16xi32>
      %add3A_2400 = arith.addi %iota3A, %add3A_2399 : vector<16xi32>
      %gather3A_2401 = arith.constant 5 : i32
      %gather3A_2402 = arith.constant 0 : i32
      %gather3A_2403 = arith.constant 0 : i32
      %gather3A_2404 = tpu.memref_slice %arg6[%gather3A_2401, %gather3A_2402, %gather3A_2403] : memref<8x64x128xf32, #tpu.memory_space<vmem>> -> memref<1x64x128xf32, #tpu.memory_space<vmem>>
      %gather3A_2405 = tpu.memref_squeeze %gather3A_2404 : memref<1x64x128xf32, #tpu.memory_space<vmem>> -> memref<64x128xf32, #tpu.memory_space<vmem>>
      %gather3A_2406 = tpu.vector_load_idx %gather3A_2405[%add3A_2400, %broadcast_in_dim3A_2369] : memref<64x128xf32, #tpu.memory_space<vmem>>[vector<16xi32>, vector<16xi32>], vector<16xf32>,
      tpu.vector_store_idx %arg7[%add3A_2400, %broadcast_in_dim3A_2370], %gather3A_2406 : memref<64x512xf32, #tpu.memory_space<vmem>>[vector<16xi32>, vector<16xi32>], vector<16xf32>,
      %slice3A_2407 = vector.extract_strided_slice %get3A_1261 {offsets = [13], sizes = [1], strides = [1]} : vector<16xi32> to vector<1xi32>
      %squeeze3A_2408 = vector.extract %slice3A_2407[0] : i32 from vector<1xi32>
      %shift_right_logical3A_2409 = arith.constant 7 : i32
      %shift_right_logical3A_2410 = arith.shrui %squeeze3A_2408, %shift_right_logical3A_2409 : i32
      %shift_left3A_2411 = arith.constant 7 : i32
      %shift_left3A_2412 = arith.shli %shift_right_logical3A_2410, %shift_left3A_2411 : i32
      %multiple_of3A_2413 = tpu.assume_multiple %shift_left3A_2412, 128 : i32
      %dma_start3A_2414 = arith.constant 5 : i32
      %dma_start3A_2415 = arith.constant 0 : i32
      %dma_start3A_2416 = arith.constant 0 : i32
      %dma_start3A_2417 = tpu.memref_slice %arg6[%dma_start3A_2414, %dma_start3A_2415, %dma_start3A_2416] : memref<8x64x128xf32, #tpu.memory_space<vmem>> -> memref<1x64x128xf32, #tpu.memory_space<vmem>>
      %dma_start3A_2418 = tpu.memref_squeeze %dma_start3A_2417 : memref<1x64x128xf32, #tpu.memory_space<vmem>> -> memref<64x128xf32, #tpu.memory_space<vmem>>
      %dma_start3A_2419 = arith.constant 0 : i32
      %dma_start3A_2420 = tpu.memref_slice %arg3[%dma_start3A_2419, %multiple_of3A_2413] : memref<64x1000000xf32, #tpu.memory_space<hbm>> -> memref<64x128xf32, #tpu.memory_space<hbm>>
      %dma_start3A_2421 = arith.constant 0 : i32
      %dma_start3A_2422 = arith.constant 0 : i32
      %dma_start3A_2423 = tpu.memref_slice %arg6[%dma_start3A_2414, %dma_start3A_2421, %dma_start3A_2422] : memref<8x64x128xf32, #tpu.memory_space<vmem>> -> memref<1x64x128xf32, #tpu.memory_space<vmem>>
      %dma_start3A_2424 = tpu.memref_squeeze %dma_start3A_2423 : memref<1x64x128xf32, #tpu.memory_space<vmem>> -> memref<64x128xf32, #tpu.memory_space<vmem>>
      %dma_start3A_2425 = arith.constant 0 : i32
      %dma_start3A_2426 = tpu.memref_slice %arg3[%dma_start3A_2425, %multiple_of3A_2413] : memref<64x1000000xf32, #tpu.memory_space<hbm>> -> memref<64x128xf32, #tpu.memory_space<hbm>>
      tpu.enqueue_dma source(%dma_start3A_2426 : memref<64x128xf32, #tpu.memory_space<hbm>>) target(%dma_start3A_2424 : memref<64x128xf32, #tpu.memory_space<vmem>>) target_semaphore(%arg9 : memref<!tpu.dma_semaphore, #tpu.memory_space<semaphore_mem>>)
      %slice3A_2427 = vector.extract_strided_slice %get3A_1261 {offsets = [6], sizes = [1], strides = [1]} : vector<16xi32> to vector<1xi32>
      %squeeze3A_2428 = vector.extract %slice3A_2427[0] : i32 from vector<1xi32>
      %mul3A_2429 = arith.constant 16 : i32
      %mul3A_2430 = arith.muli %scan3A_1256, %mul3A_2429 : i32
      %add3A_2431 = arith.constant 6 : i32
      %add3A_2432 = arith.addi %mul3A_2430, %add3A_2431 : i32
      %dma_wait3A_2433 = arith.constant 6 : i32
      %dma_wait3A_2434 = arith.constant 0 : i32
      %dma_wait3A_2435 = arith.constant 0 : i32
      %dma_wait3A_2436 = tpu.memref_slice %arg6[%dma_wait3A_2433, %dma_wait3A_2434, %dma_wait3A_2435] : memref<8x64x128xf32, #tpu.memory_space<vmem>> -> memref<1x64x128xf32, #tpu.memory_space<vmem>>
      %dma_wait3A_2437 = tpu.memref_squeeze %dma_wait3A_2436 : memref<1x64x128xf32, #tpu.memory_space<vmem>> -> memref<64x128xf32, #tpu.memory_space<vmem>>
      %dma_wait3A_2438 = arith.constant 0 : i32
      %dma_wait3A_2439 = arith.constant 0 : i32
      %dma_wait3A_2440 = tpu.memref_slice %arg3[%dma_wait3A_2438, %dma_wait3A_2439] : memref<64x1000000xf32, #tpu.memory_space<hbm>> -> memref<64x128xf32, #tpu.memory_space<hbm>>
      %dma_wait3A_2441 = arith.constant 0 : i32
      %dma_wait3A_2442 = arith.constant 0 : i32
      %dma_wait3A_2443 = tpu.memref_slice %arg6[%dma_wait3A_2433, %dma_wait3A_2441, %dma_wait3A_2442] : memref<8x64x128xf32, #tpu.memory_space<vmem>> -> memref<1x64x128xf32, #tpu.memory_space<vmem>>
      %dma_wait3A_2444 = tpu.memref_squeeze %dma_wait3A_2443 : memref<1x64x128xf32, #tpu.memory_space<vmem>> -> memref<64x128xf32, #tpu.memory_space<vmem>>
      %dma_wait3A_2445 = arith.constant 0 : i32
      %dma_wait3A_2446 = arith.constant 0 : i32
      %dma_wait3A_2447 = tpu.memref_slice %arg3[%dma_wait3A_2445, %dma_wait3A_2446] : memref<64x1000000xf32, #tpu.memory_space<hbm>> -> memref<64x128xf32, #tpu.memory_space<hbm>>
      tpu.wait_dma2 semaphore(%arg9 : memref<!tpu.dma_semaphore, #tpu.memory_space<semaphore_mem>>) src(%dma_wait3A_2447 : memref<64x128xf32, #tpu.memory_space<hbm>>) dst(%dma_wait3A_2444 : memref<64x128xf32, #tpu.memory_space<vmem>>)
      %and3A_2448 = arith.constant 127 : i32
      %and3A_2449 = arith.andi %squeeze3A_2428, %and3A_2448 : i32
      %broadcast_in_dim3A_2450 = vector.broadcast %and3A_2449 : i32 to vector<16xi32>
      %broadcast_in_dim3A_2451 = vector.broadcast %add3A_2432 : i32 to vector<16xi32>
      %add3A_2452 = arith.constant 0 : i32
      %add3A_2453 = vector.broadcast %add3A_2452 : i32 to vector<16xi32>
      %add3A_2454 = arith.addi %iota3A, %add3A_2453 : vector<16xi32>
      %gather3A_2455 = arith.constant 6 : i32
      %gather3A_2456 = arith.constant 0 : i32
      %gather3A_2457 = arith.constant 0 : i32
      %gather3A_2458 = tpu.memref_slice %arg6[%gather3A_2455, %gather3A_2456, %gather3A_2457] : memref<8x64x128xf32, #tpu.memory_space<vmem>> -> memref<1x64x128xf32, #tpu.memory_space<vmem>>
      %gather3A_2459 = tpu.memref_squeeze %gather3A_2458 : memref<1x64x128xf32, #tpu.memory_space<vmem>> -> memref<64x128xf32, #tpu.memory_space<vmem>>
      %gather3A_2460 = tpu.vector_load_idx %gather3A_2459[%add3A_2454, %broadcast_in_dim3A_2450] : memref<64x128xf32, #tpu.memory_space<vmem>>[vector<16xi32>, vector<16xi32>], vector<16xf32>,
      tpu.vector_store_idx %arg7[%add3A_2454, %broadcast_in_dim3A_2451], %gather3A_2460 : memref<64x512xf32, #tpu.memory_space<vmem>>[vector<16xi32>, vector<16xi32>], vector<16xf32>,
      %add3A_2461 = arith.constant 16 : i32
      %add3A_2462 = vector.broadcast %add3A_2461 : i32 to vector<16xi32>
      %add3A_2463 = arith.addi %iota3A, %add3A_2462 : vector<16xi32>
      %gather3A_2464 = arith.constant 6 : i32
      %gather3A_2465 = arith.constant 0 : i32
      %gather3A_2466 = arith.constant 0 : i32
      %gather3A_2467 = tpu.memref_slice %arg6[%gather3A_2464, %gather3A_2465, %gather3A_2466] : memref<8x64x128xf32, #tpu.memory_space<vmem>> -> memref<1x64x128xf32, #tpu.memory_space<vmem>>
      %gather3A_2468 = tpu.memref_squeeze %gather3A_2467 : memref<1x64x128xf32, #tpu.memory_space<vmem>> -> memref<64x128xf32, #tpu.memory_space<vmem>>
      %gather3A_2469 = tpu.vector_load_idx %gather3A_2468[%add3A_2463, %broadcast_in_dim3A_2450] : memref<64x128xf32, #tpu.memory_space<vmem>>[vector<16xi32>, vector<16xi32>], vector<16xf32>,
      tpu.vector_store_idx %arg7[%add3A_2463, %broadcast_in_dim3A_2451], %gather3A_2469 : memref<64x512xf32, #tpu.memory_space<vmem>>[vector<16xi32>, vector<16xi32>], vector<16xf32>,
      %add3A_2470 = arith.constant 32 : i32
      %add3A_2471 = vector.broadcast %add3A_2470 : i32 to vector<16xi32>
      %add3A_2472 = arith.addi %iota3A, %add3A_2471 : vector<16xi32>
      %gather3A_2473 = arith.constant 6 : i32
      %gather3A_2474 = arith.constant 0 : i32
      %gather3A_2475 = arith.constant 0 : i32
      %gather3A_2476 = tpu.memref_slice %arg6[%gather3A_2473, %gather3A_2474, %gather3A_2475] : memref<8x64x128xf32, #tpu.memory_space<vmem>> -> memref<1x64x128xf32, #tpu.memory_space<vmem>>
      %gather3A_2477 = tpu.memref_squeeze %gather3A_2476 : memref<1x64x128xf32, #tpu.memory_space<vmem>> -> memref<64x128xf32, #tpu.memory_space<vmem>>
      %gather3A_2478 = tpu.vector_load_idx %gather3A_2477[%add3A_2472, %broadcast_in_dim3A_2450] : memref<64x128xf32, #tpu.memory_space<vmem>>[vector<16xi32>, vector<16xi32>], vector<16xf32>,
      tpu.vector_store_idx %arg7[%add3A_2472, %broadcast_in_dim3A_2451], %gather3A_2478 : memref<64x512xf32, #tpu.memory_space<vmem>>[vector<16xi32>, vector<16xi32>], vector<16xf32>,
      %add3A_2479 = arith.constant 48 : i32
      %add3A_2480 = vector.broadcast %add3A_2479 : i32 to vector<16xi32>
      %add3A_2481 = arith.addi %iota3A, %add3A_2480 : vector<16xi32>
      %gather3A_2482 = arith.constant 6 : i32
      %gather3A_2483 = arith.constant 0 : i32
      %gather3A_2484 = arith.constant 0 : i32
      %gather3A_2485 = tpu.memref_slice %arg6[%gather3A_2482, %gather3A_2483, %gather3A_2484] : memref<8x64x128xf32, #tpu.memory_space<vmem>> -> memref<1x64x128xf32, #tpu.memory_space<vmem>>
      %gather3A_2486 = tpu.memref_squeeze %gather3A_2485 : memref<1x64x128xf32, #tpu.memory_space<vmem>> -> memref<64x128xf32, #tpu.memory_space<vmem>>
      %gather3A_2487 = tpu.vector_load_idx %gather3A_2486[%add3A_2481, %broadcast_in_dim3A_2450] : memref<64x128xf32, #tpu.memory_space<vmem>>[vector<16xi32>, vector<16xi32>], vector<16xf32>,
      tpu.vector_store_idx %arg7[%add3A_2481, %broadcast_in_dim3A_2451], %gather3A_2487 : memref<64x512xf32, #tpu.memory_space<vmem>>[vector<16xi32>, vector<16xi32>], vector<16xf32>,
      %slice3A_2488 = vector.extract_strided_slice %get3A_1261 {offsets = [14], sizes = [1], strides = [1]} : vector<16xi32> to vector<1xi32>
      %squeeze3A_2489 = vector.extract %slice3A_2488[0] : i32 from vector<1xi32>
      %shift_right_logical3A_2490 = arith.constant 7 : i32
      %shift_right_logical3A_2491 = arith.shrui %squeeze3A_2489, %shift_right_logical3A_2490 : i32
      %shift_left3A_2492 = arith.constant 7 : i32
      %shift_left3A_2493 = arith.shli %shift_right_logical3A_2491, %shift_left3A_2492 : i32
      %multiple_of3A_2494 = tpu.assume_multiple %shift_left3A_2493, 128 : i32
      %dma_start3A_2495 = arith.constant 6 : i32
      %dma_start3A_2496 = arith.constant 0 : i32
      %dma_start3A_2497 = arith.constant 0 : i32
      %dma_start3A_2498 = tpu.memref_slice %arg6[%dma_start3A_2495, %dma_start3A_2496, %dma_start3A_2497] : memref<8x64x128xf32, #tpu.memory_space<vmem>> -> memref<1x64x128xf32, #tpu.memory_space<vmem>>
      %dma_start3A_2499 = tpu.memref_squeeze %dma_start3A_2498 : memref<1x64x128xf32, #tpu.memory_space<vmem>> -> memref<64x128xf32, #tpu.memory_space<vmem>>
      %dma_start3A_2500 = arith.constant 0 : i32
      %dma_start3A_2501 = tpu.memref_slice %arg3[%dma_start3A_2500, %multiple_of3A_2494] : memref<64x1000000xf32, #tpu.memory_space<hbm>> -> memref<64x128xf32, #tpu.memory_space<hbm>>
      %dma_start3A_2502 = arith.constant 0 : i32
      %dma_start3A_2503 = arith.constant 0 : i32
      %dma_start3A_2504 = tpu.memref_slice %arg6[%dma_start3A_2495, %dma_start3A_2502, %dma_start3A_2503] : memref<8x64x128xf32, #tpu.memory_space<vmem>> -> memref<1x64x128xf32, #tpu.memory_space<vmem>>
      %dma_start3A_2505 = tpu.memref_squeeze %dma_start3A_2504 : memref<1x64x128xf32, #tpu.memory_space<vmem>> -> memref<64x128xf32, #tpu.memory_space<vmem>>
      %dma_start3A_2506 = arith.constant 0 : i32
      %dma_start3A_2507 = tpu.memref_slice %arg3[%dma_start3A_2506, %multiple_of3A_2494] : memref<64x1000000xf32, #tpu.memory_space<hbm>> -> memref<64x128xf32, #tpu.memory_space<hbm>>
      tpu.enqueue_dma source(%dma_start3A_2507 : memref<64x128xf32, #tpu.memory_space<hbm>>) target(%dma_start3A_2505 : memref<64x128xf32, #tpu.memory_space<vmem>>) target_semaphore(%arg9 : memref<!tpu.dma_semaphore, #tpu.memory_space<semaphore_mem>>)
      %slice3A_2508 = vector.extract_strided_slice %get3A_1261 {offsets = [7], sizes = [1], strides = [1]} : vector<16xi32> to vector<1xi32>
      %squeeze3A_2509 = vector.extract %slice3A_2508[0] : i32 from vector<1xi32>
      %mul3A_2510 = arith.constant 16 : i32
      %mul3A_2511 = arith.muli %scan3A_1256, %mul3A_2510 : i32
      %add3A_2512 = arith.constant 7 : i32
      %add3A_2513 = arith.addi %mul3A_2511, %add3A_2512 : i32
      %dma_wait3A_2514 = arith.constant 7 : i32
      %dma_wait3A_2515 = arith.constant 0 : i32
      %dma_wait3A_2516 = arith.constant 0 : i32
      %dma_wait3A_2517 = tpu.memref_slice %arg6[%dma_wait3A_2514, %dma_wait3A_2515, %dma_wait3A_2516] : memref<8x64x128xf32, #tpu.memory_space<vmem>> -> memref<1x64x128xf32, #tpu.memory_space<vmem>>
      %dma_wait3A_2518 = tpu.memref_squeeze %dma_wait3A_2517 : memref<1x64x128xf32, #tpu.memory_space<vmem>> -> memref<64x128xf32, #tpu.memory_space<vmem>>
      %dma_wait3A_2519 = arith.constant 0 : i32
      %dma_wait3A_2520 = arith.constant 0 : i32
      %dma_wait3A_2521 = tpu.memref_slice %arg3[%dma_wait3A_2519, %dma_wait3A_2520] : memref<64x1000000xf32, #tpu.memory_space<hbm>> -> memref<64x128xf32, #tpu.memory_space<hbm>>
      %dma_wait3A_2522 = arith.constant 0 : i32
      %dma_wait3A_2523 = arith.constant 0 : i32
      %dma_wait3A_2524 = tpu.memref_slice %arg6[%dma_wait3A_2514, %dma_wait3A_2522, %dma_wait3A_2523] : memref<8x64x128xf32, #tpu.memory_space<vmem>> -> memref<1x64x128xf32, #tpu.memory_space<vmem>>
      %dma_wait3A_2525 = tpu.memref_squeeze %dma_wait3A_2524 : memref<1x64x128xf32, #tpu.memory_space<vmem>> -> memref<64x128xf32, #tpu.memory_space<vmem>>
      %dma_wait3A_2526 = arith.constant 0 : i32
      %dma_wait3A_2527 = arith.constant 0 : i32
      %dma_wait3A_2528 = tpu.memref_slice %arg3[%dma_wait3A_2526, %dma_wait3A_2527] : memref<64x1000000xf32, #tpu.memory_space<hbm>> -> memref<64x128xf32, #tpu.memory_space<hbm>>
      tpu.wait_dma2 semaphore(%arg9 : memref<!tpu.dma_semaphore, #tpu.memory_space<semaphore_mem>>) src(%dma_wait3A_2528 : memref<64x128xf32, #tpu.memory_space<hbm>>) dst(%dma_wait3A_2525 : memref<64x128xf32, #tpu.memory_space<vmem>>)
      %and3A_2529 = arith.constant 127 : i32
      %and3A_2530 = arith.andi %squeeze3A_2509, %and3A_2529 : i32
      %broadcast_in_dim3A_2531 = vector.broadcast %and3A_2530 : i32 to vector<16xi32>
      %broadcast_in_dim3A_2532 = vector.broadcast %add3A_2513 : i32 to vector<16xi32>
      %add3A_2533 = arith.constant 0 : i32
      %add3A_2534 = vector.broadcast %add3A_2533 : i32 to vector<16xi32>
      %add3A_2535 = arith.addi %iota3A, %add3A_2534 : vector<16xi32>
      %gather3A_2536 = arith.constant 7 : i32
      %gather3A_2537 = arith.constant 0 : i32
      %gather3A_2538 = arith.constant 0 : i32
      %gather3A_2539 = tpu.memref_slice %arg6[%gather3A_2536, %gather3A_2537, %gather3A_2538] : memref<8x64x128xf32, #tpu.memory_space<vmem>> -> memref<1x64x128xf32, #tpu.memory_space<vmem>>
      %gather3A_2540 = tpu.memref_squeeze %gather3A_2539 : memref<1x64x128xf32, #tpu.memory_space<vmem>> -> memref<64x128xf32, #tpu.memory_space<vmem>>
      %gather3A_2541 = tpu.vector_load_idx %gather3A_2540[%add3A_2535, %broadcast_in_dim3A_2531] : memref<64x128xf32, #tpu.memory_space<vmem>>[vector<16xi32>, vector<16xi32>], vector<16xf32>,
      tpu.vector_store_idx %arg7[%add3A_2535, %broadcast_in_dim3A_2532], %gather3A_2541 : memref<64x512xf32, #tpu.memory_space<vmem>>[vector<16xi32>, vector<16xi32>], vector<16xf32>,
      %add3A_2542 = arith.constant 16 : i32
      %add3A_2543 = vector.broadcast %add3A_2542 : i32 to vector<16xi32>
      %add3A_2544 = arith.addi %iota3A, %add3A_2543 : vector<16xi32>
      %gather3A_2545 = arith.constant 7 : i32
      %gather3A_2546 = arith.constant 0 : i32
      %gather3A_2547 = arith.constant 0 : i32
      %gather3A_2548 = tpu.memref_slice %arg6[%gather3A_2545, %gather3A_2546, %gather3A_2547] : memref<8x64x128xf32, #tpu.memory_space<vmem>> -> memref<1x64x128xf32, #tpu.memory_space<vmem>>
      %gather3A_2549 = tpu.memref_squeeze %gather3A_2548 : memref<1x64x128xf32, #tpu.memory_space<vmem>> -> memref<64x128xf32, #tpu.memory_space<vmem>>
      %gather3A_2550 = tpu.vector_load_idx %gather3A_2549[%add3A_2544, %broadcast_in_dim3A_2531] : memref<64x128xf32, #tpu.memory_space<vmem>>[vector<16xi32>, vector<16xi32>], vector<16xf32>,
      tpu.vector_store_idx %arg7[%add3A_2544, %broadcast_in_dim3A_2532], %gather3A_2550 : memref<64x512xf32, #tpu.memory_space<vmem>>[vector<16xi32>, vector<16xi32>], vector<16xf32>,
      %add3A_2551 = arith.constant 32 : i32
      %add3A_2552 = vector.broadcast %add3A_2551 : i32 to vector<16xi32>
      %add3A_2553 = arith.addi %iota3A, %add3A_2552 : vector<16xi32>
      %gather3A_2554 = arith.constant 7 : i32
      %gather3A_2555 = arith.constant 0 : i32
      %gather3A_2556 = arith.constant 0 : i32
      %gather3A_2557 = tpu.memref_slice %arg6[%gather3A_2554, %gather3A_2555, %gather3A_2556] : memref<8x64x128xf32, #tpu.memory_space<vmem>> -> memref<1x64x128xf32, #tpu.memory_space<vmem>>
      %gather3A_2558 = tpu.memref_squeeze %gather3A_2557 : memref<1x64x128xf32, #tpu.memory_space<vmem>> -> memref<64x128xf32, #tpu.memory_space<vmem>>
      %gather3A_2559 = tpu.vector_load_idx %gather3A_2558[%add3A_2553, %broadcast_in_dim3A_2531] : memref<64x128xf32, #tpu.memory_space<vmem>>[vector<16xi32>, vector<16xi32>], vector<16xf32>,
      tpu.vector_store_idx %arg7[%add3A_2553, %broadcast_in_dim3A_2532], %gather3A_2559 : memref<64x512xf32, #tpu.memory_space<vmem>>[vector<16xi32>, vector<16xi32>], vector<16xf32>,
      %add3A_2560 = arith.constant 48 : i32
      %add3A_2561 = vector.broadcast %add3A_2560 : i32 to vector<16xi32>
      %add3A_2562 = arith.addi %iota3A, %add3A_2561 : vector<16xi32>
      %gather3A_2563 = arith.constant 7 : i32
      %gather3A_2564 = arith.constant 0 : i32
      %gather3A_2565 = arith.constant 0 : i32
      %gather3A_2566 = tpu.memref_slice %arg6[%gather3A_2563, %gather3A_2564, %gather3A_2565] : memref<8x64x128xf32, #tpu.memory_space<vmem>> -> memref<1x64x128xf32, #tpu.memory_space<vmem>>
      %gather3A_2567 = tpu.memref_squeeze %gather3A_2566 : memref<1x64x128xf32, #tpu.memory_space<vmem>> -> memref<64x128xf32, #tpu.memory_space<vmem>>
      %gather3A_2568 = tpu.vector_load_idx %gather3A_2567[%add3A_2562, %broadcast_in_dim3A_2531] : memref<64x128xf32, #tpu.memory_space<vmem>>[vector<16xi32>, vector<16xi32>], vector<16xf32>,
      tpu.vector_store_idx %arg7[%add3A_2562, %broadcast_in_dim3A_2532], %gather3A_2568 : memref<64x512xf32, #tpu.memory_space<vmem>>[vector<16xi32>, vector<16xi32>], vector<16xf32>,
      %slice3A_2569 = vector.extract_strided_slice %get3A_1261 {offsets = [15], sizes = [1], strides = [1]} : vector<16xi32> to vector<1xi32>
      %squeeze3A_2570 = vector.extract %slice3A_2569[0] : i32 from vector<1xi32>
      %shift_right_logical3A_2571 = arith.constant 7 : i32
      %shift_right_logical3A_2572 = arith.shrui %squeeze3A_2570, %shift_right_logical3A_2571 : i32
      %shift_left3A_2573 = arith.constant 7 : i32
      %shift_left3A_2574 = arith.shli %shift_right_logical3A_2572, %shift_left3A_2573 : i32
      %multiple_of3A_2575 = tpu.assume_multiple %shift_left3A_2574, 128 : i32
      %dma_start3A_2576 = arith.constant 7 : i32
      %dma_start3A_2577 = arith.constant 0 : i32
      %dma_start3A_2578 = arith.constant 0 : i32
      %dma_start3A_2579 = tpu.memref_slice %arg6[%dma_start3A_2576, %dma_start3A_2577, %dma_start3A_2578] : memref<8x64x128xf32, #tpu.memory_space<vmem>> -> memref<1x64x128xf32, #tpu.memory_space<vmem>>
      %dma_start3A_2580 = tpu.memref_squeeze %dma_start3A_2579 : memref<1x64x128xf32, #tpu.memory_space<vmem>> -> memref<64x128xf32, #tpu.memory_space<vmem>>
      %dma_start3A_2581 = arith.constant 0 : i32
      %dma_start3A_2582 = tpu.memref_slice %arg3[%dma_start3A_2581, %multiple_of3A_2575] : memref<64x1000000xf32, #tpu.memory_space<hbm>> -> memref<64x128xf32, #tpu.memory_space<hbm>>
      %dma_start3A_2583 = arith.constant 0 : i32
      %dma_start3A_2584 = arith.constant 0 : i32
      %dma_start3A_2585 = tpu.memref_slice %arg6[%dma_start3A_2576, %dma_start3A_2583, %dma_start3A_2584] : memref<8x64x128xf32, #tpu.memory_space<vmem>> -> memref<1x64x128xf32, #tpu.memory_space<vmem>>
      %dma_start3A_2586 = tpu.memref_squeeze %dma_start3A_2585 : memref<1x64x128xf32, #tpu.memory_space<vmem>> -> memref<64x128xf32, #tpu.memory_space<vmem>>
      %dma_start3A_2587 = arith.constant 0 : i32
      %dma_start3A_2588 = tpu.memref_slice %arg3[%dma_start3A_2587, %multiple_of3A_2575] : memref<64x1000000xf32, #tpu.memory_space<hbm>> -> memref<64x128xf32, #tpu.memory_space<hbm>>
      tpu.enqueue_dma source(%dma_start3A_2588 : memref<64x128xf32, #tpu.memory_space<hbm>>) target(%dma_start3A_2586 : memref<64x128xf32, #tpu.memory_space<vmem>>) target_semaphore(%arg9 : memref<!tpu.dma_semaphore, #tpu.memory_space<semaphore_mem>>)
      scf.yield %get3A_1261 : vector<16xi32>
    }
    %scan3A_783 = arith.constant 31 : i32
    %slice3A_784 = vector.extract_strided_slice %scan3A_782 {offsets = [8], sizes = [1], strides = [1]} : vector<16xi32> to vector<1xi32>
    %squeeze3A_785 = vector.extract %slice3A_784[0] : i32 from vector<1xi32>
    %dma_wait3A_786 = arith.constant 0 : i32
    %dma_wait3A_787 = arith.constant 0 : i32
    %dma_wait3A_788 = arith.constant 0 : i32
    %dma_wait3A_789 = tpu.memref_slice %arg6[%dma_wait3A_786, %dma_wait3A_787, %dma_wait3A_788] : memref<8x64x128xf32, #tpu.memory_space<vmem>> -> memref<1x64x128xf32, #tpu.memory_space<vmem>>
    %dma_wait3A_790 = tpu.memref_squeeze %dma_wait3A_789 : memref<1x64x128xf32, #tpu.memory_space<vmem>> -> memref<64x128xf32, #tpu.memory_space<vmem>>
    %dma_wait3A_791 = arith.constant 0 : i32
    %dma_wait3A_792 = arith.constant 0 : i32
    %dma_wait3A_793 = tpu.memref_slice %arg3[%dma_wait3A_791, %dma_wait3A_792] : memref<64x1000000xf32, #tpu.memory_space<hbm>> -> memref<64x128xf32, #tpu.memory_space<hbm>>
    %dma_wait3A_794 = arith.constant 0 : i32
    %dma_wait3A_795 = arith.constant 0 : i32
    %dma_wait3A_796 = tpu.memref_slice %arg6[%dma_wait3A_786, %dma_wait3A_794, %dma_wait3A_795] : memref<8x64x128xf32, #tpu.memory_space<vmem>> -> memref<1x64x128xf32, #tpu.memory_space<vmem>>
    %dma_wait3A_797 = tpu.memref_squeeze %dma_wait3A_796 : memref<1x64x128xf32, #tpu.memory_space<vmem>> -> memref<64x128xf32, #tpu.memory_space<vmem>>
    %dma_wait3A_798 = arith.constant 0 : i32
    %dma_wait3A_799 = arith.constant 0 : i32
    %dma_wait3A_800 = tpu.memref_slice %arg3[%dma_wait3A_798, %dma_wait3A_799] : memref<64x1000000xf32, #tpu.memory_space<hbm>> -> memref<64x128xf32, #tpu.memory_space<hbm>>
    tpu.wait_dma2 semaphore(%arg9 : memref<!tpu.dma_semaphore, #tpu.memory_space<semaphore_mem>>) src(%dma_wait3A_800 : memref<64x128xf32, #tpu.memory_space<hbm>>) dst(%dma_wait3A_797 : memref<64x128xf32, #tpu.memory_space<vmem>>)
    %and3A_801 = arith.constant 127 : i32
    %and3A_802 = arith.andi %squeeze3A_785, %and3A_801 : i32
    %broadcast_in_dim3A_803 = vector.broadcast %and3A_802 : i32 to vector<16xi32>
    %broadcast_in_dim3A_804 = arith.constant 504 : i32
    %broadcast_in_dim3A_805 = vector.broadcast %broadcast_in_dim3A_804 : i32 to vector<16xi32>
    %add3A_806 = arith.constant 0 : i32
    %add3A_807 = vector.broadcast %add3A_806 : i32 to vector<16xi32>
    %add3A_808 = arith.addi %iota3A, %add3A_807 : vector<16xi32>
    %gather3A_809 = arith.constant 0 : i32
    %gather3A_810 = arith.constant 0 : i32
    %gather3A_811 = arith.constant 0 : i32
    %gather3A_812 = tpu.memref_slice %arg6[%gather3A_809, %gather3A_810, %gather3A_811] : memref<8x64x128xf32, #tpu.memory_space<vmem>> -> memref<1x64x128xf32, #tpu.memory_space<vmem>>
    %gather3A_813 = tpu.memref_squeeze %gather3A_812 : memref<1x64x128xf32, #tpu.memory_space<vmem>> -> memref<64x128xf32, #tpu.memory_space<vmem>>
    %gather3A_814 = tpu.vector_load_idx %gather3A_813[%add3A_808, %broadcast_in_dim3A_803] : memref<64x128xf32, #tpu.memory_space<vmem>>[vector<16xi32>, vector<16xi32>], vector<16xf32>,
    tpu.vector_store_idx %arg7[%add3A_808, %broadcast_in_dim3A_805], %gather3A_814 : memref<64x512xf32, #tpu.memory_space<vmem>>[vector<16xi32>, vector<16xi32>], vector<16xf32>,
    %add3A_815 = arith.constant 16 : i32
    %add3A_816 = vector.broadcast %add3A_815 : i32 to vector<16xi32>
    %add3A_817 = arith.addi %iota3A, %add3A_816 : vector<16xi32>
    %gather3A_818 = arith.constant 0 : i32
    %gather3A_819 = arith.constant 0 : i32
    %gather3A_820 = arith.constant 0 : i32
    %gather3A_821 = tpu.memref_slice %arg6[%gather3A_818, %gather3A_819, %gather3A_820] : memref<8x64x128xf32, #tpu.memory_space<vmem>> -> memref<1x64x128xf32, #tpu.memory_space<vmem>>
    %gather3A_822 = tpu.memref_squeeze %gather3A_821 : memref<1x64x128xf32, #tpu.memory_space<vmem>> -> memref<64x128xf32, #tpu.memory_space<vmem>>
    %gather3A_823 = tpu.vector_load_idx %gather3A_822[%add3A_817, %broadcast_in_dim3A_803] : memref<64x128xf32, #tpu.memory_space<vmem>>[vector<16xi32>, vector<16xi32>], vector<16xf32>,
    tpu.vector_store_idx %arg7[%add3A_817, %broadcast_in_dim3A_805], %gather3A_823 : memref<64x512xf32, #tpu.memory_space<vmem>>[vector<16xi32>, vector<16xi32>], vector<16xf32>,
    %add3A_824 = arith.constant 32 : i32
    %add3A_825 = vector.broadcast %add3A_824 : i32 to vector<16xi32>
    %add3A_826 = arith.addi %iota3A, %add3A_825 : vector<16xi32>
    %gather3A_827 = arith.constant 0 : i32
    %gather3A_828 = arith.constant 0 : i32
    %gather3A_829 = arith.constant 0 : i32
    %gather3A_830 = tpu.memref_slice %arg6[%gather3A_827, %gather3A_828, %gather3A_829] : memref<8x64x128xf32, #tpu.memory_space<vmem>> -> memref<1x64x128xf32, #tpu.memory_space<vmem>>
    %gather3A_831 = tpu.memref_squeeze %gather3A_830 : memref<1x64x128xf32, #tpu.memory_space<vmem>> -> memref<64x128xf32, #tpu.memory_space<vmem>>
    %gather3A_832 = tpu.vector_load_idx %gather3A_831[%add3A_826, %broadcast_in_dim3A_803] : memref<64x128xf32, #tpu.memory_space<vmem>>[vector<16xi32>, vector<16xi32>], vector<16xf32>,
    tpu.vector_store_idx %arg7[%add3A_826, %broadcast_in_dim3A_805], %gather3A_832 : memref<64x512xf32, #tpu.memory_space<vmem>>[vector<16xi32>, vector<16xi32>], vector<16xf32>,
    %add3A_833 = arith.constant 48 : i32
    %add3A_834 = vector.broadcast %add3A_833 : i32 to vector<16xi32>
    %add3A_835 = arith.addi %iota3A, %add3A_834 : vector<16xi32>
    %gather3A_836 = arith.constant 0 : i32
    %gather3A_837 = arith.constant 0 : i32
    %gather3A_838 = arith.constant 0 : i32
    %gather3A_839 = tpu.memref_slice %arg6[%gather3A_836, %gather3A_837, %gather3A_838] : memref<8x64x128xf32, #tpu.memory_space<vmem>> -> memref<1x64x128xf32, #tpu.memory_space<vmem>>
    %gather3A_840 = tpu.memref_squeeze %gather3A_839 : memref<1x64x128xf32, #tpu.memory_space<vmem>> -> memref<64x128xf32, #tpu.memory_space<vmem>>
    %gather3A_841 = tpu.vector_load_idx %gather3A_840[%add3A_835, %broadcast_in_dim3A_803] : memref<64x128xf32, #tpu.memory_space<vmem>>[vector<16xi32>, vector<16xi32>], vector<16xf32>,
    tpu.vector_store_idx %arg7[%add3A_835, %broadcast_in_dim3A_805], %gather3A_841 : memref<64x512xf32, #tpu.memory_space<vmem>>[vector<16xi32>, vector<16xi32>], vector<16xf32>,
    %slice3A_842 = vector.extract_strided_slice %scan3A_782 {offsets = [9], sizes = [1], strides = [1]} : vector<16xi32> to vector<1xi32>
    %squeeze3A_843 = vector.extract %slice3A_842[0] : i32 from vector<1xi32>
    %dma_wait3A_844 = arith.constant 1 : i32
    %dma_wait3A_845 = arith.constant 0 : i32
    %dma_wait3A_846 = arith.constant 0 : i32
    %dma_wait3A_847 = tpu.memref_slice %arg6[%dma_wait3A_844, %dma_wait3A_845, %dma_wait3A_846] : memref<8x64x128xf32, #tpu.memory_space<vmem>> -> memref<1x64x128xf32, #tpu.memory_space<vmem>>
    %dma_wait3A_848 = tpu.memref_squeeze %dma_wait3A_847 : memref<1x64x128xf32, #tpu.memory_space<vmem>> -> memref<64x128xf32, #tpu.memory_space<vmem>>
    %dma_wait3A_849 = arith.constant 0 : i32
    %dma_wait3A_850 = arith.constant 0 : i32
    %dma_wait3A_851 = tpu.memref_slice %arg3[%dma_wait3A_849, %dma_wait3A_850] : memref<64x1000000xf32, #tpu.memory_space<hbm>> -> memref<64x128xf32, #tpu.memory_space<hbm>>
    %dma_wait3A_852 = arith.constant 0 : i32
    %dma_wait3A_853 = arith.constant 0 : i32
    %dma_wait3A_854 = tpu.memref_slice %arg6[%dma_wait3A_844, %dma_wait3A_852, %dma_wait3A_853] : memref<8x64x128xf32, #tpu.memory_space<vmem>> -> memref<1x64x128xf32, #tpu.memory_space<vmem>>
    %dma_wait3A_855 = tpu.memref_squeeze %dma_wait3A_854 : memref<1x64x128xf32, #tpu.memory_space<vmem>> -> memref<64x128xf32, #tpu.memory_space<vmem>>
    %dma_wait3A_856 = arith.constant 0 : i32
    %dma_wait3A_857 = arith.constant 0 : i32
    %dma_wait3A_858 = tpu.memref_slice %arg3[%dma_wait3A_856, %dma_wait3A_857] : memref<64x1000000xf32, #tpu.memory_space<hbm>> -> memref<64x128xf32, #tpu.memory_space<hbm>>
    tpu.wait_dma2 semaphore(%arg9 : memref<!tpu.dma_semaphore, #tpu.memory_space<semaphore_mem>>) src(%dma_wait3A_858 : memref<64x128xf32, #tpu.memory_space<hbm>>) dst(%dma_wait3A_855 : memref<64x128xf32, #tpu.memory_space<vmem>>)
    %and3A_859 = arith.constant 127 : i32
    %and3A_860 = arith.andi %squeeze3A_843, %and3A_859 : i32
    %broadcast_in_dim3A_861 = vector.broadcast %and3A_860 : i32 to vector<16xi32>
    %broadcast_in_dim3A_862 = arith.constant 505 : i32
    %broadcast_in_dim3A_863 = vector.broadcast %broadcast_in_dim3A_862 : i32 to vector<16xi32>
    %add3A_864 = arith.constant 0 : i32
    %add3A_865 = vector.broadcast %add3A_864 : i32 to vector<16xi32>
    %add3A_866 = arith.addi %iota3A, %add3A_865 : vector<16xi32>
    %gather3A_867 = arith.constant 1 : i32
    %gather3A_868 = arith.constant 0 : i32
    %gather3A_869 = arith.constant 0 : i32
    %gather3A_870 = tpu.memref_slice %arg6[%gather3A_867, %gather3A_868, %gather3A_869] : memref<8x64x128xf32, #tpu.memory_space<vmem>> -> memref<1x64x128xf32, #tpu.memory_space<vmem>>
    %gather3A_871 = tpu.memref_squeeze %gather3A_870 : memref<1x64x128xf32, #tpu.memory_space<vmem>> -> memref<64x128xf32, #tpu.memory_space<vmem>>
    %gather3A_872 = tpu.vector_load_idx %gather3A_871[%add3A_866, %broadcast_in_dim3A_861] : memref<64x128xf32, #tpu.memory_space<vmem>>[vector<16xi32>, vector<16xi32>], vector<16xf32>,
    tpu.vector_store_idx %arg7[%add3A_866, %broadcast_in_dim3A_863], %gather3A_872 : memref<64x512xf32, #tpu.memory_space<vmem>>[vector<16xi32>, vector<16xi32>], vector<16xf32>,
    %add3A_873 = arith.constant 16 : i32
    %add3A_874 = vector.broadcast %add3A_873 : i32 to vector<16xi32>
    %add3A_875 = arith.addi %iota3A, %add3A_874 : vector<16xi32>
    %gather3A_876 = arith.constant 1 : i32
    %gather3A_877 = arith.constant 0 : i32
    %gather3A_878 = arith.constant 0 : i32
    %gather3A_879 = tpu.memref_slice %arg6[%gather3A_876, %gather3A_877, %gather3A_878] : memref<8x64x128xf32, #tpu.memory_space<vmem>> -> memref<1x64x128xf32, #tpu.memory_space<vmem>>
    %gather3A_880 = tpu.memref_squeeze %gather3A_879 : memref<1x64x128xf32, #tpu.memory_space<vmem>> -> memref<64x128xf32, #tpu.memory_space<vmem>>
    %gather3A_881 = tpu.vector_load_idx %gather3A_880[%add3A_875, %broadcast_in_dim3A_861] : memref<64x128xf32, #tpu.memory_space<vmem>>[vector<16xi32>, vector<16xi32>], vector<16xf32>,
    tpu.vector_store_idx %arg7[%add3A_875, %broadcast_in_dim3A_863], %gather3A_881 : memref<64x512xf32, #tpu.memory_space<vmem>>[vector<16xi32>, vector<16xi32>], vector<16xf32>,
    %add3A_882 = arith.constant 32 : i32
    %add3A_883 = vector.broadcast %add3A_882 : i32 to vector<16xi32>
    %add3A_884 = arith.addi %iota3A, %add3A_883 : vector<16xi32>
    %gather3A_885 = arith.constant 1 : i32
    %gather3A_886 = arith.constant 0 : i32
    %gather3A_887 = arith.constant 0 : i32
    %gather3A_888 = tpu.memref_slice %arg6[%gather3A_885, %gather3A_886, %gather3A_887] : memref<8x64x128xf32, #tpu.memory_space<vmem>> -> memref<1x64x128xf32, #tpu.memory_space<vmem>>
    %gather3A_889 = tpu.memref_squeeze %gather3A_888 : memref<1x64x128xf32, #tpu.memory_space<vmem>> -> memref<64x128xf32, #tpu.memory_space<vmem>>
    %gather3A_890 = tpu.vector_load_idx %gather3A_889[%add3A_884, %broadcast_in_dim3A_861] : memref<64x128xf32, #tpu.memory_space<vmem>>[vector<16xi32>, vector<16xi32>], vector<16xf32>,
    tpu.vector_store_idx %arg7[%add3A_884, %broadcast_in_dim3A_863], %gather3A_890 : memref<64x512xf32, #tpu.memory_space<vmem>>[vector<16xi32>, vector<16xi32>], vector<16xf32>,
    %add3A_891 = arith.constant 48 : i32
    %add3A_892 = vector.broadcast %add3A_891 : i32 to vector<16xi32>
    %add3A_893 = arith.addi %iota3A, %add3A_892 : vector<16xi32>
    %gather3A_894 = arith.constant 1 : i32
    %gather3A_895 = arith.constant 0 : i32
    %gather3A_896 = arith.constant 0 : i32
    %gather3A_897 = tpu.memref_slice %arg6[%gather3A_894, %gather3A_895, %gather3A_896] : memref<8x64x128xf32, #tpu.memory_space<vmem>> -> memref<1x64x128xf32, #tpu.memory_space<vmem>>
    %gather3A_898 = tpu.memref_squeeze %gather3A_897 : memref<1x64x128xf32, #tpu.memory_space<vmem>> -> memref<64x128xf32, #tpu.memory_space<vmem>>
    %gather3A_899 = tpu.vector_load_idx %gather3A_898[%add3A_893, %broadcast_in_dim3A_861] : memref<64x128xf32, #tpu.memory_space<vmem>>[vector<16xi32>, vector<16xi32>], vector<16xf32>,
    tpu.vector_store_idx %arg7[%add3A_893, %broadcast_in_dim3A_863], %gather3A_899 : memref<64x512xf32, #tpu.memory_space<vmem>>[vector<16xi32>, vector<16xi32>], vector<16xf32>,
    %slice3A_900 = vector.extract_strided_slice %scan3A_782 {offsets = [10], sizes = [1], strides = [1]} : vector<16xi32> to vector<1xi32>
    %squeeze3A_901 = vector.extract %slice3A_900[0] : i32 from vector<1xi32>
    %dma_wait3A_902 = arith.constant 2 : i32
    %dma_wait3A_903 = arith.constant 0 : i32
    %dma_wait3A_904 = arith.constant 0 : i32
    %dma_wait3A_905 = tpu.memref_slice %arg6[%dma_wait3A_902, %dma_wait3A_903, %dma_wait3A_904] : memref<8x64x128xf32, #tpu.memory_space<vmem>> -> memref<1x64x128xf32, #tpu.memory_space<vmem>>
    %dma_wait3A_906 = tpu.memref_squeeze %dma_wait3A_905 : memref<1x64x128xf32, #tpu.memory_space<vmem>> -> memref<64x128xf32, #tpu.memory_space<vmem>>
    %dma_wait3A_907 = arith.constant 0 : i32
    %dma_wait3A_908 = arith.constant 0 : i32
    %dma_wait3A_909 = tpu.memref_slice %arg3[%dma_wait3A_907, %dma_wait3A_908] : memref<64x1000000xf32, #tpu.memory_space<hbm>> -> memref<64x128xf32, #tpu.memory_space<hbm>>
    %dma_wait3A_910 = arith.constant 0 : i32
    %dma_wait3A_911 = arith.constant 0 : i32
    %dma_wait3A_912 = tpu.memref_slice %arg6[%dma_wait3A_902, %dma_wait3A_910, %dma_wait3A_911] : memref<8x64x128xf32, #tpu.memory_space<vmem>> -> memref<1x64x128xf32, #tpu.memory_space<vmem>>
    %dma_wait3A_913 = tpu.memref_squeeze %dma_wait3A_912 : memref<1x64x128xf32, #tpu.memory_space<vmem>> -> memref<64x128xf32, #tpu.memory_space<vmem>>
    %dma_wait3A_914 = arith.constant 0 : i32
    %dma_wait3A_915 = arith.constant 0 : i32
    %dma_wait3A_916 = tpu.memref_slice %arg3[%dma_wait3A_914, %dma_wait3A_915] : memref<64x1000000xf32, #tpu.memory_space<hbm>> -> memref<64x128xf32, #tpu.memory_space<hbm>>
    tpu.wait_dma2 semaphore(%arg9 : memref<!tpu.dma_semaphore, #tpu.memory_space<semaphore_mem>>) src(%dma_wait3A_916 : memref<64x128xf32, #tpu.memory_space<hbm>>) dst(%dma_wait3A_913 : memref<64x128xf32, #tpu.memory_space<vmem>>)
    %and3A_917 = arith.constant 127 : i32
    %and3A_918 = arith.andi %squeeze3A_901, %and3A_917 : i32
    %broadcast_in_dim3A_919 = vector.broadcast %and3A_918 : i32 to vector<16xi32>
    %broadcast_in_dim3A_920 = arith.constant 506 : i32
    %broadcast_in_dim3A_921 = vector.broadcast %broadcast_in_dim3A_920 : i32 to vector<16xi32>
    %add3A_922 = arith.constant 0 : i32
    %add3A_923 = vector.broadcast %add3A_922 : i32 to vector<16xi32>
    %add3A_924 = arith.addi %iota3A, %add3A_923 : vector<16xi32>
    %gather3A_925 = arith.constant 2 : i32
    %gather3A_926 = arith.constant 0 : i32
    %gather3A_927 = arith.constant 0 : i32
    %gather3A_928 = tpu.memref_slice %arg6[%gather3A_925, %gather3A_926, %gather3A_927] : memref<8x64x128xf32, #tpu.memory_space<vmem>> -> memref<1x64x128xf32, #tpu.memory_space<vmem>>
    %gather3A_929 = tpu.memref_squeeze %gather3A_928 : memref<1x64x128xf32, #tpu.memory_space<vmem>> -> memref<64x128xf32, #tpu.memory_space<vmem>>
    %gather3A_930 = tpu.vector_load_idx %gather3A_929[%add3A_924, %broadcast_in_dim3A_919] : memref<64x128xf32, #tpu.memory_space<vmem>>[vector<16xi32>, vector<16xi32>], vector<16xf32>,
    tpu.vector_store_idx %arg7[%add3A_924, %broadcast_in_dim3A_921], %gather3A_930 : memref<64x512xf32, #tpu.memory_space<vmem>>[vector<16xi32>, vector<16xi32>], vector<16xf32>,
    %add3A_931 = arith.constant 16 : i32
    %add3A_932 = vector.broadcast %add3A_931 : i32 to vector<16xi32>
    %add3A_933 = arith.addi %iota3A, %add3A_932 : vector<16xi32>
    %gather3A_934 = arith.constant 2 : i32
    %gather3A_935 = arith.constant 0 : i32
    %gather3A_936 = arith.constant 0 : i32
    %gather3A_937 = tpu.memref_slice %arg6[%gather3A_934, %gather3A_935, %gather3A_936] : memref<8x64x128xf32, #tpu.memory_space<vmem>> -> memref<1x64x128xf32, #tpu.memory_space<vmem>>
    %gather3A_938 = tpu.memref_squeeze %gather3A_937 : memref<1x64x128xf32, #tpu.memory_space<vmem>> -> memref<64x128xf32, #tpu.memory_space<vmem>>
    %gather3A_939 = tpu.vector_load_idx %gather3A_938[%add3A_933, %broadcast_in_dim3A_919] : memref<64x128xf32, #tpu.memory_space<vmem>>[vector<16xi32>, vector<16xi32>], vector<16xf32>,
    tpu.vector_store_idx %arg7[%add3A_933, %broadcast_in_dim3A_921], %gather3A_939 : memref<64x512xf32, #tpu.memory_space<vmem>>[vector<16xi32>, vector<16xi32>], vector<16xf32>,
    %add3A_940 = arith.constant 32 : i32
    %add3A_941 = vector.broadcast %add3A_940 : i32 to vector<16xi32>
    %add3A_942 = arith.addi %iota3A, %add3A_941 : vector<16xi32>
    %gather3A_943 = arith.constant 2 : i32
    %gather3A_944 = arith.constant 0 : i32
    %gather3A_945 = arith.constant 0 : i32
    %gather3A_946 = tpu.memref_slice %arg6[%gather3A_943, %gather3A_944, %gather3A_945] : memref<8x64x128xf32, #tpu.memory_space<vmem>> -> memref<1x64x128xf32, #tpu.memory_space<vmem>>
    %gather3A_947 = tpu.memref_squeeze %gather3A_946 : memref<1x64x128xf32, #tpu.memory_space<vmem>> -> memref<64x128xf32, #tpu.memory_space<vmem>>
    %gather3A_948 = tpu.vector_load_idx %gather3A_947[%add3A_942, %broadcast_in_dim3A_919] : memref<64x128xf32, #tpu.memory_space<vmem>>[vector<16xi32>, vector<16xi32>], vector<16xf32>,
    tpu.vector_store_idx %arg7[%add3A_942, %broadcast_in_dim3A_921], %gather3A_948 : memref<64x512xf32, #tpu.memory_space<vmem>>[vector<16xi32>, vector<16xi32>], vector<16xf32>,
    %add3A_949 = arith.constant 48 : i32
    %add3A_950 = vector.broadcast %add3A_949 : i32 to vector<16xi32>
    %add3A_951 = arith.addi %iota3A, %add3A_950 : vector<16xi32>
    %gather3A_952 = arith.constant 2 : i32
    %gather3A_953 = arith.constant 0 : i32
    %gather3A_954 = arith.constant 0 : i32
    %gather3A_955 = tpu.memref_slice %arg6[%gather3A_952, %gather3A_953, %gather3A_954] : memref<8x64x128xf32, #tpu.memory_space<vmem>> -> memref<1x64x128xf32, #tpu.memory_space<vmem>>
    %gather3A_956 = tpu.memref_squeeze %gather3A_955 : memref<1x64x128xf32, #tpu.memory_space<vmem>> -> memref<64x128xf32, #tpu.memory_space<vmem>>
    %gather3A_957 = tpu.vector_load_idx %gather3A_956[%add3A_951, %broadcast_in_dim3A_919] : memref<64x128xf32, #tpu.memory_space<vmem>>[vector<16xi32>, vector<16xi32>], vector<16xf32>,
    tpu.vector_store_idx %arg7[%add3A_951, %broadcast_in_dim3A_921], %gather3A_957 : memref<64x512xf32, #tpu.memory_space<vmem>>[vector<16xi32>, vector<16xi32>], vector<16xf32>,
    %slice3A_958 = vector.extract_strided_slice %scan3A_782 {offsets = [11], sizes = [1], strides = [1]} : vector<16xi32> to vector<1xi32>
    %squeeze3A_959 = vector.extract %slice3A_958[0] : i32 from vector<1xi32>
    %dma_wait3A_960 = arith.constant 3 : i32
    %dma_wait3A_961 = arith.constant 0 : i32
    %dma_wait3A_962 = arith.constant 0 : i32
    %dma_wait3A_963 = tpu.memref_slice %arg6[%dma_wait3A_960, %dma_wait3A_961, %dma_wait3A_962] : memref<8x64x128xf32, #tpu.memory_space<vmem>> -> memref<1x64x128xf32, #tpu.memory_space<vmem>>
    %dma_wait3A_964 = tpu.memref_squeeze %dma_wait3A_963 : memref<1x64x128xf32, #tpu.memory_space<vmem>> -> memref<64x128xf32, #tpu.memory_space<vmem>>
    %dma_wait3A_965 = arith.constant 0 : i32
    %dma_wait3A_966 = arith.constant 0 : i32
    %dma_wait3A_967 = tpu.memref_slice %arg3[%dma_wait3A_965, %dma_wait3A_966] : memref<64x1000000xf32, #tpu.memory_space<hbm>> -> memref<64x128xf32, #tpu.memory_space<hbm>>
    %dma_wait3A_968 = arith.constant 0 : i32
    %dma_wait3A_969 = arith.constant 0 : i32
    %dma_wait3A_970 = tpu.memref_slice %arg6[%dma_wait3A_960, %dma_wait3A_968, %dma_wait3A_969] : memref<8x64x128xf32, #tpu.memory_space<vmem>> -> memref<1x64x128xf32, #tpu.memory_space<vmem>>
    %dma_wait3A_971 = tpu.memref_squeeze %dma_wait3A_970 : memref<1x64x128xf32, #tpu.memory_space<vmem>> -> memref<64x128xf32, #tpu.memory_space<vmem>>
    %dma_wait3A_972 = arith.constant 0 : i32
    %dma_wait3A_973 = arith.constant 0 : i32
    %dma_wait3A_974 = tpu.memref_slice %arg3[%dma_wait3A_972, %dma_wait3A_973] : memref<64x1000000xf32, #tpu.memory_space<hbm>> -> memref<64x128xf32, #tpu.memory_space<hbm>>
    tpu.wait_dma2 semaphore(%arg9 : memref<!tpu.dma_semaphore, #tpu.memory_space<semaphore_mem>>) src(%dma_wait3A_974 : memref<64x128xf32, #tpu.memory_space<hbm>>) dst(%dma_wait3A_971 : memref<64x128xf32, #tpu.memory_space<vmem>>)
    %and3A_975 = arith.constant 127 : i32
    %and3A_976 = arith.andi %squeeze3A_959, %and3A_975 : i32
    %broadcast_in_dim3A_977 = vector.broadcast %and3A_976 : i32 to vector<16xi32>
    %broadcast_in_dim3A_978 = arith.constant 507 : i32
    %broadcast_in_dim3A_979 = vector.broadcast %broadcast_in_dim3A_978 : i32 to vector<16xi32>
    %add3A_980 = arith.constant 0 : i32
    %add3A_981 = vector.broadcast %add3A_980 : i32 to vector<16xi32>
    %add3A_982 = arith.addi %iota3A, %add3A_981 : vector<16xi32>
    %gather3A_983 = arith.constant 3 : i32
    %gather3A_984 = arith.constant 0 : i32
    %gather3A_985 = arith.constant 0 : i32
    %gather3A_986 = tpu.memref_slice %arg6[%gather3A_983, %gather3A_984, %gather3A_985] : memref<8x64x128xf32, #tpu.memory_space<vmem>> -> memref<1x64x128xf32, #tpu.memory_space<vmem>>
    %gather3A_987 = tpu.memref_squeeze %gather3A_986 : memref<1x64x128xf32, #tpu.memory_space<vmem>> -> memref<64x128xf32, #tpu.memory_space<vmem>>
    %gather3A_988 = tpu.vector_load_idx %gather3A_987[%add3A_982, %broadcast_in_dim3A_977] : memref<64x128xf32, #tpu.memory_space<vmem>>[vector<16xi32>, vector<16xi32>], vector<16xf32>,
    tpu.vector_store_idx %arg7[%add3A_982, %broadcast_in_dim3A_979], %gather3A_988 : memref<64x512xf32, #tpu.memory_space<vmem>>[vector<16xi32>, vector<16xi32>], vector<16xf32>,
    %add3A_989 = arith.constant 16 : i32
    %add3A_990 = vector.broadcast %add3A_989 : i32 to vector<16xi32>
    %add3A_991 = arith.addi %iota3A, %add3A_990 : vector<16xi32>
    %gather3A_992 = arith.constant 3 : i32
    %gather3A_993 = arith.constant 0 : i32
    %gather3A_994 = arith.constant 0 : i32
    %gather3A_995 = tpu.memref_slice %arg6[%gather3A_992, %gather3A_993, %gather3A_994] : memref<8x64x128xf32, #tpu.memory_space<vmem>> -> memref<1x64x128xf32, #tpu.memory_space<vmem>>
    %gather3A_996 = tpu.memref_squeeze %gather3A_995 : memref<1x64x128xf32, #tpu.memory_space<vmem>> -> memref<64x128xf32, #tpu.memory_space<vmem>>
    %gather3A_997 = tpu.vector_load_idx %gather3A_996[%add3A_991, %broadcast_in_dim3A_977] : memref<64x128xf32, #tpu.memory_space<vmem>>[vector<16xi32>, vector<16xi32>], vector<16xf32>,
    tpu.vector_store_idx %arg7[%add3A_991, %broadcast_in_dim3A_979], %gather3A_997 : memref<64x512xf32, #tpu.memory_space<vmem>>[vector<16xi32>, vector<16xi32>], vector<16xf32>,
    %add3A_998 = arith.constant 32 : i32
    %add3A_999 = vector.broadcast %add3A_998 : i32 to vector<16xi32>
    %add3A_1000 = arith.addi %iota3A, %add3A_999 : vector<16xi32>
    %gather3A_1001 = arith.constant 3 : i32
    %gather3A_1002 = arith.constant 0 : i32
    %gather3A_1003 = arith.constant 0 : i32
    %gather3A_1004 = tpu.memref_slice %arg6[%gather3A_1001, %gather3A_1002, %gather3A_1003] : memref<8x64x128xf32, #tpu.memory_space<vmem>> -> memref<1x64x128xf32, #tpu.memory_space<vmem>>
    %gather3A_1005 = tpu.memref_squeeze %gather3A_1004 : memref<1x64x128xf32, #tpu.memory_space<vmem>> -> memref<64x128xf32, #tpu.memory_space<vmem>>
    %gather3A_1006 = tpu.vector_load_idx %gather3A_1005[%add3A_1000, %broadcast_in_dim3A_977] : memref<64x128xf32, #tpu.memory_space<vmem>>[vector<16xi32>, vector<16xi32>], vector<16xf32>,
    tpu.vector_store_idx %arg7[%add3A_1000, %broadcast_in_dim3A_979], %gather3A_1006 : memref<64x512xf32, #tpu.memory_space<vmem>>[vector<16xi32>, vector<16xi32>], vector<16xf32>,
    %add3A_1007 = arith.constant 48 : i32
    %add3A_1008 = vector.broadcast %add3A_1007 : i32 to vector<16xi32>
    %add3A_1009 = arith.addi %iota3A, %add3A_1008 : vector<16xi32>
    %gather3A_1010 = arith.constant 3 : i32
    %gather3A_1011 = arith.constant 0 : i32
    %gather3A_1012 = arith.constant 0 : i32
    %gather3A_1013 = tpu.memref_slice %arg6[%gather3A_1010, %gather3A_1011, %gather3A_1012] : memref<8x64x128xf32, #tpu.memory_space<vmem>> -> memref<1x64x128xf32, #tpu.memory_space<vmem>>
    %gather3A_1014 = tpu.memref_squeeze %gather3A_1013 : memref<1x64x128xf32, #tpu.memory_space<vmem>> -> memref<64x128xf32, #tpu.memory_space<vmem>>
    %gather3A_1015 = tpu.vector_load_idx %gather3A_1014[%add3A_1009, %broadcast_in_dim3A_977] : memref<64x128xf32, #tpu.memory_space<vmem>>[vector<16xi32>, vector<16xi32>], vector<16xf32>,
    tpu.vector_store_idx %arg7[%add3A_1009, %broadcast_in_dim3A_979], %gather3A_1015 : memref<64x512xf32, #tpu.memory_space<vmem>>[vector<16xi32>, vector<16xi32>], vector<16xf32>,
    %slice3A_1016 = vector.extract_strided_slice %scan3A_782 {offsets = [12], sizes = [1], strides = [1]} : vector<16xi32> to vector<1xi32>
    %squeeze3A_1017 = vector.extract %slice3A_1016[0] : i32 from vector<1xi32>
    %dma_wait3A_1018 = arith.constant 4 : i32
    %dma_wait3A_1019 = arith.constant 0 : i32
    %dma_wait3A_1020 = arith.constant 0 : i32
    %dma_wait3A_1021 = tpu.memref_slice %arg6[%dma_wait3A_1018, %dma_wait3A_1019, %dma_wait3A_1020] : memref<8x64x128xf32, #tpu.memory_space<vmem>> -> memref<1x64x128xf32, #tpu.memory_space<vmem>>
    %dma_wait3A_1022 = tpu.memref_squeeze %dma_wait3A_1021 : memref<1x64x128xf32, #tpu.memory_space<vmem>> -> memref<64x128xf32, #tpu.memory_space<vmem>>
    %dma_wait3A_1023 = arith.constant 0 : i32
    %dma_wait3A_1024 = arith.constant 0 : i32
    %dma_wait3A_1025 = tpu.memref_slice %arg3[%dma_wait3A_1023, %dma_wait3A_1024] : memref<64x1000000xf32, #tpu.memory_space<hbm>> -> memref<64x128xf32, #tpu.memory_space<hbm>>
    %dma_wait3A_1026 = arith.constant 0 : i32
    %dma_wait3A_1027 = arith.constant 0 : i32
    %dma_wait3A_1028 = tpu.memref_slice %arg6[%dma_wait3A_1018, %dma_wait3A_1026, %dma_wait3A_1027] : memref<8x64x128xf32, #tpu.memory_space<vmem>> -> memref<1x64x128xf32, #tpu.memory_space<vmem>>
    %dma_wait3A_1029 = tpu.memref_squeeze %dma_wait3A_1028 : memref<1x64x128xf32, #tpu.memory_space<vmem>> -> memref<64x128xf32, #tpu.memory_space<vmem>>
    %dma_wait3A_1030 = arith.constant 0 : i32
    %dma_wait3A_1031 = arith.constant 0 : i32
    %dma_wait3A_1032 = tpu.memref_slice %arg3[%dma_wait3A_1030, %dma_wait3A_1031] : memref<64x1000000xf32, #tpu.memory_space<hbm>> -> memref<64x128xf32, #tpu.memory_space<hbm>>
    tpu.wait_dma2 semaphore(%arg9 : memref<!tpu.dma_semaphore, #tpu.memory_space<semaphore_mem>>) src(%dma_wait3A_1032 : memref<64x128xf32, #tpu.memory_space<hbm>>) dst(%dma_wait3A_1029 : memref<64x128xf32, #tpu.memory_space<vmem>>)
    %and3A_1033 = arith.constant 127 : i32
    %and3A_1034 = arith.andi %squeeze3A_1017, %and3A_1033 : i32
    %broadcast_in_dim3A_1035 = vector.broadcast %and3A_1034 : i32 to vector<16xi32>
    %broadcast_in_dim3A_1036 = arith.constant 508 : i32
    %broadcast_in_dim3A_1037 = vector.broadcast %broadcast_in_dim3A_1036 : i32 to vector<16xi32>
    %add3A_1038 = arith.constant 0 : i32
    %add3A_1039 = vector.broadcast %add3A_1038 : i32 to vector<16xi32>
    %add3A_1040 = arith.addi %iota3A, %add3A_1039 : vector<16xi32>
    %gather3A_1041 = arith.constant 4 : i32
    %gather3A_1042 = arith.constant 0 : i32
    %gather3A_1043 = arith.constant 0 : i32
    %gather3A_1044 = tpu.memref_slice %arg6[%gather3A_1041, %gather3A_1042, %gather3A_1043] : memref<8x64x128xf32, #tpu.memory_space<vmem>> -> memref<1x64x128xf32, #tpu.memory_space<vmem>>
    %gather3A_1045 = tpu.memref_squeeze %gather3A_1044 : memref<1x64x128xf32, #tpu.memory_space<vmem>> -> memref<64x128xf32, #tpu.memory_space<vmem>>
    %gather3A_1046 = tpu.vector_load_idx %gather3A_1045[%add3A_1040, %broadcast_in_dim3A_1035] : memref<64x128xf32, #tpu.memory_space<vmem>>[vector<16xi32>, vector<16xi32>], vector<16xf32>,
    tpu.vector_store_idx %arg7[%add3A_1040, %broadcast_in_dim3A_1037], %gather3A_1046 : memref<64x512xf32, #tpu.memory_space<vmem>>[vector<16xi32>, vector<16xi32>], vector<16xf32>,
    %add3A_1047 = arith.constant 16 : i32
    %add3A_1048 = vector.broadcast %add3A_1047 : i32 to vector<16xi32>
    %add3A_1049 = arith.addi %iota3A, %add3A_1048 : vector<16xi32>
    %gather3A_1050 = arith.constant 4 : i32
    %gather3A_1051 = arith.constant 0 : i32
    %gather3A_1052 = arith.constant 0 : i32
    %gather3A_1053 = tpu.memref_slice %arg6[%gather3A_1050, %gather3A_1051, %gather3A_1052] : memref<8x64x128xf32, #tpu.memory_space<vmem>> -> memref<1x64x128xf32, #tpu.memory_space<vmem>>
    %gather3A_1054 = tpu.memref_squeeze %gather3A_1053 : memref<1x64x128xf32, #tpu.memory_space<vmem>> -> memref<64x128xf32, #tpu.memory_space<vmem>>
    %gather3A_1055 = tpu.vector_load_idx %gather3A_1054[%add3A_1049, %broadcast_in_dim3A_1035] : memref<64x128xf32, #tpu.memory_space<vmem>>[vector<16xi32>, vector<16xi32>], vector<16xf32>,
    tpu.vector_store_idx %arg7[%add3A_1049, %broadcast_in_dim3A_1037], %gather3A_1055 : memref<64x512xf32, #tpu.memory_space<vmem>>[vector<16xi32>, vector<16xi32>], vector<16xf32>,
    %add3A_1056 = arith.constant 32 : i32
    %add3A_1057 = vector.broadcast %add3A_1056 : i32 to vector<16xi32>
    %add3A_1058 = arith.addi %iota3A, %add3A_1057 : vector<16xi32>
    %gather3A_1059 = arith.constant 4 : i32
    %gather3A_1060 = arith.constant 0 : i32
    %gather3A_1061 = arith.constant 0 : i32
    %gather3A_1062 = tpu.memref_slice %arg6[%gather3A_1059, %gather3A_1060, %gather3A_1061] : memref<8x64x128xf32, #tpu.memory_space<vmem>> -> memref<1x64x128xf32, #tpu.memory_space<vmem>>
    %gather3A_1063 = tpu.memref_squeeze %gather3A_1062 : memref<1x64x128xf32, #tpu.memory_space<vmem>> -> memref<64x128xf32, #tpu.memory_space<vmem>>
    %gather3A_1064 = tpu.vector_load_idx %gather3A_1063[%add3A_1058, %broadcast_in_dim3A_1035] : memref<64x128xf32, #tpu.memory_space<vmem>>[vector<16xi32>, vector<16xi32>], vector<16xf32>,
    tpu.vector_store_idx %arg7[%add3A_1058, %broadcast_in_dim3A_1037], %gather3A_1064 : memref<64x512xf32, #tpu.memory_space<vmem>>[vector<16xi32>, vector<16xi32>], vector<16xf32>,
    %add3A_1065 = arith.constant 48 : i32
    %add3A_1066 = vector.broadcast %add3A_1065 : i32 to vector<16xi32>
    %add3A_1067 = arith.addi %iota3A, %add3A_1066 : vector<16xi32>
    %gather3A_1068 = arith.constant 4 : i32
    %gather3A_1069 = arith.constant 0 : i32
    %gather3A_1070 = arith.constant 0 : i32
    %gather3A_1071 = tpu.memref_slice %arg6[%gather3A_1068, %gather3A_1069, %gather3A_1070] : memref<8x64x128xf32, #tpu.memory_space<vmem>> -> memref<1x64x128xf32, #tpu.memory_space<vmem>>
    %gather3A_1072 = tpu.memref_squeeze %gather3A_1071 : memref<1x64x128xf32, #tpu.memory_space<vmem>> -> memref<64x128xf32, #tpu.memory_space<vmem>>
    %gather3A_1073 = tpu.vector_load_idx %gather3A_1072[%add3A_1067, %broadcast_in_dim3A_1035] : memref<64x128xf32, #tpu.memory_space<vmem>>[vector<16xi32>, vector<16xi32>], vector<16xf32>,
    tpu.vector_store_idx %arg7[%add3A_1067, %broadcast_in_dim3A_1037], %gather3A_1073 : memref<64x512xf32, #tpu.memory_space<vmem>>[vector<16xi32>, vector<16xi32>], vector<16xf32>,
    %slice3A_1074 = vector.extract_strided_slice %scan3A_782 {offsets = [13], sizes = [1], strides = [1]} : vector<16xi32> to vector<1xi32>
    %squeeze3A_1075 = vector.extract %slice3A_1074[0] : i32 from vector<1xi32>
    %dma_wait3A_1076 = arith.constant 5 : i32
    %dma_wait3A_1077 = arith.constant 0 : i32
    %dma_wait3A_1078 = arith.constant 0 : i32
    %dma_wait3A_1079 = tpu.memref_slice %arg6[%dma_wait3A_1076, %dma_wait3A_1077, %dma_wait3A_1078] : memref<8x64x128xf32, #tpu.memory_space<vmem>> -> memref<1x64x128xf32, #tpu.memory_space<vmem>>
    %dma_wait3A_1080 = tpu.memref_squeeze %dma_wait3A_1079 : memref<1x64x128xf32, #tpu.memory_space<vmem>> -> memref<64x128xf32, #tpu.memory_space<vmem>>
    %dma_wait3A_1081 = arith.constant 0 : i32
    %dma_wait3A_1082 = arith.constant 0 : i32
    %dma_wait3A_1083 = tpu.memref_slice %arg3[%dma_wait3A_1081, %dma_wait3A_1082] : memref<64x1000000xf32, #tpu.memory_space<hbm>> -> memref<64x128xf32, #tpu.memory_space<hbm>>
    %dma_wait3A_1084 = arith.constant 0 : i32
    %dma_wait3A_1085 = arith.constant 0 : i32
    %dma_wait3A_1086 = tpu.memref_slice %arg6[%dma_wait3A_1076, %dma_wait3A_1084, %dma_wait3A_1085] : memref<8x64x128xf32, #tpu.memory_space<vmem>> -> memref<1x64x128xf32, #tpu.memory_space<vmem>>
    %dma_wait3A_1087 = tpu.memref_squeeze %dma_wait3A_1086 : memref<1x64x128xf32, #tpu.memory_space<vmem>> -> memref<64x128xf32, #tpu.memory_space<vmem>>
    %dma_wait3A_1088 = arith.constant 0 : i32
    %dma_wait3A_1089 = arith.constant 0 : i32
    %dma_wait3A_1090 = tpu.memref_slice %arg3[%dma_wait3A_1088, %dma_wait3A_1089] : memref<64x1000000xf32, #tpu.memory_space<hbm>> -> memref<64x128xf32, #tpu.memory_space<hbm>>
    tpu.wait_dma2 semaphore(%arg9 : memref<!tpu.dma_semaphore, #tpu.memory_space<semaphore_mem>>) src(%dma_wait3A_1090 : memref<64x128xf32, #tpu.memory_space<hbm>>) dst(%dma_wait3A_1087 : memref<64x128xf32, #tpu.memory_space<vmem>>)
    %and3A_1091 = arith.constant 127 : i32
    %and3A_1092 = arith.andi %squeeze3A_1075, %and3A_1091 : i32
    %broadcast_in_dim3A_1093 = vector.broadcast %and3A_1092 : i32 to vector<16xi32>
    %broadcast_in_dim3A_1094 = arith.constant 509 : i32
    %broadcast_in_dim3A_1095 = vector.broadcast %broadcast_in_dim3A_1094 : i32 to vector<16xi32>
    %add3A_1096 = arith.constant 0 : i32
    %add3A_1097 = vector.broadcast %add3A_1096 : i32 to vector<16xi32>
    %add3A_1098 = arith.addi %iota3A, %add3A_1097 : vector<16xi32>
    %gather3A_1099 = arith.constant 5 : i32
    %gather3A_1100 = arith.constant 0 : i32
    %gather3A_1101 = arith.constant 0 : i32
    %gather3A_1102 = tpu.memref_slice %arg6[%gather3A_1099, %gather3A_1100, %gather3A_1101] : memref<8x64x128xf32, #tpu.memory_space<vmem>> -> memref<1x64x128xf32, #tpu.memory_space<vmem>>
    %gather3A_1103 = tpu.memref_squeeze %gather3A_1102 : memref<1x64x128xf32, #tpu.memory_space<vmem>> -> memref<64x128xf32, #tpu.memory_space<vmem>>
    %gather3A_1104 = tpu.vector_load_idx %gather3A_1103[%add3A_1098, %broadcast_in_dim3A_1093] : memref<64x128xf32, #tpu.memory_space<vmem>>[vector<16xi32>, vector<16xi32>], vector<16xf32>,
    tpu.vector_store_idx %arg7[%add3A_1098, %broadcast_in_dim3A_1095], %gather3A_1104 : memref<64x512xf32, #tpu.memory_space<vmem>>[vector<16xi32>, vector<16xi32>], vector<16xf32>,
    %add3A_1105 = arith.constant 16 : i32
    %add3A_1106 = vector.broadcast %add3A_1105 : i32 to vector<16xi32>
    %add3A_1107 = arith.addi %iota3A, %add3A_1106 : vector<16xi32>
    %gather3A_1108 = arith.constant 5 : i32
    %gather3A_1109 = arith.constant 0 : i32
    %gather3A_1110 = arith.constant 0 : i32
    %gather3A_1111 = tpu.memref_slice %arg6[%gather3A_1108, %gather3A_1109, %gather3A_1110] : memref<8x64x128xf32, #tpu.memory_space<vmem>> -> memref<1x64x128xf32, #tpu.memory_space<vmem>>
    %gather3A_1112 = tpu.memref_squeeze %gather3A_1111 : memref<1x64x128xf32, #tpu.memory_space<vmem>> -> memref<64x128xf32, #tpu.memory_space<vmem>>
    %gather3A_1113 = tpu.vector_load_idx %gather3A_1112[%add3A_1107, %broadcast_in_dim3A_1093] : memref<64x128xf32, #tpu.memory_space<vmem>>[vector<16xi32>, vector<16xi32>], vector<16xf32>,
    tpu.vector_store_idx %arg7[%add3A_1107, %broadcast_in_dim3A_1095], %gather3A_1113 : memref<64x512xf32, #tpu.memory_space<vmem>>[vector<16xi32>, vector<16xi32>], vector<16xf32>,
    %add3A_1114 = arith.constant 32 : i32
    %add3A_1115 = vector.broadcast %add3A_1114 : i32 to vector<16xi32>
    %add3A_1116 = arith.addi %iota3A, %add3A_1115 : vector<16xi32>
    %gather3A_1117 = arith.constant 5 : i32
    %gather3A_1118 = arith.constant 0 : i32
    %gather3A_1119 = arith.constant 0 : i32
    %gather3A_1120 = tpu.memref_slice %arg6[%gather3A_1117, %gather3A_1118, %gather3A_1119] : memref<8x64x128xf32, #tpu.memory_space<vmem>> -> memref<1x64x128xf32, #tpu.memory_space<vmem>>
    %gather3A_1121 = tpu.memref_squeeze %gather3A_1120 : memref<1x64x128xf32, #tpu.memory_space<vmem>> -> memref<64x128xf32, #tpu.memory_space<vmem>>
    %gather3A_1122 = tpu.vector_load_idx %gather3A_1121[%add3A_1116, %broadcast_in_dim3A_1093] : memref<64x128xf32, #tpu.memory_space<vmem>>[vector<16xi32>, vector<16xi32>], vector<16xf32>,
    tpu.vector_store_idx %arg7[%add3A_1116, %broadcast_in_dim3A_1095], %gather3A_1122 : memref<64x512xf32, #tpu.memory_space<vmem>>[vector<16xi32>, vector<16xi32>], vector<16xf32>,
    %add3A_1123 = arith.constant 48 : i32
    %add3A_1124 = vector.broadcast %add3A_1123 : i32 to vector<16xi32>
    %add3A_1125 = arith.addi %iota3A, %add3A_1124 : vector<16xi32>
    %gather3A_1126 = arith.constant 5 : i32
    %gather3A_1127 = arith.constant 0 : i32
    %gather3A_1128 = arith.constant 0 : i32
    %gather3A_1129 = tpu.memref_slice %arg6[%gather3A_1126, %gather3A_1127, %gather3A_1128] : memref<8x64x128xf32, #tpu.memory_space<vmem>> -> memref<1x64x128xf32, #tpu.memory_space<vmem>>
    %gather3A_1130 = tpu.memref_squeeze %gather3A_1129 : memref<1x64x128xf32, #tpu.memory_space<vmem>> -> memref<64x128xf32, #tpu.memory_space<vmem>>
    %gather3A_1131 = tpu.vector_load_idx %gather3A_1130[%add3A_1125, %broadcast_in_dim3A_1093] : memref<64x128xf32, #tpu.memory_space<vmem>>[vector<16xi32>, vector<16xi32>], vector<16xf32>,
    tpu.vector_store_idx %arg7[%add3A_1125, %broadcast_in_dim3A_1095], %gather3A_1131 : memref<64x512xf32, #tpu.memory_space<vmem>>[vector<16xi32>, vector<16xi32>], vector<16xf32>,
    %slice3A_1132 = vector.extract_strided_slice %scan3A_782 {offsets = [14], sizes = [1], strides = [1]} : vector<16xi32> to vector<1xi32>
    %squeeze3A_1133 = vector.extract %slice3A_1132[0] : i32 from vector<1xi32>
    %dma_wait3A_1134 = arith.constant 6 : i32
    %dma_wait3A_1135 = arith.constant 0 : i32
    %dma_wait3A_1136 = arith.constant 0 : i32
    %dma_wait3A_1137 = tpu.memref_slice %arg6[%dma_wait3A_1134, %dma_wait3A_1135, %dma_wait3A_1136] : memref<8x64x128xf32, #tpu.memory_space<vmem>> -> memref<1x64x128xf32, #tpu.memory_space<vmem>>
    %dma_wait3A_1138 = tpu.memref_squeeze %dma_wait3A_1137 : memref<1x64x128xf32, #tpu.memory_space<vmem>> -> memref<64x128xf32, #tpu.memory_space<vmem>>
    %dma_wait3A_1139 = arith.constant 0 : i32
    %dma_wait3A_1140 = arith.constant 0 : i32
    %dma_wait3A_1141 = tpu.memref_slice %arg3[%dma_wait3A_1139, %dma_wait3A_1140] : memref<64x1000000xf32, #tpu.memory_space<hbm>> -> memref<64x128xf32, #tpu.memory_space<hbm>>
    %dma_wait3A_1142 = arith.constant 0 : i32
    %dma_wait3A_1143 = arith.constant 0 : i32
    %dma_wait3A_1144 = tpu.memref_slice %arg6[%dma_wait3A_1134, %dma_wait3A_1142, %dma_wait3A_1143] : memref<8x64x128xf32, #tpu.memory_space<vmem>> -> memref<1x64x128xf32, #tpu.memory_space<vmem>>
    %dma_wait3A_1145 = tpu.memref_squeeze %dma_wait3A_1144 : memref<1x64x128xf32, #tpu.memory_space<vmem>> -> memref<64x128xf32, #tpu.memory_space<vmem>>
    %dma_wait3A_1146 = arith.constant 0 : i32
    %dma_wait3A_1147 = arith.constant 0 : i32
    %dma_wait3A_1148 = tpu.memref_slice %arg3[%dma_wait3A_1146, %dma_wait3A_1147] : memref<64x1000000xf32, #tpu.memory_space<hbm>> -> memref<64x128xf32, #tpu.memory_space<hbm>>
    tpu.wait_dma2 semaphore(%arg9 : memref<!tpu.dma_semaphore, #tpu.memory_space<semaphore_mem>>) src(%dma_wait3A_1148 : memref<64x128xf32, #tpu.memory_space<hbm>>) dst(%dma_wait3A_1145 : memref<64x128xf32, #tpu.memory_space<vmem>>)
    %and3A_1149 = arith.constant 127 : i32
    %and3A_1150 = arith.andi %squeeze3A_1133, %and3A_1149 : i32
    %broadcast_in_dim3A_1151 = vector.broadcast %and3A_1150 : i32 to vector<16xi32>
    %broadcast_in_dim3A_1152 = arith.constant 510 : i32
    %broadcast_in_dim3A_1153 = vector.broadcast %broadcast_in_dim3A_1152 : i32 to vector<16xi32>
    %add3A_1154 = arith.constant 0 : i32
    %add3A_1155 = vector.broadcast %add3A_1154 : i32 to vector<16xi32>
    %add3A_1156 = arith.addi %iota3A, %add3A_1155 : vector<16xi32>
    %gather3A_1157 = arith.constant 6 : i32
    %gather3A_1158 = arith.constant 0 : i32
    %gather3A_1159 = arith.constant 0 : i32
    %gather3A_1160 = tpu.memref_slice %arg6[%gather3A_1157, %gather3A_1158, %gather3A_1159] : memref<8x64x128xf32, #tpu.memory_space<vmem>> -> memref<1x64x128xf32, #tpu.memory_space<vmem>>
    %gather3A_1161 = tpu.memref_squeeze %gather3A_1160 : memref<1x64x128xf32, #tpu.memory_space<vmem>> -> memref<64x128xf32, #tpu.memory_space<vmem>>
    %gather3A_1162 = tpu.vector_load_idx %gather3A_1161[%add3A_1156, %broadcast_in_dim3A_1151] : memref<64x128xf32, #tpu.memory_space<vmem>>[vector<16xi32>, vector<16xi32>], vector<16xf32>,
    tpu.vector_store_idx %arg7[%add3A_1156, %broadcast_in_dim3A_1153], %gather3A_1162 : memref<64x512xf32, #tpu.memory_space<vmem>>[vector<16xi32>, vector<16xi32>], vector<16xf32>,
    %add3A_1163 = arith.constant 16 : i32
    %add3A_1164 = vector.broadcast %add3A_1163 : i32 to vector<16xi32>
    %add3A_1165 = arith.addi %iota3A, %add3A_1164 : vector<16xi32>
    %gather3A_1166 = arith.constant 6 : i32
    %gather3A_1167 = arith.constant 0 : i32
    %gather3A_1168 = arith.constant 0 : i32
    %gather3A_1169 = tpu.memref_slice %arg6[%gather3A_1166, %gather3A_1167, %gather3A_1168] : memref<8x64x128xf32, #tpu.memory_space<vmem>> -> memref<1x64x128xf32, #tpu.memory_space<vmem>>
    %gather3A_1170 = tpu.memref_squeeze %gather3A_1169 : memref<1x64x128xf32, #tpu.memory_space<vmem>> -> memref<64x128xf32, #tpu.memory_space<vmem>>
    %gather3A_1171 = tpu.vector_load_idx %gather3A_1170[%add3A_1165, %broadcast_in_dim3A_1151] : memref<64x128xf32, #tpu.memory_space<vmem>>[vector<16xi32>, vector<16xi32>], vector<16xf32>,
    tpu.vector_store_idx %arg7[%add3A_1165, %broadcast_in_dim3A_1153], %gather3A_1171 : memref<64x512xf32, #tpu.memory_space<vmem>>[vector<16xi32>, vector<16xi32>], vector<16xf32>,
    %add3A_1172 = arith.constant 32 : i32
    %add3A_1173 = vector.broadcast %add3A_1172 : i32 to vector<16xi32>
    %add3A_1174 = arith.addi %iota3A, %add3A_1173 : vector<16xi32>
    %gather3A_1175 = arith.constant 6 : i32
    %gather3A_1176 = arith.constant 0 : i32
    %gather3A_1177 = arith.constant 0 : i32
    %gather3A_1178 = tpu.memref_slice %arg6[%gather3A_1175, %gather3A_1176, %gather3A_1177] : memref<8x64x128xf32, #tpu.memory_space<vmem>> -> memref<1x64x128xf32, #tpu.memory_space<vmem>>
    %gather3A_1179 = tpu.memref_squeeze %gather3A_1178 : memref<1x64x128xf32, #tpu.memory_space<vmem>> -> memref<64x128xf32, #tpu.memory_space<vmem>>
    %gather3A_1180 = tpu.vector_load_idx %gather3A_1179[%add3A_1174, %broadcast_in_dim3A_1151] : memref<64x128xf32, #tpu.memory_space<vmem>>[vector<16xi32>, vector<16xi32>], vector<16xf32>,
    tpu.vector_store_idx %arg7[%add3A_1174, %broadcast_in_dim3A_1153], %gather3A_1180 : memref<64x512xf32, #tpu.memory_space<vmem>>[vector<16xi32>, vector<16xi32>], vector<16xf32>,
    %add3A_1181 = arith.constant 48 : i32
    %add3A_1182 = vector.broadcast %add3A_1181 : i32 to vector<16xi32>
    %add3A_1183 = arith.addi %iota3A, %add3A_1182 : vector<16xi32>
    %gather3A_1184 = arith.constant 6 : i32
    %gather3A_1185 = arith.constant 0 : i32
    %gather3A_1186 = arith.constant 0 : i32
    %gather3A_1187 = tpu.memref_slice %arg6[%gather3A_1184, %gather3A_1185, %gather3A_1186] : memref<8x64x128xf32, #tpu.memory_space<vmem>> -> memref<1x64x128xf32, #tpu.memory_space<vmem>>
    %gather3A_1188 = tpu.memref_squeeze %gather3A_1187 : memref<1x64x128xf32, #tpu.memory_space<vmem>> -> memref<64x128xf32, #tpu.memory_space<vmem>>
    %gather3A_1189 = tpu.vector_load_idx %gather3A_1188[%add3A_1183, %broadcast_in_dim3A_1151] : memref<64x128xf32, #tpu.memory_space<vmem>>[vector<16xi32>, vector<16xi32>], vector<16xf32>,
    tpu.vector_store_idx %arg7[%add3A_1183, %broadcast_in_dim3A_1153], %gather3A_1189 : memref<64x512xf32, #tpu.memory_space<vmem>>[vector<16xi32>, vector<16xi32>], vector<16xf32>,
    %slice3A_1190 = vector.extract_strided_slice %scan3A_782 {offsets = [15], sizes = [1], strides = [1]} : vector<16xi32> to vector<1xi32>
    %squeeze3A_1191 = vector.extract %slice3A_1190[0] : i32 from vector<1xi32>
    %dma_wait3A_1192 = arith.constant 7 : i32
    %dma_wait3A_1193 = arith.constant 0 : i32
    %dma_wait3A_1194 = arith.constant 0 : i32
    %dma_wait3A_1195 = tpu.memref_slice %arg6[%dma_wait3A_1192, %dma_wait3A_1193, %dma_wait3A_1194] : memref<8x64x128xf32, #tpu.memory_space<vmem>> -> memref<1x64x128xf32, #tpu.memory_space<vmem>>
    %dma_wait3A_1196 = tpu.memref_squeeze %dma_wait3A_1195 : memref<1x64x128xf32, #tpu.memory_space<vmem>> -> memref<64x128xf32, #tpu.memory_space<vmem>>
    %dma_wait3A_1197 = arith.constant 0 : i32
    %dma_wait3A_1198 = arith.constant 0 : i32
    %dma_wait3A_1199 = tpu.memref_slice %arg3[%dma_wait3A_1197, %dma_wait3A_1198] : memref<64x1000000xf32, #tpu.memory_space<hbm>> -> memref<64x128xf32, #tpu.memory_space<hbm>>
    %dma_wait3A_1200 = arith.constant 0 : i32
    %dma_wait3A_1201 = arith.constant 0 : i32
    %dma_wait3A_1202 = tpu.memref_slice %arg6[%dma_wait3A_1192, %dma_wait3A_1200, %dma_wait3A_1201] : memref<8x64x128xf32, #tpu.memory_space<vmem>> -> memref<1x64x128xf32, #tpu.memory_space<vmem>>
    %dma_wait3A_1203 = tpu.memref_squeeze %dma_wait3A_1202 : memref<1x64x128xf32, #tpu.memory_space<vmem>> -> memref<64x128xf32, #tpu.memory_space<vmem>>
    %dma_wait3A_1204 = arith.constant 0 : i32
    %dma_wait3A_1205 = arith.constant 0 : i32
    %dma_wait3A_1206 = tpu.memref_slice %arg3[%dma_wait3A_1204, %dma_wait3A_1205] : memref<64x1000000xf32, #tpu.memory_space<hbm>> -> memref<64x128xf32, #tpu.memory_space<hbm>>
    tpu.wait_dma2 semaphore(%arg9 : memref<!tpu.dma_semaphore, #tpu.memory_space<semaphore_mem>>) src(%dma_wait3A_1206 : memref<64x128xf32, #tpu.memory_space<hbm>>) dst(%dma_wait3A_1203 : memref<64x128xf32, #tpu.memory_space<vmem>>)
    %and3A_1207 = arith.constant 127 : i32
    %and3A_1208 = arith.andi %squeeze3A_1191, %and3A_1207 : i32
    %broadcast_in_dim3A_1209 = vector.broadcast %and3A_1208 : i32 to vector<16xi32>
    %broadcast_in_dim3A_1210 = arith.constant 511 : i32
    %broadcast_in_dim3A_1211 = vector.broadcast %broadcast_in_dim3A_1210 : i32 to vector<16xi32>
    %add3A_1212 = arith.constant 0 : i32
    %add3A_1213 = vector.broadcast %add3A_1212 : i32 to vector<16xi32>
    %add3A_1214 = arith.addi %iota3A, %add3A_1213 : vector<16xi32>
    %gather3A_1215 = arith.constant 7 : i32
    %gather3A_1216 = arith.constant 0 : i32
    %gather3A_1217 = arith.constant 0 : i32
    %gather3A_1218 = tpu.memref_slice %arg6[%gather3A_1215, %gather3A_1216, %gather3A_1217] : memref<8x64x128xf32, #tpu.memory_space<vmem>> -> memref<1x64x128xf32, #tpu.memory_space<vmem>>
    %gather3A_1219 = tpu.memref_squeeze %gather3A_1218 : memref<1x64x128xf32, #tpu.memory_space<vmem>> -> memref<64x128xf32, #tpu.memory_space<vmem>>
    %gather3A_1220 = tpu.vector_load_idx %gather3A_1219[%add3A_1214, %broadcast_in_dim3A_1209] : memref<64x128xf32, #tpu.memory_space<vmem>>[vector<16xi32>, vector<16xi32>], vector<16xf32>,
    tpu.vector_store_idx %arg7[%add3A_1214, %broadcast_in_dim3A_1211], %gather3A_1220 : memref<64x512xf32, #tpu.memory_space<vmem>>[vector<16xi32>, vector<16xi32>], vector<16xf32>,
    %add3A_1221 = arith.constant 16 : i32
    %add3A_1222 = vector.broadcast %add3A_1221 : i32 to vector<16xi32>
    %add3A_1223 = arith.addi %iota3A, %add3A_1222 : vector<16xi32>
    %gather3A_1224 = arith.constant 7 : i32
    %gather3A_1225 = arith.constant 0 : i32
    %gather3A_1226 = arith.constant 0 : i32
    %gather3A_1227 = tpu.memref_slice %arg6[%gather3A_1224, %gather3A_1225, %gather3A_1226] : memref<8x64x128xf32, #tpu.memory_space<vmem>> -> memref<1x64x128xf32, #tpu.memory_space<vmem>>
    %gather3A_1228 = tpu.memref_squeeze %gather3A_1227 : memref<1x64x128xf32, #tpu.memory_space<vmem>> -> memref<64x128xf32, #tpu.memory_space<vmem>>
    %gather3A_1229 = tpu.vector_load_idx %gather3A_1228[%add3A_1223, %broadcast_in_dim3A_1209] : memref<64x128xf32, #tpu.memory_space<vmem>>[vector<16xi32>, vector<16xi32>], vector<16xf32>,
    tpu.vector_store_idx %arg7[%add3A_1223, %broadcast_in_dim3A_1211], %gather3A_1229 : memref<64x512xf32, #tpu.memory_space<vmem>>[vector<16xi32>, vector<16xi32>], vector<16xf32>,
    %add3A_1230 = arith.constant 32 : i32
    %add3A_1231 = vector.broadcast %add3A_1230 : i32 to vector<16xi32>
    %add3A_1232 = arith.addi %iota3A, %add3A_1231 : vector<16xi32>
    %gather3A_1233 = arith.constant 7 : i32
    %gather3A_1234 = arith.constant 0 : i32
    %gather3A_1235 = arith.constant 0 : i32
    %gather3A_1236 = tpu.memref_slice %arg6[%gather3A_1233, %gather3A_1234, %gather3A_1235] : memref<8x64x128xf32, #tpu.memory_space<vmem>> -> memref<1x64x128xf32, #tpu.memory_space<vmem>>
    %gather3A_1237 = tpu.memref_squeeze %gather3A_1236 : memref<1x64x128xf32, #tpu.memory_space<vmem>> -> memref<64x128xf32, #tpu.memory_space<vmem>>
    %gather3A_1238 = tpu.vector_load_idx %gather3A_1237[%add3A_1232, %broadcast_in_dim3A_1209] : memref<64x128xf32, #tpu.memory_space<vmem>>[vector<16xi32>, vector<16xi32>], vector<16xf32>,
    tpu.vector_store_idx %arg7[%add3A_1232, %broadcast_in_dim3A_1211], %gather3A_1238 : memref<64x512xf32, #tpu.memory_space<vmem>>[vector<16xi32>, vector<16xi32>], vector<16xf32>,
    %add3A_1239 = arith.constant 48 : i32
    %add3A_1240 = vector.broadcast %add3A_1239 : i32 to vector<16xi32>
    %add3A_1241 = arith.addi %iota3A, %add3A_1240 : vector<16xi32>
    %gather3A_1242 = arith.constant 7 : i32
    %gather3A_1243 = arith.constant 0 : i32
    %gather3A_1244 = arith.constant 0 : i32
    %gather3A_1245 = tpu.memref_slice %arg6[%gather3A_1242, %gather3A_1243, %gather3A_1244] : memref<8x64x128xf32, #tpu.memory_space<vmem>> -> memref<1x64x128xf32, #tpu.memory_space<vmem>>
    %gather3A_1246 = tpu.memref_squeeze %gather3A_1245 : memref<1x64x128xf32, #tpu.memory_space<vmem>> -> memref<64x128xf32, #tpu.memory_space<vmem>>
    %gather3A_1247 = tpu.vector_load_idx %gather3A_1246[%add3A_1241, %broadcast_in_dim3A_1209] : memref<64x128xf32, #tpu.memory_space<vmem>>[vector<16xi32>, vector<16xi32>], vector<16xf32>,
    tpu.vector_store_idx %arg7[%add3A_1241, %broadcast_in_dim3A_1211], %gather3A_1247 : memref<64x512xf32, #tpu.memory_space<vmem>>[vector<16xi32>, vector<16xi32>], vector<16xf32>,
    %dma_start3A_1248 = arith.constant 0 : i32
    %dma_start3A_1249 = tpu.memref_slice %arg4[%dma_start3A_1248, %multiple_of3A] : memref<64x16384xf32, #tpu.memory_space<hbm>> -> memref<64x512xf32, #tpu.memory_space<hbm>>
    %dma_start3A_1250 = arith.constant 0 : i32
    %dma_start3A_1251 = tpu.memref_slice %arg4[%dma_start3A_1250, %multiple_of3A] : memref<64x16384xf32, #tpu.memory_space<hbm>> -> memref<64x512xf32, #tpu.memory_space<hbm>>
    tpu.enqueue_dma source(%arg7 : memref<64x512xf32, #tpu.memory_space<vmem>>) target(%dma_start3A_1251 : memref<64x512xf32, #tpu.memory_space<hbm>>) target_semaphore(%arg8 : memref<!tpu.dma_semaphore, #tpu.memory_space<semaphore_mem>>)
    %dma_wait3A_1252 = arith.constant 0 : i32
    %dma_wait3A_1253 = tpu.memref_slice %arg4[%dma_wait3A_1252, %multiple_of3A] : memref<64x16384xf32, #tpu.memory_space<hbm>> -> memref<64x512xf32, #tpu.memory_space<hbm>>
    %dma_wait3A_1254 = arith.constant 0 : i32
    %dma_wait3A_1255 = tpu.memref_slice %arg4[%dma_wait3A_1254, %multiple_of3A] : memref<64x16384xf32, #tpu.memory_space<hbm>> -> memref<64x512xf32, #tpu.memory_space<hbm>>
    tpu.wait_dma2 semaphore(%arg8 : memref<!tpu.dma_semaphore, #tpu.memory_space<semaphore_mem>>) src(%arg7 : memref<64x512xf32, #tpu.memory_space<vmem>>) dst(%dma_wait3A_1255 : memref<64x512xf32, #tpu.memory_space<hbm>>)
    return
  }
}

</mosaic_0001>

<sc_bundles>
// kernel: kernel.3.cloned.1.call-start
scs
__scs_entry_jumppad:
0x0: {  	(pc) =	sbr.rel $0x88, $3  }
0x1: {  	(tag) =	ssettag $0x0;
	lr =	simm.s32 $0x1  }
0x2: {  	[smem:$0x3F9F] =	sst lr;
	_ =	strace $0xD0000000  }
0x3: {  	_ = 	snop  }
0x4: {  	_ = 	snop  }
0x5: {  	_ = 	snop  }
0x6: {  	_ = 	snop  }
0x7: {  	_ = 	snop  }
__scs_overlays_trampoline_lowered:
0x8: {  	[smem:$0x3FAE] =	sst s0  }
0x9: {  	[smem:$0x3FAF] =	sst s1  }
0xa: {  	[smem:$0x3FB0] =	sst s2  }
0xb: {  	[smem:$0x3FB1] =	sst s3  }
0xc: {  	[smem:$0x3FB2] =	sst s4  }
0xd: {  	[smem:$0x3FB3] =	sst s5  }
0xe: {  	[smem:$0x3FB4] =	sst s6  }
0xf: {  	[smem:$0x3FB5] =	sst s7  }
0x10: {  	[smem:$0x3FB6] =	sst s8  }
0x11: {  	[smem:$0x3FB7] =	sst s9;
	s0 =	simm.s32 @!p0 $0x0  }
0x12: {  	s1 =	sld [smem:$0x3F9D];
	s0 =	simm.s32 @p0 $0x1  }
0x13: {  	[smem:$0x3FB8] =	sst s0;
	s0 =	simm.s32 @!p1 $0x0  }
0x14: {  	s2 =	sld [smem:$0x3F9C];
	s0 =	simm.s32 @p1 $0x1  }
0x15: {  	[smem:$0x3FB9] =	sst s0;
	s0 =	simm.s32 @!p2 $0x0  }
0x16: {  	s3 =	sld [smem:$0x3FDB];
	s0 =	simm.s32 @p2 $0x1  }
0x17: {  	s4 =	simm.s32 $0x1BF5;
	[smem:$0x3FBB] =	sst s0  }
0x18: {  	s0 =	sld [smem:$0x3F9E];
	_ =	swait.ge [sflag:s4], $0x0  }
0x19: {  	s7 =	sld [smem:$0x3F9F]  }
0x1a: {  	s8 =	sadd.s32 $0xFFFFE003, lr  }
0x1b: {  	s9 =	sadd.s32 $0xFFFFFEF7, lr;
	s5 =	simm.s32 $0xFFFFFFFF;
	p2 =	slt.u32 s8, $0xFFFFF086  }
0x1c: {  	p1 =	slt.u32 s9, $0xF7A;
	s5 =	simm.s32 @!p2 $0x0  }
0x1d: {  	s5 =	simm.s32 @p1 $0x1;
	p0 =	seq.s32 s7, s2  }
0x1e: {  	s7 =	smul.u32 @!p0 $0xF7A, s2;
	p2 =	seq.s32 @!p0 s5, $0x0  }
0x1f: {  	s9 =	smul.u32 $0xF7A, s1;
	s8 =	simm.s32 @!p0 $0x1BF5;
	p2 =	por !p2, p0  }
0x20: {  	[sflag:s8] =	ssyncset.s32 @!p0 $0xFFFFF086;
	s6 =	sadd.s32 @!p0 s3, s7;
	s7 =	simm.s32 @!p0 $0x108  }
0x21: {  	s3 =	sadd.s32 s3, s9;
	s6 =	sadd.s32 @!p0 $0x88, s6;
	s7 =	simm.s32 @p2 $0x1082  }
0x22: {  	[simem:s7], [sflag:s8] =	dma.local @!p0 [hbm:s6], $0xF7A  }
0x23: {  	s9 =	sor.u32 $0xD0000000, s2;
	s6 =	simm.s32 $0x108;
	_ =	swait.ge @!p0 [sflag:s8], $0x0  }
0x24: {  	s3 =	sadd.s32 $0x88, s3;
	s6 =	simm.s32 @!p1 $0x1082;
	[sflag:s4] =	ssyncset.s32 $0xFFFFF086  }
0x25: {  	[simem:s6], [sflag:s4] =	dma.local [hbm:s3], $0xF7A  }
0x26: {  	[smem:$0x3F9F] =	sst s1;
	(tag) =	ssettag s2;
	_ =	strace s9  }
0x27: {  	s1 =	sld [smem:$0x3FAF]  }
0x28: {  	s2 =	sld [smem:$0x3FB0]  }
0x29: {  	s4 =	sld [smem:$0x3FB2]  }
0x2a: {  	p0 =	seq.s32 s5, $0x0;
	s5 =	sld [smem:$0x3FB3]  }
0x2b: {  	s6 =	sld [smem:$0x3FB4]  }
0x2c: {  	s7 =	sld [smem:$0x3FB5]  }
0x2d: {  	s3 =	simm.s32 $0x108;
	s8 =	sld [smem:$0x3FB6]  }
0x2e: {  	s3 =	simm.s32 @!p0 $0x1082;
	s9 =	sld [smem:$0x3FB7]  }
0x2f: {  	lr =	sadd.s32 s0, s3;
	s0 =	sld [smem:$0x3FAE]  }
0x30: {  	s3 =	sld [smem:$0x3FB1]  }
0x31: {  	[smem:$0x3FBA] =	sst s10  }
0x32: {  	s10 =	sld [smem:$0x3FB8];
	_ =	sdelay $0x3  }
0x33: {  	p0 =	seq.s32 s10, $0x1;
	s10 =	sld [smem:$0x3FBA];
	_ =	sdelay $0x3  }
0x34: {  	[smem:$0x3FBA] =	sst s10  }
0x35: {  	s10 =	sld [smem:$0x3FB9];
	_ =	sdelay $0x3  }
0x36: {  	p1 =	seq.s32 s10, $0x1;
	s10 =	sld [smem:$0x3FBA];
	_ =	sdelay $0x3  }
0x37: {  	[smem:$0x3FBA] =	sst s10  }
0x38: {  	s10 =	sld [smem:$0x3FBB]  }
0x39: {  	_ = 	snop;
	(pc) =	sbr.ind lr, $3  }
0x3a: {  	_ = 	snop  }
0x3b: {  	_ = 	snop  }
0x3c: {  	p2 =	seq.s32 s10, $0x1;
	s10 =	sld [smem:$0x3FBA]  }
0x3d: {  	_ =	shalt  }
0x3e: {  	_ =	shalt  }
0x3f: {  	_ =	shalt  }
0x40: {  	_ =	shalt  }
0x41: {  	_ =	shalt  }
0x42: {  	_ =	shalt  }
0x43: {  	_ =	shalt  }
0x44: {  	_ =	shalt  }
0x45: {  	_ =	shalt  }
0x46: {  	_ =	shalt  }
0x47: {  	_ =	shalt  }
0x48: {  	_ =	shalt  }
0x49: {  	_ =	shalt  }
0x4a: {  	_ =	shalt  }
0x4b: {  	_ =	shalt  }
0x4c: {  	_ =	shalt  }
0x4d: {  	_ =	shalt  }
0x4e: {  	_ =	shalt  }
0x4f: {  	_ =	shalt  }
0x50: {  	_ =	shalt  }
0x51: {  	_ =	shalt  }
0x52: {  	_ =	shalt  }
0x53: {  	_ =	shalt  }
0x54: {  	_ =	shalt  }
0x55: {  	_ =	shalt  }
0x56: {  	_ =	shalt  }
0x57: {  	_ =	shalt  }
0x58: {  	_ =	shalt  }
0x59: {  	_ =	shalt  }
0x5a: {  	_ =	shalt  }
0x5b: {  	_ =	shalt  }
0x5c: {  	_ =	shalt  }
0x5d: {  	_ =	shalt  }
0x5e: {  	_ =	shalt  }
0x5f: {  	_ =	shalt  }
0x60: {  	_ =	shalt  }
0x61: {  	_ =	shalt  }
0x62: {  	_ =	shalt  }
0x63: {  	_ =	shalt  }
0x64: {  	_ =	shalt  }
0x65: {  	_ =	shalt  }
0x66: {  	_ =	shalt  }
0x67: {  	_ =	shalt  }
0x68: {  	_ =	shalt  }
0x69: {  	_ =	shalt  }
0x6a: {  	_ =	shalt  }
0x6b: {  	_ =	shalt  }
0x6c: {  	_ =	shalt  }
0x6d: {  	_ =	shalt  }
0x6e: {  	_ =	shalt  }
0x6f: {  	_ =	shalt  }
0x70: {  	_ =	shalt  }
0x71: {  	_ =	shalt  }
0x72: {  	_ =	shalt  }
0x73: {  	_ =	shalt  }
0x74: {  	_ =	shalt  }
0x75: {  	_ =	shalt  }
0x76: {  	_ =	shalt  }
0x77: {  	_ =	shalt  }
0x78: {  	_ =	shalt  }
0x79: {  	_ =	shalt  }
0x7a: {  	_ =	shalt  }
0x7b: {  	_ =	shalt  }
0x7c: {  	_ =	shalt  }
0x7d: {  	_ =	shalt  }
0x7e: {  	_ =	shalt  }
0x7f: {  	_ =	shalt  }
0x80: {  	_ =	shalt  }
0x81: {  	_ =	shalt  }
0x82: {  	_ =	shalt  }
0x83: {  	_ =	shalt  }
0x84: {  	_ =	shalt  }
0x85: {  	_ =	shalt  }
0x86: {  	_ =	shalt  }
0x87: {  	_ =	shalt  }
.Lfunc_end0:
.L_simem_size_0:
called_computation_lowered:
.L_overlay_start_0:
0x88: {  	s2 =	sld [smem:$0x3FD9]  }
0x89: {  	s3 =	sld [smem:$0x3FFE];
	_ =	sdelay $0x1  }
0x8a: {  	s1 =	srdreg.scid  }
0x8b: {  	s0 =	sand.u32 $0x1, s1  }
0x8c: {  	s18 =	sshll.u32 s0, $0xA;
	s2 =	sadd.s32 s3, s2  }
0x8d: {  	s2 =	sadd.s32 s2, s18  }
0x8e: {  	[smem:$0x3FC6] =	sst s2  }
0x8f: {  	_ = 	snop  }
0x90: {  	s2 =	sld [smem:$0x3FC9]  }
0x91: {  	s19 =	sld [smem:$0x3FC8]  }
0x92: {  	s4 =	sld [smem:$0x3FD0];
	(tm) =	ssettm $0x1  }
0x93: {  	s5 =	sld [smem:$0x3FFB];
	_ =	sdelay $0x3  }
0x94: {  	_ =	strace s5  }
0x95: {  	s5 =	sld [smem:$0x3FFC];
	_ =	sdelay $0x3  }
0x96: {  	_ =	strace s5  }
0x97: {  	s5 =	sld [smem:$0x3FFD];
	_ =	sdelay $0x3  }
0x98: {  	_ =	strace s5  }
0x99: {  	_ =	strace $0x8FFFFFFF  }
0x9a: {  	s20 =	sld [smem:$0x3FDB];
	_ =	sdelay $0x1  }
0x9b: {  	s6 =	simm.s32 $_scs_section_size  }
0x9c: {  	s7 =	simm.s32 $_size__tile_overlayer_lowered;
	s8 =	simm.s32 $_tile_overlayer_lowered  }
0x9d: {  	s23 =	simm.s32 $0x1BFF;
	s22 =	sshll.u32 s8, $0x1;
	s5 =	sadd.s32 s6, s20  }
0x9e: {  	s9 =	simm.s32 $0x0;
	s21 =	sshll.u32 s7, $0x1;
	s7 =	sadd.s32 s22, s5  }
0x9f: {  	[timem:s9], [sflag:s23] =	dma.local [hbm:s7], s21  }
0xa0: {  	_ =	swait.ge [sflag:s23], s21  }
0xa1: {  	s6 =	ssub.s32 $0x0, s21;
	[sflag:s23] =	ssyncset.done $0x0  }
0xa2: {  	[sflag:s23] =	ssyncadd.s32 s6;
	_ =	sdelay $0x1  }
0xa3: {  	s24 =	simm.s32 $0x1B8B  }
0xa4: {  	_ =	swait.ge [sflag:s24], $0x1  }
0xa5: {  	[sflag:s24] =	ssyncset.done $0x0  }
0xa6: {  	s25 =	simm.s32 $0x1B8E;
	[sflag:s24] =	ssyncadd.s32 $0xFFFFFFFF  }
0xa7: {  	s26 =	simm.s32 $execute0_lowered;
	[smem:$0x3FD2] =	sst s25  }
0xa8: {  	s6 =	sshll.u32 s26, $0x1;
	_ =	strace $0x80000046;
	[dreg:$0x1] =	wrdreg $0xFFFFFFFF  }
0xa9: {  	s28 =	simm.s32 $_size_execute0_lowered;
	s5 =	sadd.s32 s5, s6;
	[dreg:$0x0] =	wrdreg $0x0  }
0xaa: {  	s6 =	sshll.u32 s28, $0x1;
	[dreg:$0x2] =	wrdreg s5  }
0xab: {  	[dreg:$0x3] =	wrdreg s6  }
0xac: {  	[dreg:$0x4] =	wrdreg $0xC0  }
0xad: {  	_ =	task [dreg:s9], $0x5FFFF  }
0xae: {  	[dreg:$0x1] =	wrdreg $0xFFFFFFFF  }
0xaf: {  	[dreg:$0x0] =	wrdreg $0x60  }
0xb0: {  	[dreg:$0x2] =	wrdreg s2  }
0xb1: {  	[dreg:$0x3] =	wrdreg s19  }
0xb2: {  	[dreg:$0x4] =	wrdreg s4  }
0xb3: {  	[dreg:$0x5] =	wrdreg $0x9  }
0xb4: {  	_ =	task.clear_ibuf [dreg:s9], $0x6FFFF;
	_ =	strace $0x90000046  }
0xb5: {  	s29 =	simm.s32 $0x9;
	_ =	strace $0x80000048  }
0xb6: {  	_ =	swait.ge [sflag:s29], $0x1  }
0xb7: {  	[sflag:s29] =	ssyncadd.s32 $0xFFFFFFFF  }
0xb8: {  	_ =	strace $0x90000048  }
0xb9: {  	_ =	sfence  }
0xba: {  	s30 =	sld [smem:$0x0];
	_ =	sdelay $0x2  }
0xbb: {  	s31 =	sshll.u32 s1, $0xD;
	s1 =	sshrl.u32 s1, $0x2  }
0xbc: {  	s3 =	sand.u32 $0x4000, s31;
	s1 =	sadd.s32 s1, s30  }
0xbd: {  	s0 =	sor.u32 s3, s0;
	s1 =	sshll.u32 s1, $0x11  }
0xbe: {  	s0 =	sor.u32 s1, s0  }
0xbf: {  	s0 =	sadd.s32 $0x8F2B, s0  }
0xc0: {  	[sflag:s0] =	ssyncadd.remote.s32 $0x1  }
0xc1: {  	_ =	sfence.sel $0xFFFF  }
0xc2: {  	[dreg:$0x0] =	wrdreg $0xFFFFFFFF;
	(pc) =	sbr.abs _section_cstart, $3  }
0xc3: {  	[dreg:$0x1] =	wrdreg $0xFFFFFFFF  }
0xc4: {  	_ =	task.clear_ibuf [dreg:s9], $0x2FFFF;
	_ =	strace $0x9FFFFFFF  }
0xc5: {  	(tm) =	ssettm $0x7FFFFFFF  }
tec
execute0_lowered:
.L_overlay_start_1:
0x0: {  	(tag) =	ssettag $0x1  }
0x1: {  	v0 =	vimm.s32 $0x1380;
	vm14 =	vcmask $0x300;
	vm13 =	vcmask $0x704  }
0x2: {  	vm12 =	vcmask $0xB08;
	vm11 =	vcmask $0xF0C;
	vm10 =	vcmask $0x1310  }
0x3: {  	vm9 =	vcmask $0x1714;
	vm8 =	vcmask $0x1B18;
	vm7 =	vcmask $0x1F1C  }
0x4: {  	vm6 =	vcmask $0x2320;
	vm5 =	vcmask $0x2724;
	vm4 =	vcmask $0x2B28  }
0x5: {  	vm3 =	vcmask $0x2F2C;
	vm2 =	vcmask $0x3330;
	vm1 =	vcmask $0x3734  }
0x6: {  	v1 =	vlaneseq.u32;
	vm0 =	vcmask $0x3B38;
	v3 =	vimm.s32 $0x5380  }
0x7: {  	v4 =	vimm.s32 $0x7380;
	v5 =	vimm.s32 $0x1381;
	v6 =	vimm.s32 $0x3381  }
0x8: {  	v7 =	vimm.s32 $0x5381;
	v0 =	vsel vm14, $0x0, v0;
	v3 =	vsel vm14, $0x4000, v3  }
0x9: {  	v4 =	vsel vm14, $0x6000, v4;
	v5 =	vsel vm14, $0x1, v5;
	v6 =	vsel vm14, $0x2001, v6  }
0xa: {  	v7 =	vsel vm14, $0x4001, v7;
	v0 =	vsel vm13, $0x80, v0;
	v3 =	vsel vm13, $0x4080, v3  }
0xb: {  	v4 =	vsel vm13, $0x6080, v4;
	v5 =	vsel vm13, $0x81, v5;
	v6 =	vsel vm13, $0x2081, v6  }
0xc: {  	v7 =	vsel vm13, $0x4081, v7;
	v0 =	vsel vm12, $0x100, v0;
	v3 =	vsel vm12, $0x4100, v3  }
0xd: {  	v4 =	vsel vm12, $0x6100, v4;
	v5 =	vsel vm12, $0x101, v5;
	v6 =	vsel vm12, $0x2101, v6  }
0xe: {  	v7 =	vsel vm12, $0x4101, v7;
	v0 =	vsel vm11, $0x180, v0;
	v3 =	vsel vm11, $0x4180, v3  }
0xf: {  	v4 =	vsel vm11, $0x6180, v4;
	v5 =	vsel vm11, $0x181, v5;
	v6 =	vsel vm11, $0x2181, v6  }
0x10: {  	v7 =	vsel vm11, $0x4181, v7;
	v0 =	vsel vm10, $0x200, v0;
	v3 =	vsel vm10, $0x4200, v3  }
0x11: {  	v4 =	vsel vm10, $0x6200, v4;
	v5 =	vsel vm10, $0x201, v5;
	v6 =	vsel vm10, $0x2201, v6  }
0x12: {  	v7 =	vsel vm10, $0x4201, v7;
	v0 =	vsel vm9, $0x280, v0;
	v3 =	vsel vm9, $0x4280, v3  }
0x13: {  	v4 =	vsel vm9, $0x6280, v4;
	v5 =	vsel vm9, $0x281, v5;
	v6 =	vsel vm9, $0x2281, v6  }
0x14: {  	v7 =	vsel vm9, $0x4281, v7;
	v0 =	vsel vm8, $0x300, v0;
	v3 =	vsel vm8, $0x4300, v3  }
0x15: {  	v4 =	vsel vm8, $0x6300, v4;
	v5 =	vsel vm8, $0x301, v5;
	v6 =	vsel vm8, $0x2301, v6  }
0x16: {  	v7 =	vsel vm8, $0x4301, v7;
	v0 =	vsel vm7, $0x380, v0;
	v3 =	vsel vm7, $0x4380, v3  }
0x17: {  	v4 =	vsel vm7, $0x6380, v4;
	v5 =	vsel vm7, $0x381, v5;
	v6 =	vsel vm7, $0x2381, v6  }
0x18: {  	v7 =	vsel vm7, $0x4381, v7;
	v0 =	vsel vm6, $0x1000, v0;
	v3 =	vsel vm6, $0x5000, v3  }
0x19: {  	v4 =	vsel vm6, $0x7000, v4;
	v5 =	vsel vm6, $0x1001, v5;
	v6 =	vsel vm6, $0x3001, v6  }
0x1a: {  	v7 =	vsel vm6, $0x5001, v7;
	v0 =	vsel vm5, $0x1080, v0;
	v3 =	vsel vm5, $0x5080, v3  }
0x1b: {  	v4 =	vsel vm5, $0x7080, v4;
	v5 =	vsel vm5, $0x1081, v5;
	v6 =	vsel vm5, $0x3081, v6  }
0x1c: {  	v7 =	vsel vm5, $0x5081, v7;
	v0 =	vsel vm4, $0x1100, v0;
	v3 =	vsel vm4, $0x5100, v3  }
0x1d: {  	v4 =	vsel vm4, $0x7100, v4;
	v5 =	vsel vm4, $0x1101, v5;
	v6 =	vsel vm4, $0x3101, v6  }
0x1e: {  	v7 =	vsel vm4, $0x5101, v7;
	v0 =	vsel vm3, $0x1180, v0;
	v3 =	vsel vm3, $0x5180, v3  }
0x1f: {  	v4 =	vsel vm3, $0x7180, v4;
	v5 =	vsel vm3, $0x1181, v5;
	v6 =	vsel vm3, $0x3181, v6  }
0x20: {  	v7 =	vsel vm3, $0x5181, v7;
	v0 =	vsel vm2, $0x1200, v0;
	v3 =	vsel vm2, $0x5200, v3  }
0x21: {  	v4 =	vsel vm2, $0x7200, v4;
	v5 =	vsel vm2, $0x1201, v5;
	v6 =	vsel vm2, $0x3201, v6  }
0x22: {  	v7 =	vsel vm2, $0x5201, v7;
	v2 =	vsel vm1, $0x1280, v0;
	v0 =	vmul.u32 $0x80, v1  }
0x23: {  	v3 =	vsel vm1, $0x5280, v3;
	v4 =	vsel vm1, $0x7280, v4;
	v5 =	vsel vm1, $0x1281, v5  }
0x24: {  	v6 =	vsel vm1, $0x3281, v6;
	v7 =	vsel vm1, $0x5281, v7;
	v1 =	vsel vm0, $0x1300, v2  }
0x25: {  	v2 =	vimm.s32 $0x3380;
	v3 =	vsel vm0, $0x5300, v3;
	v5 =	vsel vm0, $0x1301, v5  }
0x26: {  	v2 =	vsel vm14, $0x2000, v2;
	[tilespmem:$0x1FF60] =	vst v5;
	v5 =	vsel vm0, $0x3301, v6;
	v6 =	vimm.s32 $0x1382  }
0x27: {  	v2 =	vsel vm13, $0x2080, v2;
	[tilespmem:$0x1FF70] =	vst v5;
	v5 =	vsel vm0, $0x5301, v7;
	v7 =	vimm.s32 $0x3382  }
0x28: {  	v6 =	vsel vm14, $0x2, v6;
	v2 =	vsel vm12, $0x2100, v2;
	[tilespmem:$0x1FF80] =	vst v5;
	v5 =	vimm.s32 $0x7381  }
0x29: {  	v7 =	vsel vm14, $0x2002, v7;
	v6 =	vsel vm13, $0x82, v6;
	v2 =	vsel vm11, $0x2180, v2  }
0x2a: {  	v5 =	vsel vm14, $0x6001, v5;
	v7 =	vsel vm13, $0x2082, v7;
	v6 =	vsel vm12, $0x102, v6  }
0x2b: {  	v2 =	vsel vm10, $0x2200, v2;
	v5 =	vsel vm13, $0x6081, v5;
	v7 =	vsel vm12, $0x2102, v7  }
0x2c: {  	v6 =	vsel vm11, $0x182, v6;
	v2 =	vsel vm9, $0x2280, v2;
	v5 =	vsel vm12, $0x6101, v5  }
0x2d: {  	v7 =	vsel vm11, $0x2182, v7;
	v6 =	vsel vm10, $0x202, v6;
	v5 =	vsel vm11, $0x6181, v5  }
0x2e: {  	v2 =	vsel vm8, $0x2300, v2;
	v7 =	vsel vm10, $0x2202, v7;
	v5 =	vsel vm10, $0x6201, v5  }
0x2f: {  	v6 =	vsel vm9, $0x282, v6;
	v2 =	vsel vm7, $0x2380, v2;
	v5 =	vsel vm9, $0x6281, v5  }
0x30: {  	v7 =	vsel vm9, $0x2282, v7;
	v6 =	vsel vm8, $0x302, v6;
	v5 =	vsel vm8, $0x6301, v5  }
0x31: {  	v2 =	vsel vm6, $0x3000, v2;
	v7 =	vsel vm8, $0x2302, v7;
	v5 =	vsel vm7, $0x6381, v5  }
0x32: {  	v6 =	vsel vm7, $0x382, v6;
	v2 =	vsel vm5, $0x3080, v2;
	v5 =	vsel vm6, $0x7001, v5  }
0x33: {  	v7 =	vsel vm7, $0x2382, v7;
	v6 =	vsel vm6, $0x1002, v6;
	v5 =	vsel vm5, $0x7081, v5  }
0x34: {  	v7 =	vsel vm6, $0x3002, v7;
	v6 =	vsel vm5, $0x1082, v6;
	v5 =	vsel vm4, $0x7101, v5  }
0x35: {  	v7 =	vsel vm5, $0x3082, v7;
	v6 =	vsel vm4, $0x1102, v6;
	v5 =	vsel vm3, $0x7181, v5  }
0x36: {  	v7 =	vsel vm4, $0x3102, v7;
	v6 =	vsel vm3, $0x1182, v6;
	v5 =	vsel vm2, $0x7201, v5  }
0x37: {  	v7 =	vsel vm3, $0x3182, v7;
	v6 =	vsel vm2, $0x1202, v6;
	v5 =	vsel vm1, $0x7281, v5  }
0x38: {  	v7 =	vsel vm2, $0x3202, v7;
	v6 =	vsel vm1, $0x1282, v6;
	v5 =	vsel vm0, $0x7301, v5  }
0x39: {  	v2 =	vsel vm4, $0x3100, v2;
	v7 =	vsel vm1, $0x3282, v7;
	[tilespmem:$0x1FF90] =	vst v5;
	v5 =	vsel vm0, $0x1302, v6  }
0x3a: {  	v4 =	vsel vm0, $0x7300, v4;
	v2 =	vsel vm3, $0x3180, v2;
	[tilespmem:$0x1FFA0] =	vst v5;
	v5 =	vsel vm0, $0x3302, v7  }
0x3b: {  	v8 =	vor.u32 $0x1800, v0;
	v2 =	vsel vm2, $0x3200, v2;
	[tilespmem:$0x1FFB0] =	vst v5;
	v5 =	vimm.s32 $0x5382  }
0x3c: {  	v2 =	vsel vm1, $0x3280, v2;
	v6 =	vimm.s32 $0x7382;
	v5 =	vsel vm14, $0x4002, v5  }
0x3d: {  	v7 =	vimm.s32 $0x1383;
	v6 =	vsel vm14, $0x6002, v6;
	v5 =	vsel vm13, $0x4082, v5  }
0x3e: {  	v7 =	vsel vm14, $0x3, v7;
	v6 =	vsel vm13, $0x6082, v6;
	v5 =	vsel vm12, $0x4102, v5  }
0x3f: {  	v7 =	vsel vm13, $0x83, v7;
	v6 =	vsel vm12, $0x6102, v6;
	v5 =	vsel vm11, $0x4182, v5  }
0x40: {  	v7 =	vsel vm12, $0x103, v7;
	v6 =	vsel vm11, $0x6182, v6;
	v5 =	vsel vm10, $0x4202, v5  }
0x41: {  	v7 =	vsel vm11, $0x183, v7;
	v6 =	vsel vm10, $0x6202, v6;
	v5 =	vsel vm9, $0x4282, v5  }
0x42: {  	v7 =	vsel vm10, $0x203, v7;
	v6 =	vsel vm9, $0x6282, v6;
	v5 =	vsel vm8, $0x4302, v5  }
0x43: {  	v7 =	vsel vm9, $0x283, v7;
	v6 =	vsel vm8, $0x6302, v6;
	v5 =	vsel vm7, $0x4382, v5  }
0x44: {  	v7 =	vsel vm8, $0x303, v7;
	v6 =	vsel vm7, $0x6382, v6;
	v5 =	vsel vm6, $0x5002, v5  }
0x45: {  	v7 =	vsel vm7, $0x383, v7;
	v6 =	vsel vm6, $0x7002, v6;
	v5 =	vsel vm5, $0x5082, v5  }
0x46: {  	v7 =	vsel vm6, $0x1003, v7;
	v6 =	vsel vm5, $0x7082, v6;
	v5 =	vsel vm4, $0x5102, v5  }
0x47: {  	v7 =	vsel vm5, $0x1083, v7;
	v6 =	vsel vm4, $0x7102, v6;
	v5 =	vsel vm3, $0x5182, v5  }
0x48: {  	v7 =	vsel vm4, $0x1103, v7;
	v6 =	vsel vm3, $0x7182, v6;
	v5 =	vsel vm2, $0x5202, v5  }
0x49: {  	v7 =	vsel vm3, $0x1183, v7;
	v6 =	vsel vm2, $0x7202, v6;
	v5 =	vsel vm1, $0x5282, v5  }
0x4a: {  	v7 =	vsel vm2, $0x1203, v7;
	v6 =	vsel vm1, $0x7282, v6;
	v5 =	vsel vm0, $0x5302, v5  }
0x4b: {  	v2 =	vsel vm0, $0x3300, v2;
	v7 =	vsel vm1, $0x1283, v7;
	[tilespmem:$0x1FFC0] =	vst v5;
	v5 =	vsel vm0, $0x7302, v6  }
0x4c: {  	v6 =	vimm.s32 $0x5383;
	[tilespmem:$0x1FFD0] =	vst v5;
	v5 =	vsel vm0, $0x1303, v7;
	v7 =	vimm.s32 $0x7383  }
0x4d: {  	v6 =	vsel vm14, $0x4003, v6;
	[tilespmem:$0x1FFE0] =	vst v5;
	v5 =	vimm.s32 $0x3383;
	v7 =	vsel vm14, $0x6003, v7  }
0x4e: {  	v6 =	vsel vm13, $0x4083, v6;
	v5 =	vsel vm14, $0x2003, v5;
	v7 =	vsel vm13, $0x6083, v7  }
0x4f: {  	v6 =	vsel vm12, $0x4103, v6;
	v5 =	vsel vm13, $0x2083, v5;
	v7 =	vsel vm12, $0x6103, v7  }
0x50: {  	v6 =	vsel vm11, $0x4183, v6;
	v5 =	vsel vm12, $0x2103, v5;
	v7 =	vsel vm11, $0x6183, v7  }
0x51: {  	v6 =	vsel vm10, $0x4203, v6;
	v5 =	vsel vm11, $0x2183, v5;
	v7 =	vsel vm10, $0x6203, v7  }
0x52: {  	v6 =	vsel vm9, $0x4283, v6;
	v5 =	vsel vm10, $0x2203, v5;
	v7 =	vsel vm9, $0x6283, v7  }
0x53: {  	v6 =	vsel vm8, $0x4303, v6;
	v5 =	vsel vm9, $0x2283, v5;
	v7 =	vsel vm8, $0x6303, v7  }
0x54: {  	v6 =	vsel vm7, $0x4383, v6;
	v5 =	vsel vm8, $0x2303, v5;
	v7 =	vsel vm7, $0x6383, v7  }
0x55: {  	v6 =	vsel vm6, $0x5003, v6;
	v5 =	vsel vm7, $0x2383, v5;
	v7 =	vsel vm6, $0x7003, v7  }
0x56: {  	v6 =	vsel vm5, $0x5083, v6;
	v5 =	vsel vm6, $0x3003, v5;
	v7 =	vsel vm5, $0x7083, v7  }
0x57: {  	v6 =	vsel vm4, $0x5103, v6;
	v5 =	vsel vm5, $0x3083, v5;
	v7 =	vsel vm4, $0x7103, v7  }
0x58: {  	v6 =	vsel vm3, $0x5183, v6;
	v5 =	vsel vm4, $0x3103, v5;
	v7 =	vsel vm3, $0x7183, v7  }
0x59: {  	v6 =	vsel vm2, $0x5203, v6;
	v5 =	vsel vm3, $0x3183, v5;
	v7 =	vsel vm2, $0x7203, v7  }
0x5a: {  	v6 =	vsel vm1, $0x5283, v6;
	v5 =	vsel vm2, $0x3203, v5;
	v7 =	vsel vm1, $0x7283, v7  }
0x5b: {  	v15 =	vsel vm0, $0x5303, v6;
	v6 =	vimm.s32 $0x3384;
	v5 =	vsel vm1, $0x3283, v5  }
0x5c: {  	v16 =	vsel vm0, $0x7303, v7;
	v7 =	vimm.s32 $0x5384;
	v6 =	vsel vm14, $0x2004, v6  }
0x5d: {  	v5 =	vsel vm0, $0x3303, v5;
	v7 =	vsel vm14, $0x4004, v7;
	v6 =	vsel vm13, $0x2084, v6  }
0x5e: {  	[tilespmem:$0x1FFF0] =	vst v5;
	v5 =	vimm.s32 $0x1384;
	v7 =	vsel vm13, $0x4084, v7;
	v6 =	vsel vm12, $0x2104, v6  }
0x5f: {  	v5 =	vsel vm14, $0x4, v5;
	v7 =	vsel vm12, $0x4104, v7;
	v6 =	vsel vm11, $0x2184, v6  }
0x60: {  	v5 =	vsel vm13, $0x84, v5;
	v7 =	vsel vm11, $0x4184, v7;
	v6 =	vsel vm10, $0x2204, v6  }
0x61: {  	v5 =	vsel vm12, $0x104, v5;
	v7 =	vsel vm10, $0x4204, v7;
	v6 =	vsel vm9, $0x2284, v6  }
0x62: {  	v5 =	vsel vm11, $0x184, v5;
	v7 =	vsel vm9, $0x4284, v7;
	v6 =	vsel vm8, $0x2304, v6  }
0x63: {  	v5 =	vsel vm10, $0x204, v5;
	v7 =	vsel vm8, $0x4304, v7;
	v6 =	vsel vm7, $0x2384, v6  }
0x64: {  	v5 =	vsel vm9, $0x284, v5;
	v7 =	vsel vm7, $0x4384, v7;
	v6 =	vsel vm6, $0x3004, v6  }
0x65: {  	v5 =	vsel vm8, $0x304, v5;
	v7 =	vsel vm6, $0x5004, v7;
	v6 =	vsel vm5, $0x3084, v6  }
0x66: {  	v5 =	vsel vm7, $0x384, v5;
	v7 =	vsel vm5, $0x5084, v7;
	v6 =	vsel vm4, $0x3104, v6  }
0x67: {  	v5 =	vsel vm6, $0x1004, v5;
	v7 =	vsel vm4, $0x5104, v7;
	v6 =	vsel vm3, $0x3184, v6  }
0x68: {  	v5 =	vsel vm5, $0x1084, v5;
	v7 =	vsel vm3, $0x5184, v7;
	v6 =	vsel vm2, $0x3204, v6  }
0x69: {  	v5 =	vsel vm4, $0x1104, v5;
	v7 =	vsel vm2, $0x5204, v7;
	v6 =	vsel vm1, $0x3284, v6  }
0x6a: {  	v5 =	vsel vm3, $0x1184, v5;
	v7 =	vsel vm1, $0x5284, v7;
	v18 =	vsel vm0, $0x3304, v6  }
0x6b: {  	v6 =	vimm.s32 $0x1385;
	v5 =	vsel vm2, $0x1204, v5;
	v19 =	vsel vm0, $0x5304, v7  }
0x6c: {  	v7 =	vimm.s32 $0x3385;
	v6 =	vsel vm14, $0x5, v6;
	v5 =	vsel vm1, $0x1284, v5  }
0x6d: {  	v7 =	vsel vm14, $0x2005, v7;
	v6 =	vsel vm13, $0x85, v6;
	v17 =	vsel vm0, $0x1304, v5  }
0x6e: {  	v5 =	vimm.s32 $0x7384;
	v7 =	vsel vm13, $0x2085, v7;
	v6 =	vsel vm12, $0x105, v6  }
0x6f: {  	v5 =	vsel vm14, $0x6004, v5;
	v7 =	vsel vm12, $0x2105, v7;
	v6 =	vsel vm11, $0x185, v6  }
0x70: {  	v5 =	vsel vm13, $0x6084, v5;
	v7 =	vsel vm11, $0x2185, v7;
	v6 =	vsel vm10, $0x205, v6  }
0x71: {  	v5 =	vsel vm12, $0x6104, v5;
	v7 =	vsel vm10, $0x2205, v7;
	v6 =	vsel vm9, $0x285, v6  }
0x72: {  	v5 =	vsel vm11, $0x6184, v5;
	v7 =	vsel vm9, $0x2285, v7;
	v6 =	vsel vm8, $0x305, v6  }
0x73: {  	v5 =	vsel vm10, $0x6204, v5;
	v7 =	vsel vm8, $0x2305, v7;
	v6 =	vsel vm7, $0x385, v6  }
0x74: {  	v5 =	vsel vm9, $0x6284, v5;
	v7 =	vsel vm7, $0x2385, v7;
	v6 =	vsel vm6, $0x1005, v6  }
0x75: {  	v5 =	vsel vm8, $0x6304, v5;
	v7 =	vsel vm6, $0x3005, v7;
	v6 =	vsel vm5, $0x1085, v6  }
0x76: {  	v5 =	vsel vm7, $0x6384, v5;
	v7 =	vsel vm5, $0x3085, v7;
	v6 =	vsel vm4, $0x1105, v6  }
0x77: {  	v5 =	vsel vm6, $0x7004, v5;
	v7 =	vsel vm4, $0x3105, v7;
	v6 =	vsel vm3, $0x1185, v6  }
0x78: {  	v5 =	vsel vm5, $0x7084, v5;
	v7 =	vsel vm3, $0x3185, v7;
	v6 =	vsel vm2, $0x1205, v6  }
0x79: {  	v5 =	vsel vm4, $0x7104, v5;
	v7 =	vsel vm2, $0x3205, v7;
	v6 =	vsel vm1, $0x1285, v6  }
0x7a: {  	v5 =	vsel vm3, $0x7184, v5;
	v7 =	vsel vm1, $0x3285, v7;
	v21 =	vsel vm0, $0x1305, v6  }
0x7b: {  	v6 =	vimm.s32 $0x7385;
	v5 =	vsel vm2, $0x7204, v5;
	v22 =	vsel vm0, $0x3305, v7  }
0x7c: {  	v7 =	vimm.s32 $0x1386;
	v6 =	vsel vm14, $0x6005, v6;
	v5 =	vsel vm1, $0x7284, v5  }
0x7d: {  	v7 =	vsel vm14, $0x6, v7;
	v6 =	vsel vm13, $0x6085, v6;
	v20 =	vsel vm0, $0x7304, v5  }
0x7e: {  	v5 =	vimm.s32 $0x5385;
	v7 =	vsel vm13, $0x86, v7;
	v6 =	vsel vm12, $0x6105, v6  }
0x7f: {  	v5 =	vsel vm14, $0x4005, v5;
	v7 =	vsel vm12, $0x106, v7;
	v6 =	vsel vm11, $0x6185, v6  }
0x80: {  	v5 =	vsel vm13, $0x4085, v5;
	v7 =	vsel vm11, $0x186, v7;
	v6 =	vsel vm10, $0x6205, v6  }
0x81: {  	v5 =	vsel vm12, $0x4105, v5;
	v7 =	vsel vm10, $0x206, v7;
	v6 =	vsel vm9, $0x6285, v6  }
0x82: {  	v5 =	vsel vm11, $0x4185, v5;
	v7 =	vsel vm9, $0x286, v7;
	v6 =	vsel vm8, $0x6305, v6  }
0x83: {  	v5 =	vsel vm10, $0x4205, v5;
	v7 =	vsel vm8, $0x306, v7;
	v6 =	vsel vm7, $0x6385, v6  }
0x84: {  	v5 =	vsel vm9, $0x4285, v5;
	v7 =	vsel vm7, $0x386, v7;
	v6 =	vsel vm6, $0x7005, v6  }
0x85: {  	v5 =	vsel vm8, $0x4305, v5;
	v7 =	vsel vm6, $0x1006, v7;
	v6 =	vsel vm5, $0x7085, v6  }
0x86: {  	v5 =	vsel vm7, $0x4385, v5;
	v7 =	vsel vm5, $0x1086, v7;
	v6 =	vsel vm4, $0x7105, v6  }
0x87: {  	v5 =	vsel vm6, $0x5005, v5;
	v7 =	vsel vm4, $0x1106, v7;
	v6 =	vsel vm3, $0x7185, v6  }
0x88: {  	v5 =	vsel vm5, $0x5085, v5;
	v7 =	vsel vm3, $0x1186, v7;
	v6 =	vsel vm2, $0x7205, v6  }
0x89: {  	v5 =	vsel vm4, $0x5105, v5;
	v7 =	vsel vm2, $0x1206, v7;
	v6 =	vsel vm1, $0x7285, v6  }
0x8a: {  	v5 =	vsel vm3, $0x5185, v5;
	v7 =	vsel vm1, $0x1286, v7;
	v24 =	vsel vm0, $0x7305, v6  }
0x8b: {  	v6 =	vimm.s32 $0x5386;
	v5 =	vsel vm2, $0x5205, v5;
	v25 =	vsel vm0, $0x1306, v7  }
0x8c: {  	v7 =	vimm.s32 $0x7386;
	v6 =	vsel vm14, $0x4006, v6;
	v5 =	vsel vm1, $0x5285, v5  }
0x8d: {  	v7 =	vsel vm14, $0x6006, v7;
	v6 =	vsel vm13, $0x4086, v6;
	v23 =	vsel vm0, $0x5305, v5  }
0x8e: {  	v5 =	vimm.s32 $0x3386;
	v7 =	vsel vm13, $0x6086, v7;
	v6 =	vsel vm12, $0x4106, v6  }
0x8f: {  	v5 =	vsel vm14, $0x2006, v5;
	v7 =	vsel vm12, $0x6106, v7;
	v6 =	vsel vm11, $0x4186, v6  }
0x90: {  	v5 =	vsel vm13, $0x2086, v5;
	v7 =	vsel vm11, $0x6186, v7;
	v6 =	vsel vm10, $0x4206, v6  }
0x91: {  	v5 =	vsel vm12, $0x2106, v5;
	v7 =	vsel vm10, $0x6206, v7;
	v6 =	vsel vm9, $0x4286, v6  }
0x92: {  	v5 =	vsel vm11, $0x2186, v5;
	v7 =	vsel vm9, $0x6286, v7;
	v6 =	vsel vm8, $0x4306, v6  }
0x93: {  	v5 =	vsel vm10, $0x2206, v5;
	v7 =	vsel vm8, $0x6306, v7;
	v6 =	vsel vm7, $0x4386, v6  }
0x94: {  	v5 =	vsel vm9, $0x2286, v5;
	v7 =	vsel vm7, $0x6386, v7;
	v6 =	vsel vm6, $0x5006, v6  }
0x95: {  	v5 =	vsel vm8, $0x2306, v5;
	v7 =	vsel vm6, $0x7006, v7;
	v6 =	vsel vm5, $0x5086, v6  }
0x96: {  	v5 =	vsel vm7, $0x2386, v5;
	v7 =	vsel vm5, $0x7086, v7;
	v6 =	vsel vm4, $0x5106, v6  }
0x97: {  	v5 =	vsel vm6, $0x3006, v5;
	v7 =	vsel vm4, $0x7106, v7;
	v6 =	vsel vm3, $0x5186, v6  }
0x98: {  	v5 =	vsel vm5, $0x3086, v5;
	v7 =	vsel vm3, $0x7186, v7;
	v6 =	vsel vm2, $0x5206, v6  }
0x99: {  	v5 =	vsel vm4, $0x3106, v5;
	v7 =	vsel vm2, $0x7206, v7;
	v6 =	vsel vm1, $0x5286, v6  }
0x9a: {  	v5 =	vsel vm3, $0x3186, v5;
	v7 =	vsel vm1, $0x7286, v7;
	v27 =	vsel vm0, $0x5306, v6  }
0x9b: {  	v6 =	vimm.s32 $0x3387;
	v5 =	vsel vm2, $0x3206, v5;
	v28 =	vsel vm0, $0x7306, v7  }
0x9c: {  	v7 =	vimm.s32 $0x5387;
	v6 =	vsel vm14, $0x2007, v6;
	v5 =	vsel vm1, $0x3286, v5  }
0x9d: {  	v7 =	vsel vm14, $0x4007, v7;
	v6 =	vsel vm13, $0x2087, v6;
	v26 =	vsel vm0, $0x3306, v5  }
0x9e: {  	v5 =	vimm.s32 $0x1387;
	v7 =	vsel vm13, $0x4087, v7;
	v6 =	vsel vm12, $0x2107, v6  }
0x9f: {  	v5 =	vsel vm14, $0x7, v5;
	v7 =	vsel vm12, $0x4107, v7;
	v6 =	vsel vm11, $0x2187, v6  }
0xa0: {  	v5 =	vsel vm13, $0x87, v5;
	v7 =	vsel vm11, $0x4187, v7;
	v6 =	vsel vm10, $0x2207, v6  }
0xa1: {  	v5 =	vsel vm12, $0x107, v5;
	v7 =	vsel vm10, $0x4207, v7;
	v6 =	vsel vm9, $0x2287, v6  }
0xa2: {  	v5 =	vsel vm11, $0x187, v5;
	v7 =	vsel vm9, $0x4287, v7;
	v6 =	vsel vm8, $0x2307, v6  }
0xa3: {  	v5 =	vsel vm10, $0x207, v5;
	v7 =	vsel vm8, $0x4307, v7;
	v6 =	vsel vm7, $0x2387, v6  }
0xa4: {  	v5 =	vsel vm9, $0x287, v5;
	v7 =	vsel vm7, $0x4387, v7;
	v6 =	vsel vm6, $0x3007, v6  }
0xa5: {  	v5 =	vsel vm8, $0x307, v5;
	v7 =	vsel vm6, $0x5007, v7;
	v6 =	vsel vm5, $0x3087, v6  }
0xa6: {  	v5 =	vsel vm7, $0x387, v5;
	v7 =	vsel vm5, $0x5087, v7;
	v6 =	vsel vm4, $0x3107, v6  }
0xa7: {  	v5 =	vsel vm6, $0x1007, v5;
	v7 =	vsel vm4, $0x5107, v7;
	v6 =	vsel vm3, $0x3187, v6  }
0xa8: {  	v5 =	vsel vm5, $0x1087, v5;
	v7 =	vsel vm3, $0x5187, v7;
	v6 =	vsel vm2, $0x3207, v6  }
0xa9: {  	v5 =	vsel vm4, $0x1107, v5;
	v7 =	vsel vm2, $0x5207, v7;
	v6 =	vsel vm1, $0x3287, v6  }
0xaa: {  	v5 =	vsel vm3, $0x1187, v5;
	v7 =	vsel vm1, $0x5287, v7;
	v30 =	vsel vm0, $0x3307, v6  }
0xab: {  	v6 =	vimm.s32 $0x1FF8;
	v5 =	vsel vm2, $0x1207, v5;
	v31 =	vsel vm0, $0x5307, v7  }
0xac: {  	v7 =	vimm.s32 $0x3FF8;
	v6 =	vsel vm14, $0xC78, v6;
	v5 =	vsel vm1, $0x1287, v5  }
0xad: {  	v7 =	vsel vm14, $0x2C78, v7;
	v6 =	vsel vm13, $0xCF8, v6;
	v29 =	vsel vm0, $0x1307, v5  }
0xae: {  	v5 =	vimm.s32 $0x7387;
	v7 =	vsel vm13, $0x2CF8, v7;
	v6 =	vsel vm12, $0xD78, v6  }
0xaf: {  	v5 =	vsel vm14, $0x6007, v5;
	v7 =	vsel vm12, $0x2D78, v7;
	v6 =	vsel vm11, $0xDF8, v6  }
0xb0: {  	v5 =	vsel vm13, $0x6087, v5;
	v7 =	vsel vm11, $0x2DF8, v7;
	v6 =	vsel vm10, $0xE78, v6  }
0xb1: {  	v5 =	vsel vm12, $0x6107, v5;
	v7 =	vsel vm10, $0x2E78, v7;
	v6 =	vsel vm9, $0xEF8, v6  }
0xb2: {  	v5 =	vsel vm11, $0x6187, v5;
	v7 =	vsel vm9, $0x2EF8, v7;
	v6 =	vsel vm8, $0xF78, v6  }
0xb3: {  	v5 =	vsel vm10, $0x6207, v5;
	v7 =	vsel vm8, $0x2F78, v7;
	v6 =	vsel vm7, $0xFF8, v6  }
0xb4: {  	v5 =	vsel vm9, $0x6287, v5;
	v7 =	vsel vm7, $0x2FF8, v7;
	v6 =	vsel vm6, $0x1C78, v6  }
0xb5: {  	v5 =	vsel vm8, $0x6307, v5;
	v7 =	vsel vm6, $0x3C78, v7;
	v6 =	vsel vm5, $0x1CF8, v6  }
0xb6: {  	v5 =	vsel vm7, $0x6387, v5;
	v7 =	vsel vm5, $0x3CF8, v7;
	v6 =	vsel vm4, $0x1D78, v6  }
0xb7: {  	v5 =	vsel vm6, $0x7007, v5;
	v7 =	vsel vm4, $0x3D78, v7;
	v6 =	vsel vm3, $0x1DF8, v6  }
0xb8: {  	v5 =	vsel vm5, $0x7087, v5;
	v7 =	vsel vm3, $0x3DF8, v7;
	v6 =	vsel vm2, $0x1E78, v6  }
0xb9: {  	v5 =	vsel vm4, $0x7107, v5;
	v7 =	vsel vm2, $0x3E78, v7;
	v6 =	vsel vm1, $0x1EF8, v6  }
0xba: {  	v5 =	vsel vm3, $0x7187, v5;
	v7 =	vsel vm1, $0x3EF8, v7;
	v33 =	vsel vm0, $0x1F78, v6  }
0xbb: {  	v6 =	vimm.s32 $0x7FF8;
	v5 =	vsel vm2, $0x7207, v5;
	v34 =	vsel vm0, $0x3F78, v7  }
0xbc: {  	v7 =	vimm.s32 $0x1FF9;
	v6 =	vsel vm14, $0x6C78, v6;
	v5 =	vsel vm1, $0x7287, v5  }
0xbd: {  	v7 =	vsel vm14, $0xC79, v7;
	v6 =	vsel vm13, $0x6CF8, v6;
	v32 =	vsel vm0, $0x7307, v5  }
0xbe: {  	v5 =	vimm.s32 $0x5FF8;
	v7 =	vsel vm13, $0xCF9, v7;
	v6 =	vsel vm12, $0x6D78, v6  }
0xbf: {  	v5 =	vsel vm14, $0x4C78, v5;
	v7 =	vsel vm12, $0xD79, v7;
	v6 =	vsel vm11, $0x6DF8, v6  }
0xc0: {  	v5 =	vsel vm13, $0x4CF8, v5;
	v7 =	vsel vm11, $0xDF9, v7;
	v6 =	vsel vm10, $0x6E78, v6  }
0xc1: {  	v5 =	vsel vm12, $0x4D78, v5;
	v7 =	vsel vm10, $0xE79, v7;
	v6 =	vsel vm9, $0x6EF8, v6  }
0xc2: {  	v5 =	vsel vm11, $0x4DF8, v5;
	v7 =	vsel vm9, $0xEF9, v7;
	v6 =	vsel vm8, $0x6F78, v6  }
0xc3: {  	v5 =	vsel vm10, $0x4E78, v5;
	v7 =	vsel vm8, $0xF79, v7;
	v6 =	vsel vm7, $0x6FF8, v6  }
0xc4: {  	v5 =	vsel vm9, $0x4EF8, v5;
	v7 =	vsel vm7, $0xFF9, v7;
	v6 =	vsel vm6, $0x7C78, v6  }
0xc5: {  	v5 =	vsel vm8, $0x4F78, v5;
	v7 =	vsel vm6, $0x1C79, v7;
	v6 =	vsel vm5, $0x7CF8, v6  }
0xc6: {  	v5 =	vsel vm7, $0x4FF8, v5;
	v7 =	vsel vm5, $0x1CF9, v7;
	v6 =	vsel vm4, $0x7D78, v6  }
0xc7: {  	v5 =	vsel vm6, $0x5C78, v5;
	v7 =	vsel vm4, $0x1D79, v7;
	v6 =	vsel vm3, $0x7DF8, v6  }
0xc8: {  	v5 =	vsel vm5, $0x5CF8, v5;
	v7 =	vsel vm3, $0x1DF9, v7;
	v6 =	vsel vm2, $0x7E78, v6  }
0xc9: {  	v5 =	vsel vm4, $0x5D78, v5;
	v7 =	vsel vm2, $0x1E79, v7;
	v6 =	vsel vm1, $0x7EF8, v6  }
0xca: {  	v5 =	vsel vm3, $0x5DF8, v5;
	v7 =	vsel vm1, $0x1EF9, v7;
	v36 =	vsel vm0, $0x7F78, v6  }
0xcb: {  	v6 =	vimm.s32 $0x5FF9;
	v5 =	vsel vm2, $0x5E78, v5;
	v37 =	vsel vm0, $0x1F79, v7  }
0xcc: {  	v7 =	vimm.s32 $0x7FF9;
	v6 =	vsel vm14, $0x4C79, v6;
	v5 =	vsel vm1, $0x5EF8, v5  }
0xcd: {  	v7 =	vsel vm14, $0x6C79, v7;
	v6 =	vsel vm13, $0x4CF9, v6;
	v35 =	vsel vm0, $0x5F78, v5  }
0xce: {  	v5 =	vimm.s32 $0x3FF9;
	v7 =	vsel vm13, $0x6CF9, v7;
	v6 =	vsel vm12, $0x4D79, v6  }
0xcf: {  	v5 =	vsel vm14, $0x2C79, v5;
	v7 =	vsel vm12, $0x6D79, v7;
	v6 =	vsel vm11, $0x4DF9, v6  }
0xd0: {  	v5 =	vsel vm13, $0x2CF9, v5;
	v7 =	vsel vm11, $0x6DF9, v7;
	v6 =	vsel vm10, $0x4E79, v6  }
0xd1: {  	v5 =	vsel vm12, $0x2D79, v5;
	v7 =	vsel vm10, $0x6E79, v7;
	v6 =	vsel vm9, $0x4EF9, v6  }
0xd2: {  	v5 =	vsel vm11, $0x2DF9, v5;
	v7 =	vsel vm9, $0x6EF9, v7;
	v6 =	vsel vm8, $0x4F79, v6  }
0xd3: {  	v5 =	vsel vm10, $0x2E79, v5;
	v7 =	vsel vm8, $0x6F79, v7;
	v6 =	vsel vm7, $0x4FF9, v6  }
0xd4: {  	v5 =	vsel vm9, $0x2EF9, v5;
	v7 =	vsel vm7, $0x6FF9, v7;
	v6 =	vsel vm6, $0x5C79, v6  }
0xd5: {  	v5 =	vsel vm8, $0x2F79, v5;
	v7 =	vsel vm6, $0x7C79, v7;
	v6 =	vsel vm5, $0x5CF9, v6  }
0xd6: {  	v5 =	vsel vm7, $0x2FF9, v5;
	v7 =	vsel vm5, $0x7CF9, v7;
	v6 =	vsel vm4, $0x5D79, v6  }
0xd7: {  	v5 =	vsel vm6, $0x3C79, v5;
	v7 =	vsel vm4, $0x7D79, v7;
	v6 =	vsel vm3, $0x5DF9, v6  }
0xd8: {  	v5 =	vsel vm5, $0x3CF9, v5;
	v7 =	vsel vm3, $0x7DF9, v7;
	v6 =	vsel vm2, $0x5E79, v6  }
0xd9: {  	v5 =	vsel vm4, $0x3D79, v5;
	v7 =	vsel vm2, $0x7E79, v7;
	v6 =	vsel vm1, $0x5EF9, v6  }
0xda: {  	v5 =	vsel vm3, $0x3DF9, v5;
	v7 =	vsel vm1, $0x7EF9, v7;
	v39 =	vsel vm0, $0x5F79, v6  }
0xdb: {  	v6 =	vimm.s32 $0x3FFA;
	v5 =	vsel vm2, $0x3E79, v5;
	v40 =	vsel vm0, $0x7F79, v7  }
0xdc: {  	v7 =	vimm.s32 $0x5FFA;
	v6 =	vsel vm14, $0x2C7A, v6;
	v5 =	vsel vm1, $0x3EF9, v5  }
0xdd: {  	v7 =	vsel vm14, $0x4C7A, v7;
	v6 =	vsel vm13, $0x2CFA, v6;
	v38 =	vsel vm0, $0x3F79, v5  }
0xde: {  	v5 =	vimm.s32 $0x1FFA;
	v7 =	vsel vm13, $0x4CFA, v7;
	v6 =	vsel vm12, $0x2D7A, v6  }
0xdf: {  	v5 =	vsel vm14, $0xC7A, v5;
	v7 =	vsel vm12, $0x4D7A, v7;
	v6 =	vsel vm11, $0x2DFA, v6  }
0xe0: {  	v5 =	vsel vm13, $0xCFA, v5;
	v7 =	vsel vm11, $0x4DFA, v7;
	v6 =	vsel vm10, $0x2E7A, v6  }
0xe1: {  	v5 =	vsel vm12, $0xD7A, v5;
	v7 =	vsel vm10, $0x4E7A, v7;
	v6 =	vsel vm9, $0x2EFA, v6  }
0xe2: {  	v5 =	vsel vm11, $0xDFA, v5;
	v7 =	vsel vm9, $0x4EFA, v7;
	v6 =	vsel vm8, $0x2F7A, v6  }
0xe3: {  	v5 =	vsel vm10, $0xE7A, v5;
	v7 =	vsel vm8, $0x4F7A, v7;
	v6 =	vsel vm7, $0x2FFA, v6  }
0xe4: {  	v5 =	vsel vm9, $0xEFA, v5;
	v7 =	vsel vm7, $0x4FFA, v7;
	v6 =	vsel vm6, $0x3C7A, v6  }
0xe5: {  	v5 =	vsel vm8, $0xF7A, v5;
	v7 =	vsel vm6, $0x5C7A, v7;
	v6 =	vsel vm5, $0x3CFA, v6  }
0xe6: {  	v5 =	vsel vm7, $0xFFA, v5;
	v7 =	vsel vm5, $0x5CFA, v7;
	v6 =	vsel vm4, $0x3D7A, v6  }
0xe7: {  	v5 =	vsel vm6, $0x1C7A, v5;
	v7 =	vsel vm4, $0x5D7A, v7;
	v6 =	vsel vm3, $0x3DFA, v6  }
0xe8: {  	v5 =	vsel vm5, $0x1CFA, v5;
	v7 =	vsel vm3, $0x5DFA, v7;
	v6 =	vsel vm2, $0x3E7A, v6  }
0xe9: {  	v5 =	vsel vm4, $0x1D7A, v5;
	v7 =	vsel vm2, $0x5E7A, v7;
	v6 =	vsel vm1, $0x3EFA, v6  }
0xea: {  	v5 =	vsel vm3, $0x1DFA, v5;
	v7 =	vsel vm1, $0x5EFA, v7;
	v42 =	vsel vm0, $0x3F7A, v6  }
0xeb: {  	v6 =	vimm.s32 $0x1FFB;
	v5 =	vsel vm2, $0x1E7A, v5;
	v43 =	vsel vm0, $0x5F7A, v7  }
0xec: {  	v7 =	vimm.s32 $0x3FFB;
	v6 =	vsel vm14, $0xC7B, v6;
	v5 =	vsel vm1, $0x1EFA, v5  }
0xed: {  	v7 =	vsel vm14, $0x2C7B, v7;
	v6 =	vsel vm13, $0xCFB, v6;
	v41 =	vsel vm0, $0x1F7A, v5  }
0xee: {  	v5 =	vimm.s32 $0x7FFA;
	v7 =	vsel vm13, $0x2CFB, v7;
	v6 =	vsel vm12, $0xD7B, v6  }
0xef: {  	v5 =	vsel vm14, $0x6C7A, v5;
	v7 =	vsel vm12, $0x2D7B, v7;
	v6 =	vsel vm11, $0xDFB, v6  }
0xf0: {  	v5 =	vsel vm13, $0x6CFA, v5;
	v7 =	vsel vm11, $0x2DFB, v7;
	v6 =	vsel vm10, $0xE7B, v6  }
0xf1: {  	v5 =	vsel vm12, $0x6D7A, v5;
	v7 =	vsel vm10, $0x2E7B, v7;
	v6 =	vsel vm9, $0xEFB, v6  }
0xf2: {  	v5 =	vsel vm11, $0x6DFA, v5;
	v7 =	vsel vm9, $0x2EFB, v7;
	v6 =	vsel vm8, $0xF7B, v6  }
0xf3: {  	v5 =	vsel vm10, $0x6E7A, v5;
	v7 =	vsel vm8, $0x2F7B, v7;
	v6 =	vsel vm7, $0xFFB, v6  }
0xf4: {  	v5 =	vsel vm9, $0x6EFA, v5;
	v7 =	vsel vm7, $0x2FFB, v7;
	v6 =	vsel vm6, $0x1C7B, v6  }
0xf5: {  	v5 =	vsel vm8, $0x6F7A, v5;
	v7 =	vsel vm6, $0x3C7B, v7;
	v6 =	vsel vm5, $0x1CFB, v6  }
0xf6: {  	v5 =	vsel vm7, $0x6FFA, v5;
	v7 =	vsel vm5, $0x3CFB, v7;
	v6 =	vsel vm4, $0x1D7B, v6  }
0xf7: {  	v5 =	vsel vm6, $0x7C7A, v5;
	v7 =	vsel vm4, $0x3D7B, v7;
	v6 =	vsel vm3, $0x1DFB, v6  }
0xf8: {  	v5 =	vsel vm5, $0x7CFA, v5;
	v7 =	vsel vm3, $0x3DFB, v7;
	v6 =	vsel vm2, $0x1E7B, v6  }
0xf9: {  	v5 =	vsel vm4, $0x7D7A, v5;
	v7 =	vsel vm2, $0x3E7B, v7;
	v6 =	vsel vm1, $0x1EFB, v6  }
0xfa: {  	v5 =	vsel vm3, $0x7DFA, v5;
	v7 =	vsel vm1, $0x3EFB, v7;
	v45 =	vsel vm0, $0x1F7B, v6  }
0xfb: {  	v6 =	vimm.s32 $0x7FFB;
	v5 =	vsel vm2, $0x7E7A, v5;
	v46 =	vsel vm0, $0x3F7B, v7  }
0xfc: {  	v7 =	vimm.s32 $0x1FFC;
	v6 =	vsel vm14, $0x6C7B, v6;
	v5 =	vsel vm1, $0x7EFA, v5  }
0xfd: {  	v7 =	vsel vm14, $0xC7C, v7;
	v6 =	vsel vm13, $0x6CFB, v6;
	v44 =	vsel vm0, $0x7F7A, v5  }
0xfe: {  	v5 =	vimm.s32 $0x5FFB;
	v7 =	vsel vm13, $0xCFC, v7;
	v6 =	vsel vm12, $0x6D7B, v6  }
0xff: {  	v5 =	vsel vm14, $0x4C7B, v5;
	v7 =	vsel vm12, $0xD7C, v7;
	v6 =	vsel vm11, $0x6DFB, v6  }
0x100: {  	v5 =	vsel vm13, $0x4CFB, v5;
	v7 =	vsel vm11, $0xDFC, v7;
	v6 =	vsel vm10, $0x6E7B, v6  }
0x101: {  	v5 =	vsel vm12, $0x4D7B, v5;
	v7 =	vsel vm10, $0xE7C, v7;
	v6 =	vsel vm9, $0x6EFB, v6  }
0x102: {  	v5 =	vsel vm11, $0x4DFB, v5;
	v7 =	vsel vm9, $0xEFC, v7;
	v6 =	vsel vm8, $0x6F7B, v6  }
0x103: {  	v5 =	vsel vm10, $0x4E7B, v5;
	v7 =	vsel vm8, $0xF7C, v7;
	v6 =	vsel vm7, $0x6FFB, v6  }
0x104: {  	v5 =	vsel vm9, $0x4EFB, v5;
	v7 =	vsel vm7, $0xFFC, v7;
	v6 =	vsel vm6, $0x7C7B, v6  }
0x105: {  	v5 =	vsel vm8, $0x4F7B, v5;
	v7 =	vsel vm6, $0x1C7C, v7;
	v6 =	vsel vm5, $0x7CFB, v6  }
0x106: {  	v5 =	vsel vm7, $0x4FFB, v5;
	v7 =	vsel vm5, $0x1CFC, v7;
	v6 =	vsel vm4, $0x7D7B, v6  }
0x107: {  	v5 =	vsel vm6, $0x5C7B, v5;
	v7 =	vsel vm4, $0x1D7C, v7;
	v6 =	vsel vm3, $0x7DFB, v6  }
0x108: {  	v5 =	vsel vm5, $0x5CFB, v5;
	v7 =	vsel vm3, $0x1DFC, v7;
	v6 =	vsel vm2, $0x7E7B, v6  }
0x109: {  	v5 =	vsel vm4, $0x5D7B, v5;
	v7 =	vsel vm2, $0x1E7C, v7;
	v6 =	vsel vm1, $0x7EFB, v6  }
0x10a: {  	v5 =	vsel vm3, $0x5DFB, v5;
	v7 =	vsel vm1, $0x1EFC, v7;
	v48 =	vsel vm0, $0x7F7B, v6  }
0x10b: {  	v6 =	vimm.s32 $0x5FFC;
	v5 =	vsel vm2, $0x5E7B, v5;
	v49 =	vsel vm0, $0x1F7C, v7  }
0x10c: {  	v7 =	vimm.s32 $0x7FFC;
	v6 =	vsel vm14, $0x4C7C, v6;
	v5 =	vsel vm1, $0x5EFB, v5  }
0x10d: {  	v7 =	vsel vm14, $0x6C7C, v7;
	v6 =	vsel vm13, $0x4CFC, v6;
	v47 =	vsel vm0, $0x5F7B, v5  }
0x10e: {  	v5 =	vimm.s32 $0x3FFC;
	v7 =	vsel vm13, $0x6CFC, v7;
	v6 =	vsel vm12, $0x4D7C, v6  }
0x10f: {  	v5 =	vsel vm14, $0x2C7C, v5;
	v7 =	vsel vm12, $0x6D7C, v7;
	v6 =	vsel vm11, $0x4DFC, v6  }
0x110: {  	v5 =	vsel vm13, $0x2CFC, v5;
	v7 =	vsel vm11, $0x6DFC, v7;
	v6 =	vsel vm10, $0x4E7C, v6  }
0x111: {  	v5 =	vsel vm12, $0x2D7C, v5;
	v7 =	vsel vm10, $0x6E7C, v7;
	v6 =	vsel vm9, $0x4EFC, v6  }
0x112: {  	v5 =	vsel vm11, $0x2DFC, v5;
	v7 =	vsel vm9, $0x6EFC, v7;
	v6 =	vsel vm8, $0x4F7C, v6  }
0x113: {  	v5 =	vsel vm10, $0x2E7C, v5;
	v7 =	vsel vm8, $0x6F7C, v7;
	v6 =	vsel vm7, $0x4FFC, v6  }
0x114: {  	v5 =	vsel vm9, $0x2EFC, v5;
	v7 =	vsel vm7, $0x6FFC, v7;
	v6 =	vsel vm6, $0x5C7C, v6  }
0x115: {  	v5 =	vsel vm8, $0x2F7C, v5;
	v7 =	vsel vm6, $0x7C7C, v7;
	v6 =	vsel vm5, $0x5CFC, v6  }
0x116: {  	v5 =	vsel vm7, $0x2FFC, v5;
	v7 =	vsel vm5, $0x7CFC, v7;
	v6 =	vsel vm4, $0x5D7C, v6  }
0x117: {  	v5 =	vsel vm6, $0x3C7C, v5;
	v7 =	vsel vm4, $0x7D7C, v7;
	v6 =	vsel vm3, $0x5DFC, v6  }
0x118: {  	v5 =	vsel vm5, $0x3CFC, v5;
	v7 =	vsel vm3, $0x7DFC, v7;
	v6 =	vsel vm2, $0x5E7C, v6  }
0x119: {  	v5 =	vsel vm4, $0x3D7C, v5;
	v7 =	vsel vm2, $0x7E7C, v7;
	v6 =	vsel vm1, $0x5EFC, v6  }
0x11a: {  	v5 =	vsel vm3, $0x3DFC, v5;
	v7 =	vsel vm1, $0x7EFC, v7;
	v51 =	vsel vm0, $0x5F7C, v6  }
0x11b: {  	v6 =	vimm.s32 $0x3FFD;
	v5 =	vsel vm2, $0x3E7C, v5;
	v52 =	vsel vm0, $0x7F7C, v7  }
0x11c: {  	v7 =	vimm.s32 $0x5FFD;
	v6 =	vsel vm14, $0x2C7D, v6;
	v5 =	vsel vm1, $0x3EFC, v5  }
0x11d: {  	v7 =	vsel vm14, $0x4C7D, v7;
	v6 =	vsel vm13, $0x2CFD, v6;
	v50 =	vsel vm0, $0x3F7C, v5  }
0x11e: {  	v5 =	vimm.s32 $0x1FFD;
	v7 =	vsel vm13, $0x4CFD, v7;
	v6 =	vsel vm12, $0x2D7D, v6  }
0x11f: {  	v5 =	vsel vm14, $0xC7D, v5;
	v7 =	vsel vm12, $0x4D7D, v7;
	v6 =	vsel vm11, $0x2DFD, v6  }
0x120: {  	v5 =	vsel vm13, $0xCFD, v5;
	v7 =	vsel vm11, $0x4DFD, v7;
	v6 =	vsel vm10, $0x2E7D, v6  }
0x121: {  	v5 =	vsel vm12, $0xD7D, v5;
	v7 =	vsel vm10, $0x4E7D, v7;
	v6 =	vsel vm9, $0x2EFD, v6  }
0x122: {  	v5 =	vsel vm11, $0xDFD, v5;
	v7 =	vsel vm9, $0x4EFD, v7;
	v6 =	vsel vm8, $0x2F7D, v6  }
0x123: {  	v5 =	vsel vm10, $0xE7D, v5;
	v7 =	vsel vm8, $0x4F7D, v7;
	v6 =	vsel vm7, $0x2FFD, v6  }
0x124: {  	v5 =	vsel vm9, $0xEFD, v5;
	v7 =	vsel vm7, $0x4FFD, v7;
	v6 =	vsel vm6, $0x3C7D, v6  }
0x125: {  	v5 =	vsel vm8, $0xF7D, v5;
	v7 =	vsel vm6, $0x5C7D, v7;
	v6 =	vsel vm5, $0x3CFD, v6  }
0x126: {  	v5 =	vsel vm7, $0xFFD, v5;
	v7 =	vsel vm5, $0x5CFD, v7;
	v6 =	vsel vm4, $0x3D7D, v6  }
0x127: {  	v5 =	vsel vm6, $0x1C7D, v5;
	v7 =	vsel vm4, $0x5D7D, v7;
	v6 =	vsel vm3, $0x3DFD, v6  }
0x128: {  	v5 =	vsel vm5, $0x1CFD, v5;
	v7 =	vsel vm3, $0x5DFD, v7;
	v6 =	vsel vm2, $0x3E7D, v6  }
0x129: {  	v5 =	vsel vm4, $0x1D7D, v5;
	v7 =	vsel vm2, $0x5E7D, v7;
	v6 =	vsel vm1, $0x3EFD, v6  }
0x12a: {  	v5 =	vsel vm3, $0x1DFD, v5;
	v7 =	vsel vm1, $0x5EFD, v7;
	v54 =	vsel vm0, $0x3F7D, v6  }
0x12b: {  	v6 =	vimm.s32 $0x1FFE;
	v5 =	vsel vm2, $0x1E7D, v5;
	v55 =	vsel vm0, $0x5F7D, v7  }
0x12c: {  	v7 =	vimm.s32 $0x3FFE;
	v6 =	vsel vm14, $0xC7E, v6;
	v5 =	vsel vm1, $0x1EFD, v5  }
0x12d: {  	v7 =	vsel vm14, $0x2C7E, v7;
	v6 =	vsel vm13, $0xCFE, v6;
	v53 =	vsel vm0, $0x1F7D, v5  }
0x12e: {  	v5 =	vimm.s32 $0x7FFD;
	v7 =	vsel vm13, $0x2CFE, v7;
	v6 =	vsel vm12, $0xD7E, v6  }
0x12f: {  	v5 =	vsel vm14, $0x6C7D, v5;
	v7 =	vsel vm12, $0x2D7E, v7;
	v6 =	vsel vm11, $0xDFE, v6  }
0x130: {  	v5 =	vsel vm13, $0x6CFD, v5;
	v7 =	vsel vm11, $0x2DFE, v7;
	v6 =	vsel vm10, $0xE7E, v6  }
0x131: {  	v5 =	vsel vm12, $0x6D7D, v5;
	v7 =	vsel vm10, $0x2E7E, v7;
	v6 =	vsel vm9, $0xEFE, v6  }
0x132: {  	v5 =	vsel vm11, $0x6DFD, v5;
	v7 =	vsel vm9, $0x2EFE, v7;
	v6 =	vsel vm8, $0xF7E, v6  }
0x133: {  	v5 =	vsel vm10, $0x6E7D, v5;
	v7 =	vsel vm8, $0x2F7E, v7;
	v6 =	vsel vm7, $0xFFE, v6  }
0x134: {  	v5 =	vsel vm9, $0x6EFD, v5;
	v7 =	vsel vm7, $0x2FFE, v7;
	v6 =	vsel vm6, $0x1C7E, v6  }
0x135: {  	v5 =	vsel vm8, $0x6F7D, v5;
	v7 =	vsel vm6, $0x3C7E, v7;
	v6 =	vsel vm5, $0x1CFE, v6  }
0x136: {  	v5 =	vsel vm7, $0x6FFD, v5;
	v7 =	vsel vm5, $0x3CFE, v7;
	v6 =	vsel vm4, $0x1D7E, v6  }
0x137: {  	v5 =	vsel vm6, $0x7C7D, v5;
	v7 =	vsel vm4, $0x3D7E, v7;
	v6 =	vsel vm3, $0x1DFE, v6  }
0x138: {  	v5 =	vsel vm5, $0x7CFD, v5;
	v7 =	vsel vm3, $0x3DFE, v7;
	v6 =	vsel vm2, $0x1E7E, v6  }
0x139: {  	v5 =	vsel vm4, $0x7D7D, v5;
	v7 =	vsel vm2, $0x3E7E, v7;
	v6 =	vsel vm1, $0x1EFE, v6  }
0x13a: {  	v5 =	vsel vm3, $0x7DFD, v5;
	v7 =	vsel vm1, $0x3EFE, v7;
	v57 =	vsel vm0, $0x1F7E, v6  }
0x13b: {  	v6 =	vimm.s32 $0x7FFE;
	v5 =	vsel vm2, $0x7E7D, v5;
	v58 =	vsel vm0, $0x3F7E, v7  }
0x13c: {  	v7 =	vimm.s32 $0x1FFF;
	v6 =	vsel vm14, $0x6C7E, v6;
	v5 =	vsel vm1, $0x7EFD, v5  }
0x13d: {  	v7 =	vsel vm14, $0xC7F, v7;
	v6 =	vsel vm13, $0x6CFE, v6;
	v56 =	vsel vm0, $0x7F7D, v5  }
0x13e: {  	v5 =	vimm.s32 $0x5FFE;
	v7 =	vsel vm13, $0xCFF, v7;
	v6 =	vsel vm12, $0x6D7E, v6  }
0x13f: {  	v5 =	vsel vm14, $0x4C7E, v5;
	v7 =	vsel vm12, $0xD7F, v7;
	v6 =	vsel vm11, $0x6DFE, v6  }
0x140: {  	v5 =	vsel vm13, $0x4CFE, v5;
	v7 =	vsel vm11, $0xDFF, v7;
	v6 =	vsel vm10, $0x6E7E, v6  }
0x141: {  	v5 =	vsel vm12, $0x4D7E, v5;
	v7 =	vsel vm10, $0xE7F, v7;
	v6 =	vsel vm9, $0x6EFE, v6  }
0x142: {  	v5 =	vsel vm11, $0x4DFE, v5;
	v7 =	vsel vm9, $0xEFF, v7;
	v6 =	vsel vm8, $0x6F7E, v6  }
0x143: {  	v5 =	vsel vm10, $0x4E7E, v5;
	v7 =	vsel vm8, $0xF7F, v7;
	v6 =	vsel vm7, $0x6FFE, v6  }
0x144: {  	v5 =	vsel vm9, $0x4EFE, v5;
	v7 =	vsel vm7, $0xFFF, v7;
	v6 =	vsel vm6, $0x7C7E, v6  }
0x145: {  	v5 =	vsel vm8, $0x4F7E, v5;
	v7 =	vsel vm6, $0x1C7F, v7;
	v6 =	vsel vm5, $0x7CFE, v6  }
0x146: {  	v5 =	vsel vm7, $0x4FFE, v5;
	v7 =	vsel vm5, $0x1CFF, v7;
	v6 =	vsel vm4, $0x7D7E, v6  }
0x147: {  	v5 =	vsel vm6, $0x5C7E, v5;
	v7 =	vsel vm4, $0x1D7F, v7;
	v6 =	vsel vm3, $0x7DFE, v6  }
0x148: {  	v5 =	vsel vm5, $0x5CFE, v5;
	v7 =	vsel vm3, $0x1DFF, v7;
	v6 =	vsel vm2, $0x7E7E, v6  }
0x149: {  	v5 =	vsel vm4, $0x5D7E, v5;
	v7 =	vsel vm2, $0x1E7F, v7;
	v6 =	vsel vm1, $0x7EFE, v6  }
0x14a: {  	v5 =	vsel vm3, $0x5DFE, v5;
	v7 =	vsel vm1, $0x1EFF, v7;
	v60 =	vsel vm0, $0x7F7E, v6  }
0x14b: {  	v6 =	vimm.s32 $0x5FFF;
	v5 =	vsel vm2, $0x5E7E, v5;
	v61 =	vsel vm0, $0x1F7F, v7  }
0x14c: {  	v7 =	vimm.s32 $0x7FFF;
	v6 =	vsel vm14, $0x4C7F, v6;
	v5 =	vsel vm1, $0x5EFE, v5  }
0x14d: {  	v7 =	vsel vm14, $0x6C7F, v7;
	v59 =	vsel vm0, $0x5F7E, v5;
	v5 =	vimm.s32 $0x3FFF  }
0x14e: {  	v6 =	vsel vm13, $0x4CFF, v6;
	v7 =	vsel vm13, $0x6CFF, v7;
	v5 =	vsel vm14, $0x2C7F, v5  }
0x14f: {  	v6 =	vsel vm12, $0x4D7F, v6;
	v7 =	vsel vm12, $0x6D7F, v7;
	v5 =	vsel vm13, $0x2CFF, v5  }
0x150: {  	s1 =	rddreg [dreg:$0x0];
	v6 =	vsel vm11, $0x4DFF, v6;
	v7 =	vsel vm11, $0x6DFF, v7;
	v5 =	vsel vm12, $0x2D7F, v5  }
0x151: {  	s0 =	rddreg [dreg:$0x1];
	v6 =	vsel vm10, $0x4E7F, v6;
	v7 =	vsel vm10, $0x6E7F, v7;
	v5 =	vsel vm11, $0x2DFF, v5  }
0x152: {  	s2 =	rddreg [dreg:$0x2];
	s3 =	srdreg.scid;
	v6 =	vsel vm9, $0x4EFF, v6;
	v7 =	vsel vm9, $0x6EFF, v7;
	v5 =	vsel vm10, $0x2E7F, v5  }
0x153: {  	s4 =	stileid.u32;
	s6 =	simm.s32 $0x0;
	s8 =	simm.s32 $0x7A1400;
	v6 =	vsel vm8, $0x4F7F, v6;
	v7 =	vsel vm8, $0x6F7F, v7;
	v5 =	vsel vm9, $0x2EFF, v5  }
0x154: {  	s7 =	simm.s32 $0x3;
	s9 =	simm.s32 $0x400;
	s10 =	simm.s32 $0x200;
	v6 =	vsel vm7, $0x4FFF, v6;
	v7 =	vsel vm7, $0x6FFF, v7;
	v5 =	vsel vm8, $0x2F7F, v5  }
0x155: {  	s11 =	simm.s32 $0x2200;
	s12 =	simm.s32 $0x4200;
	s13 =	simm.s32 $0x6200;
	v6 =	vsel vm6, $0x5C7F, v6;
	v7 =	vsel vm6, $0x7C7F, v7;
	v5 =	vsel vm7, $0x2FFF, v5  }
0x156: {  	s14 =	simm.s32 $0x8200;
	s15 =	simm.s32 $0xA200;
	s16 =	simm.s32 $0xC200;
	v6 =	vsel vm5, $0x5CFF, v6;
	v7 =	vsel vm5, $0x7CFF, v7;
	v5 =	vsel vm6, $0x3C7F, v5  }
0x157: {  	s17 =	simm.s32 $0xE200;
	s18 =	simm.s32 $0x2;
	s19 =	simm.s32 $0x10200;
	v6 =	vsel vm4, $0x5D7F, v6;
	v7 =	vsel vm4, $0x7D7F, v7;
	v5 =	vsel vm5, $0x3CFF, v5  }
0x158: {  	s22 =	simm.s32 $0x1;
	s23 =	simm.s32 $0x0;
	s3 =	sand.u32 $0x1, s3;
	v6 =	vsel vm3, $0x5DFF, v6;
	v7 =	vsel vm3, $0x7DFF, v7;
	v5 =	vsel vm4, $0x3D7F, v5  }
0x159: {  	s4 =	sshll.u32 s4, $0xA;
	s5 =	sshll.u32 s3, $0x9;
	s3 =	ssub.s32 $0x2, s3;
	v6 =	vsel vm2, $0x5E7F, v6;
	v7 =	vsel vm2, $0x7E7F, v7;
	v5 =	vsel vm3, $0x3DFF, v5  }
0x15a: {  	[smem:$0x7FF] =	sst s6;
	s5 =	sor.u32 s5, s4;
	s30 =	sshrl.u32 s3, $0x1;
	v6 =	vsel vm1, $0x5EFF, v6;
	v7 =	vsel vm1, $0x7EFF, v7;
	v5 =	vsel vm2, $0x3E7F, v5  }
0x15b: {  	s31 =	sshrl.u32 s5, $0x3;
	s3 =	ssub.s32 s3, s30;
	s5 =	sadd.s32 s2, s5;
	v63 =	vsel vm0, $0x5F7F, v6;
	v6 =	vor.u32 $0x800, v0;
	v5 =	vsel vm1, $0x3EFF, v5  }
0x15c: {  	s4 =	sadd.s32 s1, s31;
	s6 =	smax.u32 s3, $0x1;
	_ =	strace $0x80000047;
	v62 =	vsel vm0, $0x3F7F, v5;
	v5 =	vsel vm0, $0x7F7F, v7;
	v7 =	vor.u32 $0x1000, v0  }
.LBB2_1:
0x15d: {  	s1 =	simm.s32 $0x0  }
0x15e: {  	[tilespmem:s1], [sflag:$0x3] =	stream.linear.gather [hbm4b:s4+s1], $0x200, $0x38;
	[tilespmem:$0x18200] =	vst v63  }
0x15f: {  	_ =	swait.ge [sflag:s7], $0x200  }
0x160: {  	[sflag:s7] =	ssyncset.done $0x0  }
0x161: {  	[sflag:s7] =	ssyncadd.s32 $0xFFFFFE00  }
0x162: {  	v10 =	vld [tilespmem:$0x0];
	_ =	sdelay $0x4  }
0x163: {  	(v2sf) =	vpush v10, $0x0  }
0x164: {  	(v2sf) =	vpush v10, $0x1;
	_ =	sdelay $0x3  }
0x165: {  	(v2sf) =	vpush v10, $0x2;
	_ =	sdelay $0x1  }
0x166: {  	(v2sf) =	vpush v10, $0x3;
	_ =	sdelay $0x1  }
0x167: {  	(v2sf) =	vpush v10, $0x4;
	_ =	sdelay $0x5  }
0x168: {  	s28 =	spop (v2sf);
	(v2sf) =	vpush v10, $0x5  }
0x169: {  	s29 =	spop (v2sf);
	(v2sf) =	vpush v10, $0x6;
	_ =	sdelay $0x2  }
0x16a: {  	s30 =	sand.u32 $0xFFFFF80, s28  }
0x16b: {  	s1 =	sadd.s32 s0, s30;
	s31 =	sand.u32 $0xFFFFF80, s29;
	s26 =	spop (v2sf)  }
0x16c: {  	(v2sf) =	vpush v10, $0x7;
	[tilespmem:s10], [sflag:$0x2] =	stream.strided.gather [hbm4b:s1+s9], $0x2000, s8, s9, $0x38;
	[tilespmem:$0x18200] =	vst v63  }
0x16d: {  	s1 =	sadd.s32 s0, s31;
	s2 =	sand.u32 $0xFFFFF80, s26;
	s25 =	spop (v2sf)  }
0x16e: {  	[tilespmem:s11], [sflag:$0x2] =	stream.strided.gather [hbm4b:s1+s9], $0x2000, s8, s9, $0x38;
	[tilespmem:$0x18200] =	vst v63  }
0x16f: {  	s3 =	sand.u32 $0xFFFFF80, s25;
	s24 =	spop (v2sf);
	s1 =	sadd.s32 s0, s2  }
0x170: {  	[tilespmem:s12], [sflag:$0x2] =	stream.strided.gather [hbm4b:s1+s9], $0x2000, s8, s9, $0x38;
	[tilespmem:$0x18200] =	vst v63  }
0x171: {  	s20 =	sand.u32 $0xFFFFF80, s24;
	s1 =	sadd.s32 s0, s3  }
0x172: {  	[tilespmem:s13], [sflag:$0x2] =	stream.strided.gather [hbm4b:s1+s9], $0x2000, s8, s9, $0x38;
	[tilespmem:$0x18200] =	vst v63  }
0x173: {  	s1 =	sadd.s32 s0, s20  }
0x174: {  	[tilespmem:s14], [sflag:$0x2] =	stream.strided.gather [hbm4b:s1+s9], $0x2000, s8, s9, $0x38;
	[tilespmem:$0x18200] =	vst v63  }
0x175: {  	s3 =	spop (v2sf)  }
0x176: {  	s21 =	sand.u32 $0xFFFFF80, s3;
	s2 =	spop (v2sf)  }
0x177: {  	s1 =	sadd.s32 s0, s21;
	s30 =	sand.u32 $0xFFFFF80, s2  }
0x178: {  	[tilespmem:s15], [sflag:$0x2] =	stream.strided.gather [hbm4b:s1+s9], $0x2000, s8, s9, $0x38;
	[tilespmem:$0x18200] =	vst v63  }
0x179: {  	s1 =	sadd.s32 s0, s30  }
0x17a: {  	[tilespmem:s16], [sflag:$0x2] =	stream.strided.gather [hbm4b:s1+s9], $0x2000, s8, s9, $0x38;
	[tilespmem:$0x18200] =	vst v63  }
0x17b: {  	s1 =	spop (v2sf)  }
0x17c: {  	s28 =	sand.u32 $0x7F, s28;
	s30 =	sand.u32 $0xFFFFF80, s1  }
0x17d: {  	v9 =	vor.u32 s28, v0;
	s30 =	sadd.s32 s0, s30  }
0x17e: {  	[tilespmem:s17], [sflag:$0x2] =	stream.strided.gather [hbm4b:s30+s9], $0x2000, s8, s9, $0x38;
	[tilespmem:$0x18200] =	vst v63  }
0x17f: {  	_ =	swait.ge [sflag:s18], $0x2000  }
0x180: {  	[sflag:s18] =	ssyncset.done $0x0  }
0x181: {  	[sflag:s18] =	ssyncadd.s32 $0xFFFFE000  }
0x182: {  	v9 =	vld.idx.msk [tilespmem:v9+s10+$0x0], $0xffff  }
0x183: {  	v11 =	vor.u32 s28, v6;
	_ =	sdelay $0x3  }
0x184: {  	[tilespmem:v1+s19+$0x0] =	vst.idx.msk $0xffff, v9  }
0x185: {  	(v2sf) =	vpush v10, $0x8;
	v9 =	vld.idx.msk [tilespmem:v11+s10+$0x0], $0xffff  }
0x186: {  	v11 =	vor.u32 s28, v7;
	_ =	sdelay $0x3  }
0x187: {  	[tilespmem:v2+s19+$0x0] =	vst.idx.msk $0xffff, v9  }
0x188: {  	v9 =	vld.idx.msk [tilespmem:v11+s10+$0x0], $0xffff  }
0x189: {  	v11 =	vor.u32 s28, v8;
	_ =	sdelay $0x3  }
0x18a: {  	[tilespmem:v3+s19+$0x0] =	vst.idx.msk $0xffff, v9  }
0x18b: {  	v9 =	vld.idx.msk [tilespmem:v11+s10+$0x0], $0xffff;
	_ =	sdelay $0x2  }
0x18c: {  	s31 =	spop (v2sf)  }
0x18d: {  	s28 =	sand.u32 $0xFFFFF80, s31  }
0x18e: {  	s29 =	sand.u32 $0x7F, s29;
	s28 =	sadd.s32 s0, s28;
	[tilespmem:v4+s19+$0x0] =	vst.idx.msk $0xffff, v9  }
0x18f: {  	v9 =	vor.u32 s29, v0;
	[tilespmem:s10], [sflag:$0x2] =	stream.strided.gather [hbm4b:s28+s9], $0x2000, s8, s9, $0x38;
	[tilespmem:$0x18200] =	vst v63  }
0x190: {  	_ =	swait.ge [sflag:s18], $0x2000  }
0x191: {  	v12 =	vld [tilespmem:$0x1FF60]  }
0x192: {  	[sflag:s18] =	ssyncset.done $0x0  }
0x193: {  	[sflag:s18] =	ssyncadd.s32 $0xFFFFE000  }
0x194: {  	v9 =	vld.idx.msk [tilespmem:v9+s11+$0x0], $0xffff;
	_ =	sdelay $0x2  }
0x195: {  	v11 =	vor.u32 s29, v6;
	_ =	sdelay $0x1  }
0x196: {  	[tilespmem:v12+s19+$0x0] =	vst.idx.msk $0xffff, v9;
	v12 =	vld [tilespmem:$0x1FF70];
	_ =	sdelay $0x2  }
0x197: {  	v9 =	vld.idx.msk [tilespmem:v11+s11+$0x0], $0xffff;
	_ =	sdelay $0x2  }
0x198: {  	v11 =	vor.u32 s29, v7;
	_ =	sdelay $0x1  }
0x199: {  	[tilespmem:v12+s19+$0x0] =	vst.idx.msk $0xffff, v9;
	v12 =	vld [tilespmem:$0x1FF80]  }
0x19a: {  	(v2sf) =	vpush v10, $0x9;
	_ =	sdelay $0x1  }
0x19b: {  	v9 =	vld.idx.msk [tilespmem:v11+s11+$0x0], $0xffff  }
0x19c: {  	v11 =	vor.u32 s29, v8;
	_ =	sdelay $0x3  }
0x19d: {  	[tilespmem:v12+s19+$0x0] =	vst.idx.msk $0xffff, v9  }
0x19e: {  	v9 =	vld.idx.msk [tilespmem:v11+s11+$0x0], $0xffff  }
0x19f: {  	v11 =	vld [tilespmem:$0x1FF90];
	_ =	sdelay $0x5  }
0x1a0: {  	s20 =	spop (v2sf)  }
0x1a1: {  	s28 =	sand.u32 $0xFFFFF80, s20  }
0x1a2: {  	s26 =	sand.u32 $0x7F, s26;
	s28 =	sadd.s32 s0, s28;
	[tilespmem:v11+s19+$0x0] =	vst.idx.msk $0xffff, v9  }
0x1a3: {  	v9 =	vor.u32 s26, v0;
	[tilespmem:s11], [sflag:$0x2] =	stream.strided.gather [hbm4b:s28+s9], $0x2000, s8, s9, $0x38;
	[tilespmem:$0x18200] =	vst v63  }
0x1a4: {  	_ =	swait.ge [sflag:s18], $0x2000  }
0x1a5: {  	v12 =	vld [tilespmem:$0x1FFA0]  }
0x1a6: {  	[sflag:s18] =	ssyncset.done $0x0  }
0x1a7: {  	[sflag:s18] =	ssyncadd.s32 $0xFFFFE000  }
0x1a8: {  	v9 =	vld.idx.msk [tilespmem:v9+s12+$0x0], $0xffff;
	_ =	sdelay $0x2  }
0x1a9: {  	v11 =	vor.u32 s26, v6;
	_ =	sdelay $0x1  }
0x1aa: {  	[tilespmem:v12+s19+$0x0] =	vst.idx.msk $0xffff, v9;
	v12 =	vld [tilespmem:$0x1FFB0];
	_ =	sdelay $0x2  }
0x1ab: {  	v9 =	vld.idx.msk [tilespmem:v11+s12+$0x0], $0xffff;
	_ =	sdelay $0x2  }
0x1ac: {  	v11 =	vor.u32 s26, v7;
	_ =	sdelay $0x1  }
0x1ad: {  	[tilespmem:v12+s19+$0x0] =	vst.idx.msk $0xffff, v9;
	v12 =	vld [tilespmem:$0x1FFC0]  }
0x1ae: {  	(v2sf) =	vpush v10, $0xA;
	_ =	sdelay $0x1  }
0x1af: {  	v9 =	vld.idx.msk [tilespmem:v11+s12+$0x0], $0xffff  }
0x1b0: {  	v11 =	vor.u32 s26, v8;
	_ =	sdelay $0x3  }
0x1b1: {  	[tilespmem:v12+s19+$0x0] =	vst.idx.msk $0xffff, v9  }
0x1b2: {  	v9 =	vld.idx.msk [tilespmem:v11+s12+$0x0], $0xffff  }
0x1b3: {  	v11 =	vld [tilespmem:$0x1FFD0];
	_ =	sdelay $0x5  }
0x1b4: {  	s21 =	spop (v2sf)  }
0x1b5: {  	s26 =	sand.u32 $0xFFFFF80, s21  }
0x1b6: {  	s25 =	sand.u32 $0x7F, s25;
	s26 =	sadd.s32 s0, s26;
	[tilespmem:v11+s19+$0x0] =	vst.idx.msk $0xffff, v9  }
0x1b7: {  	v9 =	vor.u32 s25, v0;
	[tilespmem:s12], [sflag:$0x2] =	stream.strided.gather [hbm4b:s26+s9], $0x2000, s8, s9, $0x38;
	[tilespmem:$0x18200] =	vst v63  }
0x1b8: {  	_ =	swait.ge [sflag:s18], $0x2000  }
0x1b9: {  	v12 =	vld [tilespmem:$0x1FFE0]  }
0x1ba: {  	[sflag:s18] =	ssyncset.done $0x0  }
0x1bb: {  	[sflag:s18] =	ssyncadd.s32 $0xFFFFE000  }
0x1bc: {  	v9 =	vld.idx.msk [tilespmem:v9+s13+$0x0], $0xffff;
	_ =	sdelay $0x2  }
0x1bd: {  	v11 =	vor.u32 s25, v6;
	_ =	sdelay $0x1  }
0x1be: {  	[tilespmem:v12+s19+$0x0] =	vst.idx.msk $0xffff, v9;
	v12 =	vld [tilespmem:$0x1FFF0];
	_ =	sdelay $0x2  }
0x1bf: {  	(v2sf) =	vpush v10, $0xB;
	v9 =	vld.idx.msk [tilespmem:v11+s13+$0x0], $0xffff  }
0x1c0: {  	v11 =	vor.u32 s25, v7;
	_ =	sdelay $0x3  }
0x1c1: {  	[tilespmem:v12+s19+$0x0] =	vst.idx.msk $0xffff, v9  }
0x1c2: {  	v9 =	vld.idx.msk [tilespmem:v11+s13+$0x0], $0xffff  }
0x1c3: {  	v11 =	vor.u32 s25, v8;
	_ =	sdelay $0x3  }
0x1c4: {  	[tilespmem:v15+s19+$0x0] =	vst.idx.msk $0xffff, v9  }
0x1c5: {  	v9 =	vld.idx.msk [tilespmem:v11+s13+$0x0], $0xffff;
	_ =	sdelay $0x2  }
0x1c6: {  	s26 =	spop (v2sf)  }
0x1c7: {  	s24 =	sand.u32 $0x7F, s24;
	s25 =	sand.u32 $0xFFFFF80, s26  }
0x1c8: {  	s25 =	sadd.s32 s0, s25;
	[tilespmem:v16+s19+$0x0] =	vst.idx.msk $0xffff, v9;
	v9 =	vor.u32 s24, v0  }
0x1c9: {  	[tilespmem:s13], [sflag:$0x2] =	stream.strided.gather [hbm4b:s25+s9], $0x2000, s8, s9, $0x38;
	[tilespmem:$0x18200] =	vst v63  }
0x1ca: {  	_ =	swait.ge [sflag:s18], $0x2000  }
0x1cb: {  	[sflag:s18] =	ssyncset.done $0x0  }
0x1cc: {  	[sflag:s18] =	ssyncadd.s32 $0xFFFFE000  }
0x1cd: {  	v9 =	vld.idx.msk [tilespmem:v9+s14+$0x0], $0xffff  }
0x1ce: {  	v11 =	vor.u32 s24, v6;
	_ =	sdelay $0x3  }
0x1cf: {  	[tilespmem:v17+s19+$0x0] =	vst.idx.msk $0xffff, v9  }
0x1d0: {  	(v2sf) =	vpush v10, $0xC;
	v9 =	vld.idx.msk [tilespmem:v11+s14+$0x0], $0xffff  }
0x1d1: {  	v11 =	vor.u32 s24, v7;
	_ =	sdelay $0x3  }
0x1d2: {  	[tilespmem:v18+s19+$0x0] =	vst.idx.msk $0xffff, v9  }
0x1d3: {  	v9 =	vld.idx.msk [tilespmem:v11+s14+$0x0], $0xffff  }
0x1d4: {  	v11 =	vor.u32 s24, v8;
	_ =	sdelay $0x3  }
0x1d5: {  	[tilespmem:v19+s19+$0x0] =	vst.idx.msk $0xffff, v9  }
0x1d6: {  	v9 =	vld.idx.msk [tilespmem:v11+s14+$0x0], $0xffff;
	_ =	sdelay $0x2  }
0x1d7: {  	s28 =	spop (v2sf)  }
0x1d8: {  	s3 =	sand.u32 $0x7F, s3;
	s24 =	sand.u32 $0xFFFFF80, s28  }
0x1d9: {  	s24 =	sadd.s32 s0, s24;
	[tilespmem:v20+s19+$0x0] =	vst.idx.msk $0xffff, v9;
	v9 =	vor.u32 s3, v0  }
0x1da: {  	[tilespmem:s14], [sflag:$0x2] =	stream.strided.gather [hbm4b:s24+s9], $0x2000, s8, s9, $0x38;
	[tilespmem:$0x18200] =	vst v63  }
0x1db: {  	_ =	swait.ge [sflag:s18], $0x2000  }
0x1dc: {  	[sflag:s18] =	ssyncset.done $0x0  }
0x1dd: {  	[sflag:s18] =	ssyncadd.s32 $0xFFFFE000  }
0x1de: {  	v9 =	vld.idx.msk [tilespmem:v9+s15+$0x0], $0xffff  }
0x1df: {  	v11 =	vor.u32 s3, v6;
	_ =	sdelay $0x3  }
0x1e0: {  	[tilespmem:v21+s19+$0x0] =	vst.idx.msk $0xffff, v9  }
0x1e1: {  	(v2sf) =	vpush v10, $0xD;
	v9 =	vld.idx.msk [tilespmem:v11+s15+$0x0], $0xffff  }
0x1e2: {  	v11 =	vor.u32 s3, v7;
	_ =	sdelay $0x3  }
0x1e3: {  	[tilespmem:v22+s19+$0x0] =	vst.idx.msk $0xffff, v9  }
0x1e4: {  	v9 =	vld.idx.msk [tilespmem:v11+s15+$0x0], $0xffff  }
0x1e5: {  	v11 =	vor.u32 s3, v8;
	_ =	sdelay $0x3  }
0x1e6: {  	[tilespmem:v23+s19+$0x0] =	vst.idx.msk $0xffff, v9  }
0x1e7: {  	v9 =	vld.idx.msk [tilespmem:v11+s15+$0x0], $0xffff;
	_ =	sdelay $0x2  }
0x1e8: {  	s29 =	spop (v2sf)  }
0x1e9: {  	s2 =	sand.u32 $0x7F, s2;
	s3 =	sand.u32 $0xFFFFF80, s29  }
0x1ea: {  	s3 =	sadd.s32 s0, s3;
	[tilespmem:v24+s19+$0x0] =	vst.idx.msk $0xffff, v9;
	v9 =	vor.u32 s2, v0  }
0x1eb: {  	[tilespmem:s15], [sflag:$0x2] =	stream.strided.gather [hbm4b:s3+s9], $0x2000, s8, s9, $0x38;
	[tilespmem:$0x18200] =	vst v63  }
0x1ec: {  	_ =	swait.ge [sflag:s18], $0x2000  }
0x1ed: {  	[sflag:s18] =	ssyncset.done $0x0  }
0x1ee: {  	[sflag:s18] =	ssyncadd.s32 $0xFFFFE000  }
0x1ef: {  	v9 =	vld.idx.msk [tilespmem:v9+s16+$0x0], $0xffff  }
0x1f0: {  	v11 =	vor.u32 s2, v6;
	_ =	sdelay $0x3  }
0x1f1: {  	[tilespmem:v25+s19+$0x0] =	vst.idx.msk $0xffff, v9  }
0x1f2: {  	(v2sf) =	vpush v10, $0xE;
	v9 =	vld.idx.msk [tilespmem:v11+s16+$0x0], $0xffff  }
0x1f3: {  	v11 =	vor.u32 s2, v7;
	_ =	sdelay $0x3  }
0x1f4: {  	[tilespmem:v26+s19+$0x0] =	vst.idx.msk $0xffff, v9  }
0x1f5: {  	v9 =	vld.idx.msk [tilespmem:v11+s16+$0x0], $0xffff  }
0x1f6: {  	v11 =	vor.u32 s2, v8;
	_ =	sdelay $0x3  }
0x1f7: {  	[tilespmem:v27+s19+$0x0] =	vst.idx.msk $0xffff, v9  }
0x1f8: {  	v9 =	vld.idx.msk [tilespmem:v11+s16+$0x0], $0xffff;
	_ =	sdelay $0x2  }
0x1f9: {  	s30 =	spop (v2sf)  }
0x1fa: {  	s1 =	sand.u32 $0x7F, s1;
	s2 =	sand.u32 $0xFFFFF80, s30  }
0x1fb: {  	s2 =	sadd.s32 s0, s2;
	[tilespmem:v28+s19+$0x0] =	vst.idx.msk $0xffff, v9;
	v9 =	vor.u32 s1, v0  }
0x1fc: {  	[tilespmem:s16], [sflag:$0x2] =	stream.strided.gather [hbm4b:s2+s9], $0x2000, s8, s9, $0x38;
	[tilespmem:$0x18200] =	vst v63  }
0x1fd: {  	_ =	swait.ge [sflag:s18], $0x2000  }
0x1fe: {  	[sflag:s18] =	ssyncset.done $0x0  }
0x1ff: {  	[sflag:s18] =	ssyncadd.s32 $0xFFFFE000  }
0x200: {  	v9 =	vld.idx.msk [tilespmem:v9+s17+$0x0], $0xffff  }
0x201: {  	v11 =	vor.u32 s1, v6;
	_ =	sdelay $0x3  }
0x202: {  	[tilespmem:v29+s19+$0x0] =	vst.idx.msk $0xffff, v9  }
0x203: {  	(v2sf) =	vpush v10, $0xF;
	v9 =	vld.idx.msk [tilespmem:v11+s17+$0x0], $0xffff  }
0x204: {  	v11 =	vor.u32 s1, v7;
	_ =	sdelay $0x3  }
0x205: {  	[tilespmem:v30+s19+$0x0] =	vst.idx.msk $0xffff, v9  }
0x206: {  	v9 =	vld.idx.msk [tilespmem:v11+s17+$0x0], $0xffff  }
0x207: {  	v11 =	vor.u32 s1, v8;
	_ =	sdelay $0x3  }
0x208: {  	[tilespmem:v31+s19+$0x0] =	vst.idx.msk $0xffff, v9  }
0x209: {  	v9 =	vld.idx.msk [tilespmem:v11+s17+$0x0], $0xffff;
	_ =	sdelay $0x2  }
0x20a: {  	s31 =	spop (v2sf)  }
0x20b: {  	s1 =	sand.u32 $0xFFFFF80, s31  }
0x20c: {  	s25 =	simm.s32 $0x10;
	s24 =	simm.s32 $0x17;
	s1 =	sadd.s32 s0, s1;
	[tilespmem:v32+s19+$0x0] =	vst.idx.msk $0xffff, v9  }
0x20d: {  	[tilespmem:s17], [sflag:$0x2] =	stream.strided.gather [hbm4b:s1+s9], $0x2000, s8, s9, $0x38;
	[tilespmem:$0x18200] =	vst v63  }
.LBB2_2:
0x20e: {  	(v2sf) =	vpush v10, $0x8;
	_ =	sdelay $0xe  }
0x20f: {  	s1 =	spop (v2sf)  }
0x210: {  	s1 =	sand.u32 $0x7F, s1  }
0x211: {  	s2 =	sadd.s32 $0xFFFFFFF1, s24;
	v11 =	vor.u32 s1, v0  }
0x212: {  	v12 =	vmov s2  }
0x213: {  	v9 =	vld [tilespmem:s25+$0x0];
	v13 =	vshll.u32 v12, $0x3;
	_ =	swait.ge [sflag:s18], $0x2000  }
0x214: {  	v12 =	vand.u32 $0x78, v12;
	v13 =	vand.u32 $0xFFFFFC00, v13;
	[sflag:s18] =	ssyncset.done $0x0  }
0x215: {  	v12 =	vor.u32 v12, v13;
	[sflag:s18] =	ssyncadd.s32 $0xFFFFE000  }
0x216: {  	v13 =	vadd.s32 v1, v12;
	v11 =	vld.idx.msk [tilespmem:v11+s10+$0x0], $0xffff  }
0x217: {  	v14 =	vor.u32 s1, v6;
	_ =	sdelay $0x3  }
0x218: {  	(v2sf) =	vpush v9, $0x0;
	[tilespmem:v13+s19+$0x0] =	vst.idx.msk $0xffff, v11  }
0x219: {  	(v2sf) =	vpush v10, $0x9;
	v13 =	vadd.s32 v2, v12;
	v11 =	vld.idx.msk [tilespmem:v14+s10+$0x0], $0xffff  }
0x21a: {  	v14 =	vor.u32 s1, v7;
	_ =	sdelay $0x3  }
0x21b: {  	[tilespmem:v13+s19+$0x0] =	vst.idx.msk $0xffff, v11  }
0x21c: {  	v13 =	vadd.s32 v3, v12;
	v11 =	vld.idx.msk [tilespmem:v14+s10+$0x0], $0xffff  }
0x21d: {  	v14 =	vor.u32 s1, v8;
	_ =	sdelay $0x3  }
0x21e: {  	[tilespmem:v13+s19+$0x0] =	vst.idx.msk $0xffff, v11  }
0x21f: {  	v12 =	vadd.s32 v4, v12;
	v11 =	vld.idx.msk [tilespmem:v14+s10+$0x0], $0xffff;
	_ =	sdelay $0x1  }
0x220: {  	s26 =	spop (v2sf)  }
0x221: {  	s20 =	spop (v2sf)  }
0x222: {  	s21 =	sand.u32 $0xFFFFF80, s26;
	s1 =	sand.u32 $0x7F, s20  }
0x223: {  	s3 =	sadd.s32 $0xFFFFFFF2, s24;
	s2 =	sadd.s32 s0, s21;
	[tilespmem:v12+s19+$0x0] =	vst.idx.msk $0xffff, v11;
	v11 =	vor.u32 s1, v0  }
0x224: {  	v12 =	vmov s3;
	[tilespmem:s10], [sflag:$0x2] =	stream.strided.gather [hbm4b:s2+s9], $0x2000, s8, s9, $0x38;
	[tilespmem:$0x18200] =	vst v63  }
0x225: {  	v13 =	vshll.u32 v12, $0x3;
	_ =	swait.ge [sflag:s18], $0x2000  }
0x226: {  	v12 =	vand.u32 $0x79, v12;
	v13 =	vand.u32 $0xFFFFFC00, v13;
	[sflag:s18] =	ssyncset.done $0x0  }
0x227: {  	v12 =	vor.u32 v12, v13;
	[sflag:s18] =	ssyncadd.s32 $0xFFFFE000  }
0x228: {  	v13 =	vadd.s32 v1, v12;
	v11 =	vld.idx.msk [tilespmem:v11+s11+$0x0], $0xffff  }
0x229: {  	v14 =	vor.u32 s1, v6;
	_ =	sdelay $0x3  }
0x22a: {  	(v2sf) =	vpush v9, $0x1;
	[tilespmem:v13+s19+$0x0] =	vst.idx.msk $0xffff, v11  }
0x22b: {  	(v2sf) =	vpush v10, $0xA;
	v13 =	vadd.s32 v2, v12;
	v11 =	vld.idx.msk [tilespmem:v14+s11+$0x0], $0xffff  }
0x22c: {  	v14 =	vor.u32 s1, v7;
	_ =	sdelay $0x3  }
0x22d: {  	[tilespmem:v13+s19+$0x0] =	vst.idx.msk $0xffff, v11  }
0x22e: {  	v13 =	vadd.s32 v3, v12;
	v11 =	vld.idx.msk [tilespmem:v14+s11+$0x0], $0xffff  }
0x22f: {  	v14 =	vor.u32 s1, v8;
	_ =	sdelay $0x3  }
0x230: {  	[tilespmem:v13+s19+$0x0] =	vst.idx.msk $0xffff, v11  }
0x231: {  	v12 =	vadd.s32 v4, v12;
	v11 =	vld.idx.msk [tilespmem:v14+s11+$0x0], $0xffff;
	_ =	sdelay $0x1  }
0x232: {  	s28 =	spop (v2sf)  }
0x233: {  	s3 =	spop (v2sf)  }
0x234: {  	s20 =	sand.u32 $0xFFFFF80, s28;
	s1 =	sand.u32 $0x7F, s3  }
0x235: {  	s21 =	sadd.s32 $0xFFFFFFF3, s24;
	s2 =	sadd.s32 s0, s20;
	[tilespmem:v12+s19+$0x0] =	vst.idx.msk $0xffff, v11;
	v11 =	vor.u32 s1, v0  }
0x236: {  	v12 =	vmov s21;
	[tilespmem:s11], [sflag:$0x2] =	stream.strided.gather [hbm4b:s2+s9], $0x2000, s8, s9, $0x38;
	[tilespmem:$0x18200] =	vst v63  }
0x237: {  	v13 =	vshll.u32 v12, $0x3;
	_ =	swait.ge [sflag:s18], $0x2000  }
0x238: {  	v12 =	vand.u32 $0x7A, v12;
	v13 =	vand.u32 $0xFFFFFC00, v13;
	[sflag:s18] =	ssyncset.done $0x0  }
0x239: {  	v12 =	vor.u32 v12, v13;
	[sflag:s18] =	ssyncadd.s32 $0xFFFFE000  }
0x23a: {  	v13 =	vadd.s32 v1, v12;
	v11 =	vld.idx.msk [tilespmem:v11+s12+$0x0], $0xffff  }
0x23b: {  	v14 =	vor.u32 s1, v6;
	_ =	sdelay $0x3  }
0x23c: {  	(v2sf) =	vpush v9, $0x2;
	[tilespmem:v13+s19+$0x0] =	vst.idx.msk $0xffff, v11  }
0x23d: {  	(v2sf) =	vpush v10, $0xB;
	v13 =	vadd.s32 v2, v12;
	v11 =	vld.idx.msk [tilespmem:v14+s12+$0x0], $0xffff  }
0x23e: {  	v14 =	vor.u32 s1, v7;
	_ =	sdelay $0x3  }
0x23f: {  	[tilespmem:v13+s19+$0x0] =	vst.idx.msk $0xffff, v11  }
0x240: {  	v13 =	vadd.s32 v3, v12;
	v11 =	vld.idx.msk [tilespmem:v14+s12+$0x0], $0xffff  }
0x241: {  	v14 =	vor.u32 s1, v8;
	_ =	sdelay $0x3  }
0x242: {  	[tilespmem:v13+s19+$0x0] =	vst.idx.msk $0xffff, v11  }
0x243: {  	v12 =	vadd.s32 v4, v12;
	v11 =	vld.idx.msk [tilespmem:v14+s12+$0x0], $0xffff;
	_ =	sdelay $0x1  }
0x244: {  	s29 =	spop (v2sf)  }
0x245: {  	s3 =	spop (v2sf)  }
0x246: {  	s20 =	sand.u32 $0xFFFFF80, s29;
	s1 =	sand.u32 $0x7F, s3  }
0x247: {  	s21 =	sadd.s32 $0xFFFFFFF4, s24;
	s2 =	sadd.s32 s0, s20;
	[tilespmem:v12+s19+$0x0] =	vst.idx.msk $0xffff, v11;
	v11 =	vor.u32 s1, v0  }
0x248: {  	v12 =	vmov s21;
	[tilespmem:s12], [sflag:$0x2] =	stream.strided.gather [hbm4b:s2+s9], $0x2000, s8, s9, $0x38;
	[tilespmem:$0x18200] =	vst v63  }
0x249: {  	v13 =	vshll.u32 v12, $0x3;
	_ =	swait.ge [sflag:s18], $0x2000  }
0x24a: {  	v12 =	vand.u32 $0x7B, v12;
	v13 =	vand.u32 $0xFFFFFC00, v13;
	[sflag:s18] =	ssyncset.done $0x0  }
0x24b: {  	v12 =	vor.u32 v12, v13;
	[sflag:s18] =	ssyncadd.s32 $0xFFFFE000  }
0x24c: {  	v13 =	vadd.s32 v1, v12;
	v11 =	vld.idx.msk [tilespmem:v11+s13+$0x0], $0xffff  }
0x24d: {  	v14 =	vor.u32 s1, v6;
	_ =	sdelay $0x3  }
0x24e: {  	(v2sf) =	vpush v9, $0x3;
	[tilespmem:v13+s19+$0x0] =	vst.idx.msk $0xffff, v11  }
0x24f: {  	(v2sf) =	vpush v10, $0xC;
	v13 =	vadd.s32 v2, v12;
	v11 =	vld.idx.msk [tilespmem:v14+s13+$0x0], $0xffff  }
0x250: {  	v14 =	vor.u32 s1, v7;
	_ =	sdelay $0x3  }
0x251: {  	[tilespmem:v13+s19+$0x0] =	vst.idx.msk $0xffff, v11  }
0x252: {  	v13 =	vadd.s32 v3, v12;
	v11 =	vld.idx.msk [tilespmem:v14+s13+$0x0], $0xffff  }
0x253: {  	v14 =	vor.u32 s1, v8;
	_ =	sdelay $0x3  }
0x254: {  	[tilespmem:v13+s19+$0x0] =	vst.idx.msk $0xffff, v11  }
0x255: {  	v12 =	vadd.s32 v4, v12;
	v11 =	vld.idx.msk [tilespmem:v14+s13+$0x0], $0xffff;
	_ =	sdelay $0x1  }
0x256: {  	s30 =	spop (v2sf)  }
0x257: {  	s3 =	spop (v2sf)  }
0x258: {  	s20 =	sand.u32 $0xFFFFF80, s30;
	s1 =	sand.u32 $0x7F, s3  }
0x259: {  	s21 =	sadd.s32 $0xFFFFFFF5, s24;
	s2 =	sadd.s32 s0, s20;
	[tilespmem:v12+s19+$0x0] =	vst.idx.msk $0xffff, v11;
	v11 =	vor.u32 s1, v0  }
0x25a: {  	v12 =	vmov s21;
	[tilespmem:s13], [sflag:$0x2] =	stream.strided.gather [hbm4b:s2+s9], $0x2000, s8, s9, $0x38;
	[tilespmem:$0x18200] =	vst v63  }
0x25b: {  	v13 =	vshll.u32 v12, $0x3;
	_ =	swait.ge [sflag:s18], $0x2000  }
0x25c: {  	v12 =	vand.u32 $0x7C, v12;
	v13 =	vand.u32 $0xFFFFFC00, v13;
	[sflag:s18] =	ssyncset.done $0x0  }
0x25d: {  	v12 =	vor.u32 v12, v13;
	[sflag:s18] =	ssyncadd.s32 $0xFFFFE000  }
0x25e: {  	v13 =	vadd.s32 v1, v12;
	v11 =	vld.idx.msk [tilespmem:v11+s14+$0x0], $0xffff  }
0x25f: {  	v14 =	vor.u32 s1, v6;
	_ =	sdelay $0x3  }
0x260: {  	(v2sf) =	vpush v9, $0x4;
	[tilespmem:v13+s19+$0x0] =	vst.idx.msk $0xffff, v11  }
0x261: {  	(v2sf) =	vpush v10, $0xD;
	v13 =	vadd.s32 v2, v12;
	v11 =	vld.idx.msk [tilespmem:v14+s14+$0x0], $0xffff  }
0x262: {  	v14 =	vor.u32 s1, v7;
	_ =	sdelay $0x3  }
0x263: {  	[tilespmem:v13+s19+$0x0] =	vst.idx.msk $0xffff, v11  }
0x264: {  	v13 =	vadd.s32 v3, v12;
	v11 =	vld.idx.msk [tilespmem:v14+s14+$0x0], $0xffff  }
0x265: {  	v14 =	vor.u32 s1, v8;
	_ =	sdelay $0x3  }
0x266: {  	[tilespmem:v13+s19+$0x0] =	vst.idx.msk $0xffff, v11  }
0x267: {  	v12 =	vadd.s32 v4, v12;
	v11 =	vld.idx.msk [tilespmem:v14+s14+$0x0], $0xffff;
	_ =	sdelay $0x1  }
0x268: {  	s31 =	spop (v2sf)  }
0x269: {  	s3 =	spop (v2sf)  }
0x26a: {  	s20 =	sand.u32 $0xFFFFF80, s31;
	s1 =	sand.u32 $0x7F, s3  }
0x26b: {  	s21 =	sadd.s32 $0xFFFFFFF6, s24;
	s2 =	sadd.s32 s0, s20;
	[tilespmem:v12+s19+$0x0] =	vst.idx.msk $0xffff, v11;
	v11 =	vor.u32 s1, v0  }
0x26c: {  	v12 =	vmov s21;
	[tilespmem:s14], [sflag:$0x2] =	stream.strided.gather [hbm4b:s2+s9], $0x2000, s8, s9, $0x38;
	[tilespmem:$0x18200] =	vst v63  }
0x26d: {  	v13 =	vshll.u32 v12, $0x3;
	_ =	swait.ge [sflag:s18], $0x2000  }
0x26e: {  	v12 =	vand.u32 $0x7D, v12;
	v13 =	vand.u32 $0xFFFFFC00, v13;
	[sflag:s18] =	ssyncset.done $0x0  }
0x26f: {  	v12 =	vor.u32 v12, v13;
	[sflag:s18] =	ssyncadd.s32 $0xFFFFE000  }
0x270: {  	v13 =	vadd.s32 v1, v12;
	v11 =	vld.idx.msk [tilespmem:v11+s15+$0x0], $0xffff  }
0x271: {  	v14 =	vor.u32 s1, v6;
	_ =	sdelay $0x3  }
0x272: {  	(v2sf) =	vpush v9, $0x5;
	[tilespmem:v13+s19+$0x0] =	vst.idx.msk $0xffff, v11  }
0x273: {  	(v2sf) =	vpush v10, $0xE;
	v13 =	vadd.s32 v2, v12;
	v11 =	vld.idx.msk [tilespmem:v14+s15+$0x0], $0xffff  }
0x274: {  	v14 =	vor.u32 s1, v7;
	_ =	sdelay $0x3  }
0x275: {  	[tilespmem:v13+s19+$0x0] =	vst.idx.msk $0xffff, v11  }
0x276: {  	v13 =	vadd.s32 v3, v12;
	v11 =	vld.idx.msk [tilespmem:v14+s15+$0x0], $0xffff  }
0x277: {  	v14 =	vor.u32 s1, v8;
	_ =	sdelay $0x3  }
0x278: {  	[tilespmem:v13+s19+$0x0] =	vst.idx.msk $0xffff, v11  }
0x279: {  	v12 =	vadd.s32 v4, v12;
	v11 =	vld.idx.msk [tilespmem:v14+s15+$0x0], $0xffff;
	_ =	sdelay $0x1  }
0x27a: {  	s1 =	spop (v2sf)  }
0x27b: {  	s20 =	spop (v2sf)  }
0x27c: {  	s21 =	sand.u32 $0xFFFFF80, s1;
	s2 =	sand.u32 $0x7F, s20  }
0x27d: {  	s3 =	sadd.s32 s0, s21;
	s20 =	sadd.s32 $0xFFFFFFF7, s24;
	[tilespmem:v12+s19+$0x0] =	vst.idx.msk $0xffff, v11;
	v11 =	vor.u32 s2, v0  }
0x27e: {  	v12 =	vmov s20;
	[tilespmem:s15], [sflag:$0x2] =	stream.strided.gather [hbm4b:s3+s9], $0x2000, s8, s9, $0x38;
	[tilespmem:$0x18200] =	vst v63  }
0x27f: {  	v13 =	vshll.u32 v12, $0x3;
	_ =	swait.ge [sflag:s18], $0x2000  }
0x280: {  	v12 =	vand.u32 $0x7E, v12;
	v13 =	vand.u32 $0xFFFFFC00, v13;
	[sflag:s18] =	ssyncset.done $0x0  }
0x281: {  	v12 =	vor.u32 v12, v13;
	[sflag:s18] =	ssyncadd.s32 $0xFFFFE000  }
0x282: {  	v13 =	vadd.s32 v1, v12;
	v11 =	vld.idx.msk [tilespmem:v11+s16+$0x0], $0xffff  }
0x283: {  	v14 =	vor.u32 s2, v6;
	_ =	sdelay $0x3  }
0x284: {  	(v2sf) =	vpush v9, $0x6;
	[tilespmem:v13+s19+$0x0] =	vst.idx.msk $0xffff, v11  }
0x285: {  	(v2sf) =	vpush v10, $0xF;
	v13 =	vadd.s32 v2, v12;
	v11 =	vld.idx.msk [tilespmem:v14+s16+$0x0], $0xffff  }
0x286: {  	v10 =	vor.u32 s2, v7;
	_ =	sdelay $0x3  }
0x287: {  	[tilespmem:v13+s19+$0x0] =	vst.idx.msk $0xffff, v11  }
0x288: {  	v11 =	vadd.s32 v3, v12;
	v10 =	vld.idx.msk [tilespmem:v10+s16+$0x0], $0xffff  }
0x289: {  	v13 =	vor.u32 s2, v8;
	_ =	sdelay $0x3  }
0x28a: {  	[tilespmem:v11+s19+$0x0] =	vst.idx.msk $0xffff, v10  }
0x28b: {  	v11 =	vadd.s32 v4, v12;
	v10 =	vld.idx.msk [tilespmem:v13+s16+$0x0], $0xffff;
	_ =	sdelay $0x1  }
0x28c: {  	s2 =	spop (v2sf)  }
0x28d: {  	s20 =	spop (v2sf)  }
0x28e: {  	s21 =	sand.u32 $0xFFFFF80, s2;
	s3 =	sand.u32 $0x7F, s20  }
0x28f: {  	s20 =	sadd.s32 s0, s21;
	s21 =	sadd.s32 $0xFFFFFFF8, s24;
	[tilespmem:v11+s19+$0x0] =	vst.idx.msk $0xffff, v10;
	v10 =	vor.u32 s3, v0  }
0x290: {  	v11 =	vmov s21;
	[tilespmem:s16], [sflag:$0x2] =	stream.strided.gather [hbm4b:s20+s9], $0x2000, s8, s9, $0x38;
	[tilespmem:$0x18200] =	vst v63  }
0x291: {  	v12 =	vshll.u32 v11, $0x3;
	_ =	swait.ge [sflag:s18], $0x2000  }
0x292: {  	v11 =	vand.u32 $0x7F, v11;
	v12 =	vand.u32 $0xFFFFFC00, v12;
	[sflag:s18] =	ssyncset.done $0x0  }
0x293: {  	v11 =	vor.u32 v11, v12;
	[sflag:s18] =	ssyncadd.s32 $0xFFFFE000  }
0x294: {  	v12 =	vadd.s32 v1, v11;
	v10 =	vld.idx.msk [tilespmem:v10+s17+$0x0], $0xffff  }
0x295: {  	v13 =	vor.u32 s3, v6;
	_ =	sdelay $0x3  }
0x296: {  	[tilespmem:v12+s19+$0x0] =	vst.idx.msk $0xffff, v10  }
0x297: {  	(v2sf) =	vpush v9, $0x7;
	v12 =	vadd.s32 v2, v11;
	v10 =	vld.idx.msk [tilespmem:v13+s17+$0x0], $0xffff  }
0x298: {  	v13 =	vor.u32 s3, v7;
	_ =	sdelay $0x3  }
0x299: {  	[tilespmem:v12+s19+$0x0] =	vst.idx.msk $0xffff, v10  }
0x29a: {  	v12 =	vadd.s32 v3, v11;
	v10 =	vld.idx.msk [tilespmem:v13+s17+$0x0], $0xffff  }
0x29b: {  	v13 =	vor.u32 s3, v8;
	_ =	sdelay $0x3  }
0x29c: {  	[tilespmem:v12+s19+$0x0] =	vst.idx.msk $0xffff, v10  }
0x29d: {  	v11 =	vadd.s32 v4, v11;
	v10 =	vld.idx.msk [tilespmem:v13+s17+$0x0], $0xffff;
	_ =	sdelay $0x2  }
0x29e: {  	s3 =	spop (v2sf)  }
0x29f: {  	s21 =	sand.u32 $0x7F, s26;
	s20 =	sand.u32 $0xFFFFF80, s3  }
0x2a0: {  	s26 =	sadd.s32 $0xFFFFFFF9, s24;
	s20 =	sadd.s32 s0, s20;
	[tilespmem:v11+s19+$0x0] =	vst.idx.msk $0xffff, v10;
	v10 =	vor.u32 s21, v0  }
0x2a1: {  	v11 =	vmov s26;
	[tilespmem:s17], [sflag:$0x2] =	stream.strided.gather [hbm4b:s20+s9], $0x2000, s8, s9, $0x38;
	[tilespmem:$0x18200] =	vst v63  }
0x2a2: {  	v12 =	vshll.u32 v11, $0x3;
	_ =	swait.ge [sflag:s18], $0x2000  }
0x2a3: {  	v11 =	vand.u32 $0x70, v11;
	v12 =	vand.u32 $0xC00, v12;
	[sflag:s18] =	ssyncset.done $0x0  }
0x2a4: {  	v11 =	vor.u32 v11, v12;
	[sflag:s18] =	ssyncadd.s32 $0xFFFFE000  }
0x2a5: {  	v12 =	vor.u32 v1, v11;
	v10 =	vld.idx.msk [tilespmem:v10+s10+$0x0], $0xffff  }
0x2a6: {  	v13 =	vor.u32 s21, v6;
	_ =	sdelay $0x3  }
0x2a7: {  	[tilespmem:v12+s19+$0x0] =	vst.idx.msk $0xffff, v10  }
0x2a8: {  	(v2sf) =	vpush v9, $0x8;
	v12 =	vor.u32 v2, v11;
	v10 =	vld.idx.msk [tilespmem:v13+s10+$0x0], $0xffff  }
0x2a9: {  	v13 =	vor.u32 s21, v7;
	_ =	sdelay $0x3  }
0x2aa: {  	[tilespmem:v12+s19+$0x0] =	vst.idx.msk $0xffff, v10  }
0x2ab: {  	v12 =	vor.u32 v3, v11;
	v10 =	vld.idx.msk [tilespmem:v13+s10+$0x0], $0xffff  }
0x2ac: {  	v13 =	vor.u32 s21, v8;
	_ =	sdelay $0x3  }
0x2ad: {  	[tilespmem:v12+s19+$0x0] =	vst.idx.msk $0xffff, v10  }
0x2ae: {  	v11 =	vor.u32 v4, v11;
	v10 =	vld.idx.msk [tilespmem:v13+s10+$0x0], $0xffff;
	_ =	sdelay $0x2  }
0x2af: {  	s26 =	spop (v2sf)  }
0x2b0: {  	s21 =	sand.u32 $0x7F, s28;
	s20 =	sand.u32 $0xFFFFF80, s26  }
0x2b1: {  	s28 =	sadd.s32 $0xFFFFFFFA, s24;
	s20 =	sadd.s32 s0, s20;
	[tilespmem:v11+s19+$0x0] =	vst.idx.msk $0xffff, v10;
	v10 =	vor.u32 s21, v0  }
0x2b2: {  	v11 =	vmov s28;
	[tilespmem:s10], [sflag:$0x2] =	stream.strided.gather [hbm4b:s20+s9], $0x2000, s8, s9, $0x38;
	[tilespmem:$0x18200] =	vst v63  }
0x2b3: {  	v12 =	vshll.u32 v11, $0x3;
	_ =	swait.ge [sflag:s18], $0x2000  }
0x2b4: {  	v11 =	vand.u32 $0x71, v11;
	v12 =	vand.u32 $0xC00, v12;
	[sflag:s18] =	ssyncset.done $0x0  }
0x2b5: {  	v11 =	vor.u32 v11, v12;
	[sflag:s18] =	ssyncadd.s32 $0xFFFFE000  }
0x2b6: {  	v12 =	vor.u32 v1, v11;
	v10 =	vld.idx.msk [tilespmem:v10+s11+$0x0], $0xffff  }
0x2b7: {  	v13 =	vor.u32 s21, v6;
	_ =	sdelay $0x3  }
0x2b8: {  	[tilespmem:v12+s19+$0x0] =	vst.idx.msk $0xffff, v10  }
0x2b9: {  	(v2sf) =	vpush v9, $0x9;
	v12 =	vor.u32 v2, v11;
	v10 =	vld.idx.msk [tilespmem:v13+s11+$0x0], $0xffff  }
0x2ba: {  	v13 =	vor.u32 s21, v7;
	_ =	sdelay $0x3  }
0x2bb: {  	[tilespmem:v12+s19+$0x0] =	vst.idx.msk $0xffff, v10  }
0x2bc: {  	v12 =	vor.u32 v3, v11;
	v10 =	vld.idx.msk [tilespmem:v13+s11+$0x0], $0xffff  }
0x2bd: {  	v13 =	vor.u32 s21, v8;
	_ =	sdelay $0x3  }
0x2be: {  	[tilespmem:v12+s19+$0x0] =	vst.idx.msk $0xffff, v10  }
0x2bf: {  	v11 =	vor.u32 v4, v11;
	v10 =	vld.idx.msk [tilespmem:v13+s11+$0x0], $0xffff;
	_ =	sdelay $0x2  }
0x2c0: {  	s28 =	spop (v2sf)  }
0x2c1: {  	s21 =	sand.u32 $0x7F, s29;
	s20 =	sand.u32 $0xFFFFF80, s28  }
0x2c2: {  	s29 =	sadd.s32 $0xFFFFFFFB, s24;
	s20 =	sadd.s32 s0, s20;
	[tilespmem:v11+s19+$0x0] =	vst.idx.msk $0xffff, v10;
	v10 =	vor.u32 s21, v0  }
0x2c3: {  	v11 =	vmov s29;
	[tilespmem:s11], [sflag:$0x2] =	stream.strided.gather [hbm4b:s20+s9], $0x2000, s8, s9, $0x38;
	[tilespmem:$0x18200] =	vst v63  }
0x2c4: {  	v12 =	vshll.u32 v11, $0x3;
	_ =	swait.ge [sflag:s18], $0x2000  }
0x2c5: {  	v11 =	vand.u32 $0x72, v11;
	v12 =	vand.u32 $0xC00, v12;
	[sflag:s18] =	ssyncset.done $0x0  }
0x2c6: {  	v11 =	vor.u32 v11, v12;
	[sflag:s18] =	ssyncadd.s32 $0xFFFFE000  }
0x2c7: {  	v12 =	vor.u32 v1, v11;
	v10 =	vld.idx.msk [tilespmem:v10+s12+$0x0], $0xffff  }
0x2c8: {  	v13 =	vor.u32 s21, v6;
	_ =	sdelay $0x3  }
0x2c9: {  	[tilespmem:v12+s19+$0x0] =	vst.idx.msk $0xffff, v10  }
0x2ca: {  	(v2sf) =	vpush v9, $0xA;
	v12 =	vor.u32 v2, v11;
	v10 =	vld.idx.msk [tilespmem:v13+s12+$0x0], $0xffff  }
0x2cb: {  	v13 =	vor.u32 s21, v7;
	_ =	sdelay $0x3  }
0x2cc: {  	[tilespmem:v12+s19+$0x0] =	vst.idx.msk $0xffff, v10  }
0x2cd: {  	v12 =	vor.u32 v3, v11;
	v10 =	vld.idx.msk [tilespmem:v13+s12+$0x0], $0xffff  }
0x2ce: {  	v13 =	vor.u32 s21, v8;
	_ =	sdelay $0x3  }
0x2cf: {  	[tilespmem:v12+s19+$0x0] =	vst.idx.msk $0xffff, v10  }
0x2d0: {  	v11 =	vor.u32 v4, v11;
	v10 =	vld.idx.msk [tilespmem:v13+s12+$0x0], $0xffff;
	_ =	sdelay $0x2  }
0x2d1: {  	s29 =	spop (v2sf)  }
0x2d2: {  	s21 =	sand.u32 $0x7F, s30;
	s20 =	sand.u32 $0xFFFFF80, s29  }
0x2d3: {  	s30 =	sadd.s32 $0xFFFFFFFC, s24;
	s20 =	sadd.s32 s0, s20;
	[tilespmem:v11+s19+$0x0] =	vst.idx.msk $0xffff, v10;
	v10 =	vor.u32 s21, v0  }
0x2d4: {  	v11 =	vmov s30;
	[tilespmem:s12], [sflag:$0x2] =	stream.strided.gather [hbm4b:s20+s9], $0x2000, s8, s9, $0x38;
	[tilespmem:$0x18200] =	vst v63  }
0x2d5: {  	v12 =	vshll.u32 v11, $0x3;
	_ =	swait.ge [sflag:s18], $0x2000  }
0x2d6: {  	v11 =	vand.u32 $0x73, v11;
	v12 =	vand.u32 $0xC00, v12;
	[sflag:s18] =	ssyncset.done $0x0  }
0x2d7: {  	v11 =	vor.u32 v11, v12;
	[sflag:s18] =	ssyncadd.s32 $0xFFFFE000  }
0x2d8: {  	v12 =	vor.u32 v1, v11;
	v10 =	vld.idx.msk [tilespmem:v10+s13+$0x0], $0xffff  }
0x2d9: {  	v13 =	vor.u32 s21, v6;
	_ =	sdelay $0x3  }
0x2da: {  	[tilespmem:v12+s19+$0x0] =	vst.idx.msk $0xffff, v10  }
0x2db: {  	(v2sf) =	vpush v9, $0xB;
	v12 =	vor.u32 v2, v11;
	v10 =	vld.idx.msk [tilespmem:v13+s13+$0x0], $0xffff  }
0x2dc: {  	v13 =	vor.u32 s21, v7;
	_ =	sdelay $0x3  }
0x2dd: {  	[tilespmem:v12+s19+$0x0] =	vst.idx.msk $0xffff, v10  }
0x2de: {  	v12 =	vor.u32 v3, v11;
	v10 =	vld.idx.msk [tilespmem:v13+s13+$0x0], $0xffff  }
0x2df: {  	v13 =	vor.u32 s21, v8;
	_ =	sdelay $0x3  }
0x2e0: {  	[tilespmem:v12+s19+$0x0] =	vst.idx.msk $0xffff, v10  }
0x2e1: {  	v11 =	vor.u32 v4, v11;
	v10 =	vld.idx.msk [tilespmem:v13+s13+$0x0], $0xffff;
	_ =	sdelay $0x2  }
0x2e2: {  	s30 =	spop (v2sf)  }
0x2e3: {  	s21 =	sand.u32 $0x7F, s31;
	s20 =	sand.u32 $0xFFFFF80, s30  }
0x2e4: {  	s31 =	sadd.s32 $0xFFFFFFFD, s24;
	s20 =	sadd.s32 s0, s20;
	[tilespmem:v11+s19+$0x0] =	vst.idx.msk $0xffff, v10;
	v10 =	vor.u32 s21, v0  }
0x2e5: {  	v11 =	vmov s31;
	[tilespmem:s13], [sflag:$0x2] =	stream.strided.gather [hbm4b:s20+s9], $0x2000, s8, s9, $0x38;
	[tilespmem:$0x18200] =	vst v63  }
0x2e6: {  	v12 =	vshll.u32 v11, $0x3;
	_ =	swait.ge [sflag:s18], $0x2000  }
0x2e7: {  	v11 =	vand.u32 $0x74, v11;
	v12 =	vand.u32 $0xC00, v12;
	[sflag:s18] =	ssyncset.done $0x0  }
0x2e8: {  	v11 =	vor.u32 v11, v12;
	[sflag:s18] =	ssyncadd.s32 $0xFFFFE000  }
0x2e9: {  	v12 =	vor.u32 v1, v11;
	v10 =	vld.idx.msk [tilespmem:v10+s14+$0x0], $0xffff  }
0x2ea: {  	v13 =	vor.u32 s21, v6;
	_ =	sdelay $0x3  }
0x2eb: {  	[tilespmem:v12+s19+$0x0] =	vst.idx.msk $0xffff, v10  }
0x2ec: {  	(v2sf) =	vpush v9, $0xC;
	v12 =	vor.u32 v2, v11;
	v10 =	vld.idx.msk [tilespmem:v13+s14+$0x0], $0xffff  }
0x2ed: {  	v13 =	vor.u32 s21, v7;
	_ =	sdelay $0x3  }
0x2ee: {  	[tilespmem:v12+s19+$0x0] =	vst.idx.msk $0xffff, v10  }
0x2ef: {  	v12 =	vor.u32 v3, v11;
	v10 =	vld.idx.msk [tilespmem:v13+s14+$0x0], $0xffff  }
0x2f0: {  	v13 =	vor.u32 s21, v8;
	_ =	sdelay $0x3  }
0x2f1: {  	[tilespmem:v12+s19+$0x0] =	vst.idx.msk $0xffff, v10  }
0x2f2: {  	v11 =	vor.u32 v4, v11;
	v10 =	vld.idx.msk [tilespmem:v13+s14+$0x0], $0xffff;
	_ =	sdelay $0x2  }
0x2f3: {  	s31 =	spop (v2sf)  }
0x2f4: {  	s1 =	sand.u32 $0x7F, s1;
	s21 =	sand.u32 $0xFFFFF80, s31  }
0x2f5: {  	s20 =	sadd.s32 s0, s21;
	s21 =	sadd.s32 $0xFFFFFFFE, s24;
	[tilespmem:v11+s19+$0x0] =	vst.idx.msk $0xffff, v10;
	v10 =	vor.u32 s1, v0  }
0x2f6: {  	v11 =	vmov s21;
	[tilespmem:s14], [sflag:$0x2] =	stream.strided.gather [hbm4b:s20+s9], $0x2000, s8, s9, $0x38;
	[tilespmem:$0x18200] =	vst v63  }
0x2f7: {  	v12 =	vshll.u32 v11, $0x3;
	_ =	swait.ge [sflag:s18], $0x2000  }
0x2f8: {  	v11 =	vand.u32 $0x75, v11;
	v12 =	vand.u32 $0xC00, v12;
	[sflag:s18] =	ssyncset.done $0x0  }
0x2f9: {  	v11 =	vor.u32 v11, v12;
	[sflag:s18] =	ssyncadd.s32 $0xFFFFE000  }
0x2fa: {  	v12 =	vor.u32 v1, v11;
	v10 =	vld.idx.msk [tilespmem:v10+s15+$0x0], $0xffff  }
0x2fb: {  	v13 =	vor.u32 s1, v6;
	_ =	sdelay $0x3  }
0x2fc: {  	[tilespmem:v12+s19+$0x0] =	vst.idx.msk $0xffff, v10  }
0x2fd: {  	(v2sf) =	vpush v9, $0xD;
	v12 =	vor.u32 v2, v11;
	v10 =	vld.idx.msk [tilespmem:v13+s15+$0x0], $0xffff  }
0x2fe: {  	v13 =	vor.u32 s1, v7;
	_ =	sdelay $0x3  }
0x2ff: {  	[tilespmem:v12+s19+$0x0] =	vst.idx.msk $0xffff, v10  }
0x300: {  	v12 =	vor.u32 v3, v11;
	v10 =	vld.idx.msk [tilespmem:v13+s15+$0x0], $0xffff  }
0x301: {  	v13 =	vor.u32 s1, v8;
	_ =	sdelay $0x3  }
0x302: {  	[tilespmem:v12+s19+$0x0] =	vst.idx.msk $0xffff, v10  }
0x303: {  	v11 =	vor.u32 v4, v11;
	v10 =	vld.idx.msk [tilespmem:v13+s15+$0x0], $0xffff;
	_ =	sdelay $0x2  }
0x304: {  	s1 =	spop (v2sf)  }
0x305: {  	s2 =	sand.u32 $0x7F, s2;
	s21 =	sand.u32 $0xFFFFF80, s1  }
0x306: {  	s20 =	sadd.s32 s0, s21;
	s21 =	sadd.s32 $0xFFFFFFFF, s24;
	[tilespmem:v11+s19+$0x0] =	vst.idx.msk $0xffff, v10;
	v10 =	vor.u32 s2, v0  }
0x307: {  	v11 =	vmov s21;
	[tilespmem:s15], [sflag:$0x2] =	stream.strided.gather [hbm4b:s20+s9], $0x2000, s8, s9, $0x38;
	[tilespmem:$0x18200] =	vst v63  }
0x308: {  	v12 =	vshll.u32 v11, $0x3;
	_ =	swait.ge [sflag:s18], $0x2000  }
0x309: {  	v11 =	vand.u32 $0x76, v11;
	v12 =	vand.u32 $0xC00, v12;
	[sflag:s18] =	ssyncset.done $0x0  }
0x30a: {  	v11 =	vor.u32 v11, v12;
	[sflag:s18] =	ssyncadd.s32 $0xFFFFE000  }
0x30b: {  	v12 =	vor.u32 v1, v11;
	v10 =	vld.idx.msk [tilespmem:v10+s16+$0x0], $0xffff  }
0x30c: {  	v13 =	vor.u32 s2, v6;
	_ =	sdelay $0x3  }
0x30d: {  	[tilespmem:v12+s19+$0x0] =	vst.idx.msk $0xffff, v10  }
0x30e: {  	(v2sf) =	vpush v9, $0xE;
	v12 =	vor.u32 v2, v11;
	v10 =	vld.idx.msk [tilespmem:v13+s16+$0x0], $0xffff  }
0x30f: {  	v13 =	vor.u32 s2, v7;
	_ =	sdelay $0x3  }
0x310: {  	[tilespmem:v12+s19+$0x0] =	vst.idx.msk $0xffff, v10  }
0x311: {  	v12 =	vor.u32 v3, v11;
	v10 =	vld.idx.msk [tilespmem:v13+s16+$0x0], $0xffff  }
0x312: {  	v13 =	vor.u32 s2, v8;
	_ =	sdelay $0x3  }
0x313: {  	[tilespmem:v12+s19+$0x0] =	vst.idx.msk $0xffff, v10  }
0x314: {  	v11 =	vor.u32 v4, v11;
	v10 =	vld.idx.msk [tilespmem:v13+s16+$0x0], $0xffff;
	_ =	sdelay $0x2  }
0x315: {  	s2 =	spop (v2sf)  }
0x316: {  	s3 =	sand.u32 $0x7F, s3;
	s21 =	sand.u32 $0xFFFFF80, s2  }
0x317: {  	s20 =	sadd.s32 s0, s21;
	[tilespmem:v11+s19+$0x0] =	vst.idx.msk $0xffff, v10;
	v10 =	vor.u32 s3, v0  }
0x318: {  	v11 =	vmov s24;
	[tilespmem:s16], [sflag:$0x2] =	stream.strided.gather [hbm4b:s20+s9], $0x2000, s8, s9, $0x38;
	[tilespmem:$0x18200] =	vst v63  }
0x319: {  	v12 =	vshll.u32 v11, $0x3;
	_ =	swait.ge [sflag:s18], $0x2000  }
0x31a: {  	v11 =	vand.u32 $0x77, v11;
	v12 =	vand.u32 $0xC00, v12;
	[sflag:s18] =	ssyncset.done $0x0  }
0x31b: {  	v11 =	vor.u32 v11, v12;
	[sflag:s18] =	ssyncadd.s32 $0xFFFFE000  }
0x31c: {  	v12 =	vor.u32 v1, v11;
	v10 =	vld.idx.msk [tilespmem:v10+s17+$0x0], $0xffff  }
0x31d: {  	v13 =	vor.u32 s3, v6;
	_ =	sdelay $0x3  }
0x31e: {  	[tilespmem:v12+s19+$0x0] =	vst.idx.msk $0xffff, v10  }
0x31f: {  	(v2sf) =	vpush v9, $0xF;
	v12 =	vor.u32 v2, v11;
	v10 =	vld.idx.msk [tilespmem:v13+s17+$0x0], $0xffff  }
0x320: {  	v13 =	vor.u32 s3, v7;
	_ =	sdelay $0x3  }
0x321: {  	[tilespmem:v12+s19+$0x0] =	vst.idx.msk $0xffff, v10  }
0x322: {  	v12 =	vor.u32 v3, v11;
	v10 =	vld.idx.msk [tilespmem:v13+s17+$0x0], $0xffff  }
0x323: {  	v13 =	vor.u32 s3, v8;
	_ =	sdelay $0x3  }
0x324: {  	[tilespmem:v12+s19+$0x0] =	vst.idx.msk $0xffff, v10  }
0x325: {  	v11 =	vor.u32 v4, v11;
	v10 =	vld.idx.msk [tilespmem:v13+s17+$0x0], $0xffff  }
0x326: {  	p0 =	sne.s32 s24, $0x1F7  }
.Ltmp0:
0x327: {  	_ = 	snop;
	(pc) =	sbr.rel @p0 .LBB2_2-.Ltmp0, $4  }
0x328: {  	s3 =	spop (v2sf)  }
0x329: {  	s21 =	sand.u32 $0xFFFFF80, s3  }
0x32a: {  	s25 =	sadd.s32 $0x10, s25;
	s24 =	sadd.s32 $0x10, s24;
	s20 =	sadd.s32 s0, s21;
	[tilespmem:v11+s19+$0x0] =	vst.idx.msk $0xffff, v10  }
0x32b: {  	v10 =	vmov v9;
	[tilespmem:s17], [sflag:$0x2] =	stream.strided.gather [hbm4b:s20+s9], $0x2000, s8, s9, $0x38;
	[tilespmem:$0x18200] =	vst v63  }
0x32c: {  	s20 =	sand.u32 $0x7F, s26  }
0x32d: {  	v9 =	vor.u32 s20, v0;
	_ =	sdelay $0x1  }
0x32e: {  	_ =	swait.ge [sflag:s18], $0x2000  }
0x32f: {  	[sflag:s18] =	ssyncset.done $0x0  }
0x330: {  	[sflag:s18] =	ssyncadd.s32 $0xFFFFE000  }
0x331: {  	v9 =	vld.idx.msk [tilespmem:v9+s10+$0x0], $0xffff  }
0x332: {  	v10 =	vor.u32 s20, v6;
	_ =	sdelay $0x3  }
0x333: {  	[tilespmem:v33+s19+$0x0] =	vst.idx.msk $0xffff, v9  }
0x334: {  	v9 =	vld.idx.msk [tilespmem:v10+s10+$0x0], $0xffff  }
0x335: {  	v10 =	vor.u32 s20, v7;
	_ =	sdelay $0x3  }
0x336: {  	[tilespmem:v34+s19+$0x0] =	vst.idx.msk $0xffff, v9  }
0x337: {  	v9 =	vld.idx.msk [tilespmem:v10+s10+$0x0], $0xffff  }
0x338: {  	v10 =	vor.u32 s20, v8;
	_ =	sdelay $0x3  }
0x339: {  	[tilespmem:v35+s19+$0x0] =	vst.idx.msk $0xffff, v9  }
0x33a: {  	v9 =	vld.idx.msk [tilespmem:v10+s10+$0x0], $0xffff;
	_ =	sdelay $0x2  }
0x33b: {  	s21 =	sand.u32 $0x7F, s28  }
0x33c: {  	v10 =	vor.u32 s21, v0  }
0x33d: {  	[tilespmem:v36+s19+$0x0] =	vst.idx.msk $0xffff, v9  }
0x33e: {  	_ =	swait.ge [sflag:s18], $0x2000  }
0x33f: {  	[sflag:s18] =	ssyncset.done $0x0  }
0x340: {  	[sflag:s18] =	ssyncadd.s32 $0xFFFFE000  }
0x341: {  	v9 =	vld.idx.msk [tilespmem:v10+s11+$0x0], $0xffff  }
0x342: {  	v10 =	vor.u32 s21, v6;
	_ =	sdelay $0x3  }
0x343: {  	[tilespmem:v37+s19+$0x0] =	vst.idx.msk $0xffff, v9  }
0x344: {  	v9 =	vld.idx.msk [tilespmem:v10+s11+$0x0], $0xffff  }
0x345: {  	v10 =	vor.u32 s21, v7;
	_ =	sdelay $0x3  }
0x346: {  	[tilespmem:v38+s19+$0x0] =	vst.idx.msk $0xffff, v9  }
0x347: {  	v9 =	vld.idx.msk [tilespmem:v10+s11+$0x0], $0xffff  }
0x348: {  	v10 =	vor.u32 s21, v8;
	_ =	sdelay $0x3  }
0x349: {  	[tilespmem:v39+s19+$0x0] =	vst.idx.msk $0xffff, v9  }
0x34a: {  	v9 =	vld.idx.msk [tilespmem:v10+s11+$0x0], $0xffff;
	_ =	sdelay $0x2  }
0x34b: {  	s24 =	sand.u32 $0x7F, s29  }
0x34c: {  	v10 =	vor.u32 s24, v0  }
0x34d: {  	[tilespmem:v40+s19+$0x0] =	vst.idx.msk $0xffff, v9  }
0x34e: {  	_ =	swait.ge [sflag:s18], $0x2000  }
0x34f: {  	[sflag:s18] =	ssyncset.done $0x0  }
0x350: {  	[sflag:s18] =	ssyncadd.s32 $0xFFFFE000  }
0x351: {  	v9 =	vld.idx.msk [tilespmem:v10+s12+$0x0], $0xffff  }
0x352: {  	v10 =	vor.u32 s24, v6;
	_ =	sdelay $0x3  }
0x353: {  	[tilespmem:v41+s19+$0x0] =	vst.idx.msk $0xffff, v9  }
0x354: {  	v9 =	vld.idx.msk [tilespmem:v10+s12+$0x0], $0xffff  }
0x355: {  	v10 =	vor.u32 s24, v7;
	_ =	sdelay $0x3  }
0x356: {  	[tilespmem:v42+s19+$0x0] =	vst.idx.msk $0xffff, v9  }
0x357: {  	v9 =	vld.idx.msk [tilespmem:v10+s12+$0x0], $0xffff  }
0x358: {  	v10 =	vor.u32 s24, v8;
	_ =	sdelay $0x3  }
0x359: {  	[tilespmem:v43+s19+$0x0] =	vst.idx.msk $0xffff, v9  }
0x35a: {  	v9 =	vld.idx.msk [tilespmem:v10+s12+$0x0], $0xffff;
	_ =	sdelay $0x2  }
0x35b: {  	s25 =	sand.u32 $0x7F, s30  }
0x35c: {  	v10 =	vor.u32 s25, v0  }
0x35d: {  	[tilespmem:v44+s19+$0x0] =	vst.idx.msk $0xffff, v9  }
0x35e: {  	_ =	swait.ge [sflag:s18], $0x2000  }
0x35f: {  	[sflag:s18] =	ssyncset.done $0x0  }
0x360: {  	[sflag:s18] =	ssyncadd.s32 $0xFFFFE000  }
0x361: {  	v9 =	vld.idx.msk [tilespmem:v10+s13+$0x0], $0xffff  }
0x362: {  	v10 =	vor.u32 s25, v6;
	_ =	sdelay $0x3  }
0x363: {  	[tilespmem:v45+s19+$0x0] =	vst.idx.msk $0xffff, v9  }
0x364: {  	v9 =	vld.idx.msk [tilespmem:v10+s13+$0x0], $0xffff  }
0x365: {  	v10 =	vor.u32 s25, v7;
	_ =	sdelay $0x3  }
0x366: {  	[tilespmem:v46+s19+$0x0] =	vst.idx.msk $0xffff, v9  }
0x367: {  	v9 =	vld.idx.msk [tilespmem:v10+s13+$0x0], $0xffff  }
0x368: {  	v10 =	vor.u32 s25, v8;
	_ =	sdelay $0x3  }
0x369: {  	[tilespmem:v47+s19+$0x0] =	vst.idx.msk $0xffff, v9  }
0x36a: {  	v9 =	vld.idx.msk [tilespmem:v10+s13+$0x0], $0xffff;
	_ =	sdelay $0x2  }
0x36b: {  	s26 =	sand.u32 $0x7F, s31  }
0x36c: {  	v10 =	vor.u32 s26, v0  }
0x36d: {  	[tilespmem:v48+s19+$0x0] =	vst.idx.msk $0xffff, v9  }
0x36e: {  	_ =	swait.ge [sflag:s18], $0x2000  }
0x36f: {  	[sflag:s18] =	ssyncset.done $0x0  }
0x370: {  	[sflag:s18] =	ssyncadd.s32 $0xFFFFE000  }
0x371: {  	v9 =	vld.idx.msk [tilespmem:v10+s14+$0x0], $0xffff  }
0x372: {  	v10 =	vor.u32 s26, v6;
	_ =	sdelay $0x3  }
0x373: {  	[tilespmem:v49+s19+$0x0] =	vst.idx.msk $0xffff, v9  }
0x374: {  	v9 =	vld.idx.msk [tilespmem:v10+s14+$0x0], $0xffff  }
0x375: {  	v10 =	vor.u32 s26, v7;
	_ =	sdelay $0x3  }
0x376: {  	[tilespmem:v50+s19+$0x0] =	vst.idx.msk $0xffff, v9  }
0x377: {  	v9 =	vld.idx.msk [tilespmem:v10+s14+$0x0], $0xffff  }
0x378: {  	v10 =	vor.u32 s26, v8;
	_ =	sdelay $0x3  }
0x379: {  	[tilespmem:v51+s19+$0x0] =	vst.idx.msk $0xffff, v9  }
0x37a: {  	v9 =	vld.idx.msk [tilespmem:v10+s14+$0x0], $0xffff;
	_ =	sdelay $0x2  }
0x37b: {  	s1 =	sand.u32 $0x7F, s1  }
0x37c: {  	v10 =	vor.u32 s1, v0  }
0x37d: {  	[tilespmem:v52+s19+$0x0] =	vst.idx.msk $0xffff, v9  }
0x37e: {  	_ =	swait.ge [sflag:s18], $0x2000  }
0x37f: {  	[sflag:s18] =	ssyncset.done $0x0  }
0x380: {  	[sflag:s18] =	ssyncadd.s32 $0xFFFFE000  }
0x381: {  	v9 =	vld.idx.msk [tilespmem:v10+s15+$0x0], $0xffff  }
0x382: {  	v10 =	vor.u32 s1, v6;
	_ =	sdelay $0x3  }
0x383: {  	[tilespmem:v53+s19+$0x0] =	vst.idx.msk $0xffff, v9  }
0x384: {  	v9 =	vld.idx.msk [tilespmem:v10+s15+$0x0], $0xffff  }
0x385: {  	v10 =	vor.u32 s1, v7;
	_ =	sdelay $0x3  }
0x386: {  	[tilespmem:v54+s19+$0x0] =	vst.idx.msk $0xffff, v9  }
0x387: {  	v9 =	vld.idx.msk [tilespmem:v10+s15+$0x0], $0xffff  }
0x388: {  	v10 =	vor.u32 s1, v8;
	_ =	sdelay $0x3  }
0x389: {  	[tilespmem:v55+s19+$0x0] =	vst.idx.msk $0xffff, v9  }
0x38a: {  	v9 =	vld.idx.msk [tilespmem:v10+s15+$0x0], $0xffff;
	_ =	sdelay $0x2  }
0x38b: {  	s28 =	sand.u32 $0x7F, s2  }
0x38c: {  	v10 =	vor.u32 s28, v0  }
0x38d: {  	[tilespmem:v56+s19+$0x0] =	vst.idx.msk $0xffff, v9  }
0x38e: {  	_ =	swait.ge [sflag:s18], $0x2000  }
0x38f: {  	[sflag:s18] =	ssyncset.done $0x0  }
0x390: {  	[sflag:s18] =	ssyncadd.s32 $0xFFFFE000  }
0x391: {  	v9 =	vld.idx.msk [tilespmem:v10+s16+$0x0], $0xffff  }
0x392: {  	v10 =	vor.u32 s28, v6;
	_ =	sdelay $0x3  }
0x393: {  	[tilespmem:v57+s19+$0x0] =	vst.idx.msk $0xffff, v9  }
0x394: {  	v9 =	vld.idx.msk [tilespmem:v10+s16+$0x0], $0xffff  }
0x395: {  	v10 =	vor.u32 s28, v7;
	_ =	sdelay $0x3  }
0x396: {  	[tilespmem:v58+s19+$0x0] =	vst.idx.msk $0xffff, v9  }
0x397: {  	v9 =	vld.idx.msk [tilespmem:v10+s16+$0x0], $0xffff  }
0x398: {  	v10 =	vor.u32 s28, v8;
	_ =	sdelay $0x3  }
0x399: {  	[tilespmem:v59+s19+$0x0] =	vst.idx.msk $0xffff, v9  }
0x39a: {  	v9 =	vld.idx.msk [tilespmem:v10+s16+$0x0], $0xffff;
	_ =	sdelay $0x2  }
0x39b: {  	s29 =	sand.u32 $0x7F, s3  }
0x39c: {  	v10 =	vor.u32 s29, v0  }
0x39d: {  	[tilespmem:v60+s19+$0x0] =	vst.idx.msk $0xffff, v9  }
0x39e: {  	_ =	swait.ge [sflag:s18], $0x2000  }
0x39f: {  	[sflag:s18] =	ssyncset.done $0x0  }
0x3a0: {  	[sflag:s18] =	ssyncadd.s32 $0xFFFFE000  }
0x3a1: {  	v9 =	vld.idx.msk [tilespmem:v10+s17+$0x0], $0xffff  }
0x3a2: {  	v10 =	vor.u32 s29, v6;
	_ =	sdelay $0x3  }
0x3a3: {  	[tilespmem:v61+s19+$0x0] =	vst.idx.msk $0xffff, v9  }
0x3a4: {  	v9 =	vld.idx.msk [tilespmem:v10+s17+$0x0], $0xffff  }
0x3a5: {  	v10 =	vor.u32 s29, v7;
	_ =	sdelay $0x3  }
0x3a6: {  	[tilespmem:v62+s19+$0x0] =	vst.idx.msk $0xffff, v9  }
0x3a7: {  	v9 =	vld.idx.msk [tilespmem:v10+s17+$0x0], $0xffff  }
0x3a8: {  	v10 =	vor.u32 s29, v8;
	_ =	sdelay $0x3  }
0x3a9: {  	[tilespmem:v63+s19+$0x0] =	vst.idx.msk $0xffff, v9  }
0x3aa: {  	v9 =	vld.idx.msk [tilespmem:v10+s17+$0x0], $0xffff;
	_ =	sdelay $0x2  }
0x3ab: {  	s23 =	sadd.s32 $0x1, s23  }
0x3ac: {  	p0 =	sne.s32 s23, s6  }
.Ltmp1:
0x3ad: {  	s30 =	simm.s32 $0x1000;
	s31 =	simm.s32 $0x20000;
	[tilespmem:v5+s19+$0x0] =	vst.idx.msk $0xffff, v9;
	(pc) =	sbr.rel @p0 .LBB2_1-.Ltmp1, $4  }
0x3ae: {  	[hbm4b:s5+s30] =	stream.strided.scatter [tilespmem:s19], [sflag:$0x1], $0x8000, s31, s30, $0x38;
	[tilespmem:$0x18200] =	vst v63  }
0x3af: {  	_ =	swait.ge [sflag:s22], $0x8000  }
0x3b0: {  	[sflag:s22] =	ssyncset.done $0x0  }
0x3b1: {  	[sflag:s22] =	ssyncadd.s32 $0xFFFF8000  }
0x3b2: {  	_ =	sfence.sel $0x180000  }
0x3b3: {  	[bflag:$0x0] =	sbarrier.arrive $0xFFFF  }
0x3b4: {  	_ =	strace $0x90000047  }
0x3b5: {  	s0 =	stileid.u32;
	[bflag:$0x2] =	sbarrier.arrive $0xFFFF  }
0x3b6: {  	p0 =	sne.s32 s0, $0x0;
	s0 =	rddreg [dreg:$0x3]  }
0x3b7: {  	s0 =	sadd.s32 @!p0 $0x100000, s0  }
0x3b8: {  	[sflag:s0] =	ssyncadd.tile.s32 @!p0 $0x1;
	_ =	shalt  }
.Lfunc_end2:
_tile_overlayer_lowered:
.L_overlay_start_2:
0x3b9: {  	(tag) =	ssettag $0x2  }
0x3ba: {  	s0 =	rddreg [dreg:$0x0];
	s2 =	stileid.u32  }
0x3bb: {  	s1 =	rddreg [dreg:$0x1];
	p0 =	sne.s32 s2, $0x0  }
0x3bc: {  	s3 =	rddreg [dreg:$0x2];
	[bflag:$0x3] =	sbarrier.arrive $0xFFFF;
	s2 =	simm.s32 @!p0 $0x1C03  }
0x3bd: {  	[timem:s3], [sflag:s2] =	dma.local @!p0 [hbm:s0], s1  }
0x3be: {  	s0 =	simm.s32 @!p0 $0x3  }
0x3bf: {  	_ =	swait.ge @!p0 [sflag:s0], s1  }
0x3c0: {  	s1 =	ssub.s32 @!p0 $0x0, s1;
	[sflag:s0] =	ssyncset.done @!p0 $0x0  }
0x3c1: {  	[sflag:s0] =	ssyncadd.s32 @!p0 s1  }
0x3c2: {  	[bflag:$0x3] =	sbarrier.arrive $0xFFFF  }
0x3c3: {  	_ =	shalt  }

</sc_bundles>
